<compile_context>
chip_gen: v7x
topology: tpu7x:2x2x1
jax: 0.10.2.dev20260603
libtpu: 0.0.44.dev20260713+nightly
codegen_flags: <defaults>
</compile_context>

<pallas_src>
import functools

import jax
import jax.numpy as jnp
from jax import lax
from jax.experimental import pallas as pl
from jax.experimental.pallas import tpu as pltpu
from jax.experimental.pallas import tpu_sc as plsc

H = 512
W = 512
C = 96
NV = C // 16
SMAXP = 288
CP = C + 1
ROWCAP = SMAXP * CP
NC, NS = 2, 16
NW = NC * NS
RPW = H // NW
XCH = 4

_mesh = plsc.VectorSubcoreMesh(
    core_axis_name="c", subcore_axis_name="s", num_cores=NC, num_subcores=NS
)


def _wid():
    return lax.axis_index("s") * NC + lax.axis_index("c")


def _sload(ref, i):
    return plsc.load_gather(ref, [jnp.full((16,), i, jnp.int32)])[0]


def _to_smem(vmem_ref, smem_ref, n):
    def gbody(g, _):
        v = vmem_ref[pl.ds(g * 16, 16)]
        for l in range(16):
            smem_ref[g * 16 + l] = v[l]
        return 0

    lax.fori_loop(0, n // 16, gbody, 0)




def _stage0_body(hm_r_ref, hm_c_ref, vm_r_ref, vm_c_ref,
                 rowid_ref, colid96_ref, cinv_ref, segpack_ref):
    ii_r = lax.broadcasted_iota(jnp.int32, (1, W), 1)
    ii_c = lax.broadcasted_iota(jnp.int32, (H, 1), 0)
    i0m = lax.broadcasted_iota(jnp.int32, (H, W), 0)
    i1m = lax.broadcasted_iota(jnp.int32, (H, W), 1)
    le = (i0m <= i1m).astype(jnp.float32)
    ge = (i0m >= i1m).astype(jnp.float32)

    def rise_row(m):
        prev = jnp.concatenate([jnp.zeros((1, 1), jnp.int32), m[:, : W - 1]], axis=1)
        return jnp.where((m - prev > 0) & (ii_r > 0), 1.0, 0.0).astype(jnp.float32)

    def rise_col(m):
        prev = jnp.concatenate([jnp.zeros((1, 1), jnp.int32), m[: H - 1, :]], axis=0)
        return jnp.where((m - prev > 0) & (ii_c > 0), 1.0, 0.0).astype(jnp.float32)

    hrise_r = rise_row(hm_r_ref[...])
    hrise_c = rise_col(hm_c_ref[...])
    vrise_r = rise_row(vm_r_ref[...])
    vrise_c = rise_col(vm_c_ref[...])

    rowid_r = jnp.dot(hrise_r, le, preferred_element_type=jnp.float32)
    rowid_c = jnp.dot(ge, hrise_c, preferred_element_type=jnp.float32)
    colid_r = jnp.dot(vrise_r, le, preferred_element_type=jnp.float32)
    colid_c = jnp.dot(ge, vrise_c, preferred_element_type=jnp.float32)

    ecol = (colid_c == colid_r).astype(jnp.float32)
    ncol = jnp.sum(ecol, axis=0, keepdims=True)

    cmp = (i0m == rowid_r.astype(jnp.int32)).astype(jnp.float32)
    is_start = jnp.where(ii_r == 0, 1.0, hrise_r)
    i_f = ii_r.astype(jnp.float32)
    segn = jnp.sum(cmp, axis=1, keepdims=True)
    segstart = jnp.sum(cmp * is_start * i_f, axis=1, keepdims=True)

    rowid_ref[...] = rowid_c.astype(jnp.int32)
    colid96_ref[...] = (colid_r * 97.0).astype(jnp.int32)
    cinv_ref[...] = 1.0 / ncol
    segpack_ref[...] = (segstart + segn * 1024.0).astype(jnp.int32)


_stage0 = pl.pallas_call(
    _stage0_body,
    out_shape=[
        jax.ShapeDtypeStruct((H, 1), jnp.int32),
        jax.ShapeDtypeStruct((1, W), jnp.int32),
        jax.ShapeDtypeStruct((1, W), jnp.float32),
        jax.ShapeDtypeStruct((H, 1), jnp.int32),
    ],
)



WCH = W // XCH


def _main_body(x_hbm, coloff_hbm, cinv_hbm, rowid_hbm, segpack_hbm, out_hbm,
               xin, acc, outbuf, coloff_v, stgi, stgf,
               coloff_s, cinv_s, segpack_s, semx, semp, semo):
    w = _wid()
    blk0 = w * RPW

    pltpu.sync_copy(coloff_hbm, coloff_v)
    _to_smem(coloff_v, coloff_s, W)
    cc96 = coloff_s[W - 1] + CP
    pltpu.sync_copy(cinv_hbm, stgf)
    _to_smem(stgf, cinv_s, W)
    pltpu.sync_copy(rowid_hbm, stgi)
    rid0 = _sload(stgi, blk0)
    rid1 = _sload(stgi, blk0 + RPW - 1)
    pltpu.sync_copy(segpack_hbm, stgi)
    _to_smem(stgi, segpack_s, H)

    zv = jnp.zeros((16,), jnp.float32)

    def obw(i, _):
        pltpu.make_async_copy(outbuf, out_hbm.at[0, i], semo).wait()
        return 0

    def segbody(r, carry):
        plo, phi = carry
        sv = segpack_s[r]
        i0 = jnp.bitwise_and(sv, 1023)
        n = lax.shift_right_logical(sv, 10)
        rv = (jnp.full((16,), 1.0, jnp.float32)
              / jnp.full((16,), n.astype(jnp.float32)))[0]

        pltpu.async_copy(x_hbm.at[0, i0, pl.ds(0, WCH), :], xin.at[0], semp)

        def zbody(z, _):
            for u in range(4):
                acc[pl.ds(z * 64 + u * 16, 16)] = zv
            return 0

        lax.fori_loop(0, (cc96 + 63) // 64, zbody, 0)

        def rowb(i, _):
            hnd = [None] * XCH
            hnd[0] = pltpu.make_async_copy(
                x_hbm.at[0, i, pl.ds(0, WCH), :], xin.at[0], semp)
            for ch in range(XCH):
                if ch + 1 < XCH:
                    hnd[ch + 1] = pltpu.async_copy(
                        x_hbm.at[0, i, pl.ds((ch + 1) * WCH, WCH), :],
                        xin.at[(ch + 1) % 2], semx)
                else:
                    @pl.when(i + 1 < i0 + n)
                    def _():
                        pltpu.async_copy(
                            x_hbm.at[0, i + 1, pl.ds(0, WCH), :],
                            xin.at[0], semp)
                hnd[ch].wait()
                xb = ch % 2
                cbase = ch * WCH

                def jbody(jh, _):
                    j = jh * 2
                    offa = coloff_s[cbase + j]
                    offb = coloff_s[cbase + j + 1]
                    qa = jnp.full((16,), rv * cinv_s[cbase + j], jnp.float32)
                    qb = jnp.full((16,), rv * cinv_s[cbase + j + 1], jnp.float32)
                    va = tuple(
                        xin[xb, j, pl.ds(v * 16, 16)] * qa for v in range(NV))
                    vb = tuple(
                        xin[xb, j + 1, pl.ds(v * 16, 16)] * qb
                        for v in range(NV))
                    for v in range(NV):
                        plsc.addupdate(acc.at[pl.ds(offa + v * 16, 16)], va[v])
                    for v in range(NV):
                        plsc.addupdate(acc.at[pl.ds(offb + v * 16, 16)], vb[v])
                    return 0

                lax.fori_loop(0, WCH // 2, jbody, 0)
            return 0

        lax.fori_loop(i0, i0 + n, rowb, 0)

        lax.fori_loop(plo, phi, obw, 0)

        def ebody(g, _):
            cv = coloff_v[pl.ds(g * 16, 16)]

            def cbody(c, _):
                c2 = c * 2
                v0 = plsc.load_gather(acc, [cv + c2])
                v1 = plsc.load_gather(acc, [cv + (c2 + 1)])
                outbuf[c2, pl.ds(g * 16, 16)] = v0
                outbuf[c2 + 1, pl.ds(g * 16, 16)] = v1
                return 0

            lax.fori_loop(0, C // 2, cbody, 0)
            return 0

        lax.fori_loop(0, W // 16, ebody, 0)

        lo = jnp.maximum(i0, blk0)
        hi = jnp.minimum(i0 + n, blk0 + RPW)

        def ob(i, _):
            pltpu.async_copy(outbuf, out_hbm.at[0, i], semo)
            return 0

        lax.fori_loop(lo, hi, ob, 0)
        return (lo, hi)

    flo, fhi = lax.fori_loop(rid0, rid1 + 1, segbody,
                             (jnp.int32(0), jnp.int32(0)))
    lax.fori_loop(flo, fhi, obw, 0)


_main = functools.partial(
    pl.kernel,
    out_type=jax.ShapeDtypeStruct((1, H, C, W), jnp.float32),
    mesh=_mesh,
    compiler_params=pltpu.CompilerParams(needs_layout_passes=False),
    scratch_types=[
        pltpu.VMEM((2, WCH, C), jnp.float32),
        pltpu.VMEM((ROWCAP,), jnp.float32),
        pltpu.VMEM((C, W), jnp.float32),
        pltpu.VMEM((W + 16,), jnp.int32),
        pltpu.VMEM((W + 16,), jnp.int32),
        pltpu.VMEM((W + 16,), jnp.float32),
        pltpu.SMEM((W,), jnp.int32),
        pltpu.SMEM((W,), jnp.float32),
        pltpu.SMEM((H,), jnp.int32),
        pltpu.SemaphoreType.DMA,
        pltpu.SemaphoreType.DMA,
        pltpu.SemaphoreType.DMA,
    ],
)(_main_body)


def kernel(input, h_mask, v_mask):
    hm = h_mask.astype(jnp.int32)
    vm = v_mask.astype(jnp.int32)
    rowid, colid96, cinv, segpack = _stage0(
        hm, hm.reshape(H, 1), vm, vm.reshape(W, 1))
    pad = lambda a: jnp.pad(a, (0, 16))
    out_t = _main(input, pad(colid96.reshape(W)), pad(cinv.reshape(W)),
                  pad(rowid.reshape(H)), pad(segpack.reshape(H)))
    return jnp.transpose(out_t, (0, 1, 3, 2))

# --- scband reference (transcript-rebuilt; emitter-appended) ---
"""Pipeline reference for scband-grid-pooling-layer-26336739459657 (READ-ONLY COPY).

The authoritative reference and input builder live on the scoring server;
editing this copy changes nothing except your own understanding.
"""

import jax, jax.numpy as jnp
import numpy as np

KEEP_SIZE = True


def _seg_ids(mask):
    # mask: binary 1-D separator mask. A new grid segment starts at each
    # rising edge (0 -> 1). Every pixel is assigned to exactly one segment,
    # so the segments tile the full extent (matching GridStructureBuilder's
    # cells tiling the bounding rect).
    mask = jnp.asarray(mask).astype(jnp.int32)
    rising = jnp.concatenate(
        [jnp.zeros((1,), dtype=jnp.int32), jnp.maximum(mask[1:] - mask[:-1], 0)]
    )
    seg = jnp.cumsum(rising)
    return seg.astype(jnp.int32), seg[-1] + 1


def setup_inputs(seed: int = 0):
    key = jax.random.key(seed)
    k1, k2, k3 = jax.random.split(key, 3)
    inp = jax.random.normal(k1, (1, 512, 512, 96), dtype=jnp.float32)
    h_mask = jax.random.randint(k2, (1, 512), 0, 2, dtype=jnp.int32)
    v_mask = jax.random.randint(k3, (1, 512), 0, 2, dtype=jnp.int32)
    return {"input": inp, "h_mask": h_mask, "v_mask": v_mask}


def reference(input, h_mask, v_mask):
    H, W, C = input.shape[1], input.shape[2], input.shape[3]
    row_id, R = _seg_ids(h_mask[0])
    col_id, Cc = _seg_ids(v_mask[0])
    # per-pixel flat cell index, equivalent to _create_indices
    indices = row_id[:, None] * Cc + col_id[None, :]
    indices = indices.reshape(-1)
    flat = input.reshape(H * W, C)
    # cell areas -> multiplier = 1 / area, equivalent to _create_multiplier_vector
    # R * Cc is bounded above by the static H * W (segment ids are bounded by
    # the mask lengths), so a fixed-size buffer padded with unused zero buckets
    # yields identical values at every gathered index.
    counts = jnp.zeros((H * W,), dtype=jnp.float32).at[indices].add(1.0)
    multiplier = (1.0 / counts)[indices][:, None]
    normalized = multiplier * flat
    means = jnp.zeros((H * W, C), dtype=jnp.float32).at[indices].add(normalized)
    if KEEP_SIZE:
        result = jnp.take(means, indices, axis=0)
        return result.reshape(1, H, W, C)
    return means.reshape(1, R, Cc, C)

if __name__ == "__main__":
    import jax
    _d = setup_inputs()
    print(jax.jit(kernel)(*tuple(_d.values())))

</pallas_src>

<mosaic_0001>
#map = affine_map<(d0, d1) -> (0, 0, 0, 0)>
#map1 = affine_map<(d0, d1) -> (0)>
module attributes {stable_mosaic.version = 14 : i64} {
  func.func @_main_body(%arg0: i32, %arg1: i32, %arg2: memref<1x512x512x96xf32, #tpu.memory_space<hbm>>, %arg3: memref<528xi32, #tpu.memory_space<hbm>>, %arg4: memref<528xf32, #tpu.memory_space<hbm>>, %arg5: memref<528xi32, #tpu.memory_space<hbm>>, %arg6: memref<528xi32, #tpu.memory_space<hbm>>, %arg7: memref<1x512x96x512xf32, #tpu.memory_space<hbm>>, %arg8: memref<2x128x96xf32, #tpu.memory_space<vmem>>, %arg9: memref<27936xf32, #tpu.memory_space<vmem>>, %arg10: memref<96x512xf32, #tpu.memory_space<vmem>>, %arg11: memref<528xi32, #tpu.memory_space<vmem>>, %arg12: memref<528xi32, #tpu.memory_space<vmem>>, %arg13: memref<528xf32, #tpu.memory_space<vmem>>, %arg14: memref<512xi32, #tpu.memory_space<smem>>, %arg15: memref<512xf32, #tpu.memory_space<smem>>, %arg16: memref<512xi32, #tpu.memory_space<smem>>, %arg17: memref<!tpu.dma_semaphore, #tpu.memory_space<semaphore_mem>>, %arg18: memref<!tpu.dma_semaphore, #tpu.memory_space<semaphore_mem>>, %arg19: memref<!tpu.dma_semaphore, #tpu.memory_space<semaphore_mem>>) attributes {dimension_semantics = [#tpu.dimension_semantics<core_parallel>, #tpu.dimension_semantics<subcore_parallel>], iteration_bounds = array<i64: 2, 16>, scalar_prefetch = 0 : i64, scratch_operands = 12 : i64, tpu.core_type = #tpu.core_type<sc_vector_subcore>, window_params = [{transform_indices = #map}, {transform_indices = #map1}, {transform_indices = #map1}, {transform_indices = #map1}, {transform_indices = #map1}, {transform_indices = #map}]} {
    %mul3A = arith.constant 2 : i32
    %mul3A_0 = arith.muli %arg1, %mul3A : i32
    %add3A = arith.addi %mul3A_0, %arg0 : i32
    %mul3A_1 = arith.constant 16 : i32
    %mul3A_2 = arith.muli %add3A, %mul3A_1 : i32
    "tpu.region"() ({
      %run_scoped3A = tpu.sem_alloc : memref<!tpu.dma_semaphore, #tpu.memory_space<semaphore_mem>>
      tpu.enqueue_dma source(%arg3 : memref<528xi32, #tpu.memory_space<hbm>>) target(%arg11 : memref<528xi32, #tpu.memory_space<vmem>>) target_semaphore(%run_scoped3A : memref<!tpu.dma_semaphore, #tpu.memory_space<semaphore_mem>>)
      tpu.wait_dma2 semaphore(%run_scoped3A : memref<!tpu.dma_semaphore, #tpu.memory_space<semaphore_mem>>) src(%arg3 : memref<528xi32, #tpu.memory_space<hbm>>) dst(%arg11 : memref<528xi32, #tpu.memory_space<vmem>>)
      tpu.yield
    }) : () -> ()
    %scan3A = arith.constant 0 : i32
    %scan3A_3 = arith.constant 0 : i32
    %scan3A_4 = arith.constant 32 : i32
    %scan3A_5 = arith.addi %scan3A_3, %scan3A_4 : i32
    %scan3A_6 = arith.constant 1 : i32
    %scan3A_7 = scf.for %scan3A_60 = %scan3A_3 to %scan3A_5 step %scan3A_6 iter_args(%scan3A_61 = %scan3A) -> (i32)  : i32 {
      %mul3A_62 = arith.constant 16 : i32
      %mul3A_63 = arith.muli %scan3A_60, %mul3A_62 : i32
      %get3A_64 = arith.index_cast %mul3A_63 : i32 to index
      %get3A_65 = tpu.vector_load %arg11[%get3A_64] {strides = array<i32>} : memref<528xi32, #tpu.memory_space<vmem>>, vector<16xi32>,
      %slice3A_66 = vector.extract_strided_slice %get3A_65 {offsets = [0], sizes = [1], strides = [1]} : vector<16xi32> to vector<1xi32>
      %squeeze3A_67 = vector.extract %slice3A_66[0] : i32 from vector<1xi32>
      %mul3A_68 = arith.constant 16 : i32
      %mul3A_69 = arith.muli %scan3A_60, %mul3A_68 : i32
      %add3A_70 = arith.constant 0 : i32
      %add3A_71 = arith.addi %mul3A_69, %add3A_70 : i32
      %swap3A = arith.index_cast %add3A_71 : i32 to index
      %swap3A_72 = memref.load %arg14[%swap3A] : memref<512xi32, #tpu.memory_space<smem>>
      memref.store %squeeze3A_67, %arg14[%swap3A] : memref<512xi32, #tpu.memory_space<smem>>
      %slice3A_73 = vector.extract_strided_slice %get3A_65 {offsets = [1], sizes = [1], strides = [1]} : vector<16xi32> to vector<1xi32>
      %squeeze3A_74 = vector.extract %slice3A_73[0] : i32 from vector<1xi32>
      %mul3A_75 = arith.constant 16 : i32
      %mul3A_76 = arith.muli %scan3A_60, %mul3A_75 : i32
      %add3A_77 = arith.constant 1 : i32
      %add3A_78 = arith.addi %mul3A_76, %add3A_77 : i32
      %swap3A_79 = arith.index_cast %add3A_78 : i32 to index
      %swap3A_80 = memref.load %arg14[%swap3A_79] : memref<512xi32, #tpu.memory_space<smem>>
      memref.store %squeeze3A_74, %arg14[%swap3A_79] : memref<512xi32, #tpu.memory_space<smem>>
      %slice3A_81 = vector.extract_strided_slice %get3A_65 {offsets = [2], sizes = [1], strides = [1]} : vector<16xi32> to vector<1xi32>
      %squeeze3A_82 = vector.extract %slice3A_81[0] : i32 from vector<1xi32>
      %mul3A_83 = arith.constant 16 : i32
      %mul3A_84 = arith.muli %scan3A_60, %mul3A_83 : i32
      %add3A_85 = arith.constant 2 : i32
      %add3A_86 = arith.addi %mul3A_84, %add3A_85 : i32
      %swap3A_87 = arith.index_cast %add3A_86 : i32 to index
      %swap3A_88 = memref.load %arg14[%swap3A_87] : memref<512xi32, #tpu.memory_space<smem>>
      memref.store %squeeze3A_82, %arg14[%swap3A_87] : memref<512xi32, #tpu.memory_space<smem>>
      %slice3A_89 = vector.extract_strided_slice %get3A_65 {offsets = [3], sizes = [1], strides = [1]} : vector<16xi32> to vector<1xi32>
      %squeeze3A_90 = vector.extract %slice3A_89[0] : i32 from vector<1xi32>
      %mul3A_91 = arith.constant 16 : i32
      %mul3A_92 = arith.muli %scan3A_60, %mul3A_91 : i32
      %add3A_93 = arith.constant 3 : i32
      %add3A_94 = arith.addi %mul3A_92, %add3A_93 : i32
      %swap3A_95 = arith.index_cast %add3A_94 : i32 to index
      %swap3A_96 = memref.load %arg14[%swap3A_95] : memref<512xi32, #tpu.memory_space<smem>>
      memref.store %squeeze3A_90, %arg14[%swap3A_95] : memref<512xi32, #tpu.memory_space<smem>>
      %slice3A_97 = vector.extract_strided_slice %get3A_65 {offsets = [4], sizes = [1], strides = [1]} : vector<16xi32> to vector<1xi32>
      %squeeze3A_98 = vector.extract %slice3A_97[0] : i32 from vector<1xi32>
      %mul3A_99 = arith.constant 16 : i32
      %mul3A_100 = arith.muli %scan3A_60, %mul3A_99 : i32
      %add3A_101 = arith.constant 4 : i32
      %add3A_102 = arith.addi %mul3A_100, %add3A_101 : i32
      %swap3A_103 = arith.index_cast %add3A_102 : i32 to index
      %swap3A_104 = memref.load %arg14[%swap3A_103] : memref<512xi32, #tpu.memory_space<smem>>
      memref.store %squeeze3A_98, %arg14[%swap3A_103] : memref<512xi32, #tpu.memory_space<smem>>
      %slice3A_105 = vector.extract_strided_slice %get3A_65 {offsets = [5], sizes = [1], strides = [1]} : vector<16xi32> to vector<1xi32>
      %squeeze3A_106 = vector.extract %slice3A_105[0] : i32 from vector<1xi32>
      %mul3A_107 = arith.constant 16 : i32
      %mul3A_108 = arith.muli %scan3A_60, %mul3A_107 : i32
      %add3A_109 = arith.constant 5 : i32
      %add3A_110 = arith.addi %mul3A_108, %add3A_109 : i32
      %swap3A_111 = arith.index_cast %add3A_110 : i32 to index
      %swap3A_112 = memref.load %arg14[%swap3A_111] : memref<512xi32, #tpu.memory_space<smem>>
      memref.store %squeeze3A_106, %arg14[%swap3A_111] : memref<512xi32, #tpu.memory_space<smem>>
      %slice3A_113 = vector.extract_strided_slice %get3A_65 {offsets = [6], sizes = [1], strides = [1]} : vector<16xi32> to vector<1xi32>
      %squeeze3A_114 = vector.extract %slice3A_113[0] : i32 from vector<1xi32>
      %mul3A_115 = arith.constant 16 : i32
      %mul3A_116 = arith.muli %scan3A_60, %mul3A_115 : i32
      %add3A_117 = arith.constant 6 : i32
      %add3A_118 = arith.addi %mul3A_116, %add3A_117 : i32
      %swap3A_119 = arith.index_cast %add3A_118 : i32 to index
      %swap3A_120 = memref.load %arg14[%swap3A_119] : memref<512xi32, #tpu.memory_space<smem>>
      memref.store %squeeze3A_114, %arg14[%swap3A_119] : memref<512xi32, #tpu.memory_space<smem>>
      %slice3A_121 = vector.extract_strided_slice %get3A_65 {offsets = [7], sizes = [1], strides = [1]} : vector<16xi32> to vector<1xi32>
      %squeeze3A_122 = vector.extract %slice3A_121[0] : i32 from vector<1xi32>
      %mul3A_123 = arith.constant 16 : i32
      %mul3A_124 = arith.muli %scan3A_60, %mul3A_123 : i32
      %add3A_125 = arith.constant 7 : i32
      %add3A_126 = arith.addi %mul3A_124, %add3A_125 : i32
      %swap3A_127 = arith.index_cast %add3A_126 : i32 to index
      %swap3A_128 = memref.load %arg14[%swap3A_127] : memref<512xi32, #tpu.memory_space<smem>>
      memref.store %squeeze3A_122, %arg14[%swap3A_127] : memref<512xi32, #tpu.memory_space<smem>>
      %slice3A_129 = vector.extract_strided_slice %get3A_65 {offsets = [8], sizes = [1], strides = [1]} : vector<16xi32> to vector<1xi32>
      %squeeze3A_130 = vector.extract %slice3A_129[0] : i32 from vector<1xi32>
      %mul3A_131 = arith.constant 16 : i32
      %mul3A_132 = arith.muli %scan3A_60, %mul3A_131 : i32
      %add3A_133 = arith.constant 8 : i32
      %add3A_134 = arith.addi %mul3A_132, %add3A_133 : i32
      %swap3A_135 = arith.index_cast %add3A_134 : i32 to index
      %swap3A_136 = memref.load %arg14[%swap3A_135] : memref<512xi32, #tpu.memory_space<smem>>
      memref.store %squeeze3A_130, %arg14[%swap3A_135] : memref<512xi32, #tpu.memory_space<smem>>
      %slice3A_137 = vector.extract_strided_slice %get3A_65 {offsets = [9], sizes = [1], strides = [1]} : vector<16xi32> to vector<1xi32>
      %squeeze3A_138 = vector.extract %slice3A_137[0] : i32 from vector<1xi32>
      %mul3A_139 = arith.constant 16 : i32
      %mul3A_140 = arith.muli %scan3A_60, %mul3A_139 : i32
      %add3A_141 = arith.constant 9 : i32
      %add3A_142 = arith.addi %mul3A_140, %add3A_141 : i32
      %swap3A_143 = arith.index_cast %add3A_142 : i32 to index
      %swap3A_144 = memref.load %arg14[%swap3A_143] : memref<512xi32, #tpu.memory_space<smem>>
      memref.store %squeeze3A_138, %arg14[%swap3A_143] : memref<512xi32, #tpu.memory_space<smem>>
      %slice3A_145 = vector.extract_strided_slice %get3A_65 {offsets = [10], sizes = [1], strides = [1]} : vector<16xi32> to vector<1xi32>
      %squeeze3A_146 = vector.extract %slice3A_145[0] : i32 from vector<1xi32>
      %mul3A_147 = arith.constant 16 : i32
      %mul3A_148 = arith.muli %scan3A_60, %mul3A_147 : i32
      %add3A_149 = arith.constant 10 : i32
      %add3A_150 = arith.addi %mul3A_148, %add3A_149 : i32
      %swap3A_151 = arith.index_cast %add3A_150 : i32 to index
      %swap3A_152 = memref.load %arg14[%swap3A_151] : memref<512xi32, #tpu.memory_space<smem>>
      memref.store %squeeze3A_146, %arg14[%swap3A_151] : memref<512xi32, #tpu.memory_space<smem>>
      %slice3A_153 = vector.extract_strided_slice %get3A_65 {offsets = [11], sizes = [1], strides = [1]} : vector<16xi32> to vector<1xi32>
      %squeeze3A_154 = vector.extract %slice3A_153[0] : i32 from vector<1xi32>
      %mul3A_155 = arith.constant 16 : i32
      %mul3A_156 = arith.muli %scan3A_60, %mul3A_155 : i32
      %add3A_157 = arith.constant 11 : i32
      %add3A_158 = arith.addi %mul3A_156, %add3A_157 : i32
      %swap3A_159 = arith.index_cast %add3A_158 : i32 to index
      %swap3A_160 = memref.load %arg14[%swap3A_159] : memref<512xi32, #tpu.memory_space<smem>>
      memref.store %squeeze3A_154, %arg14[%swap3A_159] : memref<512xi32, #tpu.memory_space<smem>>
      %slice3A_161 = vector.extract_strided_slice %get3A_65 {offsets = [12], sizes = [1], strides = [1]} : vector<16xi32> to vector<1xi32>
      %squeeze3A_162 = vector.extract %slice3A_161[0] : i32 from vector<1xi32>
      %mul3A_163 = arith.constant 16 : i32
      %mul3A_164 = arith.muli %scan3A_60, %mul3A_163 : i32
      %add3A_165 = arith.constant 12 : i32
      %add3A_166 = arith.addi %mul3A_164, %add3A_165 : i32
      %swap3A_167 = arith.index_cast %add3A_166 : i32 to index
      %swap3A_168 = memref.load %arg14[%swap3A_167] : memref<512xi32, #tpu.memory_space<smem>>
      memref.store %squeeze3A_162, %arg14[%swap3A_167] : memref<512xi32, #tpu.memory_space<smem>>
      %slice3A_169 = vector.extract_strided_slice %get3A_65 {offsets = [13], sizes = [1], strides = [1]} : vector<16xi32> to vector<1xi32>
      %squeeze3A_170 = vector.extract %slice3A_169[0] : i32 from vector<1xi32>
      %mul3A_171 = arith.constant 16 : i32
      %mul3A_172 = arith.muli %scan3A_60, %mul3A_171 : i32
      %add3A_173 = arith.constant 13 : i32
      %add3A_174 = arith.addi %mul3A_172, %add3A_173 : i32
      %swap3A_175 = arith.index_cast %add3A_174 : i32 to index
      %swap3A_176 = memref.load %arg14[%swap3A_175] : memref<512xi32, #tpu.memory_space<smem>>
      memref.store %squeeze3A_170, %arg14[%swap3A_175] : memref<512xi32, #tpu.memory_space<smem>>
      %slice3A_177 = vector.extract_strided_slice %get3A_65 {offsets = [14], sizes = [1], strides = [1]} : vector<16xi32> to vector<1xi32>
      %squeeze3A_178 = vector.extract %slice3A_177[0] : i32 from vector<1xi32>
      %mul3A_179 = arith.constant 16 : i32
      %mul3A_180 = arith.muli %scan3A_60, %mul3A_179 : i32
      %add3A_181 = arith.constant 14 : i32
      %add3A_182 = arith.addi %mul3A_180, %add3A_181 : i32
      %swap3A_183 = arith.index_cast %add3A_182 : i32 to index
      %swap3A_184 = memref.load %arg14[%swap3A_183] : memref<512xi32, #tpu.memory_space<smem>>
      memref.store %squeeze3A_178, %arg14[%swap3A_183] : memref<512xi32, #tpu.memory_space<smem>>
      %slice3A_185 = vector.extract_strided_slice %get3A_65 {offsets = [15], sizes = [1], strides = [1]} : vector<16xi32> to vector<1xi32>
      %squeeze3A_186 = vector.extract %slice3A_185[0] : i32 from vector<1xi32>
      %mul3A_187 = arith.constant 16 : i32
      %mul3A_188 = arith.muli %scan3A_60, %mul3A_187 : i32
      %add3A_189 = arith.constant 15 : i32
      %add3A_190 = arith.addi %mul3A_188, %add3A_189 : i32
      %swap3A_191 = arith.index_cast %add3A_190 : i32 to index
      %swap3A_192 = memref.load %arg14[%swap3A_191] : memref<512xi32, #tpu.memory_space<smem>>
      memref.store %squeeze3A_186, %arg14[%swap3A_191] : memref<512xi32, #tpu.memory_space<smem>>
      %scan3A_193 = arith.constant 0 : i32
      scf.yield %scan3A_193 : i32
    }
    %scan3A_8 = arith.constant 32 : i32
    %get3A = arith.constant 511 : i32
    %get3A_9 = arith.index_cast %get3A : i32 to index
    %get3A_10 = memref.load %arg14[%get3A_9] : memref<512xi32, #tpu.memory_space<smem>>
    %add3A_11 = arith.constant 97 : i32
    %add3A_12 = arith.addi %get3A_10, %add3A_11 : i32
    "tpu.region"() ({
      %run_scoped3A = tpu.sem_alloc : memref<!tpu.dma_semaphore, #tpu.memory_space<semaphore_mem>>
      tpu.enqueue_dma source(%arg4 : memref<528xf32, #tpu.memory_space<hbm>>) target(%arg13 : memref<528xf32, #tpu.memory_space<vmem>>) target_semaphore(%run_scoped3A : memref<!tpu.dma_semaphore, #tpu.memory_space<semaphore_mem>>)
      tpu.wait_dma2 semaphore(%run_scoped3A : memref<!tpu.dma_semaphore, #tpu.memory_space<semaphore_mem>>) src(%arg4 : memref<528xf32, #tpu.memory_space<hbm>>) dst(%arg13 : memref<528xf32, #tpu.memory_space<vmem>>)
      tpu.yield
    }) : () -> ()
    %scan3A_13 = arith.constant 0 : i32
    %scan3A_14 = arith.constant 0 : i32
    %scan3A_15 = arith.constant 32 : i32
    %scan3A_16 = arith.addi %scan3A_14, %scan3A_15 : i32
    %scan3A_17 = arith.constant 1 : i32
    %scan3A_18 = scf.for %scan3A_60 = %scan3A_14 to %scan3A_16 step %scan3A_17 iter_args(%scan3A_61 = %scan3A_13) -> (i32)  : i32 {
      %mul3A_62 = arith.constant 16 : i32
      %mul3A_63 = arith.muli %scan3A_60, %mul3A_62 : i32
      %get3A_64 = arith.index_cast %mul3A_63 : i32 to index
      %get3A_65 = tpu.vector_load %arg13[%get3A_64] {strides = array<i32>} : memref<528xf32, #tpu.memory_space<vmem>>, vector<16xf32>,
      %slice3A_66 = vector.extract_strided_slice %get3A_65 {offsets = [0], sizes = [1], strides = [1]} : vector<16xf32> to vector<1xf32>
      %squeeze3A_67 = vector.extract %slice3A_66[0] : f32 from vector<1xf32>
      %mul3A_68 = arith.constant 16 : i32
      %mul3A_69 = arith.muli %scan3A_60, %mul3A_68 : i32
      %add3A_70 = arith.constant 0 : i32
      %add3A_71 = arith.addi %mul3A_69, %add3A_70 : i32
      %swap3A = arith.index_cast %add3A_71 : i32 to index
      %swap3A_72 = memref.load %arg15[%swap3A] : memref<512xf32, #tpu.memory_space<smem>>
      memref.store %squeeze3A_67, %arg15[%swap3A] : memref<512xf32, #tpu.memory_space<smem>>
      %slice3A_73 = vector.extract_strided_slice %get3A_65 {offsets = [1], sizes = [1], strides = [1]} : vector<16xf32> to vector<1xf32>
      %squeeze3A_74 = vector.extract %slice3A_73[0] : f32 from vector<1xf32>
      %mul3A_75 = arith.constant 16 : i32
      %mul3A_76 = arith.muli %scan3A_60, %mul3A_75 : i32
      %add3A_77 = arith.constant 1 : i32
      %add3A_78 = arith.addi %mul3A_76, %add3A_77 : i32
      %swap3A_79 = arith.index_cast %add3A_78 : i32 to index
      %swap3A_80 = memref.load %arg15[%swap3A_79] : memref<512xf32, #tpu.memory_space<smem>>
      memref.store %squeeze3A_74, %arg15[%swap3A_79] : memref<512xf32, #tpu.memory_space<smem>>
      %slice3A_81 = vector.extract_strided_slice %get3A_65 {offsets = [2], sizes = [1], strides = [1]} : vector<16xf32> to vector<1xf32>
      %squeeze3A_82 = vector.extract %slice3A_81[0] : f32 from vector<1xf32>
      %mul3A_83 = arith.constant 16 : i32
      %mul3A_84 = arith.muli %scan3A_60, %mul3A_83 : i32
      %add3A_85 = arith.constant 2 : i32
      %add3A_86 = arith.addi %mul3A_84, %add3A_85 : i32
      %swap3A_87 = arith.index_cast %add3A_86 : i32 to index
      %swap3A_88 = memref.load %arg15[%swap3A_87] : memref<512xf32, #tpu.memory_space<smem>>
      memref.store %squeeze3A_82, %arg15[%swap3A_87] : memref<512xf32, #tpu.memory_space<smem>>
      %slice3A_89 = vector.extract_strided_slice %get3A_65 {offsets = [3], sizes = [1], strides = [1]} : vector<16xf32> to vector<1xf32>
      %squeeze3A_90 = vector.extract %slice3A_89[0] : f32 from vector<1xf32>
      %mul3A_91 = arith.constant 16 : i32
      %mul3A_92 = arith.muli %scan3A_60, %mul3A_91 : i32
      %add3A_93 = arith.constant 3 : i32
      %add3A_94 = arith.addi %mul3A_92, %add3A_93 : i32
      %swap3A_95 = arith.index_cast %add3A_94 : i32 to index
      %swap3A_96 = memref.load %arg15[%swap3A_95] : memref<512xf32, #tpu.memory_space<smem>>
      memref.store %squeeze3A_90, %arg15[%swap3A_95] : memref<512xf32, #tpu.memory_space<smem>>
      %slice3A_97 = vector.extract_strided_slice %get3A_65 {offsets = [4], sizes = [1], strides = [1]} : vector<16xf32> to vector<1xf32>
      %squeeze3A_98 = vector.extract %slice3A_97[0] : f32 from vector<1xf32>
      %mul3A_99 = arith.constant 16 : i32
      %mul3A_100 = arith.muli %scan3A_60, %mul3A_99 : i32
      %add3A_101 = arith.constant 4 : i32
      %add3A_102 = arith.addi %mul3A_100, %add3A_101 : i32
      %swap3A_103 = arith.index_cast %add3A_102 : i32 to index
      %swap3A_104 = memref.load %arg15[%swap3A_103] : memref<512xf32, #tpu.memory_space<smem>>
      memref.store %squeeze3A_98, %arg15[%swap3A_103] : memref<512xf32, #tpu.memory_space<smem>>
      %slice3A_105 = vector.extract_strided_slice %get3A_65 {offsets = [5], sizes = [1], strides = [1]} : vector<16xf32> to vector<1xf32>
      %squeeze3A_106 = vector.extract %slice3A_105[0] : f32 from vector<1xf32>
      %mul3A_107 = arith.constant 16 : i32
      %mul3A_108 = arith.muli %scan3A_60, %mul3A_107 : i32
      %add3A_109 = arith.constant 5 : i32
      %add3A_110 = arith.addi %mul3A_108, %add3A_109 : i32
      %swap3A_111 = arith.index_cast %add3A_110 : i32 to index
      %swap3A_112 = memref.load %arg15[%swap3A_111] : memref<512xf32, #tpu.memory_space<smem>>
      memref.store %squeeze3A_106, %arg15[%swap3A_111] : memref<512xf32, #tpu.memory_space<smem>>
      %slice3A_113 = vector.extract_strided_slice %get3A_65 {offsets = [6], sizes = [1], strides = [1]} : vector<16xf32> to vector<1xf32>
      %squeeze3A_114 = vector.extract %slice3A_113[0] : f32 from vector<1xf32>
      %mul3A_115 = arith.constant 16 : i32
      %mul3A_116 = arith.muli %scan3A_60, %mul3A_115 : i32
      %add3A_117 = arith.constant 6 : i32
      %add3A_118 = arith.addi %mul3A_116, %add3A_117 : i32
      %swap3A_119 = arith.index_cast %add3A_118 : i32 to index
      %swap3A_120 = memref.load %arg15[%swap3A_119] : memref<512xf32, #tpu.memory_space<smem>>
      memref.store %squeeze3A_114, %arg15[%swap3A_119] : memref<512xf32, #tpu.memory_space<smem>>
      %slice3A_121 = vector.extract_strided_slice %get3A_65 {offsets = [7], sizes = [1], strides = [1]} : vector<16xf32> to vector<1xf32>
      %squeeze3A_122 = vector.extract %slice3A_121[0] : f32 from vector<1xf32>
      %mul3A_123 = arith.constant 16 : i32
      %mul3A_124 = arith.muli %scan3A_60, %mul3A_123 : i32
      %add3A_125 = arith.constant 7 : i32
      %add3A_126 = arith.addi %mul3A_124, %add3A_125 : i32
      %swap3A_127 = arith.index_cast %add3A_126 : i32 to index
      %swap3A_128 = memref.load %arg15[%swap3A_127] : memref<512xf32, #tpu.memory_space<smem>>
      memref.store %squeeze3A_122, %arg15[%swap3A_127] : memref<512xf32, #tpu.memory_space<smem>>
      %slice3A_129 = vector.extract_strided_slice %get3A_65 {offsets = [8], sizes = [1], strides = [1]} : vector<16xf32> to vector<1xf32>
      %squeeze3A_130 = vector.extract %slice3A_129[0] : f32 from vector<1xf32>
      %mul3A_131 = arith.constant 16 : i32
      %mul3A_132 = arith.muli %scan3A_60, %mul3A_131 : i32
      %add3A_133 = arith.constant 8 : i32
      %add3A_134 = arith.addi %mul3A_132, %add3A_133 : i32
      %swap3A_135 = arith.index_cast %add3A_134 : i32 to index
      %swap3A_136 = memref.load %arg15[%swap3A_135] : memref<512xf32, #tpu.memory_space<smem>>
      memref.store %squeeze3A_130, %arg15[%swap3A_135] : memref<512xf32, #tpu.memory_space<smem>>
      %slice3A_137 = vector.extract_strided_slice %get3A_65 {offsets = [9], sizes = [1], strides = [1]} : vector<16xf32> to vector<1xf32>
      %squeeze3A_138 = vector.extract %slice3A_137[0] : f32 from vector<1xf32>
      %mul3A_139 = arith.constant 16 : i32
      %mul3A_140 = arith.muli %scan3A_60, %mul3A_139 : i32
      %add3A_141 = arith.constant 9 : i32
      %add3A_142 = arith.addi %mul3A_140, %add3A_141 : i32
      %swap3A_143 = arith.index_cast %add3A_142 : i32 to index
      %swap3A_144 = memref.load %arg15[%swap3A_143] : memref<512xf32, #tpu.memory_space<smem>>
      memref.store %squeeze3A_138, %arg15[%swap3A_143] : memref<512xf32, #tpu.memory_space<smem>>
      %slice3A_145 = vector.extract_strided_slice %get3A_65 {offsets = [10], sizes = [1], strides = [1]} : vector<16xf32> to vector<1xf32>
      %squeeze3A_146 = vector.extract %slice3A_145[0] : f32 from vector<1xf32>
      %mul3A_147 = arith.constant 16 : i32
      %mul3A_148 = arith.muli %scan3A_60, %mul3A_147 : i32
      %add3A_149 = arith.constant 10 : i32
      %add3A_150 = arith.addi %mul3A_148, %add3A_149 : i32
      %swap3A_151 = arith.index_cast %add3A_150 : i32 to index
      %swap3A_152 = memref.load %arg15[%swap3A_151] : memref<512xf32, #tpu.memory_space<smem>>
      memref.store %squeeze3A_146, %arg15[%swap3A_151] : memref<512xf32, #tpu.memory_space<smem>>
      %slice3A_153 = vector.extract_strided_slice %get3A_65 {offsets = [11], sizes = [1], strides = [1]} : vector<16xf32> to vector<1xf32>
      %squeeze3A_154 = vector.extract %slice3A_153[0] : f32 from vector<1xf32>
      %mul3A_155 = arith.constant 16 : i32
      %mul3A_156 = arith.muli %scan3A_60, %mul3A_155 : i32
      %add3A_157 = arith.constant 11 : i32
      %add3A_158 = arith.addi %mul3A_156, %add3A_157 : i32
      %swap3A_159 = arith.index_cast %add3A_158 : i32 to index
      %swap3A_160 = memref.load %arg15[%swap3A_159] : memref<512xf32, #tpu.memory_space<smem>>
      memref.store %squeeze3A_154, %arg15[%swap3A_159] : memref<512xf32, #tpu.memory_space<smem>>
      %slice3A_161 = vector.extract_strided_slice %get3A_65 {offsets = [12], sizes = [1], strides = [1]} : vector<16xf32> to vector<1xf32>
      %squeeze3A_162 = vector.extract %slice3A_161[0] : f32 from vector<1xf32>
      %mul3A_163 = arith.constant 16 : i32
      %mul3A_164 = arith.muli %scan3A_60, %mul3A_163 : i32
      %add3A_165 = arith.constant 12 : i32
      %add3A_166 = arith.addi %mul3A_164, %add3A_165 : i32
      %swap3A_167 = arith.index_cast %add3A_166 : i32 to index
      %swap3A_168 = memref.load %arg15[%swap3A_167] : memref<512xf32, #tpu.memory_space<smem>>
      memref.store %squeeze3A_162, %arg15[%swap3A_167] : memref<512xf32, #tpu.memory_space<smem>>
      %slice3A_169 = vector.extract_strided_slice %get3A_65 {offsets = [13], sizes = [1], strides = [1]} : vector<16xf32> to vector<1xf32>
      %squeeze3A_170 = vector.extract %slice3A_169[0] : f32 from vector<1xf32>
      %mul3A_171 = arith.constant 16 : i32
      %mul3A_172 = arith.muli %scan3A_60, %mul3A_171 : i32
      %add3A_173 = arith.constant 13 : i32
      %add3A_174 = arith.addi %mul3A_172, %add3A_173 : i32
      %swap3A_175 = arith.index_cast %add3A_174 : i32 to index
      %swap3A_176 = memref.load %arg15[%swap3A_175] : memref<512xf32, #tpu.memory_space<smem>>
      memref.store %squeeze3A_170, %arg15[%swap3A_175] : memref<512xf32, #tpu.memory_space<smem>>
      %slice3A_177 = vector.extract_strided_slice %get3A_65 {offsets = [14], sizes = [1], strides = [1]} : vector<16xf32> to vector<1xf32>
      %squeeze3A_178 = vector.extract %slice3A_177[0] : f32 from vector<1xf32>
      %mul3A_179 = arith.constant 16 : i32
      %mul3A_180 = arith.muli %scan3A_60, %mul3A_179 : i32
      %add3A_181 = arith.constant 14 : i32
      %add3A_182 = arith.addi %mul3A_180, %add3A_181 : i32
      %swap3A_183 = arith.index_cast %add3A_182 : i32 to index
      %swap3A_184 = memref.load %arg15[%swap3A_183] : memref<512xf32, #tpu.memory_space<smem>>
      memref.store %squeeze3A_178, %arg15[%swap3A_183] : memref<512xf32, #tpu.memory_space<smem>>
      %slice3A_185 = vector.extract_strided_slice %get3A_65 {offsets = [15], sizes = [1], strides = [1]} : vector<16xf32> to vector<1xf32>
      %squeeze3A_186 = vector.extract %slice3A_185[0] : f32 from vector<1xf32>
      %mul3A_187 = arith.constant 16 : i32
      %mul3A_188 = arith.muli %scan3A_60, %mul3A_187 : i32
      %add3A_189 = arith.constant 15 : i32
      %add3A_190 = arith.addi %mul3A_188, %add3A_189 : i32
      %swap3A_191 = arith.index_cast %add3A_190 : i32 to index
      %swap3A_192 = memref.load %arg15[%swap3A_191] : memref<512xf32, #tpu.memory_space<smem>>
      memref.store %squeeze3A_186, %arg15[%swap3A_191] : memref<512xf32, #tpu.memory_space<smem>>
      %scan3A_193 = arith.constant 0 : i32
      scf.yield %scan3A_193 : i32
    }
    %scan3A_19 = arith.constant 32 : i32
    "tpu.region"() ({
      %run_scoped3A = tpu.sem_alloc : memref<!tpu.dma_semaphore, #tpu.memory_space<semaphore_mem>>
      tpu.enqueue_dma source(%arg5 : memref<528xi32, #tpu.memory_space<hbm>>) target(%arg12 : memref<528xi32, #tpu.memory_space<vmem>>) target_semaphore(%run_scoped3A : memref<!tpu.dma_semaphore, #tpu.memory_space<semaphore_mem>>)
      tpu.wait_dma2 semaphore(%run_scoped3A : memref<!tpu.dma_semaphore, #tpu.memory_space<semaphore_mem>>) src(%arg5 : memref<528xi32, #tpu.memory_space<hbm>>) dst(%arg12 : memref<528xi32, #tpu.memory_space<vmem>>)
      tpu.yield
    }) : () -> ()
    %broadcast_in_dim3A = vector.broadcast %mul3A_2 : i32 to vector<16xi32>
    %gather3A = tpu.vector_load_idx %arg12[%broadcast_in_dim3A] : memref<528xi32, #tpu.memory_space<vmem>>[vector<16xi32>], vector<16xi32>,
    %slice3A = vector.extract_strided_slice %gather3A {offsets = [0], sizes = [1], strides = [1]} : vector<16xi32> to vector<1xi32>
    %squeeze3A = vector.extract %slice3A[0] : i32 from vector<1xi32>
    %add3A_20 = arith.constant 16 : i32
    %add3A_21 = arith.addi %mul3A_2, %add3A_20 : i32
    %sub3A = arith.constant 1 : i32
    %sub3A_22 = arith.subi %add3A_21, %sub3A : i32
    %broadcast_in_dim3A_23 = vector.broadcast %sub3A_22 : i32 to vector<16xi32>
    %gather3A_24 = tpu.vector_load_idx %arg12[%broadcast_in_dim3A_23] : memref<528xi32, #tpu.memory_space<vmem>>[vector<16xi32>], vector<16xi32>,
    %slice3A_25 = vector.extract_strided_slice %gather3A_24 {offsets = [0], sizes = [1], strides = [1]} : vector<16xi32> to vector<1xi32>
    %squeeze3A_26 = vector.extract %slice3A_25[0] : i32 from vector<1xi32>
    "tpu.region"() ({
      %run_scoped3A = tpu.sem_alloc : memref<!tpu.dma_semaphore, #tpu.memory_space<semaphore_mem>>
      tpu.enqueue_dma source(%arg6 : memref<528xi32, #tpu.memory_space<hbm>>) target(%arg12 : memref<528xi32, #tpu.memory_space<vmem>>) target_semaphore(%run_scoped3A : memref<!tpu.dma_semaphore, #tpu.memory_space<semaphore_mem>>)
      tpu.wait_dma2 semaphore(%run_scoped3A : memref<!tpu.dma_semaphore, #tpu.memory_space<semaphore_mem>>) src(%arg6 : memref<528xi32, #tpu.memory_space<hbm>>) dst(%arg12 : memref<528xi32, #tpu.memory_space<vmem>>)
      tpu.yield
    }) : () -> ()
    %scan3A_27 = arith.constant 0 : i32
    %scan3A_28 = arith.constant 0 : i32
    %scan3A_29 = arith.constant 32 : i32
    %scan3A_30 = arith.addi %scan3A_28, %scan3A_29 : i32
    %scan3A_31 = arith.constant 1 : i32
    %scan3A_32 = scf.for %scan3A_60 = %scan3A_28 to %scan3A_30 step %scan3A_31 iter_args(%scan3A_61 = %scan3A_27) -> (i32)  : i32 {
      %mul3A_62 = arith.constant 16 : i32
      %mul3A_63 = arith.muli %scan3A_60, %mul3A_62 : i32
      %get3A_64 = arith.index_cast %mul3A_63 : i32 to index
      %get3A_65 = tpu.vector_load %arg12[%get3A_64] {strides = array<i32>} : memref<528xi32, #tpu.memory_space<vmem>>, vector<16xi32>,
      %slice3A_66 = vector.extract_strided_slice %get3A_65 {offsets = [0], sizes = [1], strides = [1]} : vector<16xi32> to vector<1xi32>
      %squeeze3A_67 = vector.extract %slice3A_66[0] : i32 from vector<1xi32>
      %mul3A_68 = arith.constant 16 : i32
      %mul3A_69 = arith.muli %scan3A_60, %mul3A_68 : i32
      %add3A_70 = arith.constant 0 : i32
      %add3A_71 = arith.addi %mul3A_69, %add3A_70 : i32
      %swap3A = arith.index_cast %add3A_71 : i32 to index
      %swap3A_72 = memref.load %arg16[%swap3A] : memref<512xi32, #tpu.memory_space<smem>>
      memref.store %squeeze3A_67, %arg16[%swap3A] : memref<512xi32, #tpu.memory_space<smem>>
      %slice3A_73 = vector.extract_strided_slice %get3A_65 {offsets = [1], sizes = [1], strides = [1]} : vector<16xi32> to vector<1xi32>
      %squeeze3A_74 = vector.extract %slice3A_73[0] : i32 from vector<1xi32>
      %mul3A_75 = arith.constant 16 : i32
      %mul3A_76 = arith.muli %scan3A_60, %mul3A_75 : i32
      %add3A_77 = arith.constant 1 : i32
      %add3A_78 = arith.addi %mul3A_76, %add3A_77 : i32
      %swap3A_79 = arith.index_cast %add3A_78 : i32 to index
      %swap3A_80 = memref.load %arg16[%swap3A_79] : memref<512xi32, #tpu.memory_space<smem>>
      memref.store %squeeze3A_74, %arg16[%swap3A_79] : memref<512xi32, #tpu.memory_space<smem>>
      %slice3A_81 = vector.extract_strided_slice %get3A_65 {offsets = [2], sizes = [1], strides = [1]} : vector<16xi32> to vector<1xi32>
      %squeeze3A_82 = vector.extract %slice3A_81[0] : i32 from vector<1xi32>
      %mul3A_83 = arith.constant 16 : i32
      %mul3A_84 = arith.muli %scan3A_60, %mul3A_83 : i32
      %add3A_85 = arith.constant 2 : i32
      %add3A_86 = arith.addi %mul3A_84, %add3A_85 : i32
      %swap3A_87 = arith.index_cast %add3A_86 : i32 to index
      %swap3A_88 = memref.load %arg16[%swap3A_87] : memref<512xi32, #tpu.memory_space<smem>>
      memref.store %squeeze3A_82, %arg16[%swap3A_87] : memref<512xi32, #tpu.memory_space<smem>>
      %slice3A_89 = vector.extract_strided_slice %get3A_65 {offsets = [3], sizes = [1], strides = [1]} : vector<16xi32> to vector<1xi32>
      %squeeze3A_90 = vector.extract %slice3A_89[0] : i32 from vector<1xi32>
      %mul3A_91 = arith.constant 16 : i32
      %mul3A_92 = arith.muli %scan3A_60, %mul3A_91 : i32
      %add3A_93 = arith.constant 3 : i32
      %add3A_94 = arith.addi %mul3A_92, %add3A_93 : i32
      %swap3A_95 = arith.index_cast %add3A_94 : i32 to index
      %swap3A_96 = memref.load %arg16[%swap3A_95] : memref<512xi32, #tpu.memory_space<smem>>
      memref.store %squeeze3A_90, %arg16[%swap3A_95] : memref<512xi32, #tpu.memory_space<smem>>
      %slice3A_97 = vector.extract_strided_slice %get3A_65 {offsets = [4], sizes = [1], strides = [1]} : vector<16xi32> to vector<1xi32>
      %squeeze3A_98 = vector.extract %slice3A_97[0] : i32 from vector<1xi32>
      %mul3A_99 = arith.constant 16 : i32
      %mul3A_100 = arith.muli %scan3A_60, %mul3A_99 : i32
      %add3A_101 = arith.constant 4 : i32
      %add3A_102 = arith.addi %mul3A_100, %add3A_101 : i32
      %swap3A_103 = arith.index_cast %add3A_102 : i32 to index
      %swap3A_104 = memref.load %arg16[%swap3A_103] : memref<512xi32, #tpu.memory_space<smem>>
      memref.store %squeeze3A_98, %arg16[%swap3A_103] : memref<512xi32, #tpu.memory_space<smem>>
      %slice3A_105 = vector.extract_strided_slice %get3A_65 {offsets = [5], sizes = [1], strides = [1]} : vector<16xi32> to vector<1xi32>
      %squeeze3A_106 = vector.extract %slice3A_105[0] : i32 from vector<1xi32>
      %mul3A_107 = arith.constant 16 : i32
      %mul3A_108 = arith.muli %scan3A_60, %mul3A_107 : i32
      %add3A_109 = arith.constant 5 : i32
      %add3A_110 = arith.addi %mul3A_108, %add3A_109 : i32
      %swap3A_111 = arith.index_cast %add3A_110 : i32 to index
      %swap3A_112 = memref.load %arg16[%swap3A_111] : memref<512xi32, #tpu.memory_space<smem>>
      memref.store %squeeze3A_106, %arg16[%swap3A_111] : memref<512xi32, #tpu.memory_space<smem>>
      %slice3A_113 = vector.extract_strided_slice %get3A_65 {offsets = [6], sizes = [1], strides = [1]} : vector<16xi32> to vector<1xi32>
      %squeeze3A_114 = vector.extract %slice3A_113[0] : i32 from vector<1xi32>
      %mul3A_115 = arith.constant 16 : i32
      %mul3A_116 = arith.muli %scan3A_60, %mul3A_115 : i32
      %add3A_117 = arith.constant 6 : i32
      %add3A_118 = arith.addi %mul3A_116, %add3A_117 : i32
      %swap3A_119 = arith.index_cast %add3A_118 : i32 to index
      %swap3A_120 = memref.load %arg16[%swap3A_119] : memref<512xi32, #tpu.memory_space<smem>>
      memref.store %squeeze3A_114, %arg16[%swap3A_119] : memref<512xi32, #tpu.memory_space<smem>>
      %slice3A_121 = vector.extract_strided_slice %get3A_65 {offsets = [7], sizes = [1], strides = [1]} : vector<16xi32> to vector<1xi32>
      %squeeze3A_122 = vector.extract %slice3A_121[0] : i32 from vector<1xi32>
      %mul3A_123 = arith.constant 16 : i32
      %mul3A_124 = arith.muli %scan3A_60, %mul3A_123 : i32
      %add3A_125 = arith.constant 7 : i32
      %add3A_126 = arith.addi %mul3A_124, %add3A_125 : i32
      %swap3A_127 = arith.index_cast %add3A_126 : i32 to index
      %swap3A_128 = memref.load %arg16[%swap3A_127] : memref<512xi32, #tpu.memory_space<smem>>
      memref.store %squeeze3A_122, %arg16[%swap3A_127] : memref<512xi32, #tpu.memory_space<smem>>
      %slice3A_129 = vector.extract_strided_slice %get3A_65 {offsets = [8], sizes = [1], strides = [1]} : vector<16xi32> to vector<1xi32>
      %squeeze3A_130 = vector.extract %slice3A_129[0] : i32 from vector<1xi32>
      %mul3A_131 = arith.constant 16 : i32
      %mul3A_132 = arith.muli %scan3A_60, %mul3A_131 : i32
      %add3A_133 = arith.constant 8 : i32
      %add3A_134 = arith.addi %mul3A_132, %add3A_133 : i32
      %swap3A_135 = arith.index_cast %add3A_134 : i32 to index
      %swap3A_136 = memref.load %arg16[%swap3A_135] : memref<512xi32, #tpu.memory_space<smem>>
      memref.store %squeeze3A_130, %arg16[%swap3A_135] : memref<512xi32, #tpu.memory_space<smem>>
      %slice3A_137 = vector.extract_strided_slice %get3A_65 {offsets = [9], sizes = [1], strides = [1]} : vector<16xi32> to vector<1xi32>
      %squeeze3A_138 = vector.extract %slice3A_137[0] : i32 from vector<1xi32>
      %mul3A_139 = arith.constant 16 : i32
      %mul3A_140 = arith.muli %scan3A_60, %mul3A_139 : i32
      %add3A_141 = arith.constant 9 : i32
      %add3A_142 = arith.addi %mul3A_140, %add3A_141 : i32
      %swap3A_143 = arith.index_cast %add3A_142 : i32 to index
      %swap3A_144 = memref.load %arg16[%swap3A_143] : memref<512xi32, #tpu.memory_space<smem>>
      memref.store %squeeze3A_138, %arg16[%swap3A_143] : memref<512xi32, #tpu.memory_space<smem>>
      %slice3A_145 = vector.extract_strided_slice %get3A_65 {offsets = [10], sizes = [1], strides = [1]} : vector<16xi32> to vector<1xi32>
      %squeeze3A_146 = vector.extract %slice3A_145[0] : i32 from vector<1xi32>
      %mul3A_147 = arith.constant 16 : i32
      %mul3A_148 = arith.muli %scan3A_60, %mul3A_147 : i32
      %add3A_149 = arith.constant 10 : i32
      %add3A_150 = arith.addi %mul3A_148, %add3A_149 : i32
      %swap3A_151 = arith.index_cast %add3A_150 : i32 to index
      %swap3A_152 = memref.load %arg16[%swap3A_151] : memref<512xi32, #tpu.memory_space<smem>>
      memref.store %squeeze3A_146, %arg16[%swap3A_151] : memref<512xi32, #tpu.memory_space<smem>>
      %slice3A_153 = vector.extract_strided_slice %get3A_65 {offsets = [11], sizes = [1], strides = [1]} : vector<16xi32> to vector<1xi32>
      %squeeze3A_154 = vector.extract %slice3A_153[0] : i32 from vector<1xi32>
      %mul3A_155 = arith.constant 16 : i32
      %mul3A_156 = arith.muli %scan3A_60, %mul3A_155 : i32
      %add3A_157 = arith.constant 11 : i32
      %add3A_158 = arith.addi %mul3A_156, %add3A_157 : i32
      %swap3A_159 = arith.index_cast %add3A_158 : i32 to index
      %swap3A_160 = memref.load %arg16[%swap3A_159] : memref<512xi32, #tpu.memory_space<smem>>
      memref.store %squeeze3A_154, %arg16[%swap3A_159] : memref<512xi32, #tpu.memory_space<smem>>
      %slice3A_161 = vector.extract_strided_slice %get3A_65 {offsets = [12], sizes = [1], strides = [1]} : vector<16xi32> to vector<1xi32>
      %squeeze3A_162 = vector.extract %slice3A_161[0] : i32 from vector<1xi32>
      %mul3A_163 = arith.constant 16 : i32
      %mul3A_164 = arith.muli %scan3A_60, %mul3A_163 : i32
      %add3A_165 = arith.constant 12 : i32
      %add3A_166 = arith.addi %mul3A_164, %add3A_165 : i32
      %swap3A_167 = arith.index_cast %add3A_166 : i32 to index
      %swap3A_168 = memref.load %arg16[%swap3A_167] : memref<512xi32, #tpu.memory_space<smem>>
      memref.store %squeeze3A_162, %arg16[%swap3A_167] : memref<512xi32, #tpu.memory_space<smem>>
      %slice3A_169 = vector.extract_strided_slice %get3A_65 {offsets = [13], sizes = [1], strides = [1]} : vector<16xi32> to vector<1xi32>
      %squeeze3A_170 = vector.extract %slice3A_169[0] : i32 from vector<1xi32>
      %mul3A_171 = arith.constant 16 : i32
      %mul3A_172 = arith.muli %scan3A_60, %mul3A_171 : i32
      %add3A_173 = arith.constant 13 : i32
      %add3A_174 = arith.addi %mul3A_172, %add3A_173 : i32
      %swap3A_175 = arith.index_cast %add3A_174 : i32 to index
      %swap3A_176 = memref.load %arg16[%swap3A_175] : memref<512xi32, #tpu.memory_space<smem>>
      memref.store %squeeze3A_170, %arg16[%swap3A_175] : memref<512xi32, #tpu.memory_space<smem>>
      %slice3A_177 = vector.extract_strided_slice %get3A_65 {offsets = [14], sizes = [1], strides = [1]} : vector<16xi32> to vector<1xi32>
      %squeeze3A_178 = vector.extract %slice3A_177[0] : i32 from vector<1xi32>
      %mul3A_179 = arith.constant 16 : i32
      %mul3A_180 = arith.muli %scan3A_60, %mul3A_179 : i32
      %add3A_181 = arith.constant 14 : i32
      %add3A_182 = arith.addi %mul3A_180, %add3A_181 : i32
      %swap3A_183 = arith.index_cast %add3A_182 : i32 to index
      %swap3A_184 = memref.load %arg16[%swap3A_183] : memref<512xi32, #tpu.memory_space<smem>>
      memref.store %squeeze3A_178, %arg16[%swap3A_183] : memref<512xi32, #tpu.memory_space<smem>>
      %slice3A_185 = vector.extract_strided_slice %get3A_65 {offsets = [15], sizes = [1], strides = [1]} : vector<16xi32> to vector<1xi32>
      %squeeze3A_186 = vector.extract %slice3A_185[0] : i32 from vector<1xi32>
      %mul3A_187 = arith.constant 16 : i32
      %mul3A_188 = arith.muli %scan3A_60, %mul3A_187 : i32
      %add3A_189 = arith.constant 15 : i32
      %add3A_190 = arith.addi %mul3A_188, %add3A_189 : i32
      %swap3A_191 = arith.index_cast %add3A_190 : i32 to index
      %swap3A_192 = memref.load %arg16[%swap3A_191] : memref<512xi32, #tpu.memory_space<smem>>
      memref.store %squeeze3A_186, %arg16[%swap3A_191] : memref<512xi32, #tpu.memory_space<smem>>
      %scan3A_193 = arith.constant 0 : i32
      scf.yield %scan3A_193 : i32
    }
    %scan3A_33 = arith.constant 32 : i32
    %broadcast_in_dim3A_34 = arith.constant 0.000000e+00 : f32
    %broadcast_in_dim3A_35 = vector.broadcast %broadcast_in_dim3A_34 : f32 to vector<16xf32>
    %add3A_36 = arith.constant 1 : i32
    %add3A_37 = arith.addi %squeeze3A_26, %add3A_36 : i32
    %while3A = arith.constant 0 : i32
    %while3A_38 = arith.constant 0 : i32
    %while3A_39 = arith.subi %add3A_37, %squeeze3A : i32
    %while3A_40 = arith.addi %squeeze3A, %while3A_39 : i32
    %while3A_41 = arith.constant 1 : i32
    %while3A_42 = arith.divsi %while3A_39, %while3A_41 : i32
    %while3A_43 = arith.muli %while3A_42, %while3A_41 : i32
    %while3A_44 = arith.addi %squeeze3A, %while3A_43 : i32
    %while3A_45 = arith.constant 1 : i32
    %while3A_46:2 = scf.for %while3A_60 = %squeeze3A to %while3A_44 step %while3A_45 iter_args(%while3A_61 = %while3A, %while3A_62 = %while3A_38) -> (i32, i32)  : i32 {
      %get3A_63 = arith.index_cast %while3A_60 : i32 to index
      %get3A_64 = memref.load %arg16[%get3A_63] : memref<512xi32, #tpu.memory_space<smem>>
      %and3A = arith.constant 1023 : i32
      %and3A_65 = arith.andi %get3A_64, %and3A : i32
      %shift_right_logical3A = arith.constant 10 : i32
      %shift_right_logical3A_66 = arith.shrui %get3A_64, %shift_right_logical3A : i32
      %broadcast_in_dim3A_67 = arith.constant 1.000000e+00 : f32
      %broadcast_in_dim3A_68 = vector.broadcast %broadcast_in_dim3A_67 : f32 to vector<16xf32>
      %convert_element_type3A = arith.sitofp %shift_right_logical3A_66 : i32 to f32
      %broadcast_in_dim3A_69 = vector.broadcast %convert_element_type3A : f32 to vector<16xf32>
      %div3A = arith.divf %broadcast_in_dim3A_68, %broadcast_in_dim3A_69 : vector<16xf32>
      %slice3A_70 = vector.extract_strided_slice %div3A {offsets = [0], sizes = [1], strides = [1]} : vector<16xf32> to vector<1xf32>
      %squeeze3A_71 = vector.extract %slice3A_70[0] : f32 from vector<1xf32>
      %dma_start3A = arith.constant 0 : i32
      %dma_start3A_72 = arith.constant 0 : i32
      %dma_start3A_73 = arith.constant 0 : i32
      %dma_start3A_74 = arith.constant 0 : i32
      %dma_start3A_75 = tpu.memref_slice %arg8[%dma_start3A_72, %dma_start3A_73, %dma_start3A_74] : memref<2x128x96xf32, #tpu.memory_space<vmem>> -> memref<1x128x96xf32, #tpu.memory_space<vmem>>
      %dma_start3A_76 = tpu.memref_squeeze %dma_start3A_75 : memref<1x128x96xf32, #tpu.memory_space<vmem>> -> memref<128x96xf32, #tpu.memory_space<vmem>>
      %dma_start3A_77 = arith.constant 0 : i32
      %dma_start3A_78 = arith.constant 0 : i32
      %dma_start3A_79 = tpu.memref_slice %arg2[%dma_start3A, %and3A_65, %dma_start3A_77, %dma_start3A_78] : memref<1x512x512x96xf32, #tpu.memory_space<hbm>> -> memref<1x1x128x96xf32, #tpu.memory_space<hbm>>
      %dma_start3A_80 = tpu.memref_squeeze %dma_start3A_79 : memref<1x1x128x96xf32, #tpu.memory_space<hbm>> -> memref<128x96xf32, #tpu.memory_space<hbm>>
      %dma_start3A_81 = arith.constant 0 : i32
      %dma_start3A_82 = arith.constant 0 : i32
      %dma_start3A_83 = tpu.memref_slice %arg8[%dma_start3A_72, %dma_start3A_81, %dma_start3A_82] : memref<2x128x96xf32, #tpu.memory_space<vmem>> -> memref<1x128x96xf32, #tpu.memory_space<vmem>>
      %dma_start3A_84 = tpu.memref_squeeze %dma_start3A_83 : memref<1x128x96xf32, #tpu.memory_space<vmem>> -> memref<128x96xf32, #tpu.memory_space<vmem>>
      %dma_start3A_85 = arith.constant 0 : i32
      %dma_start3A_86 = arith.constant 0 : i32
      %dma_start3A_87 = tpu.memref_slice %arg2[%dma_start3A, %and3A_65, %dma_start3A_85, %dma_start3A_86] : memref<1x512x512x96xf32, #tpu.memory_space<hbm>> -> memref<1x1x128x96xf32, #tpu.memory_space<hbm>>
      %dma_start3A_88 = tpu.memref_squeeze %dma_start3A_87 : memref<1x1x128x96xf32, #tpu.memory_space<hbm>> -> memref<128x96xf32, #tpu.memory_space<hbm>>
      tpu.enqueue_dma source(%dma_start3A_88 : memref<128x96xf32, #tpu.memory_space<hbm>>) target(%dma_start3A_84 : memref<128x96xf32, #tpu.memory_space<vmem>>) target_semaphore(%arg18 : memref<!tpu.dma_semaphore, #tpu.memory_space<semaphore_mem>>)
      %add3A_89 = arith.constant 63 : i32
      %add3A_90 = arith.addi %add3A_12, %add3A_89 : i32
      %jit3A = arith.constant 64 : i32
      %div3A_91 = arith.divsi %add3A_90, %jit3A : i32
      %sign3A = arith.constant 0 : i32
      %sign3A_92 = arith.cmpi sgt, %add3A_90, %sign3A : i32
      %sign3A_93 = arith.extui %sign3A_92 : i1 to i32
      %sign3A_94 = arith.constant 0 : i32
      %sign3A_95 = arith.cmpi slt, %add3A_90, %sign3A_94 : i32
      %sign3A_96 = arith.extui %sign3A_95 : i1 to i32
      %sign3A_97 = arith.subi %sign3A_93, %sign3A_96 : i32
      %sign3A_98 = arith.constant 0 : i32
      %sign3A_99 = arith.cmpi sgt, %jit3A, %sign3A_98 : i32
      %sign3A_100 = arith.extui %sign3A_99 : i1 to i32
      %sign3A_101 = arith.constant 0 : i32
      %sign3A_102 = arith.cmpi slt, %jit3A, %sign3A_101 : i32
      %sign3A_103 = arith.extui %sign3A_102 : i1 to i32
      %sign3A_104 = arith.subi %sign3A_100, %sign3A_103 : i32
      %ne3A = arith.cmpi ne, %sign3A_97, %sign3A_104 : i32
      %rem3A = arith.remsi %add3A_90, %jit3A : i32
      %ne3A_105 = arith.constant 0 : i32
      %ne3A_106 = arith.cmpi ne, %rem3A, %ne3A_105 : i32
      %and3A_107 = arith.andi %ne3A, %ne3A_106 : i1
      %sub3A_108 = arith.constant 1 : i32
      %sub3A_109 = arith.subi %div3A_91, %sub3A_108 : i32
      %select_n3A = arith.select %and3A_107, %sub3A_109, %div3A_91 : i32
      %while3A_110 = arith.constant 0 : i32
      %while3A_111 = arith.constant 0 : i32
      %while3A_112 = arith.subi %select_n3A, %while3A_110 : i32
      %while3A_113 = arith.addi %while3A_110, %while3A_112 : i32
      %while3A_114 = arith.constant 1 : i32
      %while3A_115 = arith.divsi %while3A_112, %while3A_114 : i32
      %while3A_116 = arith.muli %while3A_115, %while3A_114 : i32
      %while3A_117 = arith.addi %while3A_110, %while3A_116 : i32
      %while3A_118 = arith.constant 1 : i32
      %while3A_119 = scf.for %while3A_166 = %while3A_110 to %while3A_117 step %while3A_118 iter_args(%while3A_167 = %while3A_111) -> (i32)  : i32 {
        %mul3A_168 = arith.constant 64 : i32
        %mul3A_169 = arith.muli %while3A_166, %mul3A_168 : i32
        %add3A_170 = arith.constant 0 : i32
        %add3A_171 = arith.addi %mul3A_169, %add3A_170 : i32
        %swap3A = arith.index_cast %add3A_171 : i32 to index
        %swap3A_172 = tpu.vector_load %arg9[%swap3A] {strides = array<i32>} : memref<27936xf32, #tpu.memory_space<vmem>>, vector<16xf32>,
        tpu.vector_store %arg9[%swap3A], %broadcast_in_dim3A_35 {strides = array<i32>} : memref<27936xf32, #tpu.memory_space<vmem>>, vector<16xf32>,
        %mul3A_173 = arith.constant 64 : i32
        %mul3A_174 = arith.muli %while3A_166, %mul3A_173 : i32
        %add3A_175 = arith.constant 16 : i32
        %add3A_176 = arith.addi %mul3A_174, %add3A_175 : i32
        %swap3A_177 = arith.index_cast %add3A_176 : i32 to index
        %swap3A_178 = tpu.vector_load %arg9[%swap3A_177] {strides = array<i32>} : memref<27936xf32, #tpu.memory_space<vmem>>, vector<16xf32>,
        tpu.vector_store %arg9[%swap3A_177], %broadcast_in_dim3A_35 {strides = array<i32>} : memref<27936xf32, #tpu.memory_space<vmem>>, vector<16xf32>,
        %mul3A_179 = arith.constant 64 : i32
        %mul3A_180 = arith.muli %while3A_166, %mul3A_179 : i32
        %add3A_181 = arith.constant 32 : i32
        %add3A_182 = arith.addi %mul3A_180, %add3A_181 : i32
        %swap3A_183 = arith.index_cast %add3A_182 : i32 to index
        %swap3A_184 = tpu.vector_load %arg9[%swap3A_183] {strides = array<i32>} : memref<27936xf32, #tpu.memory_space<vmem>>, vector<16xf32>,
        tpu.vector_store %arg9[%swap3A_183], %broadcast_in_dim3A_35 {strides = array<i32>} : memref<27936xf32, #tpu.memory_space<vmem>>, vector<16xf32>,
        %mul3A_185 = arith.constant 64 : i32
        %mul3A_186 = arith.muli %while3A_166, %mul3A_185 : i32
        %add3A_187 = arith.constant 48 : i32
        %add3A_188 = arith.addi %mul3A_186, %add3A_187 : i32
        %swap3A_189 = arith.index_cast %add3A_188 : i32 to index
        %swap3A_190 = tpu.vector_load %arg9[%swap3A_189] {strides = array<i32>} : memref<27936xf32, #tpu.memory_space<vmem>>, vector<16xf32>,
        tpu.vector_store %arg9[%swap3A_189], %broadcast_in_dim3A_35 {strides = array<i32>} : memref<27936xf32, #tpu.memory_space<vmem>>, vector<16xf32>,
        %while3A_191 = arith.constant 0 : i32
        scf.yield %while3A_191 : i32
      }
      %while3A_120 = arith.constant 1 : i32
      %while3A_121 = scf.for %while3A_166 = %while3A_117 to %while3A_113 step %while3A_120 iter_args(%while3A_167 = %while3A_119) -> (i32)  : i32 {
        %mul3A_168 = arith.constant 64 : i32
        %mul3A_169 = arith.muli %while3A_166, %mul3A_168 : i32
        %add3A_170 = arith.constant 0 : i32
        %add3A_171 = arith.addi %mul3A_169, %add3A_170 : i32
        %swap3A = arith.index_cast %add3A_171 : i32 to index
        %swap3A_172 = tpu.vector_load %arg9[%swap3A] {strides = array<i32>} : memref<27936xf32, #tpu.memory_space<vmem>>, vector<16xf32>,
        tpu.vector_store %arg9[%swap3A], %broadcast_in_dim3A_35 {strides = array<i32>} : memref<27936xf32, #tpu.memory_space<vmem>>, vector<16xf32>,
        %mul3A_173 = arith.constant 64 : i32
        %mul3A_174 = arith.muli %while3A_166, %mul3A_173 : i32
        %add3A_175 = arith.constant 16 : i32
        %add3A_176 = arith.addi %mul3A_174, %add3A_175 : i32
        %swap3A_177 = arith.index_cast %add3A_176 : i32 to index
        %swap3A_178 = tpu.vector_load %arg9[%swap3A_177] {strides = array<i32>} : memref<27936xf32, #tpu.memory_space<vmem>>, vector<16xf32>,
        tpu.vector_store %arg9[%swap3A_177], %broadcast_in_dim3A_35 {strides = array<i32>} : memref<27936xf32, #tpu.memory_space<vmem>>, vector<16xf32>,
        %mul3A_179 = arith.constant 64 : i32
        %mul3A_180 = arith.muli %while3A_166, %mul3A_179 : i32
        %add3A_181 = arith.constant 32 : i32
        %add3A_182 = arith.addi %mul3A_180, %add3A_181 : i32
        %swap3A_183 = arith.index_cast %add3A_182 : i32 to index
        %swap3A_184 = tpu.vector_load %arg9[%swap3A_183] {strides = array<i32>} : memref<27936xf32, #tpu.memory_space<vmem>>, vector<16xf32>,
        tpu.vector_store %arg9[%swap3A_183], %broadcast_in_dim3A_35 {strides = array<i32>} : memref<27936xf32, #tpu.memory_space<vmem>>, vector<16xf32>,
        %mul3A_185 = arith.constant 64 : i32
        %mul3A_186 = arith.muli %while3A_166, %mul3A_185 : i32
        %add3A_187 = arith.constant 48 : i32
        %add3A_188 = arith.addi %mul3A_186, %add3A_187 : i32
        %swap3A_189 = arith.index_cast %add3A_188 : i32 to index
        %swap3A_190 = tpu.vector_load %arg9[%swap3A_189] {strides = array<i32>} : memref<27936xf32, #tpu.memory_space<vmem>>, vector<16xf32>,
        tpu.vector_store %arg9[%swap3A_189], %broadcast_in_dim3A_35 {strides = array<i32>} : memref<27936xf32, #tpu.memory_space<vmem>>, vector<16xf32>,
        %while3A_191 = arith.constant 0 : i32
        scf.yield %while3A_191 : i32
      }
      %add3A_122 = arith.addi %and3A_65, %shift_right_logical3A_66 : i32
      %while3A_123 = arith.constant 0 : i32
      %while3A_124 = arith.subi %add3A_122, %and3A_65 : i32
      %while3A_125 = arith.addi %and3A_65, %while3A_124 : i32
      %while3A_126 = arith.constant 1 : i32
      %while3A_127 = arith.divsi %while3A_124, %while3A_126 : i32
      %while3A_128 = arith.muli %while3A_127, %while3A_126 : i32
      %while3A_129 = arith.addi %and3A_65, %while3A_128 : i32
      %while3A_130 = arith.constant 1 : i32
      %while3A_131 = scf.for %while3A_166 = %and3A_65 to %while3A_129 step %while3A_130 iter_args(%while3A_167 = %while3A_123) -> (i32)  : i32 {
        %dma_start3A_168 = arith.constant 0 : i32
        %dma_start3A_169 = arith.constant 1 : i32
        %dma_start3A_170 = arith.constant 0 : i32
        %dma_start3A_171 = arith.constant 0 : i32
        %dma_start3A_172 = tpu.memref_slice %arg8[%dma_start3A_169, %dma_start3A_170, %dma_start3A_171] : memref<2x128x96xf32, #tpu.memory_space<vmem>> -> memref<1x128x96xf32, #tpu.memory_space<vmem>>
        %dma_start3A_173 = tpu.memref_squeeze %dma_start3A_172 : memref<1x128x96xf32, #tpu.memory_space<vmem>> -> memref<128x96xf32, #tpu.memory_space<vmem>>
        %dma_start3A_174 = arith.constant 128 : i32
        %dma_start3A_175 = arith.constant 0 : i32
        %dma_start3A_176 = tpu.memref_slice %arg2[%dma_start3A_168, %while3A_166, %dma_start3A_174, %dma_start3A_175] : memref<1x512x512x96xf32, #tpu.memory_space<hbm>> -> memref<1x1x128x96xf32, #tpu.memory_space<hbm>>
        %dma_start3A_177 = tpu.memref_squeeze %dma_start3A_176 : memref<1x1x128x96xf32, #tpu.memory_space<hbm>> -> memref<128x96xf32, #tpu.memory_space<hbm>>
        %dma_start3A_178 = arith.constant 0 : i32
        %dma_start3A_179 = arith.constant 0 : i32
        %dma_start3A_180 = tpu.memref_slice %arg8[%dma_start3A_169, %dma_start3A_178, %dma_start3A_179] : memref<2x128x96xf32, #tpu.memory_space<vmem>> -> memref<1x128x96xf32, #tpu.memory_space<vmem>>
        %dma_start3A_181 = tpu.memref_squeeze %dma_start3A_180 : memref<1x128x96xf32, #tpu.memory_space<vmem>> -> memref<128x96xf32, #tpu.memory_space<vmem>>
        %dma_start3A_182 = arith.constant 128 : i32
        %dma_start3A_183 = arith.constant 0 : i32
        %dma_start3A_184 = tpu.memref_slice %arg2[%dma_start3A_168, %while3A_166, %dma_start3A_182, %dma_start3A_183] : memref<1x512x512x96xf32, #tpu.memory_space<hbm>> -> memref<1x1x128x96xf32, #tpu.memory_space<hbm>>
        %dma_start3A_185 = tpu.memref_squeeze %dma_start3A_184 : memref<1x1x128x96xf32, #tpu.memory_space<hbm>> -> memref<128x96xf32, #tpu.memory_space<hbm>>
        tpu.enqueue_dma source(%dma_start3A_185 : memref<128x96xf32, #tpu.memory_space<hbm>>) target(%dma_start3A_181 : memref<128x96xf32, #tpu.memory_space<vmem>>) target_semaphore(%arg17 : memref<!tpu.dma_semaphore, #tpu.memory_space<semaphore_mem>>)
        %dma_wait3A = arith.constant 0 : i32
        %dma_wait3A_186 = arith.constant 0 : i32
        %dma_wait3A_187 = arith.constant 0 : i32
        %dma_wait3A_188 = arith.constant 0 : i32
        %dma_wait3A_189 = tpu.memref_slice %arg8[%dma_wait3A_186, %dma_wait3A_187, %dma_wait3A_188] : memref<2x128x96xf32, #tpu.memory_space<vmem>> -> memref<1x128x96xf32, #tpu.memory_space<vmem>>
        %dma_wait3A_190 = tpu.memref_squeeze %dma_wait3A_189 : memref<1x128x96xf32, #tpu.memory_space<vmem>> -> memref<128x96xf32, #tpu.memory_space<vmem>>
        %dma_wait3A_191 = arith.constant 0 : i32
        %dma_wait3A_192 = arith.constant 0 : i32
        %dma_wait3A_193 = tpu.memref_slice %arg2[%dma_wait3A, %while3A_166, %dma_wait3A_191, %dma_wait3A_192] : memref<1x512x512x96xf32, #tpu.memory_space<hbm>> -> memref<1x1x128x96xf32, #tpu.memory_space<hbm>>
        %dma_wait3A_194 = tpu.memref_squeeze %dma_wait3A_193 : memref<1x1x128x96xf32, #tpu.memory_space<hbm>> -> memref<128x96xf32, #tpu.memory_space<hbm>>
        %dma_wait3A_195 = arith.constant 0 : i32
        %dma_wait3A_196 = arith.constant 0 : i32
        %dma_wait3A_197 = tpu.memref_slice %arg8[%dma_wait3A_186, %dma_wait3A_195, %dma_wait3A_196] : memref<2x128x96xf32, #tpu.memory_space<vmem>> -> memref<1x128x96xf32, #tpu.memory_space<vmem>>
        %dma_wait3A_198 = tpu.memref_squeeze %dma_wait3A_197 : memref<1x128x96xf32, #tpu.memory_space<vmem>> -> memref<128x96xf32, #tpu.memory_space<vmem>>
        %dma_wait3A_199 = arith.constant 0 : i32
        %dma_wait3A_200 = arith.constant 0 : i32
        %dma_wait3A_201 = tpu.memref_slice %arg2[%dma_wait3A, %while3A_166, %dma_wait3A_199, %dma_wait3A_200] : memref<1x512x512x96xf32, #tpu.memory_space<hbm>> -> memref<1x1x128x96xf32, #tpu.memory_space<hbm>>
        %dma_wait3A_202 = tpu.memref_squeeze %dma_wait3A_201 : memref<1x1x128x96xf32, #tpu.memory_space<hbm>> -> memref<128x96xf32, #tpu.memory_space<hbm>>
        tpu.wait_dma2 semaphore(%arg18 : memref<!tpu.dma_semaphore, #tpu.memory_space<semaphore_mem>>) src(%dma_wait3A_202 : memref<128x96xf32, #tpu.memory_space<hbm>>) dst(%dma_wait3A_198 : memref<128x96xf32, #tpu.memory_space<vmem>>)
        %scan3A_203 = arith.constant 0 : i32
        %scan3A_204 = arith.constant 0 : i32
        %scan3A_205 = arith.constant 64 : i32
        %scan3A_206 = arith.addi %scan3A_204, %scan3A_205 : i32
        %scan3A_207 = arith.constant 1 : i32
        %scan3A_208 = scf.for %scan3A_327 = %scan3A_204 to %scan3A_206 step %scan3A_207 iter_args(%scan3A_328 = %scan3A_203) -> (i32)  : i32 {
          %mul3A_329 = arith.constant 2 : i32
          %mul3A_330 = arith.muli %scan3A_327, %mul3A_329 : i32
          %add3A_331 = arith.constant 0 : i32
          %add3A_332 = arith.addi %add3A_331, %mul3A_330 : i32
          %get3A_333 = arith.index_cast %add3A_332 : i32 to index
          %get3A_334 = memref.load %arg14[%get3A_333] : memref<512xi32, #tpu.memory_space<smem>>
          %add3A_335 = arith.constant 0 : i32
          %add3A_336 = arith.addi %add3A_335, %mul3A_330 : i32
          %add3A_337 = arith.constant 1 : i32
          %add3A_338 = arith.addi %add3A_336, %add3A_337 : i32
          %get3A_339 = arith.index_cast %add3A_338 : i32 to index
          %get3A_340 = memref.load %arg14[%get3A_339] : memref<512xi32, #tpu.memory_space<smem>>
          %add3A_341 = arith.constant 0 : i32
          %add3A_342 = arith.addi %add3A_341, %mul3A_330 : i32
          %get3A_343 = arith.index_cast %add3A_342 : i32 to index
          %get3A_344 = memref.load %arg15[%get3A_343] : memref<512xf32, #tpu.memory_space<smem>>
          %mul3A_345 = arith.mulf %squeeze3A_71, %get3A_344 : f32
          %broadcast_in_dim3A_346 = vector.broadcast %mul3A_345 : f32 to vector<16xf32>
          %add3A_347 = arith.constant 0 : i32
          %add3A_348 = arith.addi %add3A_347, %mul3A_330 : i32
          %add3A_349 = arith.constant 1 : i32
          %add3A_350 = arith.addi %add3A_348, %add3A_349 : i32
          %get3A_351 = arith.index_cast %add3A_350 : i32 to index
          %get3A_352 = memref.load %arg15[%get3A_351] : memref<512xf32, #tpu.memory_space<smem>>
          %mul3A_353 = arith.mulf %squeeze3A_71, %get3A_352 : f32
          %broadcast_in_dim3A_354 = vector.broadcast %mul3A_353 : f32 to vector<16xf32>
          %get3A_355 = arith.constant 0 : i32
          %get3A_356 = arith.index_cast %get3A_355 : i32 to index
          %get3A_357 = arith.index_cast %mul3A_330 : i32 to index
          %get3A_358 = arith.constant 0 : index
          %get3A_359 = tpu.vector_load %arg8[%get3A_356, %get3A_357, %get3A_358] {strides = array<i32>} : memref<2x128x96xf32, #tpu.memory_space<vmem>>, vector<16xf32>,
          %mul3A_360 = arith.mulf %get3A_359, %broadcast_in_dim3A_346 : vector<16xf32>
          %get3A_361 = arith.constant 0 : i32
          %get3A_362 = arith.index_cast %get3A_361 : i32 to index
          %get3A_363 = arith.index_cast %mul3A_330 : i32 to index
          %get3A_364 = arith.constant 16 : index
          %get3A_365 = tpu.vector_load %arg8[%get3A_362, %get3A_363, %get3A_364] {strides = array<i32>} : memref<2x128x96xf32, #tpu.memory_space<vmem>>, vector<16xf32>,
          %mul3A_366 = arith.mulf %get3A_365, %broadcast_in_dim3A_346 : vector<16xf32>
          %get3A_367 = arith.constant 0 : i32
          %get3A_368 = arith.index_cast %get3A_367 : i32 to index
          %get3A_369 = arith.index_cast %mul3A_330 : i32 to index
          %get3A_370 = arith.constant 32 : index
          %get3A_371 = tpu.vector_load %arg8[%get3A_368, %get3A_369, %get3A_370] {strides = array<i32>} : memref<2x128x96xf32, #tpu.memory_space<vmem>>, vector<16xf32>,
          %mul3A_372 = arith.mulf %get3A_371, %broadcast_in_dim3A_346 : vector<16xf32>
          %get3A_373 = arith.constant 0 : i32
          %get3A_374 = arith.index_cast %get3A_373 : i32 to index
          %get3A_375 = arith.index_cast %mul3A_330 : i32 to index
          %get3A_376 = arith.constant 48 : index
          %get3A_377 = tpu.vector_load %arg8[%get3A_374, %get3A_375, %get3A_376] {strides = array<i32>} : memref<2x128x96xf32, #tpu.memory_space<vmem>>, vector<16xf32>,
          %mul3A_378 = arith.mulf %get3A_377, %broadcast_in_dim3A_346 : vector<16xf32>
          %get3A_379 = arith.constant 0 : i32
          %get3A_380 = arith.index_cast %get3A_379 : i32 to index
          %get3A_381 = arith.index_cast %mul3A_330 : i32 to index
          %get3A_382 = arith.constant 64 : index
          %get3A_383 = tpu.vector_load %arg8[%get3A_380, %get3A_381, %get3A_382] {strides = array<i32>} : memref<2x128x96xf32, #tpu.memory_space<vmem>>, vector<16xf32>,
          %mul3A_384 = arith.mulf %get3A_383, %broadcast_in_dim3A_346 : vector<16xf32>
          %get3A_385 = arith.constant 0 : i32
          %get3A_386 = arith.index_cast %get3A_385 : i32 to index
          %get3A_387 = arith.index_cast %mul3A_330 : i32 to index
          %get3A_388 = arith.constant 80 : index
          %get3A_389 = tpu.vector_load %arg8[%get3A_386, %get3A_387, %get3A_388] {strides = array<i32>} : memref<2x128x96xf32, #tpu.memory_space<vmem>>, vector<16xf32>,
          %mul3A_390 = arith.mulf %get3A_389, %broadcast_in_dim3A_346 : vector<16xf32>
          %add3A_391 = arith.constant 1 : i32
          %add3A_392 = arith.addi %mul3A_330, %add3A_391 : i32
          %get3A_393 = arith.constant 0 : i32
          %get3A_394 = arith.index_cast %get3A_393 : i32 to index
          %get3A_395 = arith.index_cast %add3A_392 : i32 to index
          %get3A_396 = arith.constant 0 : index
          %get3A_397 = tpu.vector_load %arg8[%get3A_394, %get3A_395, %get3A_396] {strides = array<i32>} : memref<2x128x96xf32, #tpu.memory_space<vmem>>, vector<16xf32>,
          %mul3A_398 = arith.mulf %get3A_397, %broadcast_in_dim3A_354 : vector<16xf32>
          %add3A_399 = arith.constant 1 : i32
          %add3A_400 = arith.addi %mul3A_330, %add3A_399 : i32
          %get3A_401 = arith.constant 0 : i32
          %get3A_402 = arith.index_cast %get3A_401 : i32 to index
          %get3A_403 = arith.index_cast %add3A_400 : i32 to index
          %get3A_404 = arith.constant 16 : index
          %get3A_405 = tpu.vector_load %arg8[%get3A_402, %get3A_403, %get3A_404] {strides = array<i32>} : memref<2x128x96xf32, #tpu.memory_space<vmem>>, vector<16xf32>,
          %mul3A_406 = arith.mulf %get3A_405, %broadcast_in_dim3A_354 : vector<16xf32>
          %add3A_407 = arith.constant 1 : i32
          %add3A_408 = arith.addi %mul3A_330, %add3A_407 : i32
          %get3A_409 = arith.constant 0 : i32
          %get3A_410 = arith.index_cast %get3A_409 : i32 to index
          %get3A_411 = arith.index_cast %add3A_408 : i32 to index
          %get3A_412 = arith.constant 32 : index
          %get3A_413 = tpu.vector_load %arg8[%get3A_410, %get3A_411, %get3A_412] {strides = array<i32>} : memref<2x128x96xf32, #tpu.memory_space<vmem>>, vector<16xf32>,
          %mul3A_414 = arith.mulf %get3A_413, %broadcast_in_dim3A_354 : vector<16xf32>
          %add3A_415 = arith.constant 1 : i32
          %add3A_416 = arith.addi %mul3A_330, %add3A_415 : i32
          %get3A_417 = arith.constant 0 : i32
          %get3A_418 = arith.index_cast %get3A_417 : i32 to index
          %get3A_419 = arith.index_cast %add3A_416 : i32 to index
          %get3A_420 = arith.constant 48 : index
          %get3A_421 = tpu.vector_load %arg8[%get3A_418, %get3A_419, %get3A_420] {strides = array<i32>} : memref<2x128x96xf32, #tpu.memory_space<vmem>>, vector<16xf32>,
          %mul3A_422 = arith.mulf %get3A_421, %broadcast_in_dim3A_354 : vector<16xf32>
          %add3A_423 = arith.constant 1 : i32
          %add3A_424 = arith.addi %mul3A_330, %add3A_423 : i32
          %get3A_425 = arith.constant 0 : i32
          %get3A_426 = arith.index_cast %get3A_425 : i32 to index
          %get3A_427 = arith.index_cast %add3A_424 : i32 to index
          %get3A_428 = arith.constant 64 : index
          %get3A_429 = tpu.vector_load %arg8[%get3A_426, %get3A_427, %get3A_428] {strides = array<i32>} : memref<2x128x96xf32, #tpu.memory_space<vmem>>, vector<16xf32>,
          %mul3A_430 = arith.mulf %get3A_429, %broadcast_in_dim3A_354 : vector<16xf32>
          %add3A_431 = arith.constant 1 : i32
          %add3A_432 = arith.addi %mul3A_330, %add3A_431 : i32
          %get3A_433 = arith.constant 0 : i32
          %get3A_434 = arith.index_cast %get3A_433 : i32 to index
          %get3A_435 = arith.index_cast %add3A_432 : i32 to index
          %get3A_436 = arith.constant 80 : index
          %get3A_437 = tpu.vector_load %arg8[%get3A_434, %get3A_435, %get3A_436] {strides = array<i32>} : memref<2x128x96xf32, #tpu.memory_space<vmem>>, vector<16xf32>,
          %mul3A_438 = arith.mulf %get3A_437, %broadcast_in_dim3A_354 : vector<16xf32>
          %add3A_439 = arith.constant 0 : i32
          %add3A_440 = arith.addi %get3A_334, %add3A_439 : i32
          %swap3A = arith.index_cast %add3A_440 : i32 to index
          %swap3A_441 = tpu.vector_load %arg9[%swap3A] {strides = array<i32>} : memref<27936xf32, #tpu.memory_space<vmem>>, vector<16xf32>,
          tpu.vector_store %arg9[%swap3A], %mul3A_360 {add = true, strides = array<i32>} : memref<27936xf32, #tpu.memory_space<vmem>>, vector<16xf32>,
          %add3A_442 = arith.constant 16 : i32
          %add3A_443 = arith.addi %get3A_334, %add3A_442 : i32
          %swap3A_444 = arith.index_cast %add3A_443 : i32 to index
          %swap3A_445 = tpu.vector_load %arg9[%swap3A_444] {strides = array<i32>} : memref<27936xf32, #tpu.memory_space<vmem>>, vector<16xf32>,
          tpu.vector_store %arg9[%swap3A_444], %mul3A_366 {add = true, strides = array<i32>} : memref<27936xf32, #tpu.memory_space<vmem>>, vector<16xf32>,
          %add3A_446 = arith.constant 32 : i32
          %add3A_447 = arith.addi %get3A_334, %add3A_446 : i32
          %swap3A_448 = arith.index_cast %add3A_447 : i32 to index
          %swap3A_449 = tpu.vector_load %arg9[%swap3A_448] {strides = array<i32>} : memref<27936xf32, #tpu.memory_space<vmem>>, vector<16xf32>,
          tpu.vector_store %arg9[%swap3A_448], %mul3A_372 {add = true, strides = array<i32>} : memref<27936xf32, #tpu.memory_space<vmem>>, vector<16xf32>,
          %add3A_450 = arith.constant 48 : i32
          %add3A_451 = arith.addi %get3A_334, %add3A_450 : i32
          %swap3A_452 = arith.index_cast %add3A_451 : i32 to index
          %swap3A_453 = tpu.vector_load %arg9[%swap3A_452] {strides = array<i32>} : memref<27936xf32, #tpu.memory_space<vmem>>, vector<16xf32>,
          tpu.vector_store %arg9[%swap3A_452], %mul3A_378 {add = true, strides = array<i32>} : memref<27936xf32, #tpu.memory_space<vmem>>, vector<16xf32>,
          %add3A_454 = arith.constant 64 : i32
          %add3A_455 = arith.addi %get3A_334, %add3A_454 : i32
          %swap3A_456 = arith.index_cast %add3A_455 : i32 to index
          %swap3A_457 = tpu.vector_load %arg9[%swap3A_456] {strides = array<i32>} : memref<27936xf32, #tpu.memory_space<vmem>>, vector<16xf32>,
          tpu.vector_store %arg9[%swap3A_456], %mul3A_384 {add = true, strides = array<i32>} : memref<27936xf32, #tpu.memory_space<vmem>>, vector<16xf32>,
          %add3A_458 = arith.constant 80 : i32
          %add3A_459 = arith.addi %get3A_334, %add3A_458 : i32
          %swap3A_460 = arith.index_cast %add3A_459 : i32 to index
          %swap3A_461 = tpu.vector_load %arg9[%swap3A_460] {strides = array<i32>} : memref<27936xf32, #tpu.memory_space<vmem>>, vector<16xf32>,
          tpu.vector_store %arg9[%swap3A_460], %mul3A_390 {add = true, strides = array<i32>} : memref<27936xf32, #tpu.memory_space<vmem>>, vector<16xf32>,
          %add3A_462 = arith.constant 0 : i32
          %add3A_463 = arith.addi %get3A_340, %add3A_462 : i32
          %swap3A_464 = arith.index_cast %add3A_463 : i32 to index
          %swap3A_465 = tpu.vector_load %arg9[%swap3A_464] {strides = array<i32>} : memref<27936xf32, #tpu.memory_space<vmem>>, vector<16xf32>,
          tpu.vector_store %arg9[%swap3A_464], %mul3A_398 {add = true, strides = array<i32>} : memref<27936xf32, #tpu.memory_space<vmem>>, vector<16xf32>,
          %add3A_466 = arith.constant 16 : i32
          %add3A_467 = arith.addi %get3A_340, %add3A_466 : i32
          %swap3A_468 = arith.index_cast %add3A_467 : i32 to index
          %swap3A_469 = tpu.vector_load %arg9[%swap3A_468] {strides = array<i32>} : memref<27936xf32, #tpu.memory_space<vmem>>, vector<16xf32>,
          tpu.vector_store %arg9[%swap3A_468], %mul3A_406 {add = true, strides = array<i32>} : memref<27936xf32, #tpu.memory_space<vmem>>, vector<16xf32>,
          %add3A_470 = arith.constant 32 : i32
          %add3A_471 = arith.addi %get3A_340, %add3A_470 : i32
          %swap3A_472 = arith.index_cast %add3A_471 : i32 to index
          %swap3A_473 = tpu.vector_load %arg9[%swap3A_472] {strides = array<i32>} : memref<27936xf32, #tpu.memory_space<vmem>>, vector<16xf32>,
          tpu.vector_store %arg9[%swap3A_472], %mul3A_414 {add = true, strides = array<i32>} : memref<27936xf32, #tpu.memory_space<vmem>>, vector<16xf32>,
          %add3A_474 = arith.constant 48 : i32
          %add3A_475 = arith.addi %get3A_340, %add3A_474 : i32
          %swap3A_476 = arith.index_cast %add3A_475 : i32 to index
          %swap3A_477 = tpu.vector_load %arg9[%swap3A_476] {strides = array<i32>} : memref<27936xf32, #tpu.memory_space<vmem>>, vector<16xf32>,
          tpu.vector_store %arg9[%swap3A_476], %mul3A_422 {add = true, strides = array<i32>} : memref<27936xf32, #tpu.memory_space<vmem>>, vector<16xf32>,
          %add3A_478 = arith.constant 64 : i32
          %add3A_479 = arith.addi %get3A_340, %add3A_478 : i32
          %swap3A_480 = arith.index_cast %add3A_479 : i32 to index
          %swap3A_481 = tpu.vector_load %arg9[%swap3A_480] {strides = array<i32>} : memref<27936xf32, #tpu.memory_space<vmem>>, vector<16xf32>,
          tpu.vector_store %arg9[%swap3A_480], %mul3A_430 {add = true, strides = array<i32>} : memref<27936xf32, #tpu.memory_space<vmem>>, vector<16xf32>,
          %add3A_482 = arith.constant 80 : i32
          %add3A_483 = arith.addi %get3A_340, %add3A_482 : i32
          %swap3A_484 = arith.index_cast %add3A_483 : i32 to index
          %swap3A_485 = tpu.vector_load %arg9[%swap3A_484] {strides = array<i32>} : memref<27936xf32, #tpu.memory_space<vmem>>, vector<16xf32>,
          tpu.vector_store %arg9[%swap3A_484], %mul3A_438 {add = true, strides = array<i32>} : memref<27936xf32, #tpu.memory_space<vmem>>, vector<16xf32>,
          %scan3A_486 = arith.constant 0 : i32
          scf.yield %scan3A_486 : i32
        }
        %scan3A_209 = arith.constant 64 : i32
        %dma_start3A_210 = arith.constant 0 : i32
        %dma_start3A_211 = arith.constant 0 : i32
        %dma_start3A_212 = arith.constant 0 : i32
        %dma_start3A_213 = arith.constant 0 : i32
        %dma_start3A_214 = tpu.memref_slice %arg8[%dma_start3A_211, %dma_start3A_212, %dma_start3A_213] : memref<2x128x96xf32, #tpu.memory_space<vmem>> -> memref<1x128x96xf32, #tpu.memory_space<vmem>>
        %dma_start3A_215 = tpu.memref_squeeze %dma_start3A_214 : memref<1x128x96xf32, #tpu.memory_space<vmem>> -> memref<128x96xf32, #tpu.memory_space<vmem>>
        %dma_start3A_216 = arith.constant 256 : i32
        %dma_start3A_217 = arith.constant 0 : i32
        %dma_start3A_218 = tpu.memref_slice %arg2[%dma_start3A_210, %while3A_166, %dma_start3A_216, %dma_start3A_217] : memref<1x512x512x96xf32, #tpu.memory_space<hbm>> -> memref<1x1x128x96xf32, #tpu.memory_space<hbm>>
        %dma_start3A_219 = tpu.memref_squeeze %dma_start3A_218 : memref<1x1x128x96xf32, #tpu.memory_space<hbm>> -> memref<128x96xf32, #tpu.memory_space<hbm>>
        %dma_start3A_220 = arith.constant 0 : i32
        %dma_start3A_221 = arith.constant 0 : i32
        %dma_start3A_222 = tpu.memref_slice %arg8[%dma_start3A_211, %dma_start3A_220, %dma_start3A_221] : memref<2x128x96xf32, #tpu.memory_space<vmem>> -> memref<1x128x96xf32, #tpu.memory_space<vmem>>
        %dma_start3A_223 = tpu.memref_squeeze %dma_start3A_222 : memref<1x128x96xf32, #tpu.memory_space<vmem>> -> memref<128x96xf32, #tpu.memory_space<vmem>>
        %dma_start3A_224 = arith.constant 256 : i32
        %dma_start3A_225 = arith.constant 0 : i32
        %dma_start3A_226 = tpu.memref_slice %arg2[%dma_start3A_210, %while3A_166, %dma_start3A_224, %dma_start3A_225] : memref<1x512x512x96xf32, #tpu.memory_space<hbm>> -> memref<1x1x128x96xf32, #tpu.memory_space<hbm>>
        %dma_start3A_227 = tpu.memref_squeeze %dma_start3A_226 : memref<1x1x128x96xf32, #tpu.memory_space<hbm>> -> memref<128x96xf32, #tpu.memory_space<hbm>>
        tpu.enqueue_dma source(%dma_start3A_227 : memref<128x96xf32, #tpu.memory_space<hbm>>) target(%dma_start3A_223 : memref<128x96xf32, #tpu.memory_space<vmem>>) target_semaphore(%arg17 : memref<!tpu.dma_semaphore, #tpu.memory_space<semaphore_mem>>)
        %dma_wait3A_228 = arith.constant 0 : i32
        %dma_wait3A_229 = arith.constant 1 : i32
        %dma_wait3A_230 = arith.constant 0 : i32
        %dma_wait3A_231 = arith.constant 0 : i32
        %dma_wait3A_232 = tpu.memref_slice %arg8[%dma_wait3A_229, %dma_wait3A_230, %dma_wait3A_231] : memref<2x128x96xf32, #tpu.memory_space<vmem>> -> memref<1x128x96xf32, #tpu.memory_space<vmem>>
        %dma_wait3A_233 = tpu.memref_squeeze %dma_wait3A_232 : memref<1x128x96xf32, #tpu.memory_space<vmem>> -> memref<128x96xf32, #tpu.memory_space<vmem>>
        %dma_wait3A_234 = arith.constant 128 : i32
        %dma_wait3A_235 = arith.constant 0 : i32
        %dma_wait3A_236 = tpu.memref_slice %arg2[%dma_wait3A_228, %while3A_166, %dma_wait3A_234, %dma_wait3A_235] : memref<1x512x512x96xf32, #tpu.memory_space<hbm>> -> memref<1x1x128x96xf32, #tpu.memory_space<hbm>>
        %dma_wait3A_237 = tpu.memref_squeeze %dma_wait3A_236 : memref<1x1x128x96xf32, #tpu.memory_space<hbm>> -> memref<128x96xf32, #tpu.memory_space<hbm>>
        %dma_wait3A_238 = arith.constant 0 : i32
        %dma_wait3A_239 = arith.constant 0 : i32
        %dma_wait3A_240 = tpu.memref_slice %arg8[%dma_wait3A_229, %dma_wait3A_238, %dma_wait3A_239] : memref<2x128x96xf32, #tpu.memory_space<vmem>> -> memref<1x128x96xf32, #tpu.memory_space<vmem>>
        %dma_wait3A_241 = tpu.memref_squeeze %dma_wait3A_240 : memref<1x128x96xf32, #tpu.memory_space<vmem>> -> memref<128x96xf32, #tpu.memory_space<vmem>>
        %dma_wait3A_242 = arith.constant 128 : i32
        %dma_wait3A_243 = arith.constant 0 : i32
        %dma_wait3A_244 = tpu.memref_slice %arg2[%dma_wait3A_228, %while3A_166, %dma_wait3A_242, %dma_wait3A_243] : memref<1x512x512x96xf32, #tpu.memory_space<hbm>> -> memref<1x1x128x96xf32, #tpu.memory_space<hbm>>
        %dma_wait3A_245 = tpu.memref_squeeze %dma_wait3A_244 : memref<1x1x128x96xf32, #tpu.memory_space<hbm>> -> memref<128x96xf32, #tpu.memory_space<hbm>>
        tpu.wait_dma2 semaphore(%arg17 : memref<!tpu.dma_semaphore, #tpu.memory_space<semaphore_mem>>) src(%dma_wait3A_245 : memref<128x96xf32, #tpu.memory_space<hbm>>) dst(%dma_wait3A_241 : memref<128x96xf32, #tpu.memory_space<vmem>>)
        %scan3A_246 = arith.constant 0 : i32
        %scan3A_247 = arith.constant 0 : i32
        %scan3A_248 = arith.constant 64 : i32
        %scan3A_249 = arith.addi %scan3A_247, %scan3A_248 : i32
        %scan3A_250 = arith.constant 1 : i32
        %scan3A_251 = scf.for %scan3A_327 = %scan3A_247 to %scan3A_249 step %scan3A_250 iter_args(%scan3A_328 = %scan3A_246) -> (i32)  : i32 {
          %mul3A_329 = arith.constant 2 : i32
          %mul3A_330 = arith.muli %scan3A_327, %mul3A_329 : i32
          %add3A_331 = arith.constant 128 : i32
          %add3A_332 = arith.addi %add3A_331, %mul3A_330 : i32
          %get3A_333 = arith.index_cast %add3A_332 : i32 to index
          %get3A_334 = memref.load %arg14[%get3A_333] : memref<512xi32, #tpu.memory_space<smem>>
          %add3A_335 = arith.constant 128 : i32
          %add3A_336 = arith.addi %add3A_335, %mul3A_330 : i32
          %add3A_337 = arith.constant 1 : i32
          %add3A_338 = arith.addi %add3A_336, %add3A_337 : i32
          %get3A_339 = arith.index_cast %add3A_338 : i32 to index
          %get3A_340 = memref.load %arg14[%get3A_339] : memref<512xi32, #tpu.memory_space<smem>>
          %add3A_341 = arith.constant 128 : i32
          %add3A_342 = arith.addi %add3A_341, %mul3A_330 : i32
          %get3A_343 = arith.index_cast %add3A_342 : i32 to index
          %get3A_344 = memref.load %arg15[%get3A_343] : memref<512xf32, #tpu.memory_space<smem>>
          %mul3A_345 = arith.mulf %squeeze3A_71, %get3A_344 : f32
          %broadcast_in_dim3A_346 = vector.broadcast %mul3A_345 : f32 to vector<16xf32>
          %add3A_347 = arith.constant 128 : i32
          %add3A_348 = arith.addi %add3A_347, %mul3A_330 : i32
          %add3A_349 = arith.constant 1 : i32
          %add3A_350 = arith.addi %add3A_348, %add3A_349 : i32
          %get3A_351 = arith.index_cast %add3A_350 : i32 to index
          %get3A_352 = memref.load %arg15[%get3A_351] : memref<512xf32, #tpu.memory_space<smem>>
          %mul3A_353 = arith.mulf %squeeze3A_71, %get3A_352 : f32
          %broadcast_in_dim3A_354 = vector.broadcast %mul3A_353 : f32 to vector<16xf32>
          %get3A_355 = arith.constant 1 : i32
          %get3A_356 = arith.index_cast %get3A_355 : i32 to index
          %get3A_357 = arith.index_cast %mul3A_330 : i32 to index
          %get3A_358 = arith.constant 0 : index
          %get3A_359 = tpu.vector_load %arg8[%get3A_356, %get3A_357, %get3A_358] {strides = array<i32>} : memref<2x128x96xf32, #tpu.memory_space<vmem>>, vector<16xf32>,
          %mul3A_360 = arith.mulf %get3A_359, %broadcast_in_dim3A_346 : vector<16xf32>
          %get3A_361 = arith.constant 1 : i32
          %get3A_362 = arith.index_cast %get3A_361 : i32 to index
          %get3A_363 = arith.index_cast %mul3A_330 : i32 to index
          %get3A_364 = arith.constant 16 : index
          %get3A_365 = tpu.vector_load %arg8[%get3A_362, %get3A_363, %get3A_364] {strides = array<i32>} : memref<2x128x96xf32, #tpu.memory_space<vmem>>, vector<16xf32>,
          %mul3A_366 = arith.mulf %get3A_365, %broadcast_in_dim3A_346 : vector<16xf32>
          %get3A_367 = arith.constant 1 : i32
          %get3A_368 = arith.index_cast %get3A_367 : i32 to index
          %get3A_369 = arith.index_cast %mul3A_330 : i32 to index
          %get3A_370 = arith.constant 32 : index
          %get3A_371 = tpu.vector_load %arg8[%get3A_368, %get3A_369, %get3A_370] {strides = array<i32>} : memref<2x128x96xf32, #tpu.memory_space<vmem>>, vector<16xf32>,
          %mul3A_372 = arith.mulf %get3A_371, %broadcast_in_dim3A_346 : vector<16xf32>
          %get3A_373 = arith.constant 1 : i32
          %get3A_374 = arith.index_cast %get3A_373 : i32 to index
          %get3A_375 = arith.index_cast %mul3A_330 : i32 to index
          %get3A_376 = arith.constant 48 : index
          %get3A_377 = tpu.vector_load %arg8[%get3A_374, %get3A_375, %get3A_376] {strides = array<i32>} : memref<2x128x96xf32, #tpu.memory_space<vmem>>, vector<16xf32>,
          %mul3A_378 = arith.mulf %get3A_377, %broadcast_in_dim3A_346 : vector<16xf32>
          %get3A_379 = arith.constant 1 : i32
          %get3A_380 = arith.index_cast %get3A_379 : i32 to index
          %get3A_381 = arith.index_cast %mul3A_330 : i32 to index
          %get3A_382 = arith.constant 64 : index
          %get3A_383 = tpu.vector_load %arg8[%get3A_380, %get3A_381, %get3A_382] {strides = array<i32>} : memref<2x128x96xf32, #tpu.memory_space<vmem>>, vector<16xf32>,
          %mul3A_384 = arith.mulf %get3A_383, %broadcast_in_dim3A_346 : vector<16xf32>
          %get3A_385 = arith.constant 1 : i32
          %get3A_386 = arith.index_cast %get3A_385 : i32 to index
          %get3A_387 = arith.index_cast %mul3A_330 : i32 to index
          %get3A_388 = arith.constant 80 : index
          %get3A_389 = tpu.vector_load %arg8[%get3A_386, %get3A_387, %get3A_388] {strides = array<i32>} : memref<2x128x96xf32, #tpu.memory_space<vmem>>, vector<16xf32>,
          %mul3A_390 = arith.mulf %get3A_389, %broadcast_in_dim3A_346 : vector<16xf32>
          %add3A_391 = arith.constant 1 : i32
          %add3A_392 = arith.addi %mul3A_330, %add3A_391 : i32
          %get3A_393 = arith.constant 1 : i32
          %get3A_394 = arith.index_cast %get3A_393 : i32 to index
          %get3A_395 = arith.index_cast %add3A_392 : i32 to index
          %get3A_396 = arith.constant 0 : index
          %get3A_397 = tpu.vector_load %arg8[%get3A_394, %get3A_395, %get3A_396] {strides = array<i32>} : memref<2x128x96xf32, #tpu.memory_space<vmem>>, vector<16xf32>,
          %mul3A_398 = arith.mulf %get3A_397, %broadcast_in_dim3A_354 : vector<16xf32>
          %add3A_399 = arith.constant 1 : i32
          %add3A_400 = arith.addi %mul3A_330, %add3A_399 : i32
          %get3A_401 = arith.constant 1 : i32
          %get3A_402 = arith.index_cast %get3A_401 : i32 to index
          %get3A_403 = arith.index_cast %add3A_400 : i32 to index
          %get3A_404 = arith.constant 16 : index
          %get3A_405 = tpu.vector_load %arg8[%get3A_402, %get3A_403, %get3A_404] {strides = array<i32>} : memref<2x128x96xf32, #tpu.memory_space<vmem>>, vector<16xf32>,
          %mul3A_406 = arith.mulf %get3A_405, %broadcast_in_dim3A_354 : vector<16xf32>
          %add3A_407 = arith.constant 1 : i32
          %add3A_408 = arith.addi %mul3A_330, %add3A_407 : i32
          %get3A_409 = arith.constant 1 : i32
          %get3A_410 = arith.index_cast %get3A_409 : i32 to index
          %get3A_411 = arith.index_cast %add3A_408 : i32 to index
          %get3A_412 = arith.constant 32 : index
          %get3A_413 = tpu.vector_load %arg8[%get3A_410, %get3A_411, %get3A_412] {strides = array<i32>} : memref<2x128x96xf32, #tpu.memory_space<vmem>>, vector<16xf32>,
          %mul3A_414 = arith.mulf %get3A_413, %broadcast_in_dim3A_354 : vector<16xf32>
          %add3A_415 = arith.constant 1 : i32
          %add3A_416 = arith.addi %mul3A_330, %add3A_415 : i32
          %get3A_417 = arith.constant 1 : i32
          %get3A_418 = arith.index_cast %get3A_417 : i32 to index
          %get3A_419 = arith.index_cast %add3A_416 : i32 to index
          %get3A_420 = arith.constant 48 : index
          %get3A_421 = tpu.vector_load %arg8[%get3A_418, %get3A_419, %get3A_420] {strides = array<i32>} : memref<2x128x96xf32, #tpu.memory_space<vmem>>, vector<16xf32>,
          %mul3A_422 = arith.mulf %get3A_421, %broadcast_in_dim3A_354 : vector<16xf32>
          %add3A_423 = arith.constant 1 : i32
          %add3A_424 = arith.addi %mul3A_330, %add3A_423 : i32
          %get3A_425 = arith.constant 1 : i32
          %get3A_426 = arith.index_cast %get3A_425 : i32 to index
          %get3A_427 = arith.index_cast %add3A_424 : i32 to index
          %get3A_428 = arith.constant 64 : index
          %get3A_429 = tpu.vector_load %arg8[%get3A_426, %get3A_427, %get3A_428] {strides = array<i32>} : memref<2x128x96xf32, #tpu.memory_space<vmem>>, vector<16xf32>,
          %mul3A_430 = arith.mulf %get3A_429, %broadcast_in_dim3A_354 : vector<16xf32>
          %add3A_431 = arith.constant 1 : i32
          %add3A_432 = arith.addi %mul3A_330, %add3A_431 : i32
          %get3A_433 = arith.constant 1 : i32
          %get3A_434 = arith.index_cast %get3A_433 : i32 to index
          %get3A_435 = arith.index_cast %add3A_432 : i32 to index
          %get3A_436 = arith.constant 80 : index
          %get3A_437 = tpu.vector_load %arg8[%get3A_434, %get3A_435, %get3A_436] {strides = array<i32>} : memref<2x128x96xf32, #tpu.memory_space<vmem>>, vector<16xf32>,
          %mul3A_438 = arith.mulf %get3A_437, %broadcast_in_dim3A_354 : vector<16xf32>
          %add3A_439 = arith.constant 0 : i32
          %add3A_440 = arith.addi %get3A_334, %add3A_439 : i32
          %swap3A = arith.index_cast %add3A_440 : i32 to index
          %swap3A_441 = tpu.vector_load %arg9[%swap3A] {strides = array<i32>} : memref<27936xf32, #tpu.memory_space<vmem>>, vector<16xf32>,
          tpu.vector_store %arg9[%swap3A], %mul3A_360 {add = true, strides = array<i32>} : memref<27936xf32, #tpu.memory_space<vmem>>, vector<16xf32>,
          %add3A_442 = arith.constant 16 : i32
          %add3A_443 = arith.addi %get3A_334, %add3A_442 : i32
          %swap3A_444 = arith.index_cast %add3A_443 : i32 to index
          %swap3A_445 = tpu.vector_load %arg9[%swap3A_444] {strides = array<i32>} : memref<27936xf32, #tpu.memory_space<vmem>>, vector<16xf32>,
          tpu.vector_store %arg9[%swap3A_444], %mul3A_366 {add = true, strides = array<i32>} : memref<27936xf32, #tpu.memory_space<vmem>>, vector<16xf32>,
          %add3A_446 = arith.constant 32 : i32
          %add3A_447 = arith.addi %get3A_334, %add3A_446 : i32
          %swap3A_448 = arith.index_cast %add3A_447 : i32 to index
          %swap3A_449 = tpu.vector_load %arg9[%swap3A_448] {strides = array<i32>} : memref<27936xf32, #tpu.memory_space<vmem>>, vector<16xf32>,
          tpu.vector_store %arg9[%swap3A_448], %mul3A_372 {add = true, strides = array<i32>} : memref<27936xf32, #tpu.memory_space<vmem>>, vector<16xf32>,
          %add3A_450 = arith.constant 48 : i32
          %add3A_451 = arith.addi %get3A_334, %add3A_450 : i32
          %swap3A_452 = arith.index_cast %add3A_451 : i32 to index
          %swap3A_453 = tpu.vector_load %arg9[%swap3A_452] {strides = array<i32>} : memref<27936xf32, #tpu.memory_space<vmem>>, vector<16xf32>,
          tpu.vector_store %arg9[%swap3A_452], %mul3A_378 {add = true, strides = array<i32>} : memref<27936xf32, #tpu.memory_space<vmem>>, vector<16xf32>,
          %add3A_454 = arith.constant 64 : i32
          %add3A_455 = arith.addi %get3A_334, %add3A_454 : i32
          %swap3A_456 = arith.index_cast %add3A_455 : i32 to index
          %swap3A_457 = tpu.vector_load %arg9[%swap3A_456] {strides = array<i32>} : memref<27936xf32, #tpu.memory_space<vmem>>, vector<16xf32>,
          tpu.vector_store %arg9[%swap3A_456], %mul3A_384 {add = true, strides = array<i32>} : memref<27936xf32, #tpu.memory_space<vmem>>, vector<16xf32>,
          %add3A_458 = arith.constant 80 : i32
          %add3A_459 = arith.addi %get3A_334, %add3A_458 : i32
          %swap3A_460 = arith.index_cast %add3A_459 : i32 to index
          %swap3A_461 = tpu.vector_load %arg9[%swap3A_460] {strides = array<i32>} : memref<27936xf32, #tpu.memory_space<vmem>>, vector<16xf32>,
          tpu.vector_store %arg9[%swap3A_460], %mul3A_390 {add = true, strides = array<i32>} : memref<27936xf32, #tpu.memory_space<vmem>>, vector<16xf32>,
          %add3A_462 = arith.constant 0 : i32
          %add3A_463 = arith.addi %get3A_340, %add3A_462 : i32
          %swap3A_464 = arith.index_cast %add3A_463 : i32 to index
          %swap3A_465 = tpu.vector_load %arg9[%swap3A_464] {strides = array<i32>} : memref<27936xf32, #tpu.memory_space<vmem>>, vector<16xf32>,
          tpu.vector_store %arg9[%swap3A_464], %mul3A_398 {add = true, strides = array<i32>} : memref<27936xf32, #tpu.memory_space<vmem>>, vector<16xf32>,
          %add3A_466 = arith.constant 16 : i32
          %add3A_467 = arith.addi %get3A_340, %add3A_466 : i32
          %swap3A_468 = arith.index_cast %add3A_467 : i32 to index
          %swap3A_469 = tpu.vector_load %arg9[%swap3A_468] {strides = array<i32>} : memref<27936xf32, #tpu.memory_space<vmem>>, vector<16xf32>,
          tpu.vector_store %arg9[%swap3A_468], %mul3A_406 {add = true, strides = array<i32>} : memref<27936xf32, #tpu.memory_space<vmem>>, vector<16xf32>,
          %add3A_470 = arith.constant 32 : i32
          %add3A_471 = arith.addi %get3A_340, %add3A_470 : i32
          %swap3A_472 = arith.index_cast %add3A_471 : i32 to index
          %swap3A_473 = tpu.vector_load %arg9[%swap3A_472] {strides = array<i32>} : memref<27936xf32, #tpu.memory_space<vmem>>, vector<16xf32>,
          tpu.vector_store %arg9[%swap3A_472], %mul3A_414 {add = true, strides = array<i32>} : memref<27936xf32, #tpu.memory_space<vmem>>, vector<16xf32>,
          %add3A_474 = arith.constant 48 : i32
          %add3A_475 = arith.addi %get3A_340, %add3A_474 : i32
          %swap3A_476 = arith.index_cast %add3A_475 : i32 to index
          %swap3A_477 = tpu.vector_load %arg9[%swap3A_476] {strides = array<i32>} : memref<27936xf32, #tpu.memory_space<vmem>>, vector<16xf32>,
          tpu.vector_store %arg9[%swap3A_476], %mul3A_422 {add = true, strides = array<i32>} : memref<27936xf32, #tpu.memory_space<vmem>>, vector<16xf32>,
          %add3A_478 = arith.constant 64 : i32
          %add3A_479 = arith.addi %get3A_340, %add3A_478 : i32
          %swap3A_480 = arith.index_cast %add3A_479 : i32 to index
          %swap3A_481 = tpu.vector_load %arg9[%swap3A_480] {strides = array<i32>} : memref<27936xf32, #tpu.memory_space<vmem>>, vector<16xf32>,
          tpu.vector_store %arg9[%swap3A_480], %mul3A_430 {add = true, strides = array<i32>} : memref<27936xf32, #tpu.memory_space<vmem>>, vector<16xf32>,
          %add3A_482 = arith.constant 80 : i32
          %add3A_483 = arith.addi %get3A_340, %add3A_482 : i32
          %swap3A_484 = arith.index_cast %add3A_483 : i32 to index
          %swap3A_485 = tpu.vector_load %arg9[%swap3A_484] {strides = array<i32>} : memref<27936xf32, #tpu.memory_space<vmem>>, vector<16xf32>,
          tpu.vector_store %arg9[%swap3A_484], %mul3A_438 {add = true, strides = array<i32>} : memref<27936xf32, #tpu.memory_space<vmem>>, vector<16xf32>,
          %scan3A_486 = arith.constant 0 : i32
          scf.yield %scan3A_486 : i32
        }
        %scan3A_252 = arith.constant 64 : i32
        %dma_start3A_253 = arith.constant 0 : i32
        %dma_start3A_254 = arith.constant 1 : i32
        %dma_start3A_255 = arith.constant 0 : i32
        %dma_start3A_256 = arith.constant 0 : i32
        %dma_start3A_257 = tpu.memref_slice %arg8[%dma_start3A_254, %dma_start3A_255, %dma_start3A_256] : memref<2x128x96xf32, #tpu.memory_space<vmem>> -> memref<1x128x96xf32, #tpu.memory_space<vmem>>
        %dma_start3A_258 = tpu.memref_squeeze %dma_start3A_257 : memref<1x128x96xf32, #tpu.memory_space<vmem>> -> memref<128x96xf32, #tpu.memory_space<vmem>>
        %dma_start3A_259 = arith.constant 384 : i32
        %dma_start3A_260 = arith.constant 0 : i32
        %dma_start3A_261 = tpu.memref_slice %arg2[%dma_start3A_253, %while3A_166, %dma_start3A_259, %dma_start3A_260] : memref<1x512x512x96xf32, #tpu.memory_space<hbm>> -> memref<1x1x128x96xf32, #tpu.memory_space<hbm>>
        %dma_start3A_262 = tpu.memref_squeeze %dma_start3A_261 : memref<1x1x128x96xf32, #tpu.memory_space<hbm>> -> memref<128x96xf32, #tpu.memory_space<hbm>>
        %dma_start3A_263 = arith.constant 0 : i32
        %dma_start3A_264 = arith.constant 0 : i32
        %dma_start3A_265 = tpu.memref_slice %arg8[%dma_start3A_254, %dma_start3A_263, %dma_start3A_264] : memref<2x128x96xf32, #tpu.memory_space<vmem>> -> memref<1x128x96xf32, #tpu.memory_space<vmem>>
        %dma_start3A_266 = tpu.memref_squeeze %dma_start3A_265 : memref<1x128x96xf32, #tpu.memory_space<vmem>> -> memref<128x96xf32, #tpu.memory_space<vmem>>
        %dma_start3A_267 = arith.constant 384 : i32
        %dma_start3A_268 = arith.constant 0 : i32
        %dma_start3A_269 = tpu.memref_slice %arg2[%dma_start3A_253, %while3A_166, %dma_start3A_267, %dma_start3A_268] : memref<1x512x512x96xf32, #tpu.memory_space<hbm>> -> memref<1x1x128x96xf32, #tpu.memory_space<hbm>>
        %dma_start3A_270 = tpu.memref_squeeze %dma_start3A_269 : memref<1x1x128x96xf32, #tpu.memory_space<hbm>> -> memref<128x96xf32, #tpu.memory_space<hbm>>
        tpu.enqueue_dma source(%dma_start3A_270 : memref<128x96xf32, #tpu.memory_space<hbm>>) target(%dma_start3A_266 : memref<128x96xf32, #tpu.memory_space<vmem>>) target_semaphore(%arg17 : memref<!tpu.dma_semaphore, #tpu.memory_space<semaphore_mem>>)
        %dma_wait3A_271 = arith.constant 0 : i32
        %dma_wait3A_272 = arith.constant 0 : i32
        %dma_wait3A_273 = arith.constant 0 : i32
        %dma_wait3A_274 = arith.constant 0 : i32
        %dma_wait3A_275 = tpu.memref_slice %arg8[%dma_wait3A_272, %dma_wait3A_273, %dma_wait3A_274] : memref<2x128x96xf32, #tpu.memory_space<vmem>> -> memref<1x128x96xf32, #tpu.memory_space<vmem>>
        %dma_wait3A_276 = tpu.memref_squeeze %dma_wait3A_275 : memref<1x128x96xf32, #tpu.memory_space<vmem>> -> memref<128x96xf32, #tpu.memory_space<vmem>>
        %dma_wait3A_277 = arith.constant 256 : i32
        %dma_wait3A_278 = arith.constant 0 : i32
        %dma_wait3A_279 = tpu.memref_slice %arg2[%dma_wait3A_271, %while3A_166, %dma_wait3A_277, %dma_wait3A_278] : memref<1x512x512x96xf32, #tpu.memory_space<hbm>> -> memref<1x1x128x96xf32, #tpu.memory_space<hbm>>
        %dma_wait3A_280 = tpu.memref_squeeze %dma_wait3A_279 : memref<1x1x128x96xf32, #tpu.memory_space<hbm>> -> memref<128x96xf32, #tpu.memory_space<hbm>>
        %dma_wait3A_281 = arith.constant 0 : i32
        %dma_wait3A_282 = arith.constant 0 : i32
        %dma_wait3A_283 = tpu.memref_slice %arg8[%dma_wait3A_272, %dma_wait3A_281, %dma_wait3A_282] : memref<2x128x96xf32, #tpu.memory_space<vmem>> -> memref<1x128x96xf32, #tpu.memory_space<vmem>>
        %dma_wait3A_284 = tpu.memref_squeeze %dma_wait3A_283 : memref<1x128x96xf32, #tpu.memory_space<vmem>> -> memref<128x96xf32, #tpu.memory_space<vmem>>
        %dma_wait3A_285 = arith.constant 256 : i32
        %dma_wait3A_286 = arith.constant 0 : i32
        %dma_wait3A_287 = tpu.memref_slice %arg2[%dma_wait3A_271, %while3A_166, %dma_wait3A_285, %dma_wait3A_286] : memref<1x512x512x96xf32, #tpu.memory_space<hbm>> -> memref<1x1x128x96xf32, #tpu.memory_space<hbm>>
        %dma_wait3A_288 = tpu.memref_squeeze %dma_wait3A_287 : memref<1x1x128x96xf32, #tpu.memory_space<hbm>> -> memref<128x96xf32, #tpu.memory_space<hbm>>
        tpu.wait_dma2 semaphore(%arg17 : memref<!tpu.dma_semaphore, #tpu.memory_space<semaphore_mem>>) src(%dma_wait3A_288 : memref<128x96xf32, #tpu.memory_space<hbm>>) dst(%dma_wait3A_284 : memref<128x96xf32, #tpu.memory_space<vmem>>)
        %scan3A_289 = arith.constant 0 : i32
        %scan3A_290 = arith.constant 0 : i32
        %scan3A_291 = arith.constant 64 : i32
        %scan3A_292 = arith.addi %scan3A_290, %scan3A_291 : i32
        %scan3A_293 = arith.constant 1 : i32
        %scan3A_294 = scf.for %scan3A_327 = %scan3A_290 to %scan3A_292 step %scan3A_293 iter_args(%scan3A_328 = %scan3A_289) -> (i32)  : i32 {
          %mul3A_329 = arith.constant 2 : i32
          %mul3A_330 = arith.muli %scan3A_327, %mul3A_329 : i32
          %add3A_331 = arith.constant 256 : i32
          %add3A_332 = arith.addi %add3A_331, %mul3A_330 : i32
          %get3A_333 = arith.index_cast %add3A_332 : i32 to index
          %get3A_334 = memref.load %arg14[%get3A_333] : memref<512xi32, #tpu.memory_space<smem>>
          %add3A_335 = arith.constant 256 : i32
          %add3A_336 = arith.addi %add3A_335, %mul3A_330 : i32
          %add3A_337 = arith.constant 1 : i32
          %add3A_338 = arith.addi %add3A_336, %add3A_337 : i32
          %get3A_339 = arith.index_cast %add3A_338 : i32 to index
          %get3A_340 = memref.load %arg14[%get3A_339] : memref<512xi32, #tpu.memory_space<smem>>
          %add3A_341 = arith.constant 256 : i32
          %add3A_342 = arith.addi %add3A_341, %mul3A_330 : i32
          %get3A_343 = arith.index_cast %add3A_342 : i32 to index
          %get3A_344 = memref.load %arg15[%get3A_343] : memref<512xf32, #tpu.memory_space<smem>>
          %mul3A_345 = arith.mulf %squeeze3A_71, %get3A_344 : f32
          %broadcast_in_dim3A_346 = vector.broadcast %mul3A_345 : f32 to vector<16xf32>
          %add3A_347 = arith.constant 256 : i32
          %add3A_348 = arith.addi %add3A_347, %mul3A_330 : i32
          %add3A_349 = arith.constant 1 : i32
          %add3A_350 = arith.addi %add3A_348, %add3A_349 : i32
          %get3A_351 = arith.index_cast %add3A_350 : i32 to index
          %get3A_352 = memref.load %arg15[%get3A_351] : memref<512xf32, #tpu.memory_space<smem>>
          %mul3A_353 = arith.mulf %squeeze3A_71, %get3A_352 : f32
          %broadcast_in_dim3A_354 = vector.broadcast %mul3A_353 : f32 to vector<16xf32>
          %get3A_355 = arith.constant 0 : i32
          %get3A_356 = arith.index_cast %get3A_355 : i32 to index
          %get3A_357 = arith.index_cast %mul3A_330 : i32 to index
          %get3A_358 = arith.constant 0 : index
          %get3A_359 = tpu.vector_load %arg8[%get3A_356, %get3A_357, %get3A_358] {strides = array<i32>} : memref<2x128x96xf32, #tpu.memory_space<vmem>>, vector<16xf32>,
          %mul3A_360 = arith.mulf %get3A_359, %broadcast_in_dim3A_346 : vector<16xf32>
          %get3A_361 = arith.constant 0 : i32
          %get3A_362 = arith.index_cast %get3A_361 : i32 to index
          %get3A_363 = arith.index_cast %mul3A_330 : i32 to index
          %get3A_364 = arith.constant 16 : index
          %get3A_365 = tpu.vector_load %arg8[%get3A_362, %get3A_363, %get3A_364] {strides = array<i32>} : memref<2x128x96xf32, #tpu.memory_space<vmem>>, vector<16xf32>,
          %mul3A_366 = arith.mulf %get3A_365, %broadcast_in_dim3A_346 : vector<16xf32>
          %get3A_367 = arith.constant 0 : i32
          %get3A_368 = arith.index_cast %get3A_367 : i32 to index
          %get3A_369 = arith.index_cast %mul3A_330 : i32 to index
          %get3A_370 = arith.constant 32 : index
          %get3A_371 = tpu.vector_load %arg8[%get3A_368, %get3A_369, %get3A_370] {strides = array<i32>} : memref<2x128x96xf32, #tpu.memory_space<vmem>>, vector<16xf32>,
          %mul3A_372 = arith.mulf %get3A_371, %broadcast_in_dim3A_346 : vector<16xf32>
          %get3A_373 = arith.constant 0 : i32
          %get3A_374 = arith.index_cast %get3A_373 : i32 to index
          %get3A_375 = arith.index_cast %mul3A_330 : i32 to index
          %get3A_376 = arith.constant 48 : index
          %get3A_377 = tpu.vector_load %arg8[%get3A_374, %get3A_375, %get3A_376] {strides = array<i32>} : memref<2x128x96xf32, #tpu.memory_space<vmem>>, vector<16xf32>,
          %mul3A_378 = arith.mulf %get3A_377, %broadcast_in_dim3A_346 : vector<16xf32>
          %get3A_379 = arith.constant 0 : i32
          %get3A_380 = arith.index_cast %get3A_379 : i32 to index
          %get3A_381 = arith.index_cast %mul3A_330 : i32 to index
          %get3A_382 = arith.constant 64 : index
          %get3A_383 = tpu.vector_load %arg8[%get3A_380, %get3A_381, %get3A_382] {strides = array<i32>} : memref<2x128x96xf32, #tpu.memory_space<vmem>>, vector<16xf32>,
          %mul3A_384 = arith.mulf %get3A_383, %broadcast_in_dim3A_346 : vector<16xf32>
          %get3A_385 = arith.constant 0 : i32
          %get3A_386 = arith.index_cast %get3A_385 : i32 to index
          %get3A_387 = arith.index_cast %mul3A_330 : i32 to index
          %get3A_388 = arith.constant 80 : index
          %get3A_389 = tpu.vector_load %arg8[%get3A_386, %get3A_387, %get3A_388] {strides = array<i32>} : memref<2x128x96xf32, #tpu.memory_space<vmem>>, vector<16xf32>,
          %mul3A_390 = arith.mulf %get3A_389, %broadcast_in_dim3A_346 : vector<16xf32>
          %add3A_391 = arith.constant 1 : i32
          %add3A_392 = arith.addi %mul3A_330, %add3A_391 : i32
          %get3A_393 = arith.constant 0 : i32
          %get3A_394 = arith.index_cast %get3A_393 : i32 to index
          %get3A_395 = arith.index_cast %add3A_392 : i32 to index
          %get3A_396 = arith.constant 0 : index
          %get3A_397 = tpu.vector_load %arg8[%get3A_394, %get3A_395, %get3A_396] {strides = array<i32>} : memref<2x128x96xf32, #tpu.memory_space<vmem>>, vector<16xf32>,
          %mul3A_398 = arith.mulf %get3A_397, %broadcast_in_dim3A_354 : vector<16xf32>
          %add3A_399 = arith.constant 1 : i32
          %add3A_400 = arith.addi %mul3A_330, %add3A_399 : i32
          %get3A_401 = arith.constant 0 : i32
          %get3A_402 = arith.index_cast %get3A_401 : i32 to index
          %get3A_403 = arith.index_cast %add3A_400 : i32 to index
          %get3A_404 = arith.constant 16 : index
          %get3A_405 = tpu.vector_load %arg8[%get3A_402, %get3A_403, %get3A_404] {strides = array<i32>} : memref<2x128x96xf32, #tpu.memory_space<vmem>>, vector<16xf32>,
          %mul3A_406 = arith.mulf %get3A_405, %broadcast_in_dim3A_354 : vector<16xf32>
          %add3A_407 = arith.constant 1 : i32
          %add3A_408 = arith.addi %mul3A_330, %add3A_407 : i32
          %get3A_409 = arith.constant 0 : i32
          %get3A_410 = arith.index_cast %get3A_409 : i32 to index
          %get3A_411 = arith.index_cast %add3A_408 : i32 to index
          %get3A_412 = arith.constant 32 : index
          %get3A_413 = tpu.vector_load %arg8[%get3A_410, %get3A_411, %get3A_412] {strides = array<i32>} : memref<2x128x96xf32, #tpu.memory_space<vmem>>, vector<16xf32>,
          %mul3A_414 = arith.mulf %get3A_413, %broadcast_in_dim3A_354 : vector<16xf32>
          %add3A_415 = arith.constant 1 : i32
          %add3A_416 = arith.addi %mul3A_330, %add3A_415 : i32
          %get3A_417 = arith.constant 0 : i32
          %get3A_418 = arith.index_cast %get3A_417 : i32 to index
          %get3A_419 = arith.index_cast %add3A_416 : i32 to index
          %get3A_420 = arith.constant 48 : index
          %get3A_421 = tpu.vector_load %arg8[%get3A_418, %get3A_419, %get3A_420] {strides = array<i32>} : memref<2x128x96xf32, #tpu.memory_space<vmem>>, vector<16xf32>,
          %mul3A_422 = arith.mulf %get3A_421, %broadcast_in_dim3A_354 : vector<16xf32>
          %add3A_423 = arith.constant 1 : i32
          %add3A_424 = arith.addi %mul3A_330, %add3A_423 : i32
          %get3A_425 = arith.constant 0 : i32
          %get3A_426 = arith.index_cast %get3A_425 : i32 to index
          %get3A_427 = arith.index_cast %add3A_424 : i32 to index
          %get3A_428 = arith.constant 64 : index
          %get3A_429 = tpu.vector_load %arg8[%get3A_426, %get3A_427, %get3A_428] {strides = array<i32>} : memref<2x128x96xf32, #tpu.memory_space<vmem>>, vector<16xf32>,
          %mul3A_430 = arith.mulf %get3A_429, %broadcast_in_dim3A_354 : vector<16xf32>
          %add3A_431 = arith.constant 1 : i32
          %add3A_432 = arith.addi %mul3A_330, %add3A_431 : i32
          %get3A_433 = arith.constant 0 : i32
          %get3A_434 = arith.index_cast %get3A_433 : i32 to index
          %get3A_435 = arith.index_cast %add3A_432 : i32 to index
          %get3A_436 = arith.constant 80 : index
          %get3A_437 = tpu.vector_load %arg8[%get3A_434, %get3A_435, %get3A_436] {strides = array<i32>} : memref<2x128x96xf32, #tpu.memory_space<vmem>>, vector<16xf32>,
          %mul3A_438 = arith.mulf %get3A_437, %broadcast_in_dim3A_354 : vector<16xf32>
          %add3A_439 = arith.constant 0 : i32
          %add3A_440 = arith.addi %get3A_334, %add3A_439 : i32
          %swap3A = arith.index_cast %add3A_440 : i32 to index
          %swap3A_441 = tpu.vector_load %arg9[%swap3A] {strides = array<i32>} : memref<27936xf32, #tpu.memory_space<vmem>>, vector<16xf32>,
          tpu.vector_store %arg9[%swap3A], %mul3A_360 {add = true, strides = array<i32>} : memref<27936xf32, #tpu.memory_space<vmem>>, vector<16xf32>,
          %add3A_442 = arith.constant 16 : i32
          %add3A_443 = arith.addi %get3A_334, %add3A_442 : i32
          %swap3A_444 = arith.index_cast %add3A_443 : i32 to index
          %swap3A_445 = tpu.vector_load %arg9[%swap3A_444] {strides = array<i32>} : memref<27936xf32, #tpu.memory_space<vmem>>, vector<16xf32>,
          tpu.vector_store %arg9[%swap3A_444], %mul3A_366 {add = true, strides = array<i32>} : memref<27936xf32, #tpu.memory_space<vmem>>, vector<16xf32>,
          %add3A_446 = arith.constant 32 : i32
          %add3A_447 = arith.addi %get3A_334, %add3A_446 : i32
          %swap3A_448 = arith.index_cast %add3A_447 : i32 to index
          %swap3A_449 = tpu.vector_load %arg9[%swap3A_448] {strides = array<i32>} : memref<27936xf32, #tpu.memory_space<vmem>>, vector<16xf32>,
          tpu.vector_store %arg9[%swap3A_448], %mul3A_372 {add = true, strides = array<i32>} : memref<27936xf32, #tpu.memory_space<vmem>>, vector<16xf32>,
          %add3A_450 = arith.constant 48 : i32
          %add3A_451 = arith.addi %get3A_334, %add3A_450 : i32
          %swap3A_452 = arith.index_cast %add3A_451 : i32 to index
          %swap3A_453 = tpu.vector_load %arg9[%swap3A_452] {strides = array<i32>} : memref<27936xf32, #tpu.memory_space<vmem>>, vector<16xf32>,
          tpu.vector_store %arg9[%swap3A_452], %mul3A_378 {add = true, strides = array<i32>} : memref<27936xf32, #tpu.memory_space<vmem>>, vector<16xf32>,
          %add3A_454 = arith.constant 64 : i32
          %add3A_455 = arith.addi %get3A_334, %add3A_454 : i32
          %swap3A_456 = arith.index_cast %add3A_455 : i32 to index
          %swap3A_457 = tpu.vector_load %arg9[%swap3A_456] {strides = array<i32>} : memref<27936xf32, #tpu.memory_space<vmem>>, vector<16xf32>,
          tpu.vector_store %arg9[%swap3A_456], %mul3A_384 {add = true, strides = array<i32>} : memref<27936xf32, #tpu.memory_space<vmem>>, vector<16xf32>,
          %add3A_458 = arith.constant 80 : i32
          %add3A_459 = arith.addi %get3A_334, %add3A_458 : i32
          %swap3A_460 = arith.index_cast %add3A_459 : i32 to index
          %swap3A_461 = tpu.vector_load %arg9[%swap3A_460] {strides = array<i32>} : memref<27936xf32, #tpu.memory_space<vmem>>, vector<16xf32>,
          tpu.vector_store %arg9[%swap3A_460], %mul3A_390 {add = true, strides = array<i32>} : memref<27936xf32, #tpu.memory_space<vmem>>, vector<16xf32>,
          %add3A_462 = arith.constant 0 : i32
          %add3A_463 = arith.addi %get3A_340, %add3A_462 : i32
          %swap3A_464 = arith.index_cast %add3A_463 : i32 to index
          %swap3A_465 = tpu.vector_load %arg9[%swap3A_464] {strides = array<i32>} : memref<27936xf32, #tpu.memory_space<vmem>>, vector<16xf32>,
          tpu.vector_store %arg9[%swap3A_464], %mul3A_398 {add = true, strides = array<i32>} : memref<27936xf32, #tpu.memory_space<vmem>>, vector<16xf32>,
          %add3A_466 = arith.constant 16 : i32
          %add3A_467 = arith.addi %get3A_340, %add3A_466 : i32
          %swap3A_468 = arith.index_cast %add3A_467 : i32 to index
          %swap3A_469 = tpu.vector_load %arg9[%swap3A_468] {strides = array<i32>} : memref<27936xf32, #tpu.memory_space<vmem>>, vector<16xf32>,
          tpu.vector_store %arg9[%swap3A_468], %mul3A_406 {add = true, strides = array<i32>} : memref<27936xf32, #tpu.memory_space<vmem>>, vector<16xf32>,
          %add3A_470 = arith.constant 32 : i32
          %add3A_471 = arith.addi %get3A_340, %add3A_470 : i32
          %swap3A_472 = arith.index_cast %add3A_471 : i32 to index
          %swap3A_473 = tpu.vector_load %arg9[%swap3A_472] {strides = array<i32>} : memref<27936xf32, #tpu.memory_space<vmem>>, vector<16xf32>,
          tpu.vector_store %arg9[%swap3A_472], %mul3A_414 {add = true, strides = array<i32>} : memref<27936xf32, #tpu.memory_space<vmem>>, vector<16xf32>,
          %add3A_474 = arith.constant 48 : i32
          %add3A_475 = arith.addi %get3A_340, %add3A_474 : i32
          %swap3A_476 = arith.index_cast %add3A_475 : i32 to index
          %swap3A_477 = tpu.vector_load %arg9[%swap3A_476] {strides = array<i32>} : memref<27936xf32, #tpu.memory_space<vmem>>, vector<16xf32>,
          tpu.vector_store %arg9[%swap3A_476], %mul3A_422 {add = true, strides = array<i32>} : memref<27936xf32, #tpu.memory_space<vmem>>, vector<16xf32>,
          %add3A_478 = arith.constant 64 : i32
          %add3A_479 = arith.addi %get3A_340, %add3A_478 : i32
          %swap3A_480 = arith.index_cast %add3A_479 : i32 to index
          %swap3A_481 = tpu.vector_load %arg9[%swap3A_480] {strides = array<i32>} : memref<27936xf32, #tpu.memory_space<vmem>>, vector<16xf32>,
          tpu.vector_store %arg9[%swap3A_480], %mul3A_430 {add = true, strides = array<i32>} : memref<27936xf32, #tpu.memory_space<vmem>>, vector<16xf32>,
          %add3A_482 = arith.constant 80 : i32
          %add3A_483 = arith.addi %get3A_340, %add3A_482 : i32
          %swap3A_484 = arith.index_cast %add3A_483 : i32 to index
          %swap3A_485 = tpu.vector_load %arg9[%swap3A_484] {strides = array<i32>} : memref<27936xf32, #tpu.memory_space<vmem>>, vector<16xf32>,
          tpu.vector_store %arg9[%swap3A_484], %mul3A_438 {add = true, strides = array<i32>} : memref<27936xf32, #tpu.memory_space<vmem>>, vector<16xf32>,
          %scan3A_486 = arith.constant 0 : i32
          scf.yield %scan3A_486 : i32
        }
        %scan3A_295 = arith.constant 64 : i32
        %add3A_296 = arith.constant 1 : i32
        %add3A_297 = arith.addi %while3A_166, %add3A_296 : i32
        %add3A_298 = arith.addi %and3A_65, %shift_right_logical3A_66 : i32
        %lt3A = arith.cmpi slt, %add3A_297, %add3A_298 : i32
        %convert_element_type3A_299 = arith.extui %lt3A : i1 to i32
        %cond3A = arith.constant 0 : i32
        %cond3A_300 = arith.cmpi ne, %convert_element_type3A_299, %cond3A : i32
        scf.if %cond3A_300 {
          %add3A_327 = arith.constant 1 : i32
          %add3A_328 = arith.addi %while3A_166, %add3A_327 : i32
          %dma_start3A_329 = arith.constant 0 : i32
          %dma_start3A_330 = arith.constant 0 : i32
          %dma_start3A_331 = arith.constant 0 : i32
          %dma_start3A_332 = arith.constant 0 : i32
          %dma_start3A_333 = tpu.memref_slice %arg8[%dma_start3A_330, %dma_start3A_331, %dma_start3A_332] : memref<2x128x96xf32, #tpu.memory_space<vmem>> -> memref<1x128x96xf32, #tpu.memory_space<vmem>>
          %dma_start3A_334 = tpu.memref_squeeze %dma_start3A_333 : memref<1x128x96xf32, #tpu.memory_space<vmem>> -> memref<128x96xf32, #tpu.memory_space<vmem>>
          %dma_start3A_335 = arith.constant 0 : i32
          %dma_start3A_336 = arith.constant 0 : i32
          %dma_start3A_337 = tpu.memref_slice %arg2[%dma_start3A_329, %add3A_328, %dma_start3A_335, %dma_start3A_336] : memref<1x512x512x96xf32, #tpu.memory_space<hbm>> -> memref<1x1x128x96xf32, #tpu.memory_space<hbm>>
          %dma_start3A_338 = tpu.memref_squeeze %dma_start3A_337 : memref<1x1x128x96xf32, #tpu.memory_space<hbm>> -> memref<128x96xf32, #tpu.memory_space<hbm>>
          %dma_start3A_339 = arith.constant 0 : i32
          %dma_start3A_340 = arith.constant 0 : i32
          %dma_start3A_341 = tpu.memref_slice %arg8[%dma_start3A_330, %dma_start3A_339, %dma_start3A_340] : memref<2x128x96xf32, #tpu.memory_space<vmem>> -> memref<1x128x96xf32, #tpu.memory_space<vmem>>
          %dma_start3A_342 = tpu.memref_squeeze %dma_start3A_341 : memref<1x128x96xf32, #tpu.memory_space<vmem>> -> memref<128x96xf32, #tpu.memory_space<vmem>>
          %dma_start3A_343 = arith.constant 0 : i32
          %dma_start3A_344 = arith.constant 0 : i32
          %dma_start3A_345 = tpu.memref_slice %arg2[%dma_start3A_329, %add3A_328, %dma_start3A_343, %dma_start3A_344] : memref<1x512x512x96xf32, #tpu.memory_space<hbm>> -> memref<1x1x128x96xf32, #tpu.memory_space<hbm>>
          %dma_start3A_346 = tpu.memref_squeeze %dma_start3A_345 : memref<1x1x128x96xf32, #tpu.memory_space<hbm>> -> memref<128x96xf32, #tpu.memory_space<hbm>>
          tpu.enqueue_dma source(%dma_start3A_346 : memref<128x96xf32, #tpu.memory_space<hbm>>) target(%dma_start3A_342 : memref<128x96xf32, #tpu.memory_space<vmem>>) target_semaphore(%arg18 : memref<!tpu.dma_semaphore, #tpu.memory_space<semaphore_mem>>)
        } else {
        }
        %dma_wait3A_301 = arith.constant 0 : i32
        %dma_wait3A_302 = arith.constant 1 : i32
        %dma_wait3A_303 = arith.constant 0 : i32
        %dma_wait3A_304 = arith.constant 0 : i32
        %dma_wait3A_305 = tpu.memref_slice %arg8[%dma_wait3A_302, %dma_wait3A_303, %dma_wait3A_304] : memref<2x128x96xf32, #tpu.memory_space<vmem>> -> memref<1x128x96xf32, #tpu.memory_space<vmem>>
        %dma_wait3A_306 = tpu.memref_squeeze %dma_wait3A_305 : memref<1x128x96xf32, #tpu.memory_space<vmem>> -> memref<128x96xf32, #tpu.memory_space<vmem>>
        %dma_wait3A_307 = arith.constant 384 : i32
        %dma_wait3A_308 = arith.constant 0 : i32
        %dma_wait3A_309 = tpu.memref_slice %arg2[%dma_wait3A_301, %while3A_166, %dma_wait3A_307, %dma_wait3A_308] : memref<1x512x512x96xf32, #tpu.memory_space<hbm>> -> memref<1x1x128x96xf32, #tpu.memory_space<hbm>>
        %dma_wait3A_310 = tpu.memref_squeeze %dma_wait3A_309 : memref<1x1x128x96xf32, #tpu.memory_space<hbm>> -> memref<128x96xf32, #tpu.memory_space<hbm>>
        %dma_wait3A_311 = arith.constant 0 : i32
        %dma_wait3A_312 = arith.constant 0 : i32
        %dma_wait3A_313 = tpu.memref_slice %arg8[%dma_wait3A_302, %dma_wait3A_311, %dma_wait3A_312] : memref<2x128x96xf32, #tpu.memory_space<vmem>> -> memref<1x128x96xf32, #tpu.memory_space<vmem>>
        %dma_wait3A_314 = tpu.memref_squeeze %dma_wait3A_313 : memref<1x128x96xf32, #tpu.memory_space<vmem>> -> memref<128x96xf32, #tpu.memory_space<vmem>>
        %dma_wait3A_315 = arith.constant 384 : i32
        %dma_wait3A_316 = arith.constant 0 : i32
        %dma_wait3A_317 = tpu.memref_slice %arg2[%dma_wait3A_301, %while3A_166, %dma_wait3A_315, %dma_wait3A_316] : memref<1x512x512x96xf32, #tpu.memory_space<hbm>> -> memref<1x1x128x96xf32, #tpu.memory_space<hbm>>
        %dma_wait3A_318 = tpu.memref_squeeze %dma_wait3A_317 : memref<1x1x128x96xf32, #tpu.memory_space<hbm>> -> memref<128x96xf32, #tpu.memory_space<hbm>>
        tpu.wait_dma2 semaphore(%arg17 : memref<!tpu.dma_semaphore, #tpu.memory_space<semaphore_mem>>) src(%dma_wait3A_318 : memref<128x96xf32, #tpu.memory_space<hbm>>) dst(%dma_wait3A_314 : memref<128x96xf32, #tpu.memory_space<vmem>>)
        %scan3A_319 = arith.constant 0 : i32
        %scan3A_320 = arith.constant 0 : i32
        %scan3A_321 = arith.constant 64 : i32
        %scan3A_322 = arith.addi %scan3A_320, %scan3A_321 : i32
        %scan3A_323 = arith.constant 1 : i32
        %scan3A_324 = scf.for %scan3A_327 = %scan3A_320 to %scan3A_322 step %scan3A_323 iter_args(%scan3A_328 = %scan3A_319) -> (i32)  : i32 {
          %mul3A_329 = arith.constant 2 : i32
          %mul3A_330 = arith.muli %scan3A_327, %mul3A_329 : i32
          %add3A_331 = arith.constant 384 : i32
          %add3A_332 = arith.addi %add3A_331, %mul3A_330 : i32
          %get3A_333 = arith.index_cast %add3A_332 : i32 to index
          %get3A_334 = memref.load %arg14[%get3A_333] : memref<512xi32, #tpu.memory_space<smem>>
          %add3A_335 = arith.constant 384 : i32
          %add3A_336 = arith.addi %add3A_335, %mul3A_330 : i32
          %add3A_337 = arith.constant 1 : i32
          %add3A_338 = arith.addi %add3A_336, %add3A_337 : i32
          %get3A_339 = arith.index_cast %add3A_338 : i32 to index
          %get3A_340 = memref.load %arg14[%get3A_339] : memref<512xi32, #tpu.memory_space<smem>>
          %add3A_341 = arith.constant 384 : i32
          %add3A_342 = arith.addi %add3A_341, %mul3A_330 : i32
          %get3A_343 = arith.index_cast %add3A_342 : i32 to index
          %get3A_344 = memref.load %arg15[%get3A_343] : memref<512xf32, #tpu.memory_space<smem>>
          %mul3A_345 = arith.mulf %squeeze3A_71, %get3A_344 : f32
          %broadcast_in_dim3A_346 = vector.broadcast %mul3A_345 : f32 to vector<16xf32>
          %add3A_347 = arith.constant 384 : i32
          %add3A_348 = arith.addi %add3A_347, %mul3A_330 : i32
          %add3A_349 = arith.constant 1 : i32
          %add3A_350 = arith.addi %add3A_348, %add3A_349 : i32
          %get3A_351 = arith.index_cast %add3A_350 : i32 to index
          %get3A_352 = memref.load %arg15[%get3A_351] : memref<512xf32, #tpu.memory_space<smem>>
          %mul3A_353 = arith.mulf %squeeze3A_71, %get3A_352 : f32
          %broadcast_in_dim3A_354 = vector.broadcast %mul3A_353 : f32 to vector<16xf32>
          %get3A_355 = arith.constant 1 : i32
          %get3A_356 = arith.index_cast %get3A_355 : i32 to index
          %get3A_357 = arith.index_cast %mul3A_330 : i32 to index
          %get3A_358 = arith.constant 0 : index
          %get3A_359 = tpu.vector_load %arg8[%get3A_356, %get3A_357, %get3A_358] {strides = array<i32>} : memref<2x128x96xf32, #tpu.memory_space<vmem>>, vector<16xf32>,
          %mul3A_360 = arith.mulf %get3A_359, %broadcast_in_dim3A_346 : vector<16xf32>
          %get3A_361 = arith.constant 1 : i32
          %get3A_362 = arith.index_cast %get3A_361 : i32 to index
          %get3A_363 = arith.index_cast %mul3A_330 : i32 to index
          %get3A_364 = arith.constant 16 : index
          %get3A_365 = tpu.vector_load %arg8[%get3A_362, %get3A_363, %get3A_364] {strides = array<i32>} : memref<2x128x96xf32, #tpu.memory_space<vmem>>, vector<16xf32>,
          %mul3A_366 = arith.mulf %get3A_365, %broadcast_in_dim3A_346 : vector<16xf32>
          %get3A_367 = arith.constant 1 : i32
          %get3A_368 = arith.index_cast %get3A_367 : i32 to index
          %get3A_369 = arith.index_cast %mul3A_330 : i32 to index
          %get3A_370 = arith.constant 32 : index
          %get3A_371 = tpu.vector_load %arg8[%get3A_368, %get3A_369, %get3A_370] {strides = array<i32>} : memref<2x128x96xf32, #tpu.memory_space<vmem>>, vector<16xf32>,
          %mul3A_372 = arith.mulf %get3A_371, %broadcast_in_dim3A_346 : vector<16xf32>
          %get3A_373 = arith.constant 1 : i32
          %get3A_374 = arith.index_cast %get3A_373 : i32 to index
          %get3A_375 = arith.index_cast %mul3A_330 : i32 to index
          %get3A_376 = arith.constant 48 : index
          %get3A_377 = tpu.vector_load %arg8[%get3A_374, %get3A_375, %get3A_376] {strides = array<i32>} : memref<2x128x96xf32, #tpu.memory_space<vmem>>, vector<16xf32>,
          %mul3A_378 = arith.mulf %get3A_377, %broadcast_in_dim3A_346 : vector<16xf32>
          %get3A_379 = arith.constant 1 : i32
          %get3A_380 = arith.index_cast %get3A_379 : i32 to index
          %get3A_381 = arith.index_cast %mul3A_330 : i32 to index
          %get3A_382 = arith.constant 64 : index
          %get3A_383 = tpu.vector_load %arg8[%get3A_380, %get3A_381, %get3A_382] {strides = array<i32>} : memref<2x128x96xf32, #tpu.memory_space<vmem>>, vector<16xf32>,
          %mul3A_384 = arith.mulf %get3A_383, %broadcast_in_dim3A_346 : vector<16xf32>
          %get3A_385 = arith.constant 1 : i32
          %get3A_386 = arith.index_cast %get3A_385 : i32 to index
          %get3A_387 = arith.index_cast %mul3A_330 : i32 to index
          %get3A_388 = arith.constant 80 : index
          %get3A_389 = tpu.vector_load %arg8[%get3A_386, %get3A_387, %get3A_388] {strides = array<i32>} : memref<2x128x96xf32, #tpu.memory_space<vmem>>, vector<16xf32>,
          %mul3A_390 = arith.mulf %get3A_389, %broadcast_in_dim3A_346 : vector<16xf32>
          %add3A_391 = arith.constant 1 : i32
          %add3A_392 = arith.addi %mul3A_330, %add3A_391 : i32
          %get3A_393 = arith.constant 1 : i32
          %get3A_394 = arith.index_cast %get3A_393 : i32 to index
          %get3A_395 = arith.index_cast %add3A_392 : i32 to index
          %get3A_396 = arith.constant 0 : index
          %get3A_397 = tpu.vector_load %arg8[%get3A_394, %get3A_395, %get3A_396] {strides = array<i32>} : memref<2x128x96xf32, #tpu.memory_space<vmem>>, vector<16xf32>,
          %mul3A_398 = arith.mulf %get3A_397, %broadcast_in_dim3A_354 : vector<16xf32>
          %add3A_399 = arith.constant 1 : i32
          %add3A_400 = arith.addi %mul3A_330, %add3A_399 : i32
          %get3A_401 = arith.constant 1 : i32
          %get3A_402 = arith.index_cast %get3A_401 : i32 to index
          %get3A_403 = arith.index_cast %add3A_400 : i32 to index
          %get3A_404 = arith.constant 16 : index
          %get3A_405 = tpu.vector_load %arg8[%get3A_402, %get3A_403, %get3A_404] {strides = array<i32>} : memref<2x128x96xf32, #tpu.memory_space<vmem>>, vector<16xf32>,
          %mul3A_406 = arith.mulf %get3A_405, %broadcast_in_dim3A_354 : vector<16xf32>
          %add3A_407 = arith.constant 1 : i32
          %add3A_408 = arith.addi %mul3A_330, %add3A_407 : i32
          %get3A_409 = arith.constant 1 : i32
          %get3A_410 = arith.index_cast %get3A_409 : i32 to index
          %get3A_411 = arith.index_cast %add3A_408 : i32 to index
          %get3A_412 = arith.constant 32 : index
          %get3A_413 = tpu.vector_load %arg8[%get3A_410, %get3A_411, %get3A_412] {strides = array<i32>} : memref<2x128x96xf32, #tpu.memory_space<vmem>>, vector<16xf32>,
          %mul3A_414 = arith.mulf %get3A_413, %broadcast_in_dim3A_354 : vector<16xf32>
          %add3A_415 = arith.constant 1 : i32
          %add3A_416 = arith.addi %mul3A_330, %add3A_415 : i32
          %get3A_417 = arith.constant 1 : i32
          %get3A_418 = arith.index_cast %get3A_417 : i32 to index
          %get3A_419 = arith.index_cast %add3A_416 : i32 to index
          %get3A_420 = arith.constant 48 : index
          %get3A_421 = tpu.vector_load %arg8[%get3A_418, %get3A_419, %get3A_420] {strides = array<i32>} : memref<2x128x96xf32, #tpu.memory_space<vmem>>, vector<16xf32>,
          %mul3A_422 = arith.mulf %get3A_421, %broadcast_in_dim3A_354 : vector<16xf32>
          %add3A_423 = arith.constant 1 : i32
          %add3A_424 = arith.addi %mul3A_330, %add3A_423 : i32
          %get3A_425 = arith.constant 1 : i32
          %get3A_426 = arith.index_cast %get3A_425 : i32 to index
          %get3A_427 = arith.index_cast %add3A_424 : i32 to index
          %get3A_428 = arith.constant 64 : index
          %get3A_429 = tpu.vector_load %arg8[%get3A_426, %get3A_427, %get3A_428] {strides = array<i32>} : memref<2x128x96xf32, #tpu.memory_space<vmem>>, vector<16xf32>,
          %mul3A_430 = arith.mulf %get3A_429, %broadcast_in_dim3A_354 : vector<16xf32>
          %add3A_431 = arith.constant 1 : i32
          %add3A_432 = arith.addi %mul3A_330, %add3A_431 : i32
          %get3A_433 = arith.constant 1 : i32
          %get3A_434 = arith.index_cast %get3A_433 : i32 to index
          %get3A_435 = arith.index_cast %add3A_432 : i32 to index
          %get3A_436 = arith.constant 80 : index
          %get3A_437 = tpu.vector_load %arg8[%get3A_434, %get3A_435, %get3A_436] {strides = array<i32>} : memref<2x128x96xf32, #tpu.memory_space<vmem>>, vector<16xf32>,
          %mul3A_438 = arith.mulf %get3A_437, %broadcast_in_dim3A_354 : vector<16xf32>
          %add3A_439 = arith.constant 0 : i32
          %add3A_440 = arith.addi %get3A_334, %add3A_439 : i32
          %swap3A = arith.index_cast %add3A_440 : i32 to index
          %swap3A_441 = tpu.vector_load %arg9[%swap3A] {strides = array<i32>} : memref<27936xf32, #tpu.memory_space<vmem>>, vector<16xf32>,
          tpu.vector_store %arg9[%swap3A], %mul3A_360 {add = true, strides = array<i32>} : memref<27936xf32, #tpu.memory_space<vmem>>, vector<16xf32>,
          %add3A_442 = arith.constant 16 : i32
          %add3A_443 = arith.addi %get3A_334, %add3A_442 : i32
          %swap3A_444 = arith.index_cast %add3A_443 : i32 to index
          %swap3A_445 = tpu.vector_load %arg9[%swap3A_444] {strides = array<i32>} : memref<27936xf32, #tpu.memory_space<vmem>>, vector<16xf32>,
          tpu.vector_store %arg9[%swap3A_444], %mul3A_366 {add = true, strides = array<i32>} : memref<27936xf32, #tpu.memory_space<vmem>>, vector<16xf32>,
          %add3A_446 = arith.constant 32 : i32
          %add3A_447 = arith.addi %get3A_334, %add3A_446 : i32
          %swap3A_448 = arith.index_cast %add3A_447 : i32 to index
          %swap3A_449 = tpu.vector_load %arg9[%swap3A_448] {strides = array<i32>} : memref<27936xf32, #tpu.memory_space<vmem>>, vector<16xf32>,
          tpu.vector_store %arg9[%swap3A_448], %mul3A_372 {add = true, strides = array<i32>} : memref<27936xf32, #tpu.memory_space<vmem>>, vector<16xf32>,
          %add3A_450 = arith.constant 48 : i32
          %add3A_451 = arith.addi %get3A_334, %add3A_450 : i32
          %swap3A_452 = arith.index_cast %add3A_451 : i32 to index
          %swap3A_453 = tpu.vector_load %arg9[%swap3A_452] {strides = array<i32>} : memref<27936xf32, #tpu.memory_space<vmem>>, vector<16xf32>,
          tpu.vector_store %arg9[%swap3A_452], %mul3A_378 {add = true, strides = array<i32>} : memref<27936xf32, #tpu.memory_space<vmem>>, vector<16xf32>,
          %add3A_454 = arith.constant 64 : i32
          %add3A_455 = arith.addi %get3A_334, %add3A_454 : i32
          %swap3A_456 = arith.index_cast %add3A_455 : i32 to index
          %swap3A_457 = tpu.vector_load %arg9[%swap3A_456] {strides = array<i32>} : memref<27936xf32, #tpu.memory_space<vmem>>, vector<16xf32>,
          tpu.vector_store %arg9[%swap3A_456], %mul3A_384 {add = true, strides = array<i32>} : memref<27936xf32, #tpu.memory_space<vmem>>, vector<16xf32>,
          %add3A_458 = arith.constant 80 : i32
          %add3A_459 = arith.addi %get3A_334, %add3A_458 : i32
          %swap3A_460 = arith.index_cast %add3A_459 : i32 to index
          %swap3A_461 = tpu.vector_load %arg9[%swap3A_460] {strides = array<i32>} : memref<27936xf32, #tpu.memory_space<vmem>>, vector<16xf32>,
          tpu.vector_store %arg9[%swap3A_460], %mul3A_390 {add = true, strides = array<i32>} : memref<27936xf32, #tpu.memory_space<vmem>>, vector<16xf32>,
          %add3A_462 = arith.constant 0 : i32
          %add3A_463 = arith.addi %get3A_340, %add3A_462 : i32
          %swap3A_464 = arith.index_cast %add3A_463 : i32 to index
          %swap3A_465 = tpu.vector_load %arg9[%swap3A_464] {strides = array<i32>} : memref<27936xf32, #tpu.memory_space<vmem>>, vector<16xf32>,
          tpu.vector_store %arg9[%swap3A_464], %mul3A_398 {add = true, strides = array<i32>} : memref<27936xf32, #tpu.memory_space<vmem>>, vector<16xf32>,
          %add3A_466 = arith.constant 16 : i32
          %add3A_467 = arith.addi %get3A_340, %add3A_466 : i32
          %swap3A_468 = arith.index_cast %add3A_467 : i32 to index
          %swap3A_469 = tpu.vector_load %arg9[%swap3A_468] {strides = array<i32>} : memref<27936xf32, #tpu.memory_space<vmem>>, vector<16xf32>,
          tpu.vector_store %arg9[%swap3A_468], %mul3A_406 {add = true, strides = array<i32>} : memref<27936xf32, #tpu.memory_space<vmem>>, vector<16xf32>,
          %add3A_470 = arith.constant 32 : i32
          %add3A_471 = arith.addi %get3A_340, %add3A_470 : i32
          %swap3A_472 = arith.index_cast %add3A_471 : i32 to index
          %swap3A_473 = tpu.vector_load %arg9[%swap3A_472] {strides = array<i32>} : memref<27936xf32, #tpu.memory_space<vmem>>, vector<16xf32>,
          tpu.vector_store %arg9[%swap3A_472], %mul3A_414 {add = true, strides = array<i32>} : memref<27936xf32, #tpu.memory_space<vmem>>, vector<16xf32>,
          %add3A_474 = arith.constant 48 : i32
          %add3A_475 = arith.addi %get3A_340, %add3A_474 : i32
          %swap3A_476 = arith.index_cast %add3A_475 : i32 to index
          %swap3A_477 = tpu.vector_load %arg9[%swap3A_476] {strides = array<i32>} : memref<27936xf32, #tpu.memory_space<vmem>>, vector<16xf32>,
          tpu.vector_store %arg9[%swap3A_476], %mul3A_422 {add = true, strides = array<i32>} : memref<27936xf32, #tpu.memory_space<vmem>>, vector<16xf32>,
          %add3A_478 = arith.constant 64 : i32
          %add3A_479 = arith.addi %get3A_340, %add3A_478 : i32
          %swap3A_480 = arith.index_cast %add3A_479 : i32 to index
          %swap3A_481 = tpu.vector_load %arg9[%swap3A_480] {strides = array<i32>} : memref<27936xf32, #tpu.memory_space<vmem>>, vector<16xf32>,
          tpu.vector_store %arg9[%swap3A_480], %mul3A_430 {add = true, strides = array<i32>} : memref<27936xf32, #tpu.memory_space<vmem>>, vector<16xf32>,
          %add3A_482 = arith.constant 80 : i32
          %add3A_483 = arith.addi %get3A_340, %add3A_482 : i32
          %swap3A_484 = arith.index_cast %add3A_483 : i32 to index
          %swap3A_485 = tpu.vector_load %arg9[%swap3A_484] {strides = array<i32>} : memref<27936xf32, #tpu.memory_space<vmem>>, vector<16xf32>,
          tpu.vector_store %arg9[%swap3A_484], %mul3A_438 {add = true, strides = array<i32>} : memref<27936xf32, #tpu.memory_space<vmem>>, vector<16xf32>,
          %scan3A_486 = arith.constant 0 : i32
          scf.yield %scan3A_486 : i32
        }
        %scan3A_325 = arith.constant 64 : i32
        %while3A_326 = arith.constant 0 : i32
        scf.yield %while3A_326 : i32
      }
      %while3A_132 = arith.constant 1 : i32
      %while3A_133 = scf.for %while3A_166 = %while3A_129 to %while3A_125 step %while3A_132 iter_args(%while3A_167 = %while3A_131) -> (i32)  : i32 {
        %dma_start3A_168 = arith.constant 0 : i32
        %dma_start3A_169 = arith.constant 1 : i32
        %dma_start3A_170 = arith.constant 0 : i32
        %dma_start3A_171 = arith.constant 0 : i32
        %dma_start3A_172 = tpu.memref_slice %arg8[%dma_start3A_169, %dma_start3A_170, %dma_start3A_171] : memref<2x128x96xf32, #tpu.memory_space<vmem>> -> memref<1x128x96xf32, #tpu.memory_space<vmem>>
        %dma_start3A_173 = tpu.memref_squeeze %dma_start3A_172 : memref<1x128x96xf32, #tpu.memory_space<vmem>> -> memref<128x96xf32, #tpu.memory_space<vmem>>
        %dma_start3A_174 = arith.constant 128 : i32
        %dma_start3A_175 = arith.constant 0 : i32
        %dma_start3A_176 = tpu.memref_slice %arg2[%dma_start3A_168, %while3A_166, %dma_start3A_174, %dma_start3A_175] : memref<1x512x512x96xf32, #tpu.memory_space<hbm>> -> memref<1x1x128x96xf32, #tpu.memory_space<hbm>>
        %dma_start3A_177 = tpu.memref_squeeze %dma_start3A_176 : memref<1x1x128x96xf32, #tpu.memory_space<hbm>> -> memref<128x96xf32, #tpu.memory_space<hbm>>
        %dma_start3A_178 = arith.constant 0 : i32
        %dma_start3A_179 = arith.constant 0 : i32
        %dma_start3A_180 = tpu.memref_slice %arg8[%dma_start3A_169, %dma_start3A_178, %dma_start3A_179] : memref<2x128x96xf32, #tpu.memory_space<vmem>> -> memref<1x128x96xf32, #tpu.memory_space<vmem>>
        %dma_start3A_181 = tpu.memref_squeeze %dma_start3A_180 : memref<1x128x96xf32, #tpu.memory_space<vmem>> -> memref<128x96xf32, #tpu.memory_space<vmem>>
        %dma_start3A_182 = arith.constant 128 : i32
        %dma_start3A_183 = arith.constant 0 : i32
        %dma_start3A_184 = tpu.memref_slice %arg2[%dma_start3A_168, %while3A_166, %dma_start3A_182, %dma_start3A_183] : memref<1x512x512x96xf32, #tpu.memory_space<hbm>> -> memref<1x1x128x96xf32, #tpu.memory_space<hbm>>
        %dma_start3A_185 = tpu.memref_squeeze %dma_start3A_184 : memref<1x1x128x96xf32, #tpu.memory_space<hbm>> -> memref<128x96xf32, #tpu.memory_space<hbm>>
        tpu.enqueue_dma source(%dma_start3A_185 : memref<128x96xf32, #tpu.memory_space<hbm>>) target(%dma_start3A_181 : memref<128x96xf32, #tpu.memory_space<vmem>>) target_semaphore(%arg17 : memref<!tpu.dma_semaphore, #tpu.memory_space<semaphore_mem>>)
        %dma_wait3A = arith.constant 0 : i32
        %dma_wait3A_186 = arith.constant 0 : i32
        %dma_wait3A_187 = arith.constant 0 : i32
        %dma_wait3A_188 = arith.constant 0 : i32
        %dma_wait3A_189 = tpu.memref_slice %arg8[%dma_wait3A_186, %dma_wait3A_187, %dma_wait3A_188] : memref<2x128x96xf32, #tpu.memory_space<vmem>> -> memref<1x128x96xf32, #tpu.memory_space<vmem>>
        %dma_wait3A_190 = tpu.memref_squeeze %dma_wait3A_189 : memref<1x128x96xf32, #tpu.memory_space<vmem>> -> memref<128x96xf32, #tpu.memory_space<vmem>>
        %dma_wait3A_191 = arith.constant 0 : i32
        %dma_wait3A_192 = arith.constant 0 : i32
        %dma_wait3A_193 = tpu.memref_slice %arg2[%dma_wait3A, %while3A_166, %dma_wait3A_191, %dma_wait3A_192] : memref<1x512x512x96xf32, #tpu.memory_space<hbm>> -> memref<1x1x128x96xf32, #tpu.memory_space<hbm>>
        %dma_wait3A_194 = tpu.memref_squeeze %dma_wait3A_193 : memref<1x1x128x96xf32, #tpu.memory_space<hbm>> -> memref<128x96xf32, #tpu.memory_space<hbm>>
        %dma_wait3A_195 = arith.constant 0 : i32
        %dma_wait3A_196 = arith.constant 0 : i32
        %dma_wait3A_197 = tpu.memref_slice %arg8[%dma_wait3A_186, %dma_wait3A_195, %dma_wait3A_196] : memref<2x128x96xf32, #tpu.memory_space<vmem>> -> memref<1x128x96xf32, #tpu.memory_space<vmem>>
        %dma_wait3A_198 = tpu.memref_squeeze %dma_wait3A_197 : memref<1x128x96xf32, #tpu.memory_space<vmem>> -> memref<128x96xf32, #tpu.memory_space<vmem>>
        %dma_wait3A_199 = arith.constant 0 : i32
        %dma_wait3A_200 = arith.constant 0 : i32
        %dma_wait3A_201 = tpu.memref_slice %arg2[%dma_wait3A, %while3A_166, %dma_wait3A_199, %dma_wait3A_200] : memref<1x512x512x96xf32, #tpu.memory_space<hbm>> -> memref<1x1x128x96xf32, #tpu.memory_space<hbm>>
        %dma_wait3A_202 = tpu.memref_squeeze %dma_wait3A_201 : memref<1x1x128x96xf32, #tpu.memory_space<hbm>> -> memref<128x96xf32, #tpu.memory_space<hbm>>
        tpu.wait_dma2 semaphore(%arg18 : memref<!tpu.dma_semaphore, #tpu.memory_space<semaphore_mem>>) src(%dma_wait3A_202 : memref<128x96xf32, #tpu.memory_space<hbm>>) dst(%dma_wait3A_198 : memref<128x96xf32, #tpu.memory_space<vmem>>)
        %scan3A_203 = arith.constant 0 : i32
        %scan3A_204 = arith.constant 0 : i32
        %scan3A_205 = arith.constant 64 : i32
        %scan3A_206 = arith.addi %scan3A_204, %scan3A_205 : i32
        %scan3A_207 = arith.constant 1 : i32
        %scan3A_208 = scf.for %scan3A_327 = %scan3A_204 to %scan3A_206 step %scan3A_207 iter_args(%scan3A_328 = %scan3A_203) -> (i32)  : i32 {
          %mul3A_329 = arith.constant 2 : i32
          %mul3A_330 = arith.muli %scan3A_327, %mul3A_329 : i32
          %add3A_331 = arith.constant 0 : i32
          %add3A_332 = arith.addi %add3A_331, %mul3A_330 : i32
          %get3A_333 = arith.index_cast %add3A_332 : i32 to index
          %get3A_334 = memref.load %arg14[%get3A_333] : memref<512xi32, #tpu.memory_space<smem>>
          %add3A_335 = arith.constant 0 : i32
          %add3A_336 = arith.addi %add3A_335, %mul3A_330 : i32
          %add3A_337 = arith.constant 1 : i32
          %add3A_338 = arith.addi %add3A_336, %add3A_337 : i32
          %get3A_339 = arith.index_cast %add3A_338 : i32 to index
          %get3A_340 = memref.load %arg14[%get3A_339] : memref<512xi32, #tpu.memory_space<smem>>
          %add3A_341 = arith.constant 0 : i32
          %add3A_342 = arith.addi %add3A_341, %mul3A_330 : i32
          %get3A_343 = arith.index_cast %add3A_342 : i32 to index
          %get3A_344 = memref.load %arg15[%get3A_343] : memref<512xf32, #tpu.memory_space<smem>>
          %mul3A_345 = arith.mulf %squeeze3A_71, %get3A_344 : f32
          %broadcast_in_dim3A_346 = vector.broadcast %mul3A_345 : f32 to vector<16xf32>
          %add3A_347 = arith.constant 0 : i32
          %add3A_348 = arith.addi %add3A_347, %mul3A_330 : i32
          %add3A_349 = arith.constant 1 : i32
          %add3A_350 = arith.addi %add3A_348, %add3A_349 : i32
          %get3A_351 = arith.index_cast %add3A_350 : i32 to index
          %get3A_352 = memref.load %arg15[%get3A_351] : memref<512xf32, #tpu.memory_space<smem>>
          %mul3A_353 = arith.mulf %squeeze3A_71, %get3A_352 : f32
          %broadcast_in_dim3A_354 = vector.broadcast %mul3A_353 : f32 to vector<16xf32>
          %get3A_355 = arith.constant 0 : i32
          %get3A_356 = arith.index_cast %get3A_355 : i32 to index
          %get3A_357 = arith.index_cast %mul3A_330 : i32 to index
          %get3A_358 = arith.constant 0 : index
          %get3A_359 = tpu.vector_load %arg8[%get3A_356, %get3A_357, %get3A_358] {strides = array<i32>} : memref<2x128x96xf32, #tpu.memory_space<vmem>>, vector<16xf32>,
          %mul3A_360 = arith.mulf %get3A_359, %broadcast_in_dim3A_346 : vector<16xf32>
          %get3A_361 = arith.constant 0 : i32
          %get3A_362 = arith.index_cast %get3A_361 : i32 to index
          %get3A_363 = arith.index_cast %mul3A_330 : i32 to index
          %get3A_364 = arith.constant 16 : index
          %get3A_365 = tpu.vector_load %arg8[%get3A_362, %get3A_363, %get3A_364] {strides = array<i32>} : memref<2x128x96xf32, #tpu.memory_space<vmem>>, vector<16xf32>,
          %mul3A_366 = arith.mulf %get3A_365, %broadcast_in_dim3A_346 : vector<16xf32>
          %get3A_367 = arith.constant 0 : i32
          %get3A_368 = arith.index_cast %get3A_367 : i32 to index
          %get3A_369 = arith.index_cast %mul3A_330 : i32 to index
          %get3A_370 = arith.constant 32 : index
          %get3A_371 = tpu.vector_load %arg8[%get3A_368, %get3A_369, %get3A_370] {strides = array<i32>} : memref<2x128x96xf32, #tpu.memory_space<vmem>>, vector<16xf32>,
          %mul3A_372 = arith.mulf %get3A_371, %broadcast_in_dim3A_346 : vector<16xf32>
          %get3A_373 = arith.constant 0 : i32
          %get3A_374 = arith.index_cast %get3A_373 : i32 to index
          %get3A_375 = arith.index_cast %mul3A_330 : i32 to index
          %get3A_376 = arith.constant 48 : index
          %get3A_377 = tpu.vector_load %arg8[%get3A_374, %get3A_375, %get3A_376] {strides = array<i32>} : memref<2x128x96xf32, #tpu.memory_space<vmem>>, vector<16xf32>,
          %mul3A_378 = arith.mulf %get3A_377, %broadcast_in_dim3A_346 : vector<16xf32>
          %get3A_379 = arith.constant 0 : i32
          %get3A_380 = arith.index_cast %get3A_379 : i32 to index
          %get3A_381 = arith.index_cast %mul3A_330 : i32 to index
          %get3A_382 = arith.constant 64 : index
          %get3A_383 = tpu.vector_load %arg8[%get3A_380, %get3A_381, %get3A_382] {strides = array<i32>} : memref<2x128x96xf32, #tpu.memory_space<vmem>>, vector<16xf32>,
          %mul3A_384 = arith.mulf %get3A_383, %broadcast_in_dim3A_346 : vector<16xf32>
          %get3A_385 = arith.constant 0 : i32
          %get3A_386 = arith.index_cast %get3A_385 : i32 to index
          %get3A_387 = arith.index_cast %mul3A_330 : i32 to index
          %get3A_388 = arith.constant 80 : index
          %get3A_389 = tpu.vector_load %arg8[%get3A_386, %get3A_387, %get3A_388] {strides = array<i32>} : memref<2x128x96xf32, #tpu.memory_space<vmem>>, vector<16xf32>,
          %mul3A_390 = arith.mulf %get3A_389, %broadcast_in_dim3A_346 : vector<16xf32>
          %add3A_391 = arith.constant 1 : i32
          %add3A_392 = arith.addi %mul3A_330, %add3A_391 : i32
          %get3A_393 = arith.constant 0 : i32
          %get3A_394 = arith.index_cast %get3A_393 : i32 to index
          %get3A_395 = arith.index_cast %add3A_392 : i32 to index
          %get3A_396 = arith.constant 0 : index
          %get3A_397 = tpu.vector_load %arg8[%get3A_394, %get3A_395, %get3A_396] {strides = array<i32>} : memref<2x128x96xf32, #tpu.memory_space<vmem>>, vector<16xf32>,
          %mul3A_398 = arith.mulf %get3A_397, %broadcast_in_dim3A_354 : vector<16xf32>
          %add3A_399 = arith.constant 1 : i32
          %add3A_400 = arith.addi %mul3A_330, %add3A_399 : i32
          %get3A_401 = arith.constant 0 : i32
          %get3A_402 = arith.index_cast %get3A_401 : i32 to index
          %get3A_403 = arith.index_cast %add3A_400 : i32 to index
          %get3A_404 = arith.constant 16 : index
          %get3A_405 = tpu.vector_load %arg8[%get3A_402, %get3A_403, %get3A_404] {strides = array<i32>} : memref<2x128x96xf32, #tpu.memory_space<vmem>>, vector<16xf32>,
          %mul3A_406 = arith.mulf %get3A_405, %broadcast_in_dim3A_354 : vector<16xf32>
          %add3A_407 = arith.constant 1 : i32
          %add3A_408 = arith.addi %mul3A_330, %add3A_407 : i32
          %get3A_409 = arith.constant 0 : i32
          %get3A_410 = arith.index_cast %get3A_409 : i32 to index
          %get3A_411 = arith.index_cast %add3A_408 : i32 to index
          %get3A_412 = arith.constant 32 : index
          %get3A_413 = tpu.vector_load %arg8[%get3A_410, %get3A_411, %get3A_412] {strides = array<i32>} : memref<2x128x96xf32, #tpu.memory_space<vmem>>, vector<16xf32>,
          %mul3A_414 = arith.mulf %get3A_413, %broadcast_in_dim3A_354 : vector<16xf32>
          %add3A_415 = arith.constant 1 : i32
          %add3A_416 = arith.addi %mul3A_330, %add3A_415 : i32
          %get3A_417 = arith.constant 0 : i32
          %get3A_418 = arith.index_cast %get3A_417 : i32 to index
          %get3A_419 = arith.index_cast %add3A_416 : i32 to index
          %get3A_420 = arith.constant 48 : index
          %get3A_421 = tpu.vector_load %arg8[%get3A_418, %get3A_419, %get3A_420] {strides = array<i32>} : memref<2x128x96xf32, #tpu.memory_space<vmem>>, vector<16xf32>,
          %mul3A_422 = arith.mulf %get3A_421, %broadcast_in_dim3A_354 : vector<16xf32>
          %add3A_423 = arith.constant 1 : i32
          %add3A_424 = arith.addi %mul3A_330, %add3A_423 : i32
          %get3A_425 = arith.constant 0 : i32
          %get3A_426 = arith.index_cast %get3A_425 : i32 to index
          %get3A_427 = arith.index_cast %add3A_424 : i32 to index
          %get3A_428 = arith.constant 64 : index
          %get3A_429 = tpu.vector_load %arg8[%get3A_426, %get3A_427, %get3A_428] {strides = array<i32>} : memref<2x128x96xf32, #tpu.memory_space<vmem>>, vector<16xf32>,
          %mul3A_430 = arith.mulf %get3A_429, %broadcast_in_dim3A_354 : vector<16xf32>
          %add3A_431 = arith.constant 1 : i32
          %add3A_432 = arith.addi %mul3A_330, %add3A_431 : i32
          %get3A_433 = arith.constant 0 : i32
          %get3A_434 = arith.index_cast %get3A_433 : i32 to index
          %get3A_435 = arith.index_cast %add3A_432 : i32 to index
          %get3A_436 = arith.constant 80 : index
          %get3A_437 = tpu.vector_load %arg8[%get3A_434, %get3A_435, %get3A_436] {strides = array<i32>} : memref<2x128x96xf32, #tpu.memory_space<vmem>>, vector<16xf32>,
          %mul3A_438 = arith.mulf %get3A_437, %broadcast_in_dim3A_354 : vector<16xf32>
          %add3A_439 = arith.constant 0 : i32
          %add3A_440 = arith.addi %get3A_334, %add3A_439 : i32
          %swap3A = arith.index_cast %add3A_440 : i32 to index
          %swap3A_441 = tpu.vector_load %arg9[%swap3A] {strides = array<i32>} : memref<27936xf32, #tpu.memory_space<vmem>>, vector<16xf32>,
          tpu.vector_store %arg9[%swap3A], %mul3A_360 {add = true, strides = array<i32>} : memref<27936xf32, #tpu.memory_space<vmem>>, vector<16xf32>,
          %add3A_442 = arith.constant 16 : i32
          %add3A_443 = arith.addi %get3A_334, %add3A_442 : i32
          %swap3A_444 = arith.index_cast %add3A_443 : i32 to index
          %swap3A_445 = tpu.vector_load %arg9[%swap3A_444] {strides = array<i32>} : memref<27936xf32, #tpu.memory_space<vmem>>, vector<16xf32>,
          tpu.vector_store %arg9[%swap3A_444], %mul3A_366 {add = true, strides = array<i32>} : memref<27936xf32, #tpu.memory_space<vmem>>, vector<16xf32>,
          %add3A_446 = arith.constant 32 : i32
          %add3A_447 = arith.addi %get3A_334, %add3A_446 : i32
          %swap3A_448 = arith.index_cast %add3A_447 : i32 to index
          %swap3A_449 = tpu.vector_load %arg9[%swap3A_448] {strides = array<i32>} : memref<27936xf32, #tpu.memory_space<vmem>>, vector<16xf32>,
          tpu.vector_store %arg9[%swap3A_448], %mul3A_372 {add = true, strides = array<i32>} : memref<27936xf32, #tpu.memory_space<vmem>>, vector<16xf32>,
          %add3A_450 = arith.constant 48 : i32
          %add3A_451 = arith.addi %get3A_334, %add3A_450 : i32
          %swap3A_452 = arith.index_cast %add3A_451 : i32 to index
          %swap3A_453 = tpu.vector_load %arg9[%swap3A_452] {strides = array<i32>} : memref<27936xf32, #tpu.memory_space<vmem>>, vector<16xf32>,
          tpu.vector_store %arg9[%swap3A_452], %mul3A_378 {add = true, strides = array<i32>} : memref<27936xf32, #tpu.memory_space<vmem>>, vector<16xf32>,
          %add3A_454 = arith.constant 64 : i32
          %add3A_455 = arith.addi %get3A_334, %add3A_454 : i32
          %swap3A_456 = arith.index_cast %add3A_455 : i32 to index
          %swap3A_457 = tpu.vector_load %arg9[%swap3A_456] {strides = array<i32>} : memref<27936xf32, #tpu.memory_space<vmem>>, vector<16xf32>,
          tpu.vector_store %arg9[%swap3A_456], %mul3A_384 {add = true, strides = array<i32>} : memref<27936xf32, #tpu.memory_space<vmem>>, vector<16xf32>,
          %add3A_458 = arith.constant 80 : i32
          %add3A_459 = arith.addi %get3A_334, %add3A_458 : i32
          %swap3A_460 = arith.index_cast %add3A_459 : i32 to index
          %swap3A_461 = tpu.vector_load %arg9[%swap3A_460] {strides = array<i32>} : memref<27936xf32, #tpu.memory_space<vmem>>, vector<16xf32>,
          tpu.vector_store %arg9[%swap3A_460], %mul3A_390 {add = true, strides = array<i32>} : memref<27936xf32, #tpu.memory_space<vmem>>, vector<16xf32>,
          %add3A_462 = arith.constant 0 : i32
          %add3A_463 = arith.addi %get3A_340, %add3A_462 : i32
          %swap3A_464 = arith.index_cast %add3A_463 : i32 to index
          %swap3A_465 = tpu.vector_load %arg9[%swap3A_464] {strides = array<i32>} : memref<27936xf32, #tpu.memory_space<vmem>>, vector<16xf32>,
          tpu.vector_store %arg9[%swap3A_464], %mul3A_398 {add = true, strides = array<i32>} : memref<27936xf32, #tpu.memory_space<vmem>>, vector<16xf32>,
          %add3A_466 = arith.constant 16 : i32
          %add3A_467 = arith.addi %get3A_340, %add3A_466 : i32
          %swap3A_468 = arith.index_cast %add3A_467 : i32 to index
          %swap3A_469 = tpu.vector_load %arg9[%swap3A_468] {strides = array<i32>} : memref<27936xf32, #tpu.memory_space<vmem>>, vector<16xf32>,
          tpu.vector_store %arg9[%swap3A_468], %mul3A_406 {add = true, strides = array<i32>} : memref<27936xf32, #tpu.memory_space<vmem>>, vector<16xf32>,
          %add3A_470 = arith.constant 32 : i32
          %add3A_471 = arith.addi %get3A_340, %add3A_470 : i32
          %swap3A_472 = arith.index_cast %add3A_471 : i32 to index
          %swap3A_473 = tpu.vector_load %arg9[%swap3A_472] {strides = array<i32>} : memref<27936xf32, #tpu.memory_space<vmem>>, vector<16xf32>,
          tpu.vector_store %arg9[%swap3A_472], %mul3A_414 {add = true, strides = array<i32>} : memref<27936xf32, #tpu.memory_space<vmem>>, vector<16xf32>,
          %add3A_474 = arith.constant 48 : i32
          %add3A_475 = arith.addi %get3A_340, %add3A_474 : i32
          %swap3A_476 = arith.index_cast %add3A_475 : i32 to index
          %swap3A_477 = tpu.vector_load %arg9[%swap3A_476] {strides = array<i32>} : memref<27936xf32, #tpu.memory_space<vmem>>, vector<16xf32>,
          tpu.vector_store %arg9[%swap3A_476], %mul3A_422 {add = true, strides = array<i32>} : memref<27936xf32, #tpu.memory_space<vmem>>, vector<16xf32>,
          %add3A_478 = arith.constant 64 : i32
          %add3A_479 = arith.addi %get3A_340, %add3A_478 : i32
          %swap3A_480 = arith.index_cast %add3A_479 : i32 to index
          %swap3A_481 = tpu.vector_load %arg9[%swap3A_480] {strides = array<i32>} : memref<27936xf32, #tpu.memory_space<vmem>>, vector<16xf32>,
          tpu.vector_store %arg9[%swap3A_480], %mul3A_430 {add = true, strides = array<i32>} : memref<27936xf32, #tpu.memory_space<vmem>>, vector<16xf32>,
          %add3A_482 = arith.constant 80 : i32
          %add3A_483 = arith.addi %get3A_340, %add3A_482 : i32
          %swap3A_484 = arith.index_cast %add3A_483 : i32 to index
          %swap3A_485 = tpu.vector_load %arg9[%swap3A_484] {strides = array<i32>} : memref<27936xf32, #tpu.memory_space<vmem>>, vector<16xf32>,
          tpu.vector_store %arg9[%swap3A_484], %mul3A_438 {add = true, strides = array<i32>} : memref<27936xf32, #tpu.memory_space<vmem>>, vector<16xf32>,
          %scan3A_486 = arith.constant 0 : i32
          scf.yield %scan3A_486 : i32
        }
        %scan3A_209 = arith.constant 64 : i32
        %dma_start3A_210 = arith.constant 0 : i32
        %dma_start3A_211 = arith.constant 0 : i32
        %dma_start3A_212 = arith.constant 0 : i32
        %dma_start3A_213 = arith.constant 0 : i32
        %dma_start3A_214 = tpu.memref_slice %arg8[%dma_start3A_211, %dma_start3A_212, %dma_start3A_213] : memref<2x128x96xf32, #tpu.memory_space<vmem>> -> memref<1x128x96xf32, #tpu.memory_space<vmem>>
        %dma_start3A_215 = tpu.memref_squeeze %dma_start3A_214 : memref<1x128x96xf32, #tpu.memory_space<vmem>> -> memref<128x96xf32, #tpu.memory_space<vmem>>
        %dma_start3A_216 = arith.constant 256 : i32
        %dma_start3A_217 = arith.constant 0 : i32
        %dma_start3A_218 = tpu.memref_slice %arg2[%dma_start3A_210, %while3A_166, %dma_start3A_216, %dma_start3A_217] : memref<1x512x512x96xf32, #tpu.memory_space<hbm>> -> memref<1x1x128x96xf32, #tpu.memory_space<hbm>>
        %dma_start3A_219 = tpu.memref_squeeze %dma_start3A_218 : memref<1x1x128x96xf32, #tpu.memory_space<hbm>> -> memref<128x96xf32, #tpu.memory_space<hbm>>
        %dma_start3A_220 = arith.constant 0 : i32
        %dma_start3A_221 = arith.constant 0 : i32
        %dma_start3A_222 = tpu.memref_slice %arg8[%dma_start3A_211, %dma_start3A_220, %dma_start3A_221] : memref<2x128x96xf32, #tpu.memory_space<vmem>> -> memref<1x128x96xf32, #tpu.memory_space<vmem>>
        %dma_start3A_223 = tpu.memref_squeeze %dma_start3A_222 : memref<1x128x96xf32, #tpu.memory_space<vmem>> -> memref<128x96xf32, #tpu.memory_space<vmem>>
        %dma_start3A_224 = arith.constant 256 : i32
        %dma_start3A_225 = arith.constant 0 : i32
        %dma_start3A_226 = tpu.memref_slice %arg2[%dma_start3A_210, %while3A_166, %dma_start3A_224, %dma_start3A_225] : memref<1x512x512x96xf32, #tpu.memory_space<hbm>> -> memref<1x1x128x96xf32, #tpu.memory_space<hbm>>
        %dma_start3A_227 = tpu.memref_squeeze %dma_start3A_226 : memref<1x1x128x96xf32, #tpu.memory_space<hbm>> -> memref<128x96xf32, #tpu.memory_space<hbm>>
        tpu.enqueue_dma source(%dma_start3A_227 : memref<128x96xf32, #tpu.memory_space<hbm>>) target(%dma_start3A_223 : memref<128x96xf32, #tpu.memory_space<vmem>>) target_semaphore(%arg17 : memref<!tpu.dma_semaphore, #tpu.memory_space<semaphore_mem>>)
        %dma_wait3A_228 = arith.constant 0 : i32
        %dma_wait3A_229 = arith.constant 1 : i32
        %dma_wait3A_230 = arith.constant 0 : i32
        %dma_wait3A_231 = arith.constant 0 : i32
        %dma_wait3A_232 = tpu.memref_slice %arg8[%dma_wait3A_229, %dma_wait3A_230, %dma_wait3A_231] : memref<2x128x96xf32, #tpu.memory_space<vmem>> -> memref<1x128x96xf32, #tpu.memory_space<vmem>>
        %dma_wait3A_233 = tpu.memref_squeeze %dma_wait3A_232 : memref<1x128x96xf32, #tpu.memory_space<vmem>> -> memref<128x96xf32, #tpu.memory_space<vmem>>
        %dma_wait3A_234 = arith.constant 128 : i32
        %dma_wait3A_235 = arith.constant 0 : i32
        %dma_wait3A_236 = tpu.memref_slice %arg2[%dma_wait3A_228, %while3A_166, %dma_wait3A_234, %dma_wait3A_235] : memref<1x512x512x96xf32, #tpu.memory_space<hbm>> -> memref<1x1x128x96xf32, #tpu.memory_space<hbm>>
        %dma_wait3A_237 = tpu.memref_squeeze %dma_wait3A_236 : memref<1x1x128x96xf32, #tpu.memory_space<hbm>> -> memref<128x96xf32, #tpu.memory_space<hbm>>
        %dma_wait3A_238 = arith.constant 0 : i32
        %dma_wait3A_239 = arith.constant 0 : i32
        %dma_wait3A_240 = tpu.memref_slice %arg8[%dma_wait3A_229, %dma_wait3A_238, %dma_wait3A_239] : memref<2x128x96xf32, #tpu.memory_space<vmem>> -> memref<1x128x96xf32, #tpu.memory_space<vmem>>
        %dma_wait3A_241 = tpu.memref_squeeze %dma_wait3A_240 : memref<1x128x96xf32, #tpu.memory_space<vmem>> -> memref<128x96xf32, #tpu.memory_space<vmem>>
        %dma_wait3A_242 = arith.constant 128 : i32
        %dma_wait3A_243 = arith.constant 0 : i32
        %dma_wait3A_244 = tpu.memref_slice %arg2[%dma_wait3A_228, %while3A_166, %dma_wait3A_242, %dma_wait3A_243] : memref<1x512x512x96xf32, #tpu.memory_space<hbm>> -> memref<1x1x128x96xf32, #tpu.memory_space<hbm>>
        %dma_wait3A_245 = tpu.memref_squeeze %dma_wait3A_244 : memref<1x1x128x96xf32, #tpu.memory_space<hbm>> -> memref<128x96xf32, #tpu.memory_space<hbm>>
        tpu.wait_dma2 semaphore(%arg17 : memref<!tpu.dma_semaphore, #tpu.memory_space<semaphore_mem>>) src(%dma_wait3A_245 : memref<128x96xf32, #tpu.memory_space<hbm>>) dst(%dma_wait3A_241 : memref<128x96xf32, #tpu.memory_space<vmem>>)
        %scan3A_246 = arith.constant 0 : i32
        %scan3A_247 = arith.constant 0 : i32
        %scan3A_248 = arith.constant 64 : i32
        %scan3A_249 = arith.addi %scan3A_247, %scan3A_248 : i32
        %scan3A_250 = arith.constant 1 : i32
        %scan3A_251 = scf.for %scan3A_327 = %scan3A_247 to %scan3A_249 step %scan3A_250 iter_args(%scan3A_328 = %scan3A_246) -> (i32)  : i32 {
          %mul3A_329 = arith.constant 2 : i32
          %mul3A_330 = arith.muli %scan3A_327, %mul3A_329 : i32
          %add3A_331 = arith.constant 128 : i32
          %add3A_332 = arith.addi %add3A_331, %mul3A_330 : i32
          %get3A_333 = arith.index_cast %add3A_332 : i32 to index
          %get3A_334 = memref.load %arg14[%get3A_333] : memref<512xi32, #tpu.memory_space<smem>>
          %add3A_335 = arith.constant 128 : i32
          %add3A_336 = arith.addi %add3A_335, %mul3A_330 : i32
          %add3A_337 = arith.constant 1 : i32
          %add3A_338 = arith.addi %add3A_336, %add3A_337 : i32
          %get3A_339 = arith.index_cast %add3A_338 : i32 to index
          %get3A_340 = memref.load %arg14[%get3A_339] : memref<512xi32, #tpu.memory_space<smem>>
          %add3A_341 = arith.constant 128 : i32
          %add3A_342 = arith.addi %add3A_341, %mul3A_330 : i32
          %get3A_343 = arith.index_cast %add3A_342 : i32 to index
          %get3A_344 = memref.load %arg15[%get3A_343] : memref<512xf32, #tpu.memory_space<smem>>
          %mul3A_345 = arith.mulf %squeeze3A_71, %get3A_344 : f32
          %broadcast_in_dim3A_346 = vector.broadcast %mul3A_345 : f32 to vector<16xf32>
          %add3A_347 = arith.constant 128 : i32
          %add3A_348 = arith.addi %add3A_347, %mul3A_330 : i32
          %add3A_349 = arith.constant 1 : i32
          %add3A_350 = arith.addi %add3A_348, %add3A_349 : i32
          %get3A_351 = arith.index_cast %add3A_350 : i32 to index
          %get3A_352 = memref.load %arg15[%get3A_351] : memref<512xf32, #tpu.memory_space<smem>>
          %mul3A_353 = arith.mulf %squeeze3A_71, %get3A_352 : f32
          %broadcast_in_dim3A_354 = vector.broadcast %mul3A_353 : f32 to vector<16xf32>
          %get3A_355 = arith.constant 1 : i32
          %get3A_356 = arith.index_cast %get3A_355 : i32 to index
          %get3A_357 = arith.index_cast %mul3A_330 : i32 to index
          %get3A_358 = arith.constant 0 : index
          %get3A_359 = tpu.vector_load %arg8[%get3A_356, %get3A_357, %get3A_358] {strides = array<i32>} : memref<2x128x96xf32, #tpu.memory_space<vmem>>, vector<16xf32>,
          %mul3A_360 = arith.mulf %get3A_359, %broadcast_in_dim3A_346 : vector<16xf32>
          %get3A_361 = arith.constant 1 : i32
          %get3A_362 = arith.index_cast %get3A_361 : i32 to index
          %get3A_363 = arith.index_cast %mul3A_330 : i32 to index
          %get3A_364 = arith.constant 16 : index
          %get3A_365 = tpu.vector_load %arg8[%get3A_362, %get3A_363, %get3A_364] {strides = array<i32>} : memref<2x128x96xf32, #tpu.memory_space<vmem>>, vector<16xf32>,
          %mul3A_366 = arith.mulf %get3A_365, %broadcast_in_dim3A_346 : vector<16xf32>
          %get3A_367 = arith.constant 1 : i32
          %get3A_368 = arith.index_cast %get3A_367 : i32 to index
          %get3A_369 = arith.index_cast %mul3A_330 : i32 to index
          %get3A_370 = arith.constant 32 : index
          %get3A_371 = tpu.vector_load %arg8[%get3A_368, %get3A_369, %get3A_370] {strides = array<i32>} : memref<2x128x96xf32, #tpu.memory_space<vmem>>, vector<16xf32>,
          %mul3A_372 = arith.mulf %get3A_371, %broadcast_in_dim3A_346 : vector<16xf32>
          %get3A_373 = arith.constant 1 : i32
          %get3A_374 = arith.index_cast %get3A_373 : i32 to index
          %get3A_375 = arith.index_cast %mul3A_330 : i32 to index
          %get3A_376 = arith.constant 48 : index
          %get3A_377 = tpu.vector_load %arg8[%get3A_374, %get3A_375, %get3A_376] {strides = array<i32>} : memref<2x128x96xf32, #tpu.memory_space<vmem>>, vector<16xf32>,
          %mul3A_378 = arith.mulf %get3A_377, %broadcast_in_dim3A_346 : vector<16xf32>
          %get3A_379 = arith.constant 1 : i32
          %get3A_380 = arith.index_cast %get3A_379 : i32 to index
          %get3A_381 = arith.index_cast %mul3A_330 : i32 to index
          %get3A_382 = arith.constant 64 : index
          %get3A_383 = tpu.vector_load %arg8[%get3A_380, %get3A_381, %get3A_382] {strides = array<i32>} : memref<2x128x96xf32, #tpu.memory_space<vmem>>, vector<16xf32>,
          %mul3A_384 = arith.mulf %get3A_383, %broadcast_in_dim3A_346 : vector<16xf32>
          %get3A_385 = arith.constant 1 : i32
          %get3A_386 = arith.index_cast %get3A_385 : i32 to index
          %get3A_387 = arith.index_cast %mul3A_330 : i32 to index
          %get3A_388 = arith.constant 80 : index
          %get3A_389 = tpu.vector_load %arg8[%get3A_386, %get3A_387, %get3A_388] {strides = array<i32>} : memref<2x128x96xf32, #tpu.memory_space<vmem>>, vector<16xf32>,
          %mul3A_390 = arith.mulf %get3A_389, %broadcast_in_dim3A_346 : vector<16xf32>
          %add3A_391 = arith.constant 1 : i32
          %add3A_392 = arith.addi %mul3A_330, %add3A_391 : i32
          %get3A_393 = arith.constant 1 : i32
          %get3A_394 = arith.index_cast %get3A_393 : i32 to index
          %get3A_395 = arith.index_cast %add3A_392 : i32 to index
          %get3A_396 = arith.constant 0 : index
          %get3A_397 = tpu.vector_load %arg8[%get3A_394, %get3A_395, %get3A_396] {strides = array<i32>} : memref<2x128x96xf32, #tpu.memory_space<vmem>>, vector<16xf32>,
          %mul3A_398 = arith.mulf %get3A_397, %broadcast_in_dim3A_354 : vector<16xf32>
          %add3A_399 = arith.constant 1 : i32
          %add3A_400 = arith.addi %mul3A_330, %add3A_399 : i32
          %get3A_401 = arith.constant 1 : i32
          %get3A_402 = arith.index_cast %get3A_401 : i32 to index
          %get3A_403 = arith.index_cast %add3A_400 : i32 to index
          %get3A_404 = arith.constant 16 : index
          %get3A_405 = tpu.vector_load %arg8[%get3A_402, %get3A_403, %get3A_404] {strides = array<i32>} : memref<2x128x96xf32, #tpu.memory_space<vmem>>, vector<16xf32>,
          %mul3A_406 = arith.mulf %get3A_405, %broadcast_in_dim3A_354 : vector<16xf32>
          %add3A_407 = arith.constant 1 : i32
          %add3A_408 = arith.addi %mul3A_330, %add3A_407 : i32
          %get3A_409 = arith.constant 1 : i32
          %get3A_410 = arith.index_cast %get3A_409 : i32 to index
          %get3A_411 = arith.index_cast %add3A_408 : i32 to index
          %get3A_412 = arith.constant 32 : index
          %get3A_413 = tpu.vector_load %arg8[%get3A_410, %get3A_411, %get3A_412] {strides = array<i32>} : memref<2x128x96xf32, #tpu.memory_space<vmem>>, vector<16xf32>,
          %mul3A_414 = arith.mulf %get3A_413, %broadcast_in_dim3A_354 : vector<16xf32>
          %add3A_415 = arith.constant 1 : i32
          %add3A_416 = arith.addi %mul3A_330, %add3A_415 : i32
          %get3A_417 = arith.constant 1 : i32
          %get3A_418 = arith.index_cast %get3A_417 : i32 to index
          %get3A_419 = arith.index_cast %add3A_416 : i32 to index
          %get3A_420 = arith.constant 48 : index
          %get3A_421 = tpu.vector_load %arg8[%get3A_418, %get3A_419, %get3A_420] {strides = array<i32>} : memref<2x128x96xf32, #tpu.memory_space<vmem>>, vector<16xf32>,
          %mul3A_422 = arith.mulf %get3A_421, %broadcast_in_dim3A_354 : vector<16xf32>
          %add3A_423 = arith.constant 1 : i32
          %add3A_424 = arith.addi %mul3A_330, %add3A_423 : i32
          %get3A_425 = arith.constant 1 : i32
          %get3A_426 = arith.index_cast %get3A_425 : i32 to index
          %get3A_427 = arith.index_cast %add3A_424 : i32 to index
          %get3A_428 = arith.constant 64 : index
          %get3A_429 = tpu.vector_load %arg8[%get3A_426, %get3A_427, %get3A_428] {strides = array<i32>} : memref<2x128x96xf32, #tpu.memory_space<vmem>>, vector<16xf32>,
          %mul3A_430 = arith.mulf %get3A_429, %broadcast_in_dim3A_354 : vector<16xf32>
          %add3A_431 = arith.constant 1 : i32
          %add3A_432 = arith.addi %mul3A_330, %add3A_431 : i32
          %get3A_433 = arith.constant 1 : i32
          %get3A_434 = arith.index_cast %get3A_433 : i32 to index
          %get3A_435 = arith.index_cast %add3A_432 : i32 to index
          %get3A_436 = arith.constant 80 : index
          %get3A_437 = tpu.vector_load %arg8[%get3A_434, %get3A_435, %get3A_436] {strides = array<i32>} : memref<2x128x96xf32, #tpu.memory_space<vmem>>, vector<16xf32>,
          %mul3A_438 = arith.mulf %get3A_437, %broadcast_in_dim3A_354 : vector<16xf32>
          %add3A_439 = arith.constant 0 : i32
          %add3A_440 = arith.addi %get3A_334, %add3A_439 : i32
          %swap3A = arith.index_cast %add3A_440 : i32 to index
          %swap3A_441 = tpu.vector_load %arg9[%swap3A] {strides = array<i32>} : memref<27936xf32, #tpu.memory_space<vmem>>, vector<16xf32>,
          tpu.vector_store %arg9[%swap3A], %mul3A_360 {add = true, strides = array<i32>} : memref<27936xf32, #tpu.memory_space<vmem>>, vector<16xf32>,
          %add3A_442 = arith.constant 16 : i32
          %add3A_443 = arith.addi %get3A_334, %add3A_442 : i32
          %swap3A_444 = arith.index_cast %add3A_443 : i32 to index
          %swap3A_445 = tpu.vector_load %arg9[%swap3A_444] {strides = array<i32>} : memref<27936xf32, #tpu.memory_space<vmem>>, vector<16xf32>,
          tpu.vector_store %arg9[%swap3A_444], %mul3A_366 {add = true, strides = array<i32>} : memref<27936xf32, #tpu.memory_space<vmem>>, vector<16xf32>,
          %add3A_446 = arith.constant 32 : i32
          %add3A_447 = arith.addi %get3A_334, %add3A_446 : i32
          %swap3A_448 = arith.index_cast %add3A_447 : i32 to index
          %swap3A_449 = tpu.vector_load %arg9[%swap3A_448] {strides = array<i32>} : memref<27936xf32, #tpu.memory_space<vmem>>, vector<16xf32>,
          tpu.vector_store %arg9[%swap3A_448], %mul3A_372 {add = true, strides = array<i32>} : memref<27936xf32, #tpu.memory_space<vmem>>, vector<16xf32>,
          %add3A_450 = arith.constant 48 : i32
          %add3A_451 = arith.addi %get3A_334, %add3A_450 : i32
          %swap3A_452 = arith.index_cast %add3A_451 : i32 to index
          %swap3A_453 = tpu.vector_load %arg9[%swap3A_452] {strides = array<i32>} : memref<27936xf32, #tpu.memory_space<vmem>>, vector<16xf32>,
          tpu.vector_store %arg9[%swap3A_452], %mul3A_378 {add = true, strides = array<i32>} : memref<27936xf32, #tpu.memory_space<vmem>>, vector<16xf32>,
          %add3A_454 = arith.constant 64 : i32
          %add3A_455 = arith.addi %get3A_334, %add3A_454 : i32
          %swap3A_456 = arith.index_cast %add3A_455 : i32 to index
          %swap3A_457 = tpu.vector_load %arg9[%swap3A_456] {strides = array<i32>} : memref<27936xf32, #tpu.memory_space<vmem>>, vector<16xf32>,
          tpu.vector_store %arg9[%swap3A_456], %mul3A_384 {add = true, strides = array<i32>} : memref<27936xf32, #tpu.memory_space<vmem>>, vector<16xf32>,
          %add3A_458 = arith.constant 80 : i32
          %add3A_459 = arith.addi %get3A_334, %add3A_458 : i32
          %swap3A_460 = arith.index_cast %add3A_459 : i32 to index
          %swap3A_461 = tpu.vector_load %arg9[%swap3A_460] {strides = array<i32>} : memref<27936xf32, #tpu.memory_space<vmem>>, vector<16xf32>,
          tpu.vector_store %arg9[%swap3A_460], %mul3A_390 {add = true, strides = array<i32>} : memref<27936xf32, #tpu.memory_space<vmem>>, vector<16xf32>,
          %add3A_462 = arith.constant 0 : i32
          %add3A_463 = arith.addi %get3A_340, %add3A_462 : i32
          %swap3A_464 = arith.index_cast %add3A_463 : i32 to index
          %swap3A_465 = tpu.vector_load %arg9[%swap3A_464] {strides = array<i32>} : memref<27936xf32, #tpu.memory_space<vmem>>, vector<16xf32>,
          tpu.vector_store %arg9[%swap3A_464], %mul3A_398 {add = true, strides = array<i32>} : memref<27936xf32, #tpu.memory_space<vmem>>, vector<16xf32>,
          %add3A_466 = arith.constant 16 : i32
          %add3A_467 = arith.addi %get3A_340, %add3A_466 : i32
          %swap3A_468 = arith.index_cast %add3A_467 : i32 to index
          %swap3A_469 = tpu.vector_load %arg9[%swap3A_468] {strides = array<i32>} : memref<27936xf32, #tpu.memory_space<vmem>>, vector<16xf32>,
          tpu.vector_store %arg9[%swap3A_468], %mul3A_406 {add = true, strides = array<i32>} : memref<27936xf32, #tpu.memory_space<vmem>>, vector<16xf32>,
          %add3A_470 = arith.constant 32 : i32
          %add3A_471 = arith.addi %get3A_340, %add3A_470 : i32
          %swap3A_472 = arith.index_cast %add3A_471 : i32 to index
          %swap3A_473 = tpu.vector_load %arg9[%swap3A_472] {strides = array<i32>} : memref<27936xf32, #tpu.memory_space<vmem>>, vector<16xf32>,
          tpu.vector_store %arg9[%swap3A_472], %mul3A_414 {add = true, strides = array<i32>} : memref<27936xf32, #tpu.memory_space<vmem>>, vector<16xf32>,
          %add3A_474 = arith.constant 48 : i32
          %add3A_475 = arith.addi %get3A_340, %add3A_474 : i32
          %swap3A_476 = arith.index_cast %add3A_475 : i32 to index
          %swap3A_477 = tpu.vector_load %arg9[%swap3A_476] {strides = array<i32>} : memref<27936xf32, #tpu.memory_space<vmem>>, vector<16xf32>,
          tpu.vector_store %arg9[%swap3A_476], %mul3A_422 {add = true, strides = array<i32>} : memref<27936xf32, #tpu.memory_space<vmem>>, vector<16xf32>,
          %add3A_478 = arith.constant 64 : i32
          %add3A_479 = arith.addi %get3A_340, %add3A_478 : i32
          %swap3A_480 = arith.index_cast %add3A_479 : i32 to index
          %swap3A_481 = tpu.vector_load %arg9[%swap3A_480] {strides = array<i32>} : memref<27936xf32, #tpu.memory_space<vmem>>, vector<16xf32>,
          tpu.vector_store %arg9[%swap3A_480], %mul3A_430 {add = true, strides = array<i32>} : memref<27936xf32, #tpu.memory_space<vmem>>, vector<16xf32>,
          %add3A_482 = arith.constant 80 : i32
          %add3A_483 = arith.addi %get3A_340, %add3A_482 : i32
          %swap3A_484 = arith.index_cast %add3A_483 : i32 to index
          %swap3A_485 = tpu.vector_load %arg9[%swap3A_484] {strides = array<i32>} : memref<27936xf32, #tpu.memory_space<vmem>>, vector<16xf32>,
          tpu.vector_store %arg9[%swap3A_484], %mul3A_438 {add = true, strides = array<i32>} : memref<27936xf32, #tpu.memory_space<vmem>>, vector<16xf32>,
          %scan3A_486 = arith.constant 0 : i32
          scf.yield %scan3A_486 : i32
        }
        %scan3A_252 = arith.constant 64 : i32
        %dma_start3A_253 = arith.constant 0 : i32
        %dma_start3A_254 = arith.constant 1 : i32
        %dma_start3A_255 = arith.constant 0 : i32
        %dma_start3A_256 = arith.constant 0 : i32
        %dma_start3A_257 = tpu.memref_slice %arg8[%dma_start3A_254, %dma_start3A_255, %dma_start3A_256] : memref<2x128x96xf32, #tpu.memory_space<vmem>> -> memref<1x128x96xf32, #tpu.memory_space<vmem>>
        %dma_start3A_258 = tpu.memref_squeeze %dma_start3A_257 : memref<1x128x96xf32, #tpu.memory_space<vmem>> -> memref<128x96xf32, #tpu.memory_space<vmem>>
        %dma_start3A_259 = arith.constant 384 : i32
        %dma_start3A_260 = arith.constant 0 : i32
        %dma_start3A_261 = tpu.memref_slice %arg2[%dma_start3A_253, %while3A_166, %dma_start3A_259, %dma_start3A_260] : memref<1x512x512x96xf32, #tpu.memory_space<hbm>> -> memref<1x1x128x96xf32, #tpu.memory_space<hbm>>
        %dma_start3A_262 = tpu.memref_squeeze %dma_start3A_261 : memref<1x1x128x96xf32, #tpu.memory_space<hbm>> -> memref<128x96xf32, #tpu.memory_space<hbm>>
        %dma_start3A_263 = arith.constant 0 : i32
        %dma_start3A_264 = arith.constant 0 : i32
        %dma_start3A_265 = tpu.memref_slice %arg8[%dma_start3A_254, %dma_start3A_263, %dma_start3A_264] : memref<2x128x96xf32, #tpu.memory_space<vmem>> -> memref<1x128x96xf32, #tpu.memory_space<vmem>>
        %dma_start3A_266 = tpu.memref_squeeze %dma_start3A_265 : memref<1x128x96xf32, #tpu.memory_space<vmem>> -> memref<128x96xf32, #tpu.memory_space<vmem>>
        %dma_start3A_267 = arith.constant 384 : i32
        %dma_start3A_268 = arith.constant 0 : i32
        %dma_start3A_269 = tpu.memref_slice %arg2[%dma_start3A_253, %while3A_166, %dma_start3A_267, %dma_start3A_268] : memref<1x512x512x96xf32, #tpu.memory_space<hbm>> -> memref<1x1x128x96xf32, #tpu.memory_space<hbm>>
        %dma_start3A_270 = tpu.memref_squeeze %dma_start3A_269 : memref<1x1x128x96xf32, #tpu.memory_space<hbm>> -> memref<128x96xf32, #tpu.memory_space<hbm>>
        tpu.enqueue_dma source(%dma_start3A_270 : memref<128x96xf32, #tpu.memory_space<hbm>>) target(%dma_start3A_266 : memref<128x96xf32, #tpu.memory_space<vmem>>) target_semaphore(%arg17 : memref<!tpu.dma_semaphore, #tpu.memory_space<semaphore_mem>>)
        %dma_wait3A_271 = arith.constant 0 : i32
        %dma_wait3A_272 = arith.constant 0 : i32
        %dma_wait3A_273 = arith.constant 0 : i32
        %dma_wait3A_274 = arith.constant 0 : i32
        %dma_wait3A_275 = tpu.memref_slice %arg8[%dma_wait3A_272, %dma_wait3A_273, %dma_wait3A_274] : memref<2x128x96xf32, #tpu.memory_space<vmem>> -> memref<1x128x96xf32, #tpu.memory_space<vmem>>
        %dma_wait3A_276 = tpu.memref_squeeze %dma_wait3A_275 : memref<1x128x96xf32, #tpu.memory_space<vmem>> -> memref<128x96xf32, #tpu.memory_space<vmem>>
        %dma_wait3A_277 = arith.constant 256 : i32
        %dma_wait3A_278 = arith.constant 0 : i32
        %dma_wait3A_279 = tpu.memref_slice %arg2[%dma_wait3A_271, %while3A_166, %dma_wait3A_277, %dma_wait3A_278] : memref<1x512x512x96xf32, #tpu.memory_space<hbm>> -> memref<1x1x128x96xf32, #tpu.memory_space<hbm>>
        %dma_wait3A_280 = tpu.memref_squeeze %dma_wait3A_279 : memref<1x1x128x96xf32, #tpu.memory_space<hbm>> -> memref<128x96xf32, #tpu.memory_space<hbm>>
        %dma_wait3A_281 = arith.constant 0 : i32
        %dma_wait3A_282 = arith.constant 0 : i32
        %dma_wait3A_283 = tpu.memref_slice %arg8[%dma_wait3A_272, %dma_wait3A_281, %dma_wait3A_282] : memref<2x128x96xf32, #tpu.memory_space<vmem>> -> memref<1x128x96xf32, #tpu.memory_space<vmem>>
        %dma_wait3A_284 = tpu.memref_squeeze %dma_wait3A_283 : memref<1x128x96xf32, #tpu.memory_space<vmem>> -> memref<128x96xf32, #tpu.memory_space<vmem>>
        %dma_wait3A_285 = arith.constant 256 : i32
        %dma_wait3A_286 = arith.constant 0 : i32
        %dma_wait3A_287 = tpu.memref_slice %arg2[%dma_wait3A_271, %while3A_166, %dma_wait3A_285, %dma_wait3A_286] : memref<1x512x512x96xf32, #tpu.memory_space<hbm>> -> memref<1x1x128x96xf32, #tpu.memory_space<hbm>>
        %dma_wait3A_288 = tpu.memref_squeeze %dma_wait3A_287 : memref<1x1x128x96xf32, #tpu.memory_space<hbm>> -> memref<128x96xf32, #tpu.memory_space<hbm>>
        tpu.wait_dma2 semaphore(%arg17 : memref<!tpu.dma_semaphore, #tpu.memory_space<semaphore_mem>>) src(%dma_wait3A_288 : memref<128x96xf32, #tpu.memory_space<hbm>>) dst(%dma_wait3A_284 : memref<128x96xf32, #tpu.memory_space<vmem>>)
        %scan3A_289 = arith.constant 0 : i32
        %scan3A_290 = arith.constant 0 : i32
        %scan3A_291 = arith.constant 64 : i32
        %scan3A_292 = arith.addi %scan3A_290, %scan3A_291 : i32
        %scan3A_293 = arith.constant 1 : i32
        %scan3A_294 = scf.for %scan3A_327 = %scan3A_290 to %scan3A_292 step %scan3A_293 iter_args(%scan3A_328 = %scan3A_289) -> (i32)  : i32 {
          %mul3A_329 = arith.constant 2 : i32
          %mul3A_330 = arith.muli %scan3A_327, %mul3A_329 : i32
          %add3A_331 = arith.constant 256 : i32
          %add3A_332 = arith.addi %add3A_331, %mul3A_330 : i32
          %get3A_333 = arith.index_cast %add3A_332 : i32 to index
          %get3A_334 = memref.load %arg14[%get3A_333] : memref<512xi32, #tpu.memory_space<smem>>
          %add3A_335 = arith.constant 256 : i32
          %add3A_336 = arith.addi %add3A_335, %mul3A_330 : i32
          %add3A_337 = arith.constant 1 : i32
          %add3A_338 = arith.addi %add3A_336, %add3A_337 : i32
          %get3A_339 = arith.index_cast %add3A_338 : i32 to index
          %get3A_340 = memref.load %arg14[%get3A_339] : memref<512xi32, #tpu.memory_space<smem>>
          %add3A_341 = arith.constant 256 : i32
          %add3A_342 = arith.addi %add3A_341, %mul3A_330 : i32
          %get3A_343 = arith.index_cast %add3A_342 : i32 to index
          %get3A_344 = memref.load %arg15[%get3A_343] : memref<512xf32, #tpu.memory_space<smem>>
          %mul3A_345 = arith.mulf %squeeze3A_71, %get3A_344 : f32
          %broadcast_in_dim3A_346 = vector.broadcast %mul3A_345 : f32 to vector<16xf32>
          %add3A_347 = arith.constant 256 : i32
          %add3A_348 = arith.addi %add3A_347, %mul3A_330 : i32
          %add3A_349 = arith.constant 1 : i32
          %add3A_350 = arith.addi %add3A_348, %add3A_349 : i32
          %get3A_351 = arith.index_cast %add3A_350 : i32 to index
          %get3A_352 = memref.load %arg15[%get3A_351] : memref<512xf32, #tpu.memory_space<smem>>
          %mul3A_353 = arith.mulf %squeeze3A_71, %get3A_352 : f32
          %broadcast_in_dim3A_354 = vector.broadcast %mul3A_353 : f32 to vector<16xf32>
          %get3A_355 = arith.constant 0 : i32
          %get3A_356 = arith.index_cast %get3A_355 : i32 to index
          %get3A_357 = arith.index_cast %mul3A_330 : i32 to index
          %get3A_358 = arith.constant 0 : index
          %get3A_359 = tpu.vector_load %arg8[%get3A_356, %get3A_357, %get3A_358] {strides = array<i32>} : memref<2x128x96xf32, #tpu.memory_space<vmem>>, vector<16xf32>,
          %mul3A_360 = arith.mulf %get3A_359, %broadcast_in_dim3A_346 : vector<16xf32>
          %get3A_361 = arith.constant 0 : i32
          %get3A_362 = arith.index_cast %get3A_361 : i32 to index
          %get3A_363 = arith.index_cast %mul3A_330 : i32 to index
          %get3A_364 = arith.constant 16 : index
          %get3A_365 = tpu.vector_load %arg8[%get3A_362, %get3A_363, %get3A_364] {strides = array<i32>} : memref<2x128x96xf32, #tpu.memory_space<vmem>>, vector<16xf32>,
          %mul3A_366 = arith.mulf %get3A_365, %broadcast_in_dim3A_346 : vector<16xf32>
          %get3A_367 = arith.constant 0 : i32
          %get3A_368 = arith.index_cast %get3A_367 : i32 to index
          %get3A_369 = arith.index_cast %mul3A_330 : i32 to index
          %get3A_370 = arith.constant 32 : index
          %get3A_371 = tpu.vector_load %arg8[%get3A_368, %get3A_369, %get3A_370] {strides = array<i32>} : memref<2x128x96xf32, #tpu.memory_space<vmem>>, vector<16xf32>,
          %mul3A_372 = arith.mulf %get3A_371, %broadcast_in_dim3A_346 : vector<16xf32>
          %get3A_373 = arith.constant 0 : i32
          %get3A_374 = arith.index_cast %get3A_373 : i32 to index
          %get3A_375 = arith.index_cast %mul3A_330 : i32 to index
          %get3A_376 = arith.constant 48 : index
          %get3A_377 = tpu.vector_load %arg8[%get3A_374, %get3A_375, %get3A_376] {strides = array<i32>} : memref<2x128x96xf32, #tpu.memory_space<vmem>>, vector<16xf32>,
          %mul3A_378 = arith.mulf %get3A_377, %broadcast_in_dim3A_346 : vector<16xf32>
          %get3A_379 = arith.constant 0 : i32
          %get3A_380 = arith.index_cast %get3A_379 : i32 to index
          %get3A_381 = arith.index_cast %mul3A_330 : i32 to index
          %get3A_382 = arith.constant 64 : index
          %get3A_383 = tpu.vector_load %arg8[%get3A_380, %get3A_381, %get3A_382] {strides = array<i32>} : memref<2x128x96xf32, #tpu.memory_space<vmem>>, vector<16xf32>,
          %mul3A_384 = arith.mulf %get3A_383, %broadcast_in_dim3A_346 : vector<16xf32>
          %get3A_385 = arith.constant 0 : i32
          %get3A_386 = arith.index_cast %get3A_385 : i32 to index
          %get3A_387 = arith.index_cast %mul3A_330 : i32 to index
          %get3A_388 = arith.constant 80 : index
          %get3A_389 = tpu.vector_load %arg8[%get3A_386, %get3A_387, %get3A_388] {strides = array<i32>} : memref<2x128x96xf32, #tpu.memory_space<vmem>>, vector<16xf32>,
          %mul3A_390 = arith.mulf %get3A_389, %broadcast_in_dim3A_346 : vector<16xf32>
          %add3A_391 = arith.constant 1 : i32
          %add3A_392 = arith.addi %mul3A_330, %add3A_391 : i32
          %get3A_393 = arith.constant 0 : i32
          %get3A_394 = arith.index_cast %get3A_393 : i32 to index
          %get3A_395 = arith.index_cast %add3A_392 : i32 to index
          %get3A_396 = arith.constant 0 : index
          %get3A_397 = tpu.vector_load %arg8[%get3A_394, %get3A_395, %get3A_396] {strides = array<i32>} : memref<2x128x96xf32, #tpu.memory_space<vmem>>, vector<16xf32>,
          %mul3A_398 = arith.mulf %get3A_397, %broadcast_in_dim3A_354 : vector<16xf32>
          %add3A_399 = arith.constant 1 : i32
          %add3A_400 = arith.addi %mul3A_330, %add3A_399 : i32
          %get3A_401 = arith.constant 0 : i32
          %get3A_402 = arith.index_cast %get3A_401 : i32 to index
          %get3A_403 = arith.index_cast %add3A_400 : i32 to index
          %get3A_404 = arith.constant 16 : index
          %get3A_405 = tpu.vector_load %arg8[%get3A_402, %get3A_403, %get3A_404] {strides = array<i32>} : memref<2x128x96xf32, #tpu.memory_space<vmem>>, vector<16xf32>,
          %mul3A_406 = arith.mulf %get3A_405, %broadcast_in_dim3A_354 : vector<16xf32>
          %add3A_407 = arith.constant 1 : i32
          %add3A_408 = arith.addi %mul3A_330, %add3A_407 : i32
          %get3A_409 = arith.constant 0 : i32
          %get3A_410 = arith.index_cast %get3A_409 : i32 to index
          %get3A_411 = arith.index_cast %add3A_408 : i32 to index
          %get3A_412 = arith.constant 32 : index
          %get3A_413 = tpu.vector_load %arg8[%get3A_410, %get3A_411, %get3A_412] {strides = array<i32>} : memref<2x128x96xf32, #tpu.memory_space<vmem>>, vector<16xf32>,
          %mul3A_414 = arith.mulf %get3A_413, %broadcast_in_dim3A_354 : vector<16xf32>
          %add3A_415 = arith.constant 1 : i32
          %add3A_416 = arith.addi %mul3A_330, %add3A_415 : i32
          %get3A_417 = arith.constant 0 : i32
          %get3A_418 = arith.index_cast %get3A_417 : i32 to index
          %get3A_419 = arith.index_cast %add3A_416 : i32 to index
          %get3A_420 = arith.constant 48 : index
          %get3A_421 = tpu.vector_load %arg8[%get3A_418, %get3A_419, %get3A_420] {strides = array<i32>} : memref<2x128x96xf32, #tpu.memory_space<vmem>>, vector<16xf32>,
          %mul3A_422 = arith.mulf %get3A_421, %broadcast_in_dim3A_354 : vector<16xf32>
          %add3A_423 = arith.constant 1 : i32
          %add3A_424 = arith.addi %mul3A_330, %add3A_423 : i32
          %get3A_425 = arith.constant 0 : i32
          %get3A_426 = arith.index_cast %get3A_425 : i32 to index
          %get3A_427 = arith.index_cast %add3A_424 : i32 to index
          %get3A_428 = arith.constant 64 : index
          %get3A_429 = tpu.vector_load %arg8[%get3A_426, %get3A_427, %get3A_428] {strides = array<i32>} : memref<2x128x96xf32, #tpu.memory_space<vmem>>, vector<16xf32>,
          %mul3A_430 = arith.mulf %get3A_429, %broadcast_in_dim3A_354 : vector<16xf32>
          %add3A_431 = arith.constant 1 : i32
          %add3A_432 = arith.addi %mul3A_330, %add3A_431 : i32
          %get3A_433 = arith.constant 0 : i32
          %get3A_434 = arith.index_cast %get3A_433 : i32 to index
          %get3A_435 = arith.index_cast %add3A_432 : i32 to index
          %get3A_436 = arith.constant 80 : index
          %get3A_437 = tpu.vector_load %arg8[%get3A_434, %get3A_435, %get3A_436] {strides = array<i32>} : memref<2x128x96xf32, #tpu.memory_space<vmem>>, vector<16xf32>,
          %mul3A_438 = arith.mulf %get3A_437, %broadcast_in_dim3A_354 : vector<16xf32>
          %add3A_439 = arith.constant 0 : i32
          %add3A_440 = arith.addi %get3A_334, %add3A_439 : i32
          %swap3A = arith.index_cast %add3A_440 : i32 to index
          %swap3A_441 = tpu.vector_load %arg9[%swap3A] {strides = array<i32>} : memref<27936xf32, #tpu.memory_space<vmem>>, vector<16xf32>,
          tpu.vector_store %arg9[%swap3A], %mul3A_360 {add = true, strides = array<i32>} : memref<27936xf32, #tpu.memory_space<vmem>>, vector<16xf32>,
          %add3A_442 = arith.constant 16 : i32
          %add3A_443 = arith.addi %get3A_334, %add3A_442 : i32
          %swap3A_444 = arith.index_cast %add3A_443 : i32 to index
          %swap3A_445 = tpu.vector_load %arg9[%swap3A_444] {strides = array<i32>} : memref<27936xf32, #tpu.memory_space<vmem>>, vector<16xf32>,
          tpu.vector_store %arg9[%swap3A_444], %mul3A_366 {add = true, strides = array<i32>} : memref<27936xf32, #tpu.memory_space<vmem>>, vector<16xf32>,
          %add3A_446 = arith.constant 32 : i32
          %add3A_447 = arith.addi %get3A_334, %add3A_446 : i32
          %swap3A_448 = arith.index_cast %add3A_447 : i32 to index
          %swap3A_449 = tpu.vector_load %arg9[%swap3A_448] {strides = array<i32>} : memref<27936xf32, #tpu.memory_space<vmem>>, vector<16xf32>,
          tpu.vector_store %arg9[%swap3A_448], %mul3A_372 {add = true, strides = array<i32>} : memref<27936xf32, #tpu.memory_space<vmem>>, vector<16xf32>,
          %add3A_450 = arith.constant 48 : i32
          %add3A_451 = arith.addi %get3A_334, %add3A_450 : i32
          %swap3A_452 = arith.index_cast %add3A_451 : i32 to index
          %swap3A_453 = tpu.vector_load %arg9[%swap3A_452] {strides = array<i32>} : memref<27936xf32, #tpu.memory_space<vmem>>, vector<16xf32>,
          tpu.vector_store %arg9[%swap3A_452], %mul3A_378 {add = true, strides = array<i32>} : memref<27936xf32, #tpu.memory_space<vmem>>, vector<16xf32>,
          %add3A_454 = arith.constant 64 : i32
          %add3A_455 = arith.addi %get3A_334, %add3A_454 : i32
          %swap3A_456 = arith.index_cast %add3A_455 : i32 to index
          %swap3A_457 = tpu.vector_load %arg9[%swap3A_456] {strides = array<i32>} : memref<27936xf32, #tpu.memory_space<vmem>>, vector<16xf32>,
          tpu.vector_store %arg9[%swap3A_456], %mul3A_384 {add = true, strides = array<i32>} : memref<27936xf32, #tpu.memory_space<vmem>>, vector<16xf32>,
          %add3A_458 = arith.constant 80 : i32
          %add3A_459 = arith.addi %get3A_334, %add3A_458 : i32
          %swap3A_460 = arith.index_cast %add3A_459 : i32 to index
          %swap3A_461 = tpu.vector_load %arg9[%swap3A_460] {strides = array<i32>} : memref<27936xf32, #tpu.memory_space<vmem>>, vector<16xf32>,
          tpu.vector_store %arg9[%swap3A_460], %mul3A_390 {add = true, strides = array<i32>} : memref<27936xf32, #tpu.memory_space<vmem>>, vector<16xf32>,
          %add3A_462 = arith.constant 0 : i32
          %add3A_463 = arith.addi %get3A_340, %add3A_462 : i32
          %swap3A_464 = arith.index_cast %add3A_463 : i32 to index
          %swap3A_465 = tpu.vector_load %arg9[%swap3A_464] {strides = array<i32>} : memref<27936xf32, #tpu.memory_space<vmem>>, vector<16xf32>,
          tpu.vector_store %arg9[%swap3A_464], %mul3A_398 {add = true, strides = array<i32>} : memref<27936xf32, #tpu.memory_space<vmem>>, vector<16xf32>,
          %add3A_466 = arith.constant 16 : i32
          %add3A_467 = arith.addi %get3A_340, %add3A_466 : i32
          %swap3A_468 = arith.index_cast %add3A_467 : i32 to index
          %swap3A_469 = tpu.vector_load %arg9[%swap3A_468] {strides = array<i32>} : memref<27936xf32, #tpu.memory_space<vmem>>, vector<16xf32>,
          tpu.vector_store %arg9[%swap3A_468], %mul3A_406 {add = true, strides = array<i32>} : memref<27936xf32, #tpu.memory_space<vmem>>, vector<16xf32>,
          %add3A_470 = arith.constant 32 : i32
          %add3A_471 = arith.addi %get3A_340, %add3A_470 : i32
          %swap3A_472 = arith.index_cast %add3A_471 : i32 to index
          %swap3A_473 = tpu.vector_load %arg9[%swap3A_472] {strides = array<i32>} : memref<27936xf32, #tpu.memory_space<vmem>>, vector<16xf32>,
          tpu.vector_store %arg9[%swap3A_472], %mul3A_414 {add = true, strides = array<i32>} : memref<27936xf32, #tpu.memory_space<vmem>>, vector<16xf32>,
          %add3A_474 = arith.constant 48 : i32
          %add3A_475 = arith.addi %get3A_340, %add3A_474 : i32
          %swap3A_476 = arith.index_cast %add3A_475 : i32 to index
          %swap3A_477 = tpu.vector_load %arg9[%swap3A_476] {strides = array<i32>} : memref<27936xf32, #tpu.memory_space<vmem>>, vector<16xf32>,
          tpu.vector_store %arg9[%swap3A_476], %mul3A_422 {add = true, strides = array<i32>} : memref<27936xf32, #tpu.memory_space<vmem>>, vector<16xf32>,
          %add3A_478 = arith.constant 64 : i32
          %add3A_479 = arith.addi %get3A_340, %add3A_478 : i32
          %swap3A_480 = arith.index_cast %add3A_479 : i32 to index
          %swap3A_481 = tpu.vector_load %arg9[%swap3A_480] {strides = array<i32>} : memref<27936xf32, #tpu.memory_space<vmem>>, vector<16xf32>,
          tpu.vector_store %arg9[%swap3A_480], %mul3A_430 {add = true, strides = array<i32>} : memref<27936xf32, #tpu.memory_space<vmem>>, vector<16xf32>,
          %add3A_482 = arith.constant 80 : i32
          %add3A_483 = arith.addi %get3A_340, %add3A_482 : i32
          %swap3A_484 = arith.index_cast %add3A_483 : i32 to index
          %swap3A_485 = tpu.vector_load %arg9[%swap3A_484] {strides = array<i32>} : memref<27936xf32, #tpu.memory_space<vmem>>, vector<16xf32>,
          tpu.vector_store %arg9[%swap3A_484], %mul3A_438 {add = true, strides = array<i32>} : memref<27936xf32, #tpu.memory_space<vmem>>, vector<16xf32>,
          %scan3A_486 = arith.constant 0 : i32
          scf.yield %scan3A_486 : i32
        }
        %scan3A_295 = arith.constant 64 : i32
        %add3A_296 = arith.constant 1 : i32
        %add3A_297 = arith.addi %while3A_166, %add3A_296 : i32
        %add3A_298 = arith.addi %and3A_65, %shift_right_logical3A_66 : i32
        %lt3A = arith.cmpi slt, %add3A_297, %add3A_298 : i32
        %convert_element_type3A_299 = arith.extui %lt3A : i1 to i32
        %cond3A = arith.constant 0 : i32
        %cond3A_300 = arith.cmpi ne, %convert_element_type3A_299, %cond3A : i32
        scf.if %cond3A_300 {
          %add3A_327 = arith.constant 1 : i32
          %add3A_328 = arith.addi %while3A_166, %add3A_327 : i32
          %dma_start3A_329 = arith.constant 0 : i32
          %dma_start3A_330 = arith.constant 0 : i32
          %dma_start3A_331 = arith.constant 0 : i32
          %dma_start3A_332 = arith.constant 0 : i32
          %dma_start3A_333 = tpu.memref_slice %arg8[%dma_start3A_330, %dma_start3A_331, %dma_start3A_332] : memref<2x128x96xf32, #tpu.memory_space<vmem>> -> memref<1x128x96xf32, #tpu.memory_space<vmem>>
          %dma_start3A_334 = tpu.memref_squeeze %dma_start3A_333 : memref<1x128x96xf32, #tpu.memory_space<vmem>> -> memref<128x96xf32, #tpu.memory_space<vmem>>
          %dma_start3A_335 = arith.constant 0 : i32
          %dma_start3A_336 = arith.constant 0 : i32
          %dma_start3A_337 = tpu.memref_slice %arg2[%dma_start3A_329, %add3A_328, %dma_start3A_335, %dma_start3A_336] : memref<1x512x512x96xf32, #tpu.memory_space<hbm>> -> memref<1x1x128x96xf32, #tpu.memory_space<hbm>>
          %dma_start3A_338 = tpu.memref_squeeze %dma_start3A_337 : memref<1x1x128x96xf32, #tpu.memory_space<hbm>> -> memref<128x96xf32, #tpu.memory_space<hbm>>
          %dma_start3A_339 = arith.constant 0 : i32
          %dma_start3A_340 = arith.constant 0 : i32
          %dma_start3A_341 = tpu.memref_slice %arg8[%dma_start3A_330, %dma_start3A_339, %dma_start3A_340] : memref<2x128x96xf32, #tpu.memory_space<vmem>> -> memref<1x128x96xf32, #tpu.memory_space<vmem>>
          %dma_start3A_342 = tpu.memref_squeeze %dma_start3A_341 : memref<1x128x96xf32, #tpu.memory_space<vmem>> -> memref<128x96xf32, #tpu.memory_space<vmem>>
          %dma_start3A_343 = arith.constant 0 : i32
          %dma_start3A_344 = arith.constant 0 : i32
          %dma_start3A_345 = tpu.memref_slice %arg2[%dma_start3A_329, %add3A_328, %dma_start3A_343, %dma_start3A_344] : memref<1x512x512x96xf32, #tpu.memory_space<hbm>> -> memref<1x1x128x96xf32, #tpu.memory_space<hbm>>
          %dma_start3A_346 = tpu.memref_squeeze %dma_start3A_345 : memref<1x1x128x96xf32, #tpu.memory_space<hbm>> -> memref<128x96xf32, #tpu.memory_space<hbm>>
          tpu.enqueue_dma source(%dma_start3A_346 : memref<128x96xf32, #tpu.memory_space<hbm>>) target(%dma_start3A_342 : memref<128x96xf32, #tpu.memory_space<vmem>>) target_semaphore(%arg18 : memref<!tpu.dma_semaphore, #tpu.memory_space<semaphore_mem>>)
        } else {
        }
        %dma_wait3A_301 = arith.constant 0 : i32
        %dma_wait3A_302 = arith.constant 1 : i32
        %dma_wait3A_303 = arith.constant 0 : i32
        %dma_wait3A_304 = arith.constant 0 : i32
        %dma_wait3A_305 = tpu.memref_slice %arg8[%dma_wait3A_302, %dma_wait3A_303, %dma_wait3A_304] : memref<2x128x96xf32, #tpu.memory_space<vmem>> -> memref<1x128x96xf32, #tpu.memory_space<vmem>>
        %dma_wait3A_306 = tpu.memref_squeeze %dma_wait3A_305 : memref<1x128x96xf32, #tpu.memory_space<vmem>> -> memref<128x96xf32, #tpu.memory_space<vmem>>
        %dma_wait3A_307 = arith.constant 384 : i32
        %dma_wait3A_308 = arith.constant 0 : i32
        %dma_wait3A_309 = tpu.memref_slice %arg2[%dma_wait3A_301, %while3A_166, %dma_wait3A_307, %dma_wait3A_308] : memref<1x512x512x96xf32, #tpu.memory_space<hbm>> -> memref<1x1x128x96xf32, #tpu.memory_space<hbm>>
        %dma_wait3A_310 = tpu.memref_squeeze %dma_wait3A_309 : memref<1x1x128x96xf32, #tpu.memory_space<hbm>> -> memref<128x96xf32, #tpu.memory_space<hbm>>
        %dma_wait3A_311 = arith.constant 0 : i32
        %dma_wait3A_312 = arith.constant 0 : i32
        %dma_wait3A_313 = tpu.memref_slice %arg8[%dma_wait3A_302, %dma_wait3A_311, %dma_wait3A_312] : memref<2x128x96xf32, #tpu.memory_space<vmem>> -> memref<1x128x96xf32, #tpu.memory_space<vmem>>
        %dma_wait3A_314 = tpu.memref_squeeze %dma_wait3A_313 : memref<1x128x96xf32, #tpu.memory_space<vmem>> -> memref<128x96xf32, #tpu.memory_space<vmem>>
        %dma_wait3A_315 = arith.constant 384 : i32
        %dma_wait3A_316 = arith.constant 0 : i32
        %dma_wait3A_317 = tpu.memref_slice %arg2[%dma_wait3A_301, %while3A_166, %dma_wait3A_315, %dma_wait3A_316] : memref<1x512x512x96xf32, #tpu.memory_space<hbm>> -> memref<1x1x128x96xf32, #tpu.memory_space<hbm>>
        %dma_wait3A_318 = tpu.memref_squeeze %dma_wait3A_317 : memref<1x1x128x96xf32, #tpu.memory_space<hbm>> -> memref<128x96xf32, #tpu.memory_space<hbm>>
        tpu.wait_dma2 semaphore(%arg17 : memref<!tpu.dma_semaphore, #tpu.memory_space<semaphore_mem>>) src(%dma_wait3A_318 : memref<128x96xf32, #tpu.memory_space<hbm>>) dst(%dma_wait3A_314 : memref<128x96xf32, #tpu.memory_space<vmem>>)
        %scan3A_319 = arith.constant 0 : i32
        %scan3A_320 = arith.constant 0 : i32
        %scan3A_321 = arith.constant 64 : i32
        %scan3A_322 = arith.addi %scan3A_320, %scan3A_321 : i32
        %scan3A_323 = arith.constant 1 : i32
        %scan3A_324 = scf.for %scan3A_327 = %scan3A_320 to %scan3A_322 step %scan3A_323 iter_args(%scan3A_328 = %scan3A_319) -> (i32)  : i32 {
          %mul3A_329 = arith.constant 2 : i32
          %mul3A_330 = arith.muli %scan3A_327, %mul3A_329 : i32
          %add3A_331 = arith.constant 384 : i32
          %add3A_332 = arith.addi %add3A_331, %mul3A_330 : i32
          %get3A_333 = arith.index_cast %add3A_332 : i32 to index
          %get3A_334 = memref.load %arg14[%get3A_333] : memref<512xi32, #tpu.memory_space<smem>>
          %add3A_335 = arith.constant 384 : i32
          %add3A_336 = arith.addi %add3A_335, %mul3A_330 : i32
          %add3A_337 = arith.constant 1 : i32
          %add3A_338 = arith.addi %add3A_336, %add3A_337 : i32
          %get3A_339 = arith.index_cast %add3A_338 : i32 to index
          %get3A_340 = memref.load %arg14[%get3A_339] : memref<512xi32, #tpu.memory_space<smem>>
          %add3A_341 = arith.constant 384 : i32
          %add3A_342 = arith.addi %add3A_341, %mul3A_330 : i32
          %get3A_343 = arith.index_cast %add3A_342 : i32 to index
          %get3A_344 = memref.load %arg15[%get3A_343] : memref<512xf32, #tpu.memory_space<smem>>
          %mul3A_345 = arith.mulf %squeeze3A_71, %get3A_344 : f32
          %broadcast_in_dim3A_346 = vector.broadcast %mul3A_345 : f32 to vector<16xf32>
          %add3A_347 = arith.constant 384 : i32
          %add3A_348 = arith.addi %add3A_347, %mul3A_330 : i32
          %add3A_349 = arith.constant 1 : i32
          %add3A_350 = arith.addi %add3A_348, %add3A_349 : i32
          %get3A_351 = arith.index_cast %add3A_350 : i32 to index
          %get3A_352 = memref.load %arg15[%get3A_351] : memref<512xf32, #tpu.memory_space<smem>>
          %mul3A_353 = arith.mulf %squeeze3A_71, %get3A_352 : f32
          %broadcast_in_dim3A_354 = vector.broadcast %mul3A_353 : f32 to vector<16xf32>
          %get3A_355 = arith.constant 1 : i32
          %get3A_356 = arith.index_cast %get3A_355 : i32 to index
          %get3A_357 = arith.index_cast %mul3A_330 : i32 to index
          %get3A_358 = arith.constant 0 : index
          %get3A_359 = tpu.vector_load %arg8[%get3A_356, %get3A_357, %get3A_358] {strides = array<i32>} : memref<2x128x96xf32, #tpu.memory_space<vmem>>, vector<16xf32>,
          %mul3A_360 = arith.mulf %get3A_359, %broadcast_in_dim3A_346 : vector<16xf32>
          %get3A_361 = arith.constant 1 : i32
          %get3A_362 = arith.index_cast %get3A_361 : i32 to index
          %get3A_363 = arith.index_cast %mul3A_330 : i32 to index
          %get3A_364 = arith.constant 16 : index
          %get3A_365 = tpu.vector_load %arg8[%get3A_362, %get3A_363, %get3A_364] {strides = array<i32>} : memref<2x128x96xf32, #tpu.memory_space<vmem>>, vector<16xf32>,
          %mul3A_366 = arith.mulf %get3A_365, %broadcast_in_dim3A_346 : vector<16xf32>
          %get3A_367 = arith.constant 1 : i32
          %get3A_368 = arith.index_cast %get3A_367 : i32 to index
          %get3A_369 = arith.index_cast %mul3A_330 : i32 to index
          %get3A_370 = arith.constant 32 : index
          %get3A_371 = tpu.vector_load %arg8[%get3A_368, %get3A_369, %get3A_370] {strides = array<i32>} : memref<2x128x96xf32, #tpu.memory_space<vmem>>, vector<16xf32>,
          %mul3A_372 = arith.mulf %get3A_371, %broadcast_in_dim3A_346 : vector<16xf32>
          %get3A_373 = arith.constant 1 : i32
          %get3A_374 = arith.index_cast %get3A_373 : i32 to index
          %get3A_375 = arith.index_cast %mul3A_330 : i32 to index
          %get3A_376 = arith.constant 48 : index
          %get3A_377 = tpu.vector_load %arg8[%get3A_374, %get3A_375, %get3A_376] {strides = array<i32>} : memref<2x128x96xf32, #tpu.memory_space<vmem>>, vector<16xf32>,
          %mul3A_378 = arith.mulf %get3A_377, %broadcast_in_dim3A_346 : vector<16xf32>
          %get3A_379 = arith.constant 1 : i32
          %get3A_380 = arith.index_cast %get3A_379 : i32 to index
          %get3A_381 = arith.index_cast %mul3A_330 : i32 to index
          %get3A_382 = arith.constant 64 : index
          %get3A_383 = tpu.vector_load %arg8[%get3A_380, %get3A_381, %get3A_382] {strides = array<i32>} : memref<2x128x96xf32, #tpu.memory_space<vmem>>, vector<16xf32>,
          %mul3A_384 = arith.mulf %get3A_383, %broadcast_in_dim3A_346 : vector<16xf32>
          %get3A_385 = arith.constant 1 : i32
          %get3A_386 = arith.index_cast %get3A_385 : i32 to index
          %get3A_387 = arith.index_cast %mul3A_330 : i32 to index
          %get3A_388 = arith.constant 80 : index
          %get3A_389 = tpu.vector_load %arg8[%get3A_386, %get3A_387, %get3A_388] {strides = array<i32>} : memref<2x128x96xf32, #tpu.memory_space<vmem>>, vector<16xf32>,
          %mul3A_390 = arith.mulf %get3A_389, %broadcast_in_dim3A_346 : vector<16xf32>
          %add3A_391 = arith.constant 1 : i32
          %add3A_392 = arith.addi %mul3A_330, %add3A_391 : i32
          %get3A_393 = arith.constant 1 : i32
          %get3A_394 = arith.index_cast %get3A_393 : i32 to index
          %get3A_395 = arith.index_cast %add3A_392 : i32 to index
          %get3A_396 = arith.constant 0 : index
          %get3A_397 = tpu.vector_load %arg8[%get3A_394, %get3A_395, %get3A_396] {strides = array<i32>} : memref<2x128x96xf32, #tpu.memory_space<vmem>>, vector<16xf32>,
          %mul3A_398 = arith.mulf %get3A_397, %broadcast_in_dim3A_354 : vector<16xf32>
          %add3A_399 = arith.constant 1 : i32
          %add3A_400 = arith.addi %mul3A_330, %add3A_399 : i32
          %get3A_401 = arith.constant 1 : i32
          %get3A_402 = arith.index_cast %get3A_401 : i32 to index
          %get3A_403 = arith.index_cast %add3A_400 : i32 to index
          %get3A_404 = arith.constant 16 : index
          %get3A_405 = tpu.vector_load %arg8[%get3A_402, %get3A_403, %get3A_404] {strides = array<i32>} : memref<2x128x96xf32, #tpu.memory_space<vmem>>, vector<16xf32>,
          %mul3A_406 = arith.mulf %get3A_405, %broadcast_in_dim3A_354 : vector<16xf32>
          %add3A_407 = arith.constant 1 : i32
          %add3A_408 = arith.addi %mul3A_330, %add3A_407 : i32
          %get3A_409 = arith.constant 1 : i32
          %get3A_410 = arith.index_cast %get3A_409 : i32 to index
          %get3A_411 = arith.index_cast %add3A_408 : i32 to index
          %get3A_412 = arith.constant 32 : index
          %get3A_413 = tpu.vector_load %arg8[%get3A_410, %get3A_411, %get3A_412] {strides = array<i32>} : memref<2x128x96xf32, #tpu.memory_space<vmem>>, vector<16xf32>,
          %mul3A_414 = arith.mulf %get3A_413, %broadcast_in_dim3A_354 : vector<16xf32>
          %add3A_415 = arith.constant 1 : i32
          %add3A_416 = arith.addi %mul3A_330, %add3A_415 : i32
          %get3A_417 = arith.constant 1 : i32
          %get3A_418 = arith.index_cast %get3A_417 : i32 to index
          %get3A_419 = arith.index_cast %add3A_416 : i32 to index
          %get3A_420 = arith.constant 48 : index
          %get3A_421 = tpu.vector_load %arg8[%get3A_418, %get3A_419, %get3A_420] {strides = array<i32>} : memref<2x128x96xf32, #tpu.memory_space<vmem>>, vector<16xf32>,
          %mul3A_422 = arith.mulf %get3A_421, %broadcast_in_dim3A_354 : vector<16xf32>
          %add3A_423 = arith.constant 1 : i32
          %add3A_424 = arith.addi %mul3A_330, %add3A_423 : i32
          %get3A_425 = arith.constant 1 : i32
          %get3A_426 = arith.index_cast %get3A_425 : i32 to index
          %get3A_427 = arith.index_cast %add3A_424 : i32 to index
          %get3A_428 = arith.constant 64 : index
          %get3A_429 = tpu.vector_load %arg8[%get3A_426, %get3A_427, %get3A_428] {strides = array<i32>} : memref<2x128x96xf32, #tpu.memory_space<vmem>>, vector<16xf32>,
          %mul3A_430 = arith.mulf %get3A_429, %broadcast_in_dim3A_354 : vector<16xf32>
          %add3A_431 = arith.constant 1 : i32
          %add3A_432 = arith.addi %mul3A_330, %add3A_431 : i32
          %get3A_433 = arith.constant 1 : i32
          %get3A_434 = arith.index_cast %get3A_433 : i32 to index
          %get3A_435 = arith.index_cast %add3A_432 : i32 to index
          %get3A_436 = arith.constant 80 : index
          %get3A_437 = tpu.vector_load %arg8[%get3A_434, %get3A_435, %get3A_436] {strides = array<i32>} : memref<2x128x96xf32, #tpu.memory_space<vmem>>, vector<16xf32>,
          %mul3A_438 = arith.mulf %get3A_437, %broadcast_in_dim3A_354 : vector<16xf32>
          %add3A_439 = arith.constant 0 : i32
          %add3A_440 = arith.addi %get3A_334, %add3A_439 : i32
          %swap3A = arith.index_cast %add3A_440 : i32 to index
          %swap3A_441 = tpu.vector_load %arg9[%swap3A] {strides = array<i32>} : memref<27936xf32, #tpu.memory_space<vmem>>, vector<16xf32>,
          tpu.vector_store %arg9[%swap3A], %mul3A_360 {add = true, strides = array<i32>} : memref<27936xf32, #tpu.memory_space<vmem>>, vector<16xf32>,
          %add3A_442 = arith.constant 16 : i32
          %add3A_443 = arith.addi %get3A_334, %add3A_442 : i32
          %swap3A_444 = arith.index_cast %add3A_443 : i32 to index
          %swap3A_445 = tpu.vector_load %arg9[%swap3A_444] {strides = array<i32>} : memref<27936xf32, #tpu.memory_space<vmem>>, vector<16xf32>,
          tpu.vector_store %arg9[%swap3A_444], %mul3A_366 {add = true, strides = array<i32>} : memref<27936xf32, #tpu.memory_space<vmem>>, vector<16xf32>,
          %add3A_446 = arith.constant 32 : i32
          %add3A_447 = arith.addi %get3A_334, %add3A_446 : i32
          %swap3A_448 = arith.index_cast %add3A_447 : i32 to index
          %swap3A_449 = tpu.vector_load %arg9[%swap3A_448] {strides = array<i32>} : memref<27936xf32, #tpu.memory_space<vmem>>, vector<16xf32>,
          tpu.vector_store %arg9[%swap3A_448], %mul3A_372 {add = true, strides = array<i32>} : memref<27936xf32, #tpu.memory_space<vmem>>, vector<16xf32>,
          %add3A_450 = arith.constant 48 : i32
          %add3A_451 = arith.addi %get3A_334, %add3A_450 : i32
          %swap3A_452 = arith.index_cast %add3A_451 : i32 to index
          %swap3A_453 = tpu.vector_load %arg9[%swap3A_452] {strides = array<i32>} : memref<27936xf32, #tpu.memory_space<vmem>>, vector<16xf32>,
          tpu.vector_store %arg9[%swap3A_452], %mul3A_378 {add = true, strides = array<i32>} : memref<27936xf32, #tpu.memory_space<vmem>>, vector<16xf32>,
          %add3A_454 = arith.constant 64 : i32
          %add3A_455 = arith.addi %get3A_334, %add3A_454 : i32
          %swap3A_456 = arith.index_cast %add3A_455 : i32 to index
          %swap3A_457 = tpu.vector_load %arg9[%swap3A_456] {strides = array<i32>} : memref<27936xf32, #tpu.memory_space<vmem>>, vector<16xf32>,
          tpu.vector_store %arg9[%swap3A_456], %mul3A_384 {add = true, strides = array<i32>} : memref<27936xf32, #tpu.memory_space<vmem>>, vector<16xf32>,
          %add3A_458 = arith.constant 80 : i32
          %add3A_459 = arith.addi %get3A_334, %add3A_458 : i32
          %swap3A_460 = arith.index_cast %add3A_459 : i32 to index
          %swap3A_461 = tpu.vector_load %arg9[%swap3A_460] {strides = array<i32>} : memref<27936xf32, #tpu.memory_space<vmem>>, vector<16xf32>,
          tpu.vector_store %arg9[%swap3A_460], %mul3A_390 {add = true, strides = array<i32>} : memref<27936xf32, #tpu.memory_space<vmem>>, vector<16xf32>,
          %add3A_462 = arith.constant 0 : i32
          %add3A_463 = arith.addi %get3A_340, %add3A_462 : i32
          %swap3A_464 = arith.index_cast %add3A_463 : i32 to index
          %swap3A_465 = tpu.vector_load %arg9[%swap3A_464] {strides = array<i32>} : memref<27936xf32, #tpu.memory_space<vmem>>, vector<16xf32>,
          tpu.vector_store %arg9[%swap3A_464], %mul3A_398 {add = true, strides = array<i32>} : memref<27936xf32, #tpu.memory_space<vmem>>, vector<16xf32>,
          %add3A_466 = arith.constant 16 : i32
          %add3A_467 = arith.addi %get3A_340, %add3A_466 : i32
          %swap3A_468 = arith.index_cast %add3A_467 : i32 to index
          %swap3A_469 = tpu.vector_load %arg9[%swap3A_468] {strides = array<i32>} : memref<27936xf32, #tpu.memory_space<vmem>>, vector<16xf32>,
          tpu.vector_store %arg9[%swap3A_468], %mul3A_406 {add = true, strides = array<i32>} : memref<27936xf32, #tpu.memory_space<vmem>>, vector<16xf32>,
          %add3A_470 = arith.constant 32 : i32
          %add3A_471 = arith.addi %get3A_340, %add3A_470 : i32
          %swap3A_472 = arith.index_cast %add3A_471 : i32 to index
          %swap3A_473 = tpu.vector_load %arg9[%swap3A_472] {strides = array<i32>} : memref<27936xf32, #tpu.memory_space<vmem>>, vector<16xf32>,
          tpu.vector_store %arg9[%swap3A_472], %mul3A_414 {add = true, strides = array<i32>} : memref<27936xf32, #tpu.memory_space<vmem>>, vector<16xf32>,
          %add3A_474 = arith.constant 48 : i32
          %add3A_475 = arith.addi %get3A_340, %add3A_474 : i32
          %swap3A_476 = arith.index_cast %add3A_475 : i32 to index
          %swap3A_477 = tpu.vector_load %arg9[%swap3A_476] {strides = array<i32>} : memref<27936xf32, #tpu.memory_space<vmem>>, vector<16xf32>,
          tpu.vector_store %arg9[%swap3A_476], %mul3A_422 {add = true, strides = array<i32>} : memref<27936xf32, #tpu.memory_space<vmem>>, vector<16xf32>,
          %add3A_478 = arith.constant 64 : i32
          %add3A_479 = arith.addi %get3A_340, %add3A_478 : i32
          %swap3A_480 = arith.index_cast %add3A_479 : i32 to index
          %swap3A_481 = tpu.vector_load %arg9[%swap3A_480] {strides = array<i32>} : memref<27936xf32, #tpu.memory_space<vmem>>, vector<16xf32>,
          tpu.vector_store %arg9[%swap3A_480], %mul3A_430 {add = true, strides = array<i32>} : memref<27936xf32, #tpu.memory_space<vmem>>, vector<16xf32>,
          %add3A_482 = arith.constant 80 : i32
          %add3A_483 = arith.addi %get3A_340, %add3A_482 : i32
          %swap3A_484 = arith.index_cast %add3A_483 : i32 to index
          %swap3A_485 = tpu.vector_load %arg9[%swap3A_484] {strides = array<i32>} : memref<27936xf32, #tpu.memory_space<vmem>>, vector<16xf32>,
          tpu.vector_store %arg9[%swap3A_484], %mul3A_438 {add = true, strides = array<i32>} : memref<27936xf32, #tpu.memory_space<vmem>>, vector<16xf32>,
          %scan3A_486 = arith.constant 0 : i32
          scf.yield %scan3A_486 : i32
        }
        %scan3A_325 = arith.constant 64 : i32
        %while3A_326 = arith.constant 0 : i32
        scf.yield %while3A_326 : i32
      }
      %while3A_134 = arith.constant 0 : i32
      %while3A_135 = arith.subi %while3A_62, %while3A_61 : i32
      %while3A_136 = arith.addi %while3A_61, %while3A_135 : i32
      %while3A_137 = arith.constant 1 : i32
      %while3A_138 = arith.divsi %while3A_135, %while3A_137 : i32
      %while3A_139 = arith.muli %while3A_138, %while3A_137 : i32
      %while3A_140 = arith.addi %while3A_61, %while3A_139 : i32
      %while3A_141 = arith.constant 1 : i32
      %while3A_142 = scf.for %while3A_166 = %while3A_61 to %while3A_140 step %while3A_141 iter_args(%while3A_167 = %while3A_134) -> (i32)  : i32 {
        %dma_wait3A = arith.constant 0 : i32
        %dma_wait3A_168 = arith.constant 0 : i32
        %dma_wait3A_169 = arith.constant 0 : i32
        %dma_wait3A_170 = tpu.memref_slice %arg7[%dma_wait3A, %while3A_166, %dma_wait3A_168, %dma_wait3A_169] : memref<1x512x96x512xf32, #tpu.memory_space<hbm>> -> memref<1x1x96x512xf32, #tpu.memory_space<hbm>>
        %dma_wait3A_171 = tpu.memref_squeeze %dma_wait3A_170 : memref<1x1x96x512xf32, #tpu.memory_space<hbm>> -> memref<96x512xf32, #tpu.memory_space<hbm>>
        %dma_wait3A_172 = arith.constant 0 : i32
        %dma_wait3A_173 = arith.constant 0 : i32
        %dma_wait3A_174 = tpu.memref_slice %arg7[%dma_wait3A, %while3A_166, %dma_wait3A_172, %dma_wait3A_173] : memref<1x512x96x512xf32, #tpu.memory_space<hbm>> -> memref<1x1x96x512xf32, #tpu.memory_space<hbm>>
        %dma_wait3A_175 = tpu.memref_squeeze %dma_wait3A_174 : memref<1x1x96x512xf32, #tpu.memory_space<hbm>> -> memref<96x512xf32, #tpu.memory_space<hbm>>
        tpu.wait_dma2 semaphore(%arg19 : memref<!tpu.dma_semaphore, #tpu.memory_space<semaphore_mem>>) src(%arg10 : memref<96x512xf32, #tpu.memory_space<vmem>>) dst(%dma_wait3A_175 : memref<96x512xf32, #tpu.memory_space<hbm>>)
        %while3A_176 = arith.constant 0 : i32
        scf.yield %while3A_176 : i32
      }
      %while3A_143 = arith.constant 1 : i32
      %while3A_144 = scf.for %while3A_166 = %while3A_140 to %while3A_136 step %while3A_143 iter_args(%while3A_167 = %while3A_142) -> (i32)  : i32 {
        %dma_wait3A = arith.constant 0 : i32
        %dma_wait3A_168 = arith.constant 0 : i32
        %dma_wait3A_169 = arith.constant 0 : i32
        %dma_wait3A_170 = tpu.memref_slice %arg7[%dma_wait3A, %while3A_166, %dma_wait3A_168, %dma_wait3A_169] : memref<1x512x96x512xf32, #tpu.memory_space<hbm>> -> memref<1x1x96x512xf32, #tpu.memory_space<hbm>>
        %dma_wait3A_171 = tpu.memref_squeeze %dma_wait3A_170 : memref<1x1x96x512xf32, #tpu.memory_space<hbm>> -> memref<96x512xf32, #tpu.memory_space<hbm>>
        %dma_wait3A_172 = arith.constant 0 : i32
        %dma_wait3A_173 = arith.constant 0 : i32
        %dma_wait3A_174 = tpu.memref_slice %arg7[%dma_wait3A, %while3A_166, %dma_wait3A_172, %dma_wait3A_173] : memref<1x512x96x512xf32, #tpu.memory_space<hbm>> -> memref<1x1x96x512xf32, #tpu.memory_space<hbm>>
        %dma_wait3A_175 = tpu.memref_squeeze %dma_wait3A_174 : memref<1x1x96x512xf32, #tpu.memory_space<hbm>> -> memref<96x512xf32, #tpu.memory_space<hbm>>
        tpu.wait_dma2 semaphore(%arg19 : memref<!tpu.dma_semaphore, #tpu.memory_space<semaphore_mem>>) src(%arg10 : memref<96x512xf32, #tpu.memory_space<vmem>>) dst(%dma_wait3A_175 : memref<96x512xf32, #tpu.memory_space<hbm>>)
        %while3A_176 = arith.constant 0 : i32
        scf.yield %while3A_176 : i32
      }
      %scan3A_145 = arith.constant 0 : i32
      %scan3A_146 = arith.constant 0 : i32
      %scan3A_147 = arith.constant 32 : i32
      %scan3A_148 = arith.addi %scan3A_146, %scan3A_147 : i32
      %scan3A_149 = arith.constant 1 : i32
      %scan3A_150 = scf.for %scan3A_166 = %scan3A_146 to %scan3A_148 step %scan3A_149 iter_args(%scan3A_167 = %scan3A_145) -> (i32)  : i32 {
        %mul3A_168 = arith.constant 16 : i32
        %mul3A_169 = arith.muli %scan3A_166, %mul3A_168 : i32
        %get3A_170 = arith.index_cast %mul3A_169 : i32 to index
        %get3A_171 = tpu.vector_load %arg11[%get3A_170] {strides = array<i32>} : memref<528xi32, #tpu.memory_space<vmem>>, vector<16xi32>,
        %scan3A_172 = arith.constant 0 : i32
        %scan3A_173 = arith.constant 0 : i32
        %scan3A_174 = arith.constant 48 : i32
        %scan3A_175 = arith.addi %scan3A_173, %scan3A_174 : i32
        %scan3A_176 = arith.constant 1 : i32
        %scan3A_177 = scf.for %scan3A_180 = %scan3A_173 to %scan3A_175 step %scan3A_176 iter_args(%scan3A_181 = %scan3A_172) -> (i32)  : i32 {
          %mul3A_182 = arith.constant 2 : i32
          %mul3A_183 = arith.muli %scan3A_180, %mul3A_182 : i32
          %add3A_184 = vector.broadcast %mul3A_183 : i32 to vector<16xi32>
          %add3A_185 = arith.addi %get3A_171, %add3A_184 : vector<16xi32>
          %gather3A_186 = tpu.vector_load_idx %arg9[%add3A_185] : memref<27936xf32, #tpu.memory_space<vmem>>[vector<16xi32>], vector<16xf32>,
          %add3A_187 = arith.constant 1 : i32
          %add3A_188 = arith.addi %mul3A_183, %add3A_187 : i32
          %add3A_189 = vector.broadcast %add3A_188 : i32 to vector<16xi32>
          %add3A_190 = arith.addi %get3A_171, %add3A_189 : vector<16xi32>
          %gather3A_191 = tpu.vector_load_idx %arg9[%add3A_190] : memref<27936xf32, #tpu.memory_space<vmem>>[vector<16xi32>], vector<16xf32>,
          %mul3A_192 = arith.constant 16 : i32
          %mul3A_193 = arith.muli %scan3A_166, %mul3A_192 : i32
          %swap3A = arith.index_cast %mul3A_183 : i32 to index
          %swap3A_194 = arith.index_cast %mul3A_193 : i32 to index
          %swap3A_195 = tpu.vector_load %arg10[%swap3A, %swap3A_194] {strides = array<i32>} : memref<96x512xf32, #tpu.memory_space<vmem>>, vector<16xf32>,
          tpu.vector_store %arg10[%swap3A, %swap3A_194], %gather3A_186 {strides = array<i32>} : memref<96x512xf32, #tpu.memory_space<vmem>>, vector<16xf32>,
          %add3A_196 = arith.constant 1 : i32
          %add3A_197 = arith.addi %mul3A_183, %add3A_196 : i32
          %mul3A_198 = arith.constant 16 : i32
          %mul3A_199 = arith.muli %scan3A_166, %mul3A_198 : i32
          %swap3A_200 = arith.index_cast %add3A_197 : i32 to index
          %swap3A_201 = arith.index_cast %mul3A_199 : i32 to index
          %swap3A_202 = tpu.vector_load %arg10[%swap3A_200, %swap3A_201] {strides = array<i32>} : memref<96x512xf32, #tpu.memory_space<vmem>>, vector<16xf32>,
          tpu.vector_store %arg10[%swap3A_200, %swap3A_201], %gather3A_191 {strides = array<i32>} : memref<96x512xf32, #tpu.memory_space<vmem>>, vector<16xf32>,
          %scan3A_203 = arith.constant 0 : i32
          scf.yield %scan3A_203 : i32
        }
        %scan3A_178 = arith.constant 48 : i32
        %scan3A_179 = arith.constant 0 : i32
        scf.yield %scan3A_179 : i32
      }
      %scan3A_151 = arith.constant 32 : i32
      %max3A = arith.maxsi %and3A_65, %mul3A_2 : i32
      %add3A_152 = arith.addi %and3A_65, %shift_right_logical3A_66 : i32
      %add3A_153 = arith.constant 16 : i32
      %add3A_154 = arith.addi %mul3A_2, %add3A_153 : i32
      %min3A = arith.minsi %add3A_152, %add3A_154 : i32
      %while3A_155 = arith.constant 0 : i32
      %while3A_156 = arith.subi %min3A, %max3A : i32
      %while3A_157 = arith.addi %max3A, %while3A_156 : i32
      %while3A_158 = arith.constant 1 : i32
      %while3A_159 = arith.divsi %while3A_156, %while3A_158 : i32
      %while3A_160 = arith.muli %while3A_159, %while3A_158 : i32
      %while3A_161 = arith.addi %max3A, %while3A_160 : i32
      %while3A_162 = arith.constant 1 : i32
      %while3A_163 = scf.for %while3A_166 = %max3A to %while3A_161 step %while3A_162 iter_args(%while3A_167 = %while3A_155) -> (i32)  : i32 {
        %dma_start3A_168 = arith.constant 0 : i32
        %dma_start3A_169 = arith.constant 0 : i32
        %dma_start3A_170 = arith.constant 0 : i32
        %dma_start3A_171 = tpu.memref_slice %arg7[%dma_start3A_168, %while3A_166, %dma_start3A_169, %dma_start3A_170] : memref<1x512x96x512xf32, #tpu.memory_space<hbm>> -> memref<1x1x96x512xf32, #tpu.memory_space<hbm>>
        %dma_start3A_172 = tpu.memref_squeeze %dma_start3A_171 : memref<1x1x96x512xf32, #tpu.memory_space<hbm>> -> memref<96x512xf32, #tpu.memory_space<hbm>>
        %dma_start3A_173 = arith.constant 0 : i32
        %dma_start3A_174 = arith.constant 0 : i32
        %dma_start3A_175 = tpu.memref_slice %arg7[%dma_start3A_168, %while3A_166, %dma_start3A_173, %dma_start3A_174] : memref<1x512x96x512xf32, #tpu.memory_space<hbm>> -> memref<1x1x96x512xf32, #tpu.memory_space<hbm>>
        %dma_start3A_176 = tpu.memref_squeeze %dma_start3A_175 : memref<1x1x96x512xf32, #tpu.memory_space<hbm>> -> memref<96x512xf32, #tpu.memory_space<hbm>>
        tpu.enqueue_dma source(%arg10 : memref<96x512xf32, #tpu.memory_space<vmem>>) target(%dma_start3A_176 : memref<96x512xf32, #tpu.memory_space<hbm>>) target_semaphore(%arg19 : memref<!tpu.dma_semaphore, #tpu.memory_space<semaphore_mem>>)
        %while3A_177 = arith.constant 0 : i32
        scf.yield %while3A_177 : i32
      }
      %while3A_164 = arith.constant 1 : i32
      %while3A_165 = scf.for %while3A_166 = %while3A_161 to %while3A_157 step %while3A_164 iter_args(%while3A_167 = %while3A_163) -> (i32)  : i32 {
        %dma_start3A_168 = arith.constant 0 : i32
        %dma_start3A_169 = arith.constant 0 : i32
        %dma_start3A_170 = arith.constant 0 : i32
        %dma_start3A_171 = tpu.memref_slice %arg7[%dma_start3A_168, %while3A_166, %dma_start3A_169, %dma_start3A_170] : memref<1x512x96x512xf32, #tpu.memory_space<hbm>> -> memref<1x1x96x512xf32, #tpu.memory_space<hbm>>
        %dma_start3A_172 = tpu.memref_squeeze %dma_start3A_171 : memref<1x1x96x512xf32, #tpu.memory_space<hbm>> -> memref<96x512xf32, #tpu.memory_space<hbm>>
        %dma_start3A_173 = arith.constant 0 : i32
        %dma_start3A_174 = arith.constant 0 : i32
        %dma_start3A_175 = tpu.memref_slice %arg7[%dma_start3A_168, %while3A_166, %dma_start3A_173, %dma_start3A_174] : memref<1x512x96x512xf32, #tpu.memory_space<hbm>> -> memref<1x1x96x512xf32, #tpu.memory_space<hbm>>
        %dma_start3A_176 = tpu.memref_squeeze %dma_start3A_175 : memref<1x1x96x512xf32, #tpu.memory_space<hbm>> -> memref<96x512xf32, #tpu.memory_space<hbm>>
        tpu.enqueue_dma source(%arg10 : memref<96x512xf32, #tpu.memory_space<vmem>>) target(%dma_start3A_176 : memref<96x512xf32, #tpu.memory_space<hbm>>) target_semaphore(%arg19 : memref<!tpu.dma_semaphore, #tpu.memory_space<semaphore_mem>>)
        %while3A_177 = arith.constant 0 : i32
        scf.yield %while3A_177 : i32
      }
      scf.yield %max3A, %min3A : i32, i32
    }
    %while3A_47 = arith.constant 1 : i32
    %while3A_48:2 = scf.for %while3A_60 = %while3A_44 to %while3A_40 step %while3A_47 iter_args(%while3A_61 = %while3A_46#0, %while3A_62 = %while3A_46#1) -> (i32, i32)  : i32 {
      %get3A_63 = arith.index_cast %while3A_60 : i32 to index
      %get3A_64 = memref.load %arg16[%get3A_63] : memref<512xi32, #tpu.memory_space<smem>>
      %and3A = arith.constant 1023 : i32
      %and3A_65 = arith.andi %get3A_64, %and3A : i32
      %shift_right_logical3A = arith.constant 10 : i32
      %shift_right_logical3A_66 = arith.shrui %get3A_64, %shift_right_logical3A : i32
      %broadcast_in_dim3A_67 = arith.constant 1.000000e+00 : f32
      %broadcast_in_dim3A_68 = vector.broadcast %broadcast_in_dim3A_67 : f32 to vector<16xf32>
      %convert_element_type3A = arith.sitofp %shift_right_logical3A_66 : i32 to f32
      %broadcast_in_dim3A_69 = vector.broadcast %convert_element_type3A : f32 to vector<16xf32>
      %div3A = arith.divf %broadcast_in_dim3A_68, %broadcast_in_dim3A_69 : vector<16xf32>
      %slice3A_70 = vector.extract_strided_slice %div3A {offsets = [0], sizes = [1], strides = [1]} : vector<16xf32> to vector<1xf32>
      %squeeze3A_71 = vector.extract %slice3A_70[0] : f32 from vector<1xf32>
      %dma_start3A = arith.constant 0 : i32
      %dma_start3A_72 = arith.constant 0 : i32
      %dma_start3A_73 = arith.constant 0 : i32
      %dma_start3A_74 = arith.constant 0 : i32
      %dma_start3A_75 = tpu.memref_slice %arg8[%dma_start3A_72, %dma_start3A_73, %dma_start3A_74] : memref<2x128x96xf32, #tpu.memory_space<vmem>> -> memref<1x128x96xf32, #tpu.memory_space<vmem>>
      %dma_start3A_76 = tpu.memref_squeeze %dma_start3A_75 : memref<1x128x96xf32, #tpu.memory_space<vmem>> -> memref<128x96xf32, #tpu.memory_space<vmem>>
      %dma_start3A_77 = arith.constant 0 : i32
      %dma_start3A_78 = arith.constant 0 : i32
      %dma_start3A_79 = tpu.memref_slice %arg2[%dma_start3A, %and3A_65, %dma_start3A_77, %dma_start3A_78] : memref<1x512x512x96xf32, #tpu.memory_space<hbm>> -> memref<1x1x128x96xf32, #tpu.memory_space<hbm>>
      %dma_start3A_80 = tpu.memref_squeeze %dma_start3A_79 : memref<1x1x128x96xf32, #tpu.memory_space<hbm>> -> memref<128x96xf32, #tpu.memory_space<hbm>>
      %dma_start3A_81 = arith.constant 0 : i32
      %dma_start3A_82 = arith.constant 0 : i32
      %dma_start3A_83 = tpu.memref_slice %arg8[%dma_start3A_72, %dma_start3A_81, %dma_start3A_82] : memref<2x128x96xf32, #tpu.memory_space<vmem>> -> memref<1x128x96xf32, #tpu.memory_space<vmem>>
      %dma_start3A_84 = tpu.memref_squeeze %dma_start3A_83 : memref<1x128x96xf32, #tpu.memory_space<vmem>> -> memref<128x96xf32, #tpu.memory_space<vmem>>
      %dma_start3A_85 = arith.constant 0 : i32
      %dma_start3A_86 = arith.constant 0 : i32
      %dma_start3A_87 = tpu.memref_slice %arg2[%dma_start3A, %and3A_65, %dma_start3A_85, %dma_start3A_86] : memref<1x512x512x96xf32, #tpu.memory_space<hbm>> -> memref<1x1x128x96xf32, #tpu.memory_space<hbm>>
      %dma_start3A_88 = tpu.memref_squeeze %dma_start3A_87 : memref<1x1x128x96xf32, #tpu.memory_space<hbm>> -> memref<128x96xf32, #tpu.memory_space<hbm>>
      tpu.enqueue_dma source(%dma_start3A_88 : memref<128x96xf32, #tpu.memory_space<hbm>>) target(%dma_start3A_84 : memref<128x96xf32, #tpu.memory_space<vmem>>) target_semaphore(%arg18 : memref<!tpu.dma_semaphore, #tpu.memory_space<semaphore_mem>>)
      %add3A_89 = arith.constant 63 : i32
      %add3A_90 = arith.addi %add3A_12, %add3A_89 : i32
      %jit3A = arith.constant 64 : i32
      %div3A_91 = arith.divsi %add3A_90, %jit3A : i32
      %sign3A = arith.constant 0 : i32
      %sign3A_92 = arith.cmpi sgt, %add3A_90, %sign3A : i32
      %sign3A_93 = arith.extui %sign3A_92 : i1 to i32
      %sign3A_94 = arith.constant 0 : i32
      %sign3A_95 = arith.cmpi slt, %add3A_90, %sign3A_94 : i32
      %sign3A_96 = arith.extui %sign3A_95 : i1 to i32
      %sign3A_97 = arith.subi %sign3A_93, %sign3A_96 : i32
      %sign3A_98 = arith.constant 0 : i32
      %sign3A_99 = arith.cmpi sgt, %jit3A, %sign3A_98 : i32
      %sign3A_100 = arith.extui %sign3A_99 : i1 to i32
      %sign3A_101 = arith.constant 0 : i32
      %sign3A_102 = arith.cmpi slt, %jit3A, %sign3A_101 : i32
      %sign3A_103 = arith.extui %sign3A_102 : i1 to i32
      %sign3A_104 = arith.subi %sign3A_100, %sign3A_103 : i32
      %ne3A = arith.cmpi ne, %sign3A_97, %sign3A_104 : i32
      %rem3A = arith.remsi %add3A_90, %jit3A : i32
      %ne3A_105 = arith.constant 0 : i32
      %ne3A_106 = arith.cmpi ne, %rem3A, %ne3A_105 : i32
      %and3A_107 = arith.andi %ne3A, %ne3A_106 : i1
      %sub3A_108 = arith.constant 1 : i32
      %sub3A_109 = arith.subi %div3A_91, %sub3A_108 : i32
      %select_n3A = arith.select %and3A_107, %sub3A_109, %div3A_91 : i32
      %while3A_110 = arith.constant 0 : i32
      %while3A_111 = arith.constant 0 : i32
      %while3A_112 = arith.subi %select_n3A, %while3A_110 : i32
      %while3A_113 = arith.addi %while3A_110, %while3A_112 : i32
      %while3A_114 = arith.constant 1 : i32
      %while3A_115 = arith.divsi %while3A_112, %while3A_114 : i32
      %while3A_116 = arith.muli %while3A_115, %while3A_114 : i32
      %while3A_117 = arith.addi %while3A_110, %while3A_116 : i32
      %while3A_118 = arith.constant 1 : i32
      %while3A_119 = scf.for %while3A_166 = %while3A_110 to %while3A_117 step %while3A_118 iter_args(%while3A_167 = %while3A_111) -> (i32)  : i32 {
        %mul3A_168 = arith.constant 64 : i32
        %mul3A_169 = arith.muli %while3A_166, %mul3A_168 : i32
        %add3A_170 = arith.constant 0 : i32
        %add3A_171 = arith.addi %mul3A_169, %add3A_170 : i32
        %swap3A = arith.index_cast %add3A_171 : i32 to index
        %swap3A_172 = tpu.vector_load %arg9[%swap3A] {strides = array<i32>} : memref<27936xf32, #tpu.memory_space<vmem>>, vector<16xf32>,
        tpu.vector_store %arg9[%swap3A], %broadcast_in_dim3A_35 {strides = array<i32>} : memref<27936xf32, #tpu.memory_space<vmem>>, vector<16xf32>,
        %mul3A_173 = arith.constant 64 : i32
        %mul3A_174 = arith.muli %while3A_166, %mul3A_173 : i32
        %add3A_175 = arith.constant 16 : i32
        %add3A_176 = arith.addi %mul3A_174, %add3A_175 : i32
        %swap3A_177 = arith.index_cast %add3A_176 : i32 to index
        %swap3A_178 = tpu.vector_load %arg9[%swap3A_177] {strides = array<i32>} : memref<27936xf32, #tpu.memory_space<vmem>>, vector<16xf32>,
        tpu.vector_store %arg9[%swap3A_177], %broadcast_in_dim3A_35 {strides = array<i32>} : memref<27936xf32, #tpu.memory_space<vmem>>, vector<16xf32>,
        %mul3A_179 = arith.constant 64 : i32
        %mul3A_180 = arith.muli %while3A_166, %mul3A_179 : i32
        %add3A_181 = arith.constant 32 : i32
        %add3A_182 = arith.addi %mul3A_180, %add3A_181 : i32
        %swap3A_183 = arith.index_cast %add3A_182 : i32 to index
        %swap3A_184 = tpu.vector_load %arg9[%swap3A_183] {strides = array<i32>} : memref<27936xf32, #tpu.memory_space<vmem>>, vector<16xf32>,
        tpu.vector_store %arg9[%swap3A_183], %broadcast_in_dim3A_35 {strides = array<i32>} : memref<27936xf32, #tpu.memory_space<vmem>>, vector<16xf32>,
        %mul3A_185 = arith.constant 64 : i32
        %mul3A_186 = arith.muli %while3A_166, %mul3A_185 : i32
        %add3A_187 = arith.constant 48 : i32
        %add3A_188 = arith.addi %mul3A_186, %add3A_187 : i32
        %swap3A_189 = arith.index_cast %add3A_188 : i32 to index
        %swap3A_190 = tpu.vector_load %arg9[%swap3A_189] {strides = array<i32>} : memref<27936xf32, #tpu.memory_space<vmem>>, vector<16xf32>,
        tpu.vector_store %arg9[%swap3A_189], %broadcast_in_dim3A_35 {strides = array<i32>} : memref<27936xf32, #tpu.memory_space<vmem>>, vector<16xf32>,
        %while3A_191 = arith.constant 0 : i32
        scf.yield %while3A_191 : i32
      }
      %while3A_120 = arith.constant 1 : i32
      %while3A_121 = scf.for %while3A_166 = %while3A_117 to %while3A_113 step %while3A_120 iter_args(%while3A_167 = %while3A_119) -> (i32)  : i32 {
        %mul3A_168 = arith.constant 64 : i32
        %mul3A_169 = arith.muli %while3A_166, %mul3A_168 : i32
        %add3A_170 = arith.constant 0 : i32
        %add3A_171 = arith.addi %mul3A_169, %add3A_170 : i32
        %swap3A = arith.index_cast %add3A_171 : i32 to index
        %swap3A_172 = tpu.vector_load %arg9[%swap3A] {strides = array<i32>} : memref<27936xf32, #tpu.memory_space<vmem>>, vector<16xf32>,
        tpu.vector_store %arg9[%swap3A], %broadcast_in_dim3A_35 {strides = array<i32>} : memref<27936xf32, #tpu.memory_space<vmem>>, vector<16xf32>,
        %mul3A_173 = arith.constant 64 : i32
        %mul3A_174 = arith.muli %while3A_166, %mul3A_173 : i32
        %add3A_175 = arith.constant 16 : i32
        %add3A_176 = arith.addi %mul3A_174, %add3A_175 : i32
        %swap3A_177 = arith.index_cast %add3A_176 : i32 to index
        %swap3A_178 = tpu.vector_load %arg9[%swap3A_177] {strides = array<i32>} : memref<27936xf32, #tpu.memory_space<vmem>>, vector<16xf32>,
        tpu.vector_store %arg9[%swap3A_177], %broadcast_in_dim3A_35 {strides = array<i32>} : memref<27936xf32, #tpu.memory_space<vmem>>, vector<16xf32>,
        %mul3A_179 = arith.constant 64 : i32
        %mul3A_180 = arith.muli %while3A_166, %mul3A_179 : i32
        %add3A_181 = arith.constant 32 : i32
        %add3A_182 = arith.addi %mul3A_180, %add3A_181 : i32
        %swap3A_183 = arith.index_cast %add3A_182 : i32 to index
        %swap3A_184 = tpu.vector_load %arg9[%swap3A_183] {strides = array<i32>} : memref<27936xf32, #tpu.memory_space<vmem>>, vector<16xf32>,
        tpu.vector_store %arg9[%swap3A_183], %broadcast_in_dim3A_35 {strides = array<i32>} : memref<27936xf32, #tpu.memory_space<vmem>>, vector<16xf32>,
        %mul3A_185 = arith.constant 64 : i32
        %mul3A_186 = arith.muli %while3A_166, %mul3A_185 : i32
        %add3A_187 = arith.constant 48 : i32
        %add3A_188 = arith.addi %mul3A_186, %add3A_187 : i32
        %swap3A_189 = arith.index_cast %add3A_188 : i32 to index
        %swap3A_190 = tpu.vector_load %arg9[%swap3A_189] {strides = array<i32>} : memref<27936xf32, #tpu.memory_space<vmem>>, vector<16xf32>,
        tpu.vector_store %arg9[%swap3A_189], %broadcast_in_dim3A_35 {strides = array<i32>} : memref<27936xf32, #tpu.memory_space<vmem>>, vector<16xf32>,
        %while3A_191 = arith.constant 0 : i32
        scf.yield %while3A_191 : i32
      }
      %add3A_122 = arith.addi %and3A_65, %shift_right_logical3A_66 : i32
      %while3A_123 = arith.constant 0 : i32
      %while3A_124 = arith.subi %add3A_122, %and3A_65 : i32
      %while3A_125 = arith.addi %and3A_65, %while3A_124 : i32
      %while3A_126 = arith.constant 1 : i32
      %while3A_127 = arith.divsi %while3A_124, %while3A_126 : i32
      %while3A_128 = arith.muli %while3A_127, %while3A_126 : i32
      %while3A_129 = arith.addi %and3A_65, %while3A_128 : i32
      %while3A_130 = arith.constant 1 : i32
      %while3A_131 = scf.for %while3A_166 = %and3A_65 to %while3A_129 step %while3A_130 iter_args(%while3A_167 = %while3A_123) -> (i32)  : i32 {
        %dma_start3A_168 = arith.constant 0 : i32
        %dma_start3A_169 = arith.constant 1 : i32
        %dma_start3A_170 = arith.constant 0 : i32
        %dma_start3A_171 = arith.constant 0 : i32
        %dma_start3A_172 = tpu.memref_slice %arg8[%dma_start3A_169, %dma_start3A_170, %dma_start3A_171] : memref<2x128x96xf32, #tpu.memory_space<vmem>> -> memref<1x128x96xf32, #tpu.memory_space<vmem>>
        %dma_start3A_173 = tpu.memref_squeeze %dma_start3A_172 : memref<1x128x96xf32, #tpu.memory_space<vmem>> -> memref<128x96xf32, #tpu.memory_space<vmem>>
        %dma_start3A_174 = arith.constant 128 : i32
        %dma_start3A_175 = arith.constant 0 : i32
        %dma_start3A_176 = tpu.memref_slice %arg2[%dma_start3A_168, %while3A_166, %dma_start3A_174, %dma_start3A_175] : memref<1x512x512x96xf32, #tpu.memory_space<hbm>> -> memref<1x1x128x96xf32, #tpu.memory_space<hbm>>
        %dma_start3A_177 = tpu.memref_squeeze %dma_start3A_176 : memref<1x1x128x96xf32, #tpu.memory_space<hbm>> -> memref<128x96xf32, #tpu.memory_space<hbm>>
        %dma_start3A_178 = arith.constant 0 : i32
        %dma_start3A_179 = arith.constant 0 : i32
        %dma_start3A_180 = tpu.memref_slice %arg8[%dma_start3A_169, %dma_start3A_178, %dma_start3A_179] : memref<2x128x96xf32, #tpu.memory_space<vmem>> -> memref<1x128x96xf32, #tpu.memory_space<vmem>>
        %dma_start3A_181 = tpu.memref_squeeze %dma_start3A_180 : memref<1x128x96xf32, #tpu.memory_space<vmem>> -> memref<128x96xf32, #tpu.memory_space<vmem>>
        %dma_start3A_182 = arith.constant 128 : i32
        %dma_start3A_183 = arith.constant 0 : i32
        %dma_start3A_184 = tpu.memref_slice %arg2[%dma_start3A_168, %while3A_166, %dma_start3A_182, %dma_start3A_183] : memref<1x512x512x96xf32, #tpu.memory_space<hbm>> -> memref<1x1x128x96xf32, #tpu.memory_space<hbm>>
        %dma_start3A_185 = tpu.memref_squeeze %dma_start3A_184 : memref<1x1x128x96xf32, #tpu.memory_space<hbm>> -> memref<128x96xf32, #tpu.memory_space<hbm>>
        tpu.enqueue_dma source(%dma_start3A_185 : memref<128x96xf32, #tpu.memory_space<hbm>>) target(%dma_start3A_181 : memref<128x96xf32, #tpu.memory_space<vmem>>) target_semaphore(%arg17 : memref<!tpu.dma_semaphore, #tpu.memory_space<semaphore_mem>>)
        %dma_wait3A = arith.constant 0 : i32
        %dma_wait3A_186 = arith.constant 0 : i32
        %dma_wait3A_187 = arith.constant 0 : i32
        %dma_wait3A_188 = arith.constant 0 : i32
        %dma_wait3A_189 = tpu.memref_slice %arg8[%dma_wait3A_186, %dma_wait3A_187, %dma_wait3A_188] : memref<2x128x96xf32, #tpu.memory_space<vmem>> -> memref<1x128x96xf32, #tpu.memory_space<vmem>>
        %dma_wait3A_190 = tpu.memref_squeeze %dma_wait3A_189 : memref<1x128x96xf32, #tpu.memory_space<vmem>> -> memref<128x96xf32, #tpu.memory_space<vmem>>
        %dma_wait3A_191 = arith.constant 0 : i32
        %dma_wait3A_192 = arith.constant 0 : i32
        %dma_wait3A_193 = tpu.memref_slice %arg2[%dma_wait3A, %while3A_166, %dma_wait3A_191, %dma_wait3A_192] : memref<1x512x512x96xf32, #tpu.memory_space<hbm>> -> memref<1x1x128x96xf32, #tpu.memory_space<hbm>>
        %dma_wait3A_194 = tpu.memref_squeeze %dma_wait3A_193 : memref<1x1x128x96xf32, #tpu.memory_space<hbm>> -> memref<128x96xf32, #tpu.memory_space<hbm>>
        %dma_wait3A_195 = arith.constant 0 : i32
        %dma_wait3A_196 = arith.constant 0 : i32
        %dma_wait3A_197 = tpu.memref_slice %arg8[%dma_wait3A_186, %dma_wait3A_195, %dma_wait3A_196] : memref<2x128x96xf32, #tpu.memory_space<vmem>> -> memref<1x128x96xf32, #tpu.memory_space<vmem>>
        %dma_wait3A_198 = tpu.memref_squeeze %dma_wait3A_197 : memref<1x128x96xf32, #tpu.memory_space<vmem>> -> memref<128x96xf32, #tpu.memory_space<vmem>>
        %dma_wait3A_199 = arith.constant 0 : i32
        %dma_wait3A_200 = arith.constant 0 : i32
        %dma_wait3A_201 = tpu.memref_slice %arg2[%dma_wait3A, %while3A_166, %dma_wait3A_199, %dma_wait3A_200] : memref<1x512x512x96xf32, #tpu.memory_space<hbm>> -> memref<1x1x128x96xf32, #tpu.memory_space<hbm>>
        %dma_wait3A_202 = tpu.memref_squeeze %dma_wait3A_201 : memref<1x1x128x96xf32, #tpu.memory_space<hbm>> -> memref<128x96xf32, #tpu.memory_space<hbm>>
        tpu.wait_dma2 semaphore(%arg18 : memref<!tpu.dma_semaphore, #tpu.memory_space<semaphore_mem>>) src(%dma_wait3A_202 : memref<128x96xf32, #tpu.memory_space<hbm>>) dst(%dma_wait3A_198 : memref<128x96xf32, #tpu.memory_space<vmem>>)
        %scan3A_203 = arith.constant 0 : i32
        %scan3A_204 = arith.constant 0 : i32
        %scan3A_205 = arith.constant 64 : i32
        %scan3A_206 = arith.addi %scan3A_204, %scan3A_205 : i32
        %scan3A_207 = arith.constant 1 : i32
        %scan3A_208 = scf.for %scan3A_327 = %scan3A_204 to %scan3A_206 step %scan3A_207 iter_args(%scan3A_328 = %scan3A_203) -> (i32)  : i32 {
          %mul3A_329 = arith.constant 2 : i32
          %mul3A_330 = arith.muli %scan3A_327, %mul3A_329 : i32
          %add3A_331 = arith.constant 0 : i32
          %add3A_332 = arith.addi %add3A_331, %mul3A_330 : i32
          %get3A_333 = arith.index_cast %add3A_332 : i32 to index
          %get3A_334 = memref.load %arg14[%get3A_333] : memref<512xi32, #tpu.memory_space<smem>>
          %add3A_335 = arith.constant 0 : i32
          %add3A_336 = arith.addi %add3A_335, %mul3A_330 : i32
          %add3A_337 = arith.constant 1 : i32
          %add3A_338 = arith.addi %add3A_336, %add3A_337 : i32
          %get3A_339 = arith.index_cast %add3A_338 : i32 to index
          %get3A_340 = memref.load %arg14[%get3A_339] : memref<512xi32, #tpu.memory_space<smem>>
          %add3A_341 = arith.constant 0 : i32
          %add3A_342 = arith.addi %add3A_341, %mul3A_330 : i32
          %get3A_343 = arith.index_cast %add3A_342 : i32 to index
          %get3A_344 = memref.load %arg15[%get3A_343] : memref<512xf32, #tpu.memory_space<smem>>
          %mul3A_345 = arith.mulf %squeeze3A_71, %get3A_344 : f32
          %broadcast_in_dim3A_346 = vector.broadcast %mul3A_345 : f32 to vector<16xf32>
          %add3A_347 = arith.constant 0 : i32
          %add3A_348 = arith.addi %add3A_347, %mul3A_330 : i32
          %add3A_349 = arith.constant 1 : i32
          %add3A_350 = arith.addi %add3A_348, %add3A_349 : i32
          %get3A_351 = arith.index_cast %add3A_350 : i32 to index
          %get3A_352 = memref.load %arg15[%get3A_351] : memref<512xf32, #tpu.memory_space<smem>>
          %mul3A_353 = arith.mulf %squeeze3A_71, %get3A_352 : f32
          %broadcast_in_dim3A_354 = vector.broadcast %mul3A_353 : f32 to vector<16xf32>
          %get3A_355 = arith.constant 0 : i32
          %get3A_356 = arith.index_cast %get3A_355 : i32 to index
          %get3A_357 = arith.index_cast %mul3A_330 : i32 to index
          %get3A_358 = arith.constant 0 : index
          %get3A_359 = tpu.vector_load %arg8[%get3A_356, %get3A_357, %get3A_358] {strides = array<i32>} : memref<2x128x96xf32, #tpu.memory_space<vmem>>, vector<16xf32>,
          %mul3A_360 = arith.mulf %get3A_359, %broadcast_in_dim3A_346 : vector<16xf32>
          %get3A_361 = arith.constant 0 : i32
          %get3A_362 = arith.index_cast %get3A_361 : i32 to index
          %get3A_363 = arith.index_cast %mul3A_330 : i32 to index
          %get3A_364 = arith.constant 16 : index
          %get3A_365 = tpu.vector_load %arg8[%get3A_362, %get3A_363, %get3A_364] {strides = array<i32>} : memref<2x128x96xf32, #tpu.memory_space<vmem>>, vector<16xf32>,
          %mul3A_366 = arith.mulf %get3A_365, %broadcast_in_dim3A_346 : vector<16xf32>
          %get3A_367 = arith.constant 0 : i32
          %get3A_368 = arith.index_cast %get3A_367 : i32 to index
          %get3A_369 = arith.index_cast %mul3A_330 : i32 to index
          %get3A_370 = arith.constant 32 : index
          %get3A_371 = tpu.vector_load %arg8[%get3A_368, %get3A_369, %get3A_370] {strides = array<i32>} : memref<2x128x96xf32, #tpu.memory_space<vmem>>, vector<16xf32>,
          %mul3A_372 = arith.mulf %get3A_371, %broadcast_in_dim3A_346 : vector<16xf32>
          %get3A_373 = arith.constant 0 : i32
          %get3A_374 = arith.index_cast %get3A_373 : i32 to index
          %get3A_375 = arith.index_cast %mul3A_330 : i32 to index
          %get3A_376 = arith.constant 48 : index
          %get3A_377 = tpu.vector_load %arg8[%get3A_374, %get3A_375, %get3A_376] {strides = array<i32>} : memref<2x128x96xf32, #tpu.memory_space<vmem>>, vector<16xf32>,
          %mul3A_378 = arith.mulf %get3A_377, %broadcast_in_dim3A_346 : vector<16xf32>
          %get3A_379 = arith.constant 0 : i32
          %get3A_380 = arith.index_cast %get3A_379 : i32 to index
          %get3A_381 = arith.index_cast %mul3A_330 : i32 to index
          %get3A_382 = arith.constant 64 : index
          %get3A_383 = tpu.vector_load %arg8[%get3A_380, %get3A_381, %get3A_382] {strides = array<i32>} : memref<2x128x96xf32, #tpu.memory_space<vmem>>, vector<16xf32>,
          %mul3A_384 = arith.mulf %get3A_383, %broadcast_in_dim3A_346 : vector<16xf32>
          %get3A_385 = arith.constant 0 : i32
          %get3A_386 = arith.index_cast %get3A_385 : i32 to index
          %get3A_387 = arith.index_cast %mul3A_330 : i32 to index
          %get3A_388 = arith.constant 80 : index
          %get3A_389 = tpu.vector_load %arg8[%get3A_386, %get3A_387, %get3A_388] {strides = array<i32>} : memref<2x128x96xf32, #tpu.memory_space<vmem>>, vector<16xf32>,
          %mul3A_390 = arith.mulf %get3A_389, %broadcast_in_dim3A_346 : vector<16xf32>
          %add3A_391 = arith.constant 1 : i32
          %add3A_392 = arith.addi %mul3A_330, %add3A_391 : i32
          %get3A_393 = arith.constant 0 : i32
          %get3A_394 = arith.index_cast %get3A_393 : i32 to index
          %get3A_395 = arith.index_cast %add3A_392 : i32 to index
          %get3A_396 = arith.constant 0 : index
          %get3A_397 = tpu.vector_load %arg8[%get3A_394, %get3A_395, %get3A_396] {strides = array<i32>} : memref<2x128x96xf32, #tpu.memory_space<vmem>>, vector<16xf32>,
          %mul3A_398 = arith.mulf %get3A_397, %broadcast_in_dim3A_354 : vector<16xf32>
          %add3A_399 = arith.constant 1 : i32
          %add3A_400 = arith.addi %mul3A_330, %add3A_399 : i32
          %get3A_401 = arith.constant 0 : i32
          %get3A_402 = arith.index_cast %get3A_401 : i32 to index
          %get3A_403 = arith.index_cast %add3A_400 : i32 to index
          %get3A_404 = arith.constant 16 : index
          %get3A_405 = tpu.vector_load %arg8[%get3A_402, %get3A_403, %get3A_404] {strides = array<i32>} : memref<2x128x96xf32, #tpu.memory_space<vmem>>, vector<16xf32>,
          %mul3A_406 = arith.mulf %get3A_405, %broadcast_in_dim3A_354 : vector<16xf32>
          %add3A_407 = arith.constant 1 : i32
          %add3A_408 = arith.addi %mul3A_330, %add3A_407 : i32
          %get3A_409 = arith.constant 0 : i32
          %get3A_410 = arith.index_cast %get3A_409 : i32 to index
          %get3A_411 = arith.index_cast %add3A_408 : i32 to index
          %get3A_412 = arith.constant 32 : index
          %get3A_413 = tpu.vector_load %arg8[%get3A_410, %get3A_411, %get3A_412] {strides = array<i32>} : memref<2x128x96xf32, #tpu.memory_space<vmem>>, vector<16xf32>,
          %mul3A_414 = arith.mulf %get3A_413, %broadcast_in_dim3A_354 : vector<16xf32>
          %add3A_415 = arith.constant 1 : i32
          %add3A_416 = arith.addi %mul3A_330, %add3A_415 : i32
          %get3A_417 = arith.constant 0 : i32
          %get3A_418 = arith.index_cast %get3A_417 : i32 to index
          %get3A_419 = arith.index_cast %add3A_416 : i32 to index
          %get3A_420 = arith.constant 48 : index
          %get3A_421 = tpu.vector_load %arg8[%get3A_418, %get3A_419, %get3A_420] {strides = array<i32>} : memref<2x128x96xf32, #tpu.memory_space<vmem>>, vector<16xf32>,
          %mul3A_422 = arith.mulf %get3A_421, %broadcast_in_dim3A_354 : vector<16xf32>
          %add3A_423 = arith.constant 1 : i32
          %add3A_424 = arith.addi %mul3A_330, %add3A_423 : i32
          %get3A_425 = arith.constant 0 : i32
          %get3A_426 = arith.index_cast %get3A_425 : i32 to index
          %get3A_427 = arith.index_cast %add3A_424 : i32 to index
          %get3A_428 = arith.constant 64 : index
          %get3A_429 = tpu.vector_load %arg8[%get3A_426, %get3A_427, %get3A_428] {strides = array<i32>} : memref<2x128x96xf32, #tpu.memory_space<vmem>>, vector<16xf32>,
          %mul3A_430 = arith.mulf %get3A_429, %broadcast_in_dim3A_354 : vector<16xf32>
          %add3A_431 = arith.constant 1 : i32
          %add3A_432 = arith.addi %mul3A_330, %add3A_431 : i32
          %get3A_433 = arith.constant 0 : i32
          %get3A_434 = arith.index_cast %get3A_433 : i32 to index
          %get3A_435 = arith.index_cast %add3A_432 : i32 to index
          %get3A_436 = arith.constant 80 : index
          %get3A_437 = tpu.vector_load %arg8[%get3A_434, %get3A_435, %get3A_436] {strides = array<i32>} : memref<2x128x96xf32, #tpu.memory_space<vmem>>, vector<16xf32>,
          %mul3A_438 = arith.mulf %get3A_437, %broadcast_in_dim3A_354 : vector<16xf32>
          %add3A_439 = arith.constant 0 : i32
          %add3A_440 = arith.addi %get3A_334, %add3A_439 : i32
          %swap3A = arith.index_cast %add3A_440 : i32 to index
          %swap3A_441 = tpu.vector_load %arg9[%swap3A] {strides = array<i32>} : memref<27936xf32, #tpu.memory_space<vmem>>, vector<16xf32>,
          tpu.vector_store %arg9[%swap3A], %mul3A_360 {add = true, strides = array<i32>} : memref<27936xf32, #tpu.memory_space<vmem>>, vector<16xf32>,
          %add3A_442 = arith.constant 16 : i32
          %add3A_443 = arith.addi %get3A_334, %add3A_442 : i32
          %swap3A_444 = arith.index_cast %add3A_443 : i32 to index
          %swap3A_445 = tpu.vector_load %arg9[%swap3A_444] {strides = array<i32>} : memref<27936xf32, #tpu.memory_space<vmem>>, vector<16xf32>,
          tpu.vector_store %arg9[%swap3A_444], %mul3A_366 {add = true, strides = array<i32>} : memref<27936xf32, #tpu.memory_space<vmem>>, vector<16xf32>,
          %add3A_446 = arith.constant 32 : i32
          %add3A_447 = arith.addi %get3A_334, %add3A_446 : i32
          %swap3A_448 = arith.index_cast %add3A_447 : i32 to index
          %swap3A_449 = tpu.vector_load %arg9[%swap3A_448] {strides = array<i32>} : memref<27936xf32, #tpu.memory_space<vmem>>, vector<16xf32>,
          tpu.vector_store %arg9[%swap3A_448], %mul3A_372 {add = true, strides = array<i32>} : memref<27936xf32, #tpu.memory_space<vmem>>, vector<16xf32>,
          %add3A_450 = arith.constant 48 : i32
          %add3A_451 = arith.addi %get3A_334, %add3A_450 : i32
          %swap3A_452 = arith.index_cast %add3A_451 : i32 to index
          %swap3A_453 = tpu.vector_load %arg9[%swap3A_452] {strides = array<i32>} : memref<27936xf32, #tpu.memory_space<vmem>>, vector<16xf32>,
          tpu.vector_store %arg9[%swap3A_452], %mul3A_378 {add = true, strides = array<i32>} : memref<27936xf32, #tpu.memory_space<vmem>>, vector<16xf32>,
          %add3A_454 = arith.constant 64 : i32
          %add3A_455 = arith.addi %get3A_334, %add3A_454 : i32
          %swap3A_456 = arith.index_cast %add3A_455 : i32 to index
          %swap3A_457 = tpu.vector_load %arg9[%swap3A_456] {strides = array<i32>} : memref<27936xf32, #tpu.memory_space<vmem>>, vector<16xf32>,
          tpu.vector_store %arg9[%swap3A_456], %mul3A_384 {add = true, strides = array<i32>} : memref<27936xf32, #tpu.memory_space<vmem>>, vector<16xf32>,
          %add3A_458 = arith.constant 80 : i32
          %add3A_459 = arith.addi %get3A_334, %add3A_458 : i32
          %swap3A_460 = arith.index_cast %add3A_459 : i32 to index
          %swap3A_461 = tpu.vector_load %arg9[%swap3A_460] {strides = array<i32>} : memref<27936xf32, #tpu.memory_space<vmem>>, vector<16xf32>,
          tpu.vector_store %arg9[%swap3A_460], %mul3A_390 {add = true, strides = array<i32>} : memref<27936xf32, #tpu.memory_space<vmem>>, vector<16xf32>,
          %add3A_462 = arith.constant 0 : i32
          %add3A_463 = arith.addi %get3A_340, %add3A_462 : i32
          %swap3A_464 = arith.index_cast %add3A_463 : i32 to index
          %swap3A_465 = tpu.vector_load %arg9[%swap3A_464] {strides = array<i32>} : memref<27936xf32, #tpu.memory_space<vmem>>, vector<16xf32>,
          tpu.vector_store %arg9[%swap3A_464], %mul3A_398 {add = true, strides = array<i32>} : memref<27936xf32, #tpu.memory_space<vmem>>, vector<16xf32>,
          %add3A_466 = arith.constant 16 : i32
          %add3A_467 = arith.addi %get3A_340, %add3A_466 : i32
          %swap3A_468 = arith.index_cast %add3A_467 : i32 to index
          %swap3A_469 = tpu.vector_load %arg9[%swap3A_468] {strides = array<i32>} : memref<27936xf32, #tpu.memory_space<vmem>>, vector<16xf32>,
          tpu.vector_store %arg9[%swap3A_468], %mul3A_406 {add = true, strides = array<i32>} : memref<27936xf32, #tpu.memory_space<vmem>>, vector<16xf32>,
          %add3A_470 = arith.constant 32 : i32
          %add3A_471 = arith.addi %get3A_340, %add3A_470 : i32
          %swap3A_472 = arith.index_cast %add3A_471 : i32 to index
          %swap3A_473 = tpu.vector_load %arg9[%swap3A_472] {strides = array<i32>} : memref<27936xf32, #tpu.memory_space<vmem>>, vector<16xf32>,
          tpu.vector_store %arg9[%swap3A_472], %mul3A_414 {add = true, strides = array<i32>} : memref<27936xf32, #tpu.memory_space<vmem>>, vector<16xf32>,
          %add3A_474 = arith.constant 48 : i32
          %add3A_475 = arith.addi %get3A_340, %add3A_474 : i32
          %swap3A_476 = arith.index_cast %add3A_475 : i32 to index
          %swap3A_477 = tpu.vector_load %arg9[%swap3A_476] {strides = array<i32>} : memref<27936xf32, #tpu.memory_space<vmem>>, vector<16xf32>,
          tpu.vector_store %arg9[%swap3A_476], %mul3A_422 {add = true, strides = array<i32>} : memref<27936xf32, #tpu.memory_space<vmem>>, vector<16xf32>,
          %add3A_478 = arith.constant 64 : i32
          %add3A_479 = arith.addi %get3A_340, %add3A_478 : i32
          %swap3A_480 = arith.index_cast %add3A_479 : i32 to index
          %swap3A_481 = tpu.vector_load %arg9[%swap3A_480] {strides = array<i32>} : memref<27936xf32, #tpu.memory_space<vmem>>, vector<16xf32>,
          tpu.vector_store %arg9[%swap3A_480], %mul3A_430 {add = true, strides = array<i32>} : memref<27936xf32, #tpu.memory_space<vmem>>, vector<16xf32>,
          %add3A_482 = arith.constant 80 : i32
          %add3A_483 = arith.addi %get3A_340, %add3A_482 : i32
          %swap3A_484 = arith.index_cast %add3A_483 : i32 to index
          %swap3A_485 = tpu.vector_load %arg9[%swap3A_484] {strides = array<i32>} : memref<27936xf32, #tpu.memory_space<vmem>>, vector<16xf32>,
          tpu.vector_store %arg9[%swap3A_484], %mul3A_438 {add = true, strides = array<i32>} : memref<27936xf32, #tpu.memory_space<vmem>>, vector<16xf32>,
          %scan3A_486 = arith.constant 0 : i32
          scf.yield %scan3A_486 : i32
        }
        %scan3A_209 = arith.constant 64 : i32
        %dma_start3A_210 = arith.constant 0 : i32
        %dma_start3A_211 = arith.constant 0 : i32
        %dma_start3A_212 = arith.constant 0 : i32
        %dma_start3A_213 = arith.constant 0 : i32
        %dma_start3A_214 = tpu.memref_slice %arg8[%dma_start3A_211, %dma_start3A_212, %dma_start3A_213] : memref<2x128x96xf32, #tpu.memory_space<vmem>> -> memref<1x128x96xf32, #tpu.memory_space<vmem>>
        %dma_start3A_215 = tpu.memref_squeeze %dma_start3A_214 : memref<1x128x96xf32, #tpu.memory_space<vmem>> -> memref<128x96xf32, #tpu.memory_space<vmem>>
        %dma_start3A_216 = arith.constant 256 : i32
        %dma_start3A_217 = arith.constant 0 : i32
        %dma_start3A_218 = tpu.memref_slice %arg2[%dma_start3A_210, %while3A_166, %dma_start3A_216, %dma_start3A_217] : memref<1x512x512x96xf32, #tpu.memory_space<hbm>> -> memref<1x1x128x96xf32, #tpu.memory_space<hbm>>
        %dma_start3A_219 = tpu.memref_squeeze %dma_start3A_218 : memref<1x1x128x96xf32, #tpu.memory_space<hbm>> -> memref<128x96xf32, #tpu.memory_space<hbm>>
        %dma_start3A_220 = arith.constant 0 : i32
        %dma_start3A_221 = arith.constant 0 : i32
        %dma_start3A_222 = tpu.memref_slice %arg8[%dma_start3A_211, %dma_start3A_220, %dma_start3A_221] : memref<2x128x96xf32, #tpu.memory_space<vmem>> -> memref<1x128x96xf32, #tpu.memory_space<vmem>>
        %dma_start3A_223 = tpu.memref_squeeze %dma_start3A_222 : memref<1x128x96xf32, #tpu.memory_space<vmem>> -> memref<128x96xf32, #tpu.memory_space<vmem>>
        %dma_start3A_224 = arith.constant 256 : i32
        %dma_start3A_225 = arith.constant 0 : i32
        %dma_start3A_226 = tpu.memref_slice %arg2[%dma_start3A_210, %while3A_166, %dma_start3A_224, %dma_start3A_225] : memref<1x512x512x96xf32, #tpu.memory_space<hbm>> -> memref<1x1x128x96xf32, #tpu.memory_space<hbm>>
        %dma_start3A_227 = tpu.memref_squeeze %dma_start3A_226 : memref<1x1x128x96xf32, #tpu.memory_space<hbm>> -> memref<128x96xf32, #tpu.memory_space<hbm>>
        tpu.enqueue_dma source(%dma_start3A_227 : memref<128x96xf32, #tpu.memory_space<hbm>>) target(%dma_start3A_223 : memref<128x96xf32, #tpu.memory_space<vmem>>) target_semaphore(%arg17 : memref<!tpu.dma_semaphore, #tpu.memory_space<semaphore_mem>>)
        %dma_wait3A_228 = arith.constant 0 : i32
        %dma_wait3A_229 = arith.constant 1 : i32
        %dma_wait3A_230 = arith.constant 0 : i32
        %dma_wait3A_231 = arith.constant 0 : i32
        %dma_wait3A_232 = tpu.memref_slice %arg8[%dma_wait3A_229, %dma_wait3A_230, %dma_wait3A_231] : memref<2x128x96xf32, #tpu.memory_space<vmem>> -> memref<1x128x96xf32, #tpu.memory_space<vmem>>
        %dma_wait3A_233 = tpu.memref_squeeze %dma_wait3A_232 : memref<1x128x96xf32, #tpu.memory_space<vmem>> -> memref<128x96xf32, #tpu.memory_space<vmem>>
        %dma_wait3A_234 = arith.constant 128 : i32
        %dma_wait3A_235 = arith.constant 0 : i32
        %dma_wait3A_236 = tpu.memref_slice %arg2[%dma_wait3A_228, %while3A_166, %dma_wait3A_234, %dma_wait3A_235] : memref<1x512x512x96xf32, #tpu.memory_space<hbm>> -> memref<1x1x128x96xf32, #tpu.memory_space<hbm>>
        %dma_wait3A_237 = tpu.memref_squeeze %dma_wait3A_236 : memref<1x1x128x96xf32, #tpu.memory_space<hbm>> -> memref<128x96xf32, #tpu.memory_space<hbm>>
        %dma_wait3A_238 = arith.constant 0 : i32
        %dma_wait3A_239 = arith.constant 0 : i32
        %dma_wait3A_240 = tpu.memref_slice %arg8[%dma_wait3A_229, %dma_wait3A_238, %dma_wait3A_239] : memref<2x128x96xf32, #tpu.memory_space<vmem>> -> memref<1x128x96xf32, #tpu.memory_space<vmem>>
        %dma_wait3A_241 = tpu.memref_squeeze %dma_wait3A_240 : memref<1x128x96xf32, #tpu.memory_space<vmem>> -> memref<128x96xf32, #tpu.memory_space<vmem>>
        %dma_wait3A_242 = arith.constant 128 : i32
        %dma_wait3A_243 = arith.constant 0 : i32
        %dma_wait3A_244 = tpu.memref_slice %arg2[%dma_wait3A_228, %while3A_166, %dma_wait3A_242, %dma_wait3A_243] : memref<1x512x512x96xf32, #tpu.memory_space<hbm>> -> memref<1x1x128x96xf32, #tpu.memory_space<hbm>>
        %dma_wait3A_245 = tpu.memref_squeeze %dma_wait3A_244 : memref<1x1x128x96xf32, #tpu.memory_space<hbm>> -> memref<128x96xf32, #tpu.memory_space<hbm>>
        tpu.wait_dma2 semaphore(%arg17 : memref<!tpu.dma_semaphore, #tpu.memory_space<semaphore_mem>>) src(%dma_wait3A_245 : memref<128x96xf32, #tpu.memory_space<hbm>>) dst(%dma_wait3A_241 : memref<128x96xf32, #tpu.memory_space<vmem>>)
        %scan3A_246 = arith.constant 0 : i32
        %scan3A_247 = arith.constant 0 : i32
        %scan3A_248 = arith.constant 64 : i32
        %scan3A_249 = arith.addi %scan3A_247, %scan3A_248 : i32
        %scan3A_250 = arith.constant 1 : i32
        %scan3A_251 = scf.for %scan3A_327 = %scan3A_247 to %scan3A_249 step %scan3A_250 iter_args(%scan3A_328 = %scan3A_246) -> (i32)  : i32 {
          %mul3A_329 = arith.constant 2 : i32
          %mul3A_330 = arith.muli %scan3A_327, %mul3A_329 : i32
          %add3A_331 = arith.constant 128 : i32
          %add3A_332 = arith.addi %add3A_331, %mul3A_330 : i32
          %get3A_333 = arith.index_cast %add3A_332 : i32 to index
          %get3A_334 = memref.load %arg14[%get3A_333] : memref<512xi32, #tpu.memory_space<smem>>
          %add3A_335 = arith.constant 128 : i32
          %add3A_336 = arith.addi %add3A_335, %mul3A_330 : i32
          %add3A_337 = arith.constant 1 : i32
          %add3A_338 = arith.addi %add3A_336, %add3A_337 : i32
          %get3A_339 = arith.index_cast %add3A_338 : i32 to index
          %get3A_340 = memref.load %arg14[%get3A_339] : memref<512xi32, #tpu.memory_space<smem>>
          %add3A_341 = arith.constant 128 : i32
          %add3A_342 = arith.addi %add3A_341, %mul3A_330 : i32
          %get3A_343 = arith.index_cast %add3A_342 : i32 to index
          %get3A_344 = memref.load %arg15[%get3A_343] : memref<512xf32, #tpu.memory_space<smem>>
          %mul3A_345 = arith.mulf %squeeze3A_71, %get3A_344 : f32
          %broadcast_in_dim3A_346 = vector.broadcast %mul3A_345 : f32 to vector<16xf32>
          %add3A_347 = arith.constant 128 : i32
          %add3A_348 = arith.addi %add3A_347, %mul3A_330 : i32
          %add3A_349 = arith.constant 1 : i32
          %add3A_350 = arith.addi %add3A_348, %add3A_349 : i32
          %get3A_351 = arith.index_cast %add3A_350 : i32 to index
          %get3A_352 = memref.load %arg15[%get3A_351] : memref<512xf32, #tpu.memory_space<smem>>
          %mul3A_353 = arith.mulf %squeeze3A_71, %get3A_352 : f32
          %broadcast_in_dim3A_354 = vector.broadcast %mul3A_353 : f32 to vector<16xf32>
          %get3A_355 = arith.constant 1 : i32
          %get3A_356 = arith.index_cast %get3A_355 : i32 to index
          %get3A_357 = arith.index_cast %mul3A_330 : i32 to index
          %get3A_358 = arith.constant 0 : index
          %get3A_359 = tpu.vector_load %arg8[%get3A_356, %get3A_357, %get3A_358] {strides = array<i32>} : memref<2x128x96xf32, #tpu.memory_space<vmem>>, vector<16xf32>,
          %mul3A_360 = arith.mulf %get3A_359, %broadcast_in_dim3A_346 : vector<16xf32>
          %get3A_361 = arith.constant 1 : i32
          %get3A_362 = arith.index_cast %get3A_361 : i32 to index
          %get3A_363 = arith.index_cast %mul3A_330 : i32 to index
          %get3A_364 = arith.constant 16 : index
          %get3A_365 = tpu.vector_load %arg8[%get3A_362, %get3A_363, %get3A_364] {strides = array<i32>} : memref<2x128x96xf32, #tpu.memory_space<vmem>>, vector<16xf32>,
          %mul3A_366 = arith.mulf %get3A_365, %broadcast_in_dim3A_346 : vector<16xf32>
          %get3A_367 = arith.constant 1 : i32
          %get3A_368 = arith.index_cast %get3A_367 : i32 to index
          %get3A_369 = arith.index_cast %mul3A_330 : i32 to index
          %get3A_370 = arith.constant 32 : index
          %get3A_371 = tpu.vector_load %arg8[%get3A_368, %get3A_369, %get3A_370] {strides = array<i32>} : memref<2x128x96xf32, #tpu.memory_space<vmem>>, vector<16xf32>,
          %mul3A_372 = arith.mulf %get3A_371, %broadcast_in_dim3A_346 : vector<16xf32>
          %get3A_373 = arith.constant 1 : i32
          %get3A_374 = arith.index_cast %get3A_373 : i32 to index
          %get3A_375 = arith.index_cast %mul3A_330 : i32 to index
          %get3A_376 = arith.constant 48 : index
          %get3A_377 = tpu.vector_load %arg8[%get3A_374, %get3A_375, %get3A_376] {strides = array<i32>} : memref<2x128x96xf32, #tpu.memory_space<vmem>>, vector<16xf32>,
          %mul3A_378 = arith.mulf %get3A_377, %broadcast_in_dim3A_346 : vector<16xf32>
          %get3A_379 = arith.constant 1 : i32
          %get3A_380 = arith.index_cast %get3A_379 : i32 to index
          %get3A_381 = arith.index_cast %mul3A_330 : i32 to index
          %get3A_382 = arith.constant 64 : index
          %get3A_383 = tpu.vector_load %arg8[%get3A_380, %get3A_381, %get3A_382] {strides = array<i32>} : memref<2x128x96xf32, #tpu.memory_space<vmem>>, vector<16xf32>,
          %mul3A_384 = arith.mulf %get3A_383, %broadcast_in_dim3A_346 : vector<16xf32>
          %get3A_385 = arith.constant 1 : i32
          %get3A_386 = arith.index_cast %get3A_385 : i32 to index
          %get3A_387 = arith.index_cast %mul3A_330 : i32 to index
          %get3A_388 = arith.constant 80 : index
          %get3A_389 = tpu.vector_load %arg8[%get3A_386, %get3A_387, %get3A_388] {strides = array<i32>} : memref<2x128x96xf32, #tpu.memory_space<vmem>>, vector<16xf32>,
          %mul3A_390 = arith.mulf %get3A_389, %broadcast_in_dim3A_346 : vector<16xf32>
          %add3A_391 = arith.constant 1 : i32
          %add3A_392 = arith.addi %mul3A_330, %add3A_391 : i32
          %get3A_393 = arith.constant 1 : i32
          %get3A_394 = arith.index_cast %get3A_393 : i32 to index
          %get3A_395 = arith.index_cast %add3A_392 : i32 to index
          %get3A_396 = arith.constant 0 : index
          %get3A_397 = tpu.vector_load %arg8[%get3A_394, %get3A_395, %get3A_396] {strides = array<i32>} : memref<2x128x96xf32, #tpu.memory_space<vmem>>, vector<16xf32>,
          %mul3A_398 = arith.mulf %get3A_397, %broadcast_in_dim3A_354 : vector<16xf32>
          %add3A_399 = arith.constant 1 : i32
          %add3A_400 = arith.addi %mul3A_330, %add3A_399 : i32
          %get3A_401 = arith.constant 1 : i32
          %get3A_402 = arith.index_cast %get3A_401 : i32 to index
          %get3A_403 = arith.index_cast %add3A_400 : i32 to index
          %get3A_404 = arith.constant 16 : index
          %get3A_405 = tpu.vector_load %arg8[%get3A_402, %get3A_403, %get3A_404] {strides = array<i32>} : memref<2x128x96xf32, #tpu.memory_space<vmem>>, vector<16xf32>,
          %mul3A_406 = arith.mulf %get3A_405, %broadcast_in_dim3A_354 : vector<16xf32>
          %add3A_407 = arith.constant 1 : i32
          %add3A_408 = arith.addi %mul3A_330, %add3A_407 : i32
          %get3A_409 = arith.constant 1 : i32
          %get3A_410 = arith.index_cast %get3A_409 : i32 to index
          %get3A_411 = arith.index_cast %add3A_408 : i32 to index
          %get3A_412 = arith.constant 32 : index
          %get3A_413 = tpu.vector_load %arg8[%get3A_410, %get3A_411, %get3A_412] {strides = array<i32>} : memref<2x128x96xf32, #tpu.memory_space<vmem>>, vector<16xf32>,
          %mul3A_414 = arith.mulf %get3A_413, %broadcast_in_dim3A_354 : vector<16xf32>
          %add3A_415 = arith.constant 1 : i32
          %add3A_416 = arith.addi %mul3A_330, %add3A_415 : i32
          %get3A_417 = arith.constant 1 : i32
          %get3A_418 = arith.index_cast %get3A_417 : i32 to index
          %get3A_419 = arith.index_cast %add3A_416 : i32 to index
          %get3A_420 = arith.constant 48 : index
          %get3A_421 = tpu.vector_load %arg8[%get3A_418, %get3A_419, %get3A_420] {strides = array<i32>} : memref<2x128x96xf32, #tpu.memory_space<vmem>>, vector<16xf32>,
          %mul3A_422 = arith.mulf %get3A_421, %broadcast_in_dim3A_354 : vector<16xf32>
          %add3A_423 = arith.constant 1 : i32
          %add3A_424 = arith.addi %mul3A_330, %add3A_423 : i32
          %get3A_425 = arith.constant 1 : i32
          %get3A_426 = arith.index_cast %get3A_425 : i32 to index
          %get3A_427 = arith.index_cast %add3A_424 : i32 to index
          %get3A_428 = arith.constant 64 : index
          %get3A_429 = tpu.vector_load %arg8[%get3A_426, %get3A_427, %get3A_428] {strides = array<i32>} : memref<2x128x96xf32, #tpu.memory_space<vmem>>, vector<16xf32>,
          %mul3A_430 = arith.mulf %get3A_429, %broadcast_in_dim3A_354 : vector<16xf32>
          %add3A_431 = arith.constant 1 : i32
          %add3A_432 = arith.addi %mul3A_330, %add3A_431 : i32
          %get3A_433 = arith.constant 1 : i32
          %get3A_434 = arith.index_cast %get3A_433 : i32 to index
          %get3A_435 = arith.index_cast %add3A_432 : i32 to index
          %get3A_436 = arith.constant 80 : index
          %get3A_437 = tpu.vector_load %arg8[%get3A_434, %get3A_435, %get3A_436] {strides = array<i32>} : memref<2x128x96xf32, #tpu.memory_space<vmem>>, vector<16xf32>,
          %mul3A_438 = arith.mulf %get3A_437, %broadcast_in_dim3A_354 : vector<16xf32>
          %add3A_439 = arith.constant 0 : i32
          %add3A_440 = arith.addi %get3A_334, %add3A_439 : i32
          %swap3A = arith.index_cast %add3A_440 : i32 to index
          %swap3A_441 = tpu.vector_load %arg9[%swap3A] {strides = array<i32>} : memref<27936xf32, #tpu.memory_space<vmem>>, vector<16xf32>,
          tpu.vector_store %arg9[%swap3A], %mul3A_360 {add = true, strides = array<i32>} : memref<27936xf32, #tpu.memory_space<vmem>>, vector<16xf32>,
          %add3A_442 = arith.constant 16 : i32
          %add3A_443 = arith.addi %get3A_334, %add3A_442 : i32
          %swap3A_444 = arith.index_cast %add3A_443 : i32 to index
          %swap3A_445 = tpu.vector_load %arg9[%swap3A_444] {strides = array<i32>} : memref<27936xf32, #tpu.memory_space<vmem>>, vector<16xf32>,
          tpu.vector_store %arg9[%swap3A_444], %mul3A_366 {add = true, strides = array<i32>} : memref<27936xf32, #tpu.memory_space<vmem>>, vector<16xf32>,
          %add3A_446 = arith.constant 32 : i32
          %add3A_447 = arith.addi %get3A_334, %add3A_446 : i32
          %swap3A_448 = arith.index_cast %add3A_447 : i32 to index
          %swap3A_449 = tpu.vector_load %arg9[%swap3A_448] {strides = array<i32>} : memref<27936xf32, #tpu.memory_space<vmem>>, vector<16xf32>,
          tpu.vector_store %arg9[%swap3A_448], %mul3A_372 {add = true, strides = array<i32>} : memref<27936xf32, #tpu.memory_space<vmem>>, vector<16xf32>,
          %add3A_450 = arith.constant 48 : i32
          %add3A_451 = arith.addi %get3A_334, %add3A_450 : i32
          %swap3A_452 = arith.index_cast %add3A_451 : i32 to index
          %swap3A_453 = tpu.vector_load %arg9[%swap3A_452] {strides = array<i32>} : memref<27936xf32, #tpu.memory_space<vmem>>, vector<16xf32>,
          tpu.vector_store %arg9[%swap3A_452], %mul3A_378 {add = true, strides = array<i32>} : memref<27936xf32, #tpu.memory_space<vmem>>, vector<16xf32>,
          %add3A_454 = arith.constant 64 : i32
          %add3A_455 = arith.addi %get3A_334, %add3A_454 : i32
          %swap3A_456 = arith.index_cast %add3A_455 : i32 to index
          %swap3A_457 = tpu.vector_load %arg9[%swap3A_456] {strides = array<i32>} : memref<27936xf32, #tpu.memory_space<vmem>>, vector<16xf32>,
          tpu.vector_store %arg9[%swap3A_456], %mul3A_384 {add = true, strides = array<i32>} : memref<27936xf32, #tpu.memory_space<vmem>>, vector<16xf32>,
          %add3A_458 = arith.constant 80 : i32
          %add3A_459 = arith.addi %get3A_334, %add3A_458 : i32
          %swap3A_460 = arith.index_cast %add3A_459 : i32 to index
          %swap3A_461 = tpu.vector_load %arg9[%swap3A_460] {strides = array<i32>} : memref<27936xf32, #tpu.memory_space<vmem>>, vector<16xf32>,
          tpu.vector_store %arg9[%swap3A_460], %mul3A_390 {add = true, strides = array<i32>} : memref<27936xf32, #tpu.memory_space<vmem>>, vector<16xf32>,
          %add3A_462 = arith.constant 0 : i32
          %add3A_463 = arith.addi %get3A_340, %add3A_462 : i32
          %swap3A_464 = arith.index_cast %add3A_463 : i32 to index
          %swap3A_465 = tpu.vector_load %arg9[%swap3A_464] {strides = array<i32>} : memref<27936xf32, #tpu.memory_space<vmem>>, vector<16xf32>,
          tpu.vector_store %arg9[%swap3A_464], %mul3A_398 {add = true, strides = array<i32>} : memref<27936xf32, #tpu.memory_space<vmem>>, vector<16xf32>,
          %add3A_466 = arith.constant 16 : i32
          %add3A_467 = arith.addi %get3A_340, %add3A_466 : i32
          %swap3A_468 = arith.index_cast %add3A_467 : i32 to index
          %swap3A_469 = tpu.vector_load %arg9[%swap3A_468] {strides = array<i32>} : memref<27936xf32, #tpu.memory_space<vmem>>, vector<16xf32>,
          tpu.vector_store %arg9[%swap3A_468], %mul3A_406 {add = true, strides = array<i32>} : memref<27936xf32, #tpu.memory_space<vmem>>, vector<16xf32>,
          %add3A_470 = arith.constant 32 : i32
          %add3A_471 = arith.addi %get3A_340, %add3A_470 : i32
          %swap3A_472 = arith.index_cast %add3A_471 : i32 to index
          %swap3A_473 = tpu.vector_load %arg9[%swap3A_472] {strides = array<i32>} : memref<27936xf32, #tpu.memory_space<vmem>>, vector<16xf32>,
          tpu.vector_store %arg9[%swap3A_472], %mul3A_414 {add = true, strides = array<i32>} : memref<27936xf32, #tpu.memory_space<vmem>>, vector<16xf32>,
          %add3A_474 = arith.constant 48 : i32
          %add3A_475 = arith.addi %get3A_340, %add3A_474 : i32
          %swap3A_476 = arith.index_cast %add3A_475 : i32 to index
          %swap3A_477 = tpu.vector_load %arg9[%swap3A_476] {strides = array<i32>} : memref<27936xf32, #tpu.memory_space<vmem>>, vector<16xf32>,
          tpu.vector_store %arg9[%swap3A_476], %mul3A_422 {add = true, strides = array<i32>} : memref<27936xf32, #tpu.memory_space<vmem>>, vector<16xf32>,
          %add3A_478 = arith.constant 64 : i32
          %add3A_479 = arith.addi %get3A_340, %add3A_478 : i32
          %swap3A_480 = arith.index_cast %add3A_479 : i32 to index
          %swap3A_481 = tpu.vector_load %arg9[%swap3A_480] {strides = array<i32>} : memref<27936xf32, #tpu.memory_space<vmem>>, vector<16xf32>,
          tpu.vector_store %arg9[%swap3A_480], %mul3A_430 {add = true, strides = array<i32>} : memref<27936xf32, #tpu.memory_space<vmem>>, vector<16xf32>,
          %add3A_482 = arith.constant 80 : i32
          %add3A_483 = arith.addi %get3A_340, %add3A_482 : i32
          %swap3A_484 = arith.index_cast %add3A_483 : i32 to index
          %swap3A_485 = tpu.vector_load %arg9[%swap3A_484] {strides = array<i32>} : memref<27936xf32, #tpu.memory_space<vmem>>, vector<16xf32>,
          tpu.vector_store %arg9[%swap3A_484], %mul3A_438 {add = true, strides = array<i32>} : memref<27936xf32, #tpu.memory_space<vmem>>, vector<16xf32>,
          %scan3A_486 = arith.constant 0 : i32
          scf.yield %scan3A_486 : i32
        }
        %scan3A_252 = arith.constant 64 : i32
        %dma_start3A_253 = arith.constant 0 : i32
        %dma_start3A_254 = arith.constant 1 : i32
        %dma_start3A_255 = arith.constant 0 : i32
        %dma_start3A_256 = arith.constant 0 : i32
        %dma_start3A_257 = tpu.memref_slice %arg8[%dma_start3A_254, %dma_start3A_255, %dma_start3A_256] : memref<2x128x96xf32, #tpu.memory_space<vmem>> -> memref<1x128x96xf32, #tpu.memory_space<vmem>>
        %dma_start3A_258 = tpu.memref_squeeze %dma_start3A_257 : memref<1x128x96xf32, #tpu.memory_space<vmem>> -> memref<128x96xf32, #tpu.memory_space<vmem>>
        %dma_start3A_259 = arith.constant 384 : i32
        %dma_start3A_260 = arith.constant 0 : i32
        %dma_start3A_261 = tpu.memref_slice %arg2[%dma_start3A_253, %while3A_166, %dma_start3A_259, %dma_start3A_260] : memref<1x512x512x96xf32, #tpu.memory_space<hbm>> -> memref<1x1x128x96xf32, #tpu.memory_space<hbm>>
        %dma_start3A_262 = tpu.memref_squeeze %dma_start3A_261 : memref<1x1x128x96xf32, #tpu.memory_space<hbm>> -> memref<128x96xf32, #tpu.memory_space<hbm>>
        %dma_start3A_263 = arith.constant 0 : i32
        %dma_start3A_264 = arith.constant 0 : i32
        %dma_start3A_265 = tpu.memref_slice %arg8[%dma_start3A_254, %dma_start3A_263, %dma_start3A_264] : memref<2x128x96xf32, #tpu.memory_space<vmem>> -> memref<1x128x96xf32, #tpu.memory_space<vmem>>
        %dma_start3A_266 = tpu.memref_squeeze %dma_start3A_265 : memref<1x128x96xf32, #tpu.memory_space<vmem>> -> memref<128x96xf32, #tpu.memory_space<vmem>>
        %dma_start3A_267 = arith.constant 384 : i32
        %dma_start3A_268 = arith.constant 0 : i32
        %dma_start3A_269 = tpu.memref_slice %arg2[%dma_start3A_253, %while3A_166, %dma_start3A_267, %dma_start3A_268] : memref<1x512x512x96xf32, #tpu.memory_space<hbm>> -> memref<1x1x128x96xf32, #tpu.memory_space<hbm>>
        %dma_start3A_270 = tpu.memref_squeeze %dma_start3A_269 : memref<1x1x128x96xf32, #tpu.memory_space<hbm>> -> memref<128x96xf32, #tpu.memory_space<hbm>>
        tpu.enqueue_dma source(%dma_start3A_270 : memref<128x96xf32, #tpu.memory_space<hbm>>) target(%dma_start3A_266 : memref<128x96xf32, #tpu.memory_space<vmem>>) target_semaphore(%arg17 : memref<!tpu.dma_semaphore, #tpu.memory_space<semaphore_mem>>)
        %dma_wait3A_271 = arith.constant 0 : i32
        %dma_wait3A_272 = arith.constant 0 : i32
        %dma_wait3A_273 = arith.constant 0 : i32
        %dma_wait3A_274 = arith.constant 0 : i32
        %dma_wait3A_275 = tpu.memref_slice %arg8[%dma_wait3A_272, %dma_wait3A_273, %dma_wait3A_274] : memref<2x128x96xf32, #tpu.memory_space<vmem>> -> memref<1x128x96xf32, #tpu.memory_space<vmem>>
        %dma_wait3A_276 = tpu.memref_squeeze %dma_wait3A_275 : memref<1x128x96xf32, #tpu.memory_space<vmem>> -> memref<128x96xf32, #tpu.memory_space<vmem>>
        %dma_wait3A_277 = arith.constant 256 : i32
        %dma_wait3A_278 = arith.constant 0 : i32
        %dma_wait3A_279 = tpu.memref_slice %arg2[%dma_wait3A_271, %while3A_166, %dma_wait3A_277, %dma_wait3A_278] : memref<1x512x512x96xf32, #tpu.memory_space<hbm>> -> memref<1x1x128x96xf32, #tpu.memory_space<hbm>>
        %dma_wait3A_280 = tpu.memref_squeeze %dma_wait3A_279 : memref<1x1x128x96xf32, #tpu.memory_space<hbm>> -> memref<128x96xf32, #tpu.memory_space<hbm>>
        %dma_wait3A_281 = arith.constant 0 : i32
        %dma_wait3A_282 = arith.constant 0 : i32
        %dma_wait3A_283 = tpu.memref_slice %arg8[%dma_wait3A_272, %dma_wait3A_281, %dma_wait3A_282] : memref<2x128x96xf32, #tpu.memory_space<vmem>> -> memref<1x128x96xf32, #tpu.memory_space<vmem>>
        %dma_wait3A_284 = tpu.memref_squeeze %dma_wait3A_283 : memref<1x128x96xf32, #tpu.memory_space<vmem>> -> memref<128x96xf32, #tpu.memory_space<vmem>>
        %dma_wait3A_285 = arith.constant 256 : i32
        %dma_wait3A_286 = arith.constant 0 : i32
        %dma_wait3A_287 = tpu.memref_slice %arg2[%dma_wait3A_271, %while3A_166, %dma_wait3A_285, %dma_wait3A_286] : memref<1x512x512x96xf32, #tpu.memory_space<hbm>> -> memref<1x1x128x96xf32, #tpu.memory_space<hbm>>
        %dma_wait3A_288 = tpu.memref_squeeze %dma_wait3A_287 : memref<1x1x128x96xf32, #tpu.memory_space<hbm>> -> memref<128x96xf32, #tpu.memory_space<hbm>>
        tpu.wait_dma2 semaphore(%arg17 : memref<!tpu.dma_semaphore, #tpu.memory_space<semaphore_mem>>) src(%dma_wait3A_288 : memref<128x96xf32, #tpu.memory_space<hbm>>) dst(%dma_wait3A_284 : memref<128x96xf32, #tpu.memory_space<vmem>>)
        %scan3A_289 = arith.constant 0 : i32
        %scan3A_290 = arith.constant 0 : i32
        %scan3A_291 = arith.constant 64 : i32
        %scan3A_292 = arith.addi %scan3A_290, %scan3A_291 : i32
        %scan3A_293 = arith.constant 1 : i32
        %scan3A_294 = scf.for %scan3A_327 = %scan3A_290 to %scan3A_292 step %scan3A_293 iter_args(%scan3A_328 = %scan3A_289) -> (i32)  : i32 {
          %mul3A_329 = arith.constant 2 : i32
          %mul3A_330 = arith.muli %scan3A_327, %mul3A_329 : i32
          %add3A_331 = arith.constant 256 : i32
          %add3A_332 = arith.addi %add3A_331, %mul3A_330 : i32
          %get3A_333 = arith.index_cast %add3A_332 : i32 to index
          %get3A_334 = memref.load %arg14[%get3A_333] : memref<512xi32, #tpu.memory_space<smem>>
          %add3A_335 = arith.constant 256 : i32
          %add3A_336 = arith.addi %add3A_335, %mul3A_330 : i32
          %add3A_337 = arith.constant 1 : i32
          %add3A_338 = arith.addi %add3A_336, %add3A_337 : i32
          %get3A_339 = arith.index_cast %add3A_338 : i32 to index
          %get3A_340 = memref.load %arg14[%get3A_339] : memref<512xi32, #tpu.memory_space<smem>>
          %add3A_341 = arith.constant 256 : i32
          %add3A_342 = arith.addi %add3A_341, %mul3A_330 : i32
          %get3A_343 = arith.index_cast %add3A_342 : i32 to index
          %get3A_344 = memref.load %arg15[%get3A_343] : memref<512xf32, #tpu.memory_space<smem>>
          %mul3A_345 = arith.mulf %squeeze3A_71, %get3A_344 : f32
          %broadcast_in_dim3A_346 = vector.broadcast %mul3A_345 : f32 to vector<16xf32>
          %add3A_347 = arith.constant 256 : i32
          %add3A_348 = arith.addi %add3A_347, %mul3A_330 : i32
          %add3A_349 = arith.constant 1 : i32
          %add3A_350 = arith.addi %add3A_348, %add3A_349 : i32
          %get3A_351 = arith.index_cast %add3A_350 : i32 to index
          %get3A_352 = memref.load %arg15[%get3A_351] : memref<512xf32, #tpu.memory_space<smem>>
          %mul3A_353 = arith.mulf %squeeze3A_71, %get3A_352 : f32
          %broadcast_in_dim3A_354 = vector.broadcast %mul3A_353 : f32 to vector<16xf32>
          %get3A_355 = arith.constant 0 : i32
          %get3A_356 = arith.index_cast %get3A_355 : i32 to index
          %get3A_357 = arith.index_cast %mul3A_330 : i32 to index
          %get3A_358 = arith.constant 0 : index
          %get3A_359 = tpu.vector_load %arg8[%get3A_356, %get3A_357, %get3A_358] {strides = array<i32>} : memref<2x128x96xf32, #tpu.memory_space<vmem>>, vector<16xf32>,
          %mul3A_360 = arith.mulf %get3A_359, %broadcast_in_dim3A_346 : vector<16xf32>
          %get3A_361 = arith.constant 0 : i32
          %get3A_362 = arith.index_cast %get3A_361 : i32 to index
          %get3A_363 = arith.index_cast %mul3A_330 : i32 to index
          %get3A_364 = arith.constant 16 : index
          %get3A_365 = tpu.vector_load %arg8[%get3A_362, %get3A_363, %get3A_364] {strides = array<i32>} : memref<2x128x96xf32, #tpu.memory_space<vmem>>, vector<16xf32>,
          %mul3A_366 = arith.mulf %get3A_365, %broadcast_in_dim3A_346 : vector<16xf32>
          %get3A_367 = arith.constant 0 : i32
          %get3A_368 = arith.index_cast %get3A_367 : i32 to index
          %get3A_369 = arith.index_cast %mul3A_330 : i32 to index
          %get3A_370 = arith.constant 32 : index
          %get3A_371 = tpu.vector_load %arg8[%get3A_368, %get3A_369, %get3A_370] {strides = array<i32>} : memref<2x128x96xf32, #tpu.memory_space<vmem>>, vector<16xf32>,
          %mul3A_372 = arith.mulf %get3A_371, %broadcast_in_dim3A_346 : vector<16xf32>
          %get3A_373 = arith.constant 0 : i32
          %get3A_374 = arith.index_cast %get3A_373 : i32 to index
          %get3A_375 = arith.index_cast %mul3A_330 : i32 to index
          %get3A_376 = arith.constant 48 : index
          %get3A_377 = tpu.vector_load %arg8[%get3A_374, %get3A_375, %get3A_376] {strides = array<i32>} : memref<2x128x96xf32, #tpu.memory_space<vmem>>, vector<16xf32>,
          %mul3A_378 = arith.mulf %get3A_377, %broadcast_in_dim3A_346 : vector<16xf32>
          %get3A_379 = arith.constant 0 : i32
          %get3A_380 = arith.index_cast %get3A_379 : i32 to index
          %get3A_381 = arith.index_cast %mul3A_330 : i32 to index
          %get3A_382 = arith.constant 64 : index
          %get3A_383 = tpu.vector_load %arg8[%get3A_380, %get3A_381, %get3A_382] {strides = array<i32>} : memref<2x128x96xf32, #tpu.memory_space<vmem>>, vector<16xf32>,
          %mul3A_384 = arith.mulf %get3A_383, %broadcast_in_dim3A_346 : vector<16xf32>
          %get3A_385 = arith.constant 0 : i32
          %get3A_386 = arith.index_cast %get3A_385 : i32 to index
          %get3A_387 = arith.index_cast %mul3A_330 : i32 to index
          %get3A_388 = arith.constant 80 : index
          %get3A_389 = tpu.vector_load %arg8[%get3A_386, %get3A_387, %get3A_388] {strides = array<i32>} : memref<2x128x96xf32, #tpu.memory_space<vmem>>, vector<16xf32>,
          %mul3A_390 = arith.mulf %get3A_389, %broadcast_in_dim3A_346 : vector<16xf32>
          %add3A_391 = arith.constant 1 : i32
          %add3A_392 = arith.addi %mul3A_330, %add3A_391 : i32
          %get3A_393 = arith.constant 0 : i32
          %get3A_394 = arith.index_cast %get3A_393 : i32 to index
          %get3A_395 = arith.index_cast %add3A_392 : i32 to index
          %get3A_396 = arith.constant 0 : index
          %get3A_397 = tpu.vector_load %arg8[%get3A_394, %get3A_395, %get3A_396] {strides = array<i32>} : memref<2x128x96xf32, #tpu.memory_space<vmem>>, vector<16xf32>,
          %mul3A_398 = arith.mulf %get3A_397, %broadcast_in_dim3A_354 : vector<16xf32>
          %add3A_399 = arith.constant 1 : i32
          %add3A_400 = arith.addi %mul3A_330, %add3A_399 : i32
          %get3A_401 = arith.constant 0 : i32
          %get3A_402 = arith.index_cast %get3A_401 : i32 to index
          %get3A_403 = arith.index_cast %add3A_400 : i32 to index
          %get3A_404 = arith.constant 16 : index
          %get3A_405 = tpu.vector_load %arg8[%get3A_402, %get3A_403, %get3A_404] {strides = array<i32>} : memref<2x128x96xf32, #tpu.memory_space<vmem>>, vector<16xf32>,
          %mul3A_406 = arith.mulf %get3A_405, %broadcast_in_dim3A_354 : vector<16xf32>
          %add3A_407 = arith.constant 1 : i32
          %add3A_408 = arith.addi %mul3A_330, %add3A_407 : i32
          %get3A_409 = arith.constant 0 : i32
          %get3A_410 = arith.index_cast %get3A_409 : i32 to index
          %get3A_411 = arith.index_cast %add3A_408 : i32 to index
          %get3A_412 = arith.constant 32 : index
          %get3A_413 = tpu.vector_load %arg8[%get3A_410, %get3A_411, %get3A_412] {strides = array<i32>} : memref<2x128x96xf32, #tpu.memory_space<vmem>>, vector<16xf32>,
          %mul3A_414 = arith.mulf %get3A_413, %broadcast_in_dim3A_354 : vector<16xf32>
          %add3A_415 = arith.constant 1 : i32
          %add3A_416 = arith.addi %mul3A_330, %add3A_415 : i32
          %get3A_417 = arith.constant 0 : i32
          %get3A_418 = arith.index_cast %get3A_417 : i32 to index
          %get3A_419 = arith.index_cast %add3A_416 : i32 to index
          %get3A_420 = arith.constant 48 : index
          %get3A_421 = tpu.vector_load %arg8[%get3A_418, %get3A_419, %get3A_420] {strides = array<i32>} : memref<2x128x96xf32, #tpu.memory_space<vmem>>, vector<16xf32>,
          %mul3A_422 = arith.mulf %get3A_421, %broadcast_in_dim3A_354 : vector<16xf32>
          %add3A_423 = arith.constant 1 : i32
          %add3A_424 = arith.addi %mul3A_330, %add3A_423 : i32
          %get3A_425 = arith.constant 0 : i32
          %get3A_426 = arith.index_cast %get3A_425 : i32 to index
          %get3A_427 = arith.index_cast %add3A_424 : i32 to index
          %get3A_428 = arith.constant 64 : index
          %get3A_429 = tpu.vector_load %arg8[%get3A_426, %get3A_427, %get3A_428] {strides = array<i32>} : memref<2x128x96xf32, #tpu.memory_space<vmem>>, vector<16xf32>,
          %mul3A_430 = arith.mulf %get3A_429, %broadcast_in_dim3A_354 : vector<16xf32>
          %add3A_431 = arith.constant 1 : i32
          %add3A_432 = arith.addi %mul3A_330, %add3A_431 : i32
          %get3A_433 = arith.constant 0 : i32
          %get3A_434 = arith.index_cast %get3A_433 : i32 to index
          %get3A_435 = arith.index_cast %add3A_432 : i32 to index
          %get3A_436 = arith.constant 80 : index
          %get3A_437 = tpu.vector_load %arg8[%get3A_434, %get3A_435, %get3A_436] {strides = array<i32>} : memref<2x128x96xf32, #tpu.memory_space<vmem>>, vector<16xf32>,
          %mul3A_438 = arith.mulf %get3A_437, %broadcast_in_dim3A_354 : vector<16xf32>
          %add3A_439 = arith.constant 0 : i32
          %add3A_440 = arith.addi %get3A_334, %add3A_439 : i32
          %swap3A = arith.index_cast %add3A_440 : i32 to index
          %swap3A_441 = tpu.vector_load %arg9[%swap3A] {strides = array<i32>} : memref<27936xf32, #tpu.memory_space<vmem>>, vector<16xf32>,
          tpu.vector_store %arg9[%swap3A], %mul3A_360 {add = true, strides = array<i32>} : memref<27936xf32, #tpu.memory_space<vmem>>, vector<16xf32>,
          %add3A_442 = arith.constant 16 : i32
          %add3A_443 = arith.addi %get3A_334, %add3A_442 : i32
          %swap3A_444 = arith.index_cast %add3A_443 : i32 to index
          %swap3A_445 = tpu.vector_load %arg9[%swap3A_444] {strides = array<i32>} : memref<27936xf32, #tpu.memory_space<vmem>>, vector<16xf32>,
          tpu.vector_store %arg9[%swap3A_444], %mul3A_366 {add = true, strides = array<i32>} : memref<27936xf32, #tpu.memory_space<vmem>>, vector<16xf32>,
          %add3A_446 = arith.constant 32 : i32
          %add3A_447 = arith.addi %get3A_334, %add3A_446 : i32
          %swap3A_448 = arith.index_cast %add3A_447 : i32 to index
          %swap3A_449 = tpu.vector_load %arg9[%swap3A_448] {strides = array<i32>} : memref<27936xf32, #tpu.memory_space<vmem>>, vector<16xf32>,
          tpu.vector_store %arg9[%swap3A_448], %mul3A_372 {add = true, strides = array<i32>} : memref<27936xf32, #tpu.memory_space<vmem>>, vector<16xf32>,
          %add3A_450 = arith.constant 48 : i32
          %add3A_451 = arith.addi %get3A_334, %add3A_450 : i32
          %swap3A_452 = arith.index_cast %add3A_451 : i32 to index
          %swap3A_453 = tpu.vector_load %arg9[%swap3A_452] {strides = array<i32>} : memref<27936xf32, #tpu.memory_space<vmem>>, vector<16xf32>,
          tpu.vector_store %arg9[%swap3A_452], %mul3A_378 {add = true, strides = array<i32>} : memref<27936xf32, #tpu.memory_space<vmem>>, vector<16xf32>,
          %add3A_454 = arith.constant 64 : i32
          %add3A_455 = arith.addi %get3A_334, %add3A_454 : i32
          %swap3A_456 = arith.index_cast %add3A_455 : i32 to index
          %swap3A_457 = tpu.vector_load %arg9[%swap3A_456] {strides = array<i32>} : memref<27936xf32, #tpu.memory_space<vmem>>, vector<16xf32>,
          tpu.vector_store %arg9[%swap3A_456], %mul3A_384 {add = true, strides = array<i32>} : memref<27936xf32, #tpu.memory_space<vmem>>, vector<16xf32>,
          %add3A_458 = arith.constant 80 : i32
          %add3A_459 = arith.addi %get3A_334, %add3A_458 : i32
          %swap3A_460 = arith.index_cast %add3A_459 : i32 to index
          %swap3A_461 = tpu.vector_load %arg9[%swap3A_460] {strides = array<i32>} : memref<27936xf32, #tpu.memory_space<vmem>>, vector<16xf32>,
          tpu.vector_store %arg9[%swap3A_460], %mul3A_390 {add = true, strides = array<i32>} : memref<27936xf32, #tpu.memory_space<vmem>>, vector<16xf32>,
          %add3A_462 = arith.constant 0 : i32
          %add3A_463 = arith.addi %get3A_340, %add3A_462 : i32
          %swap3A_464 = arith.index_cast %add3A_463 : i32 to index
          %swap3A_465 = tpu.vector_load %arg9[%swap3A_464] {strides = array<i32>} : memref<27936xf32, #tpu.memory_space<vmem>>, vector<16xf32>,
          tpu.vector_store %arg9[%swap3A_464], %mul3A_398 {add = true, strides = array<i32>} : memref<27936xf32, #tpu.memory_space<vmem>>, vector<16xf32>,
          %add3A_466 = arith.constant 16 : i32
          %add3A_467 = arith.addi %get3A_340, %add3A_466 : i32
          %swap3A_468 = arith.index_cast %add3A_467 : i32 to index
          %swap3A_469 = tpu.vector_load %arg9[%swap3A_468] {strides = array<i32>} : memref<27936xf32, #tpu.memory_space<vmem>>, vector<16xf32>,
          tpu.vector_store %arg9[%swap3A_468], %mul3A_406 {add = true, strides = array<i32>} : memref<27936xf32, #tpu.memory_space<vmem>>, vector<16xf32>,
          %add3A_470 = arith.constant 32 : i32
          %add3A_471 = arith.addi %get3A_340, %add3A_470 : i32
          %swap3A_472 = arith.index_cast %add3A_471 : i32 to index
          %swap3A_473 = tpu.vector_load %arg9[%swap3A_472] {strides = array<i32>} : memref<27936xf32, #tpu.memory_space<vmem>>, vector<16xf32>,
          tpu.vector_store %arg9[%swap3A_472], %mul3A_414 {add = true, strides = array<i32>} : memref<27936xf32, #tpu.memory_space<vmem>>, vector<16xf32>,
          %add3A_474 = arith.constant 48 : i32
          %add3A_475 = arith.addi %get3A_340, %add3A_474 : i32
          %swap3A_476 = arith.index_cast %add3A_475 : i32 to index
          %swap3A_477 = tpu.vector_load %arg9[%swap3A_476] {strides = array<i32>} : memref<27936xf32, #tpu.memory_space<vmem>>, vector<16xf32>,
          tpu.vector_store %arg9[%swap3A_476], %mul3A_422 {add = true, strides = array<i32>} : memref<27936xf32, #tpu.memory_space<vmem>>, vector<16xf32>,
          %add3A_478 = arith.constant 64 : i32
          %add3A_479 = arith.addi %get3A_340, %add3A_478 : i32
          %swap3A_480 = arith.index_cast %add3A_479 : i32 to index
          %swap3A_481 = tpu.vector_load %arg9[%swap3A_480] {strides = array<i32>} : memref<27936xf32, #tpu.memory_space<vmem>>, vector<16xf32>,
          tpu.vector_store %arg9[%swap3A_480], %mul3A_430 {add = true, strides = array<i32>} : memref<27936xf32, #tpu.memory_space<vmem>>, vector<16xf32>,
          %add3A_482 = arith.constant 80 : i32
          %add3A_483 = arith.addi %get3A_340, %add3A_482 : i32
          %swap3A_484 = arith.index_cast %add3A_483 : i32 to index
          %swap3A_485 = tpu.vector_load %arg9[%swap3A_484] {strides = array<i32>} : memref<27936xf32, #tpu.memory_space<vmem>>, vector<16xf32>,
          tpu.vector_store %arg9[%swap3A_484], %mul3A_438 {add = true, strides = array<i32>} : memref<27936xf32, #tpu.memory_space<vmem>>, vector<16xf32>,
          %scan3A_486 = arith.constant 0 : i32
          scf.yield %scan3A_486 : i32
        }
        %scan3A_295 = arith.constant 64 : i32
        %add3A_296 = arith.constant 1 : i32
        %add3A_297 = arith.addi %while3A_166, %add3A_296 : i32
        %add3A_298 = arith.addi %and3A_65, %shift_right_logical3A_66 : i32
        %lt3A = arith.cmpi slt, %add3A_297, %add3A_298 : i32
        %convert_element_type3A_299 = arith.extui %lt3A : i1 to i32
        %cond3A = arith.constant 0 : i32
        %cond3A_300 = arith.cmpi ne, %convert_element_type3A_299, %cond3A : i32
        scf.if %cond3A_300 {
          %add3A_327 = arith.constant 1 : i32
          %add3A_328 = arith.addi %while3A_166, %add3A_327 : i32
          %dma_start3A_329 = arith.constant 0 : i32
          %dma_start3A_330 = arith.constant 0 : i32
          %dma_start3A_331 = arith.constant 0 : i32
          %dma_start3A_332 = arith.constant 0 : i32
          %dma_start3A_333 = tpu.memref_slice %arg8[%dma_start3A_330, %dma_start3A_331, %dma_start3A_332] : memref<2x128x96xf32, #tpu.memory_space<vmem>> -> memref<1x128x96xf32, #tpu.memory_space<vmem>>
          %dma_start3A_334 = tpu.memref_squeeze %dma_start3A_333 : memref<1x128x96xf32, #tpu.memory_space<vmem>> -> memref<128x96xf32, #tpu.memory_space<vmem>>
          %dma_start3A_335 = arith.constant 0 : i32
          %dma_start3A_336 = arith.constant 0 : i32
          %dma_start3A_337 = tpu.memref_slice %arg2[%dma_start3A_329, %add3A_328, %dma_start3A_335, %dma_start3A_336] : memref<1x512x512x96xf32, #tpu.memory_space<hbm>> -> memref<1x1x128x96xf32, #tpu.memory_space<hbm>>
          %dma_start3A_338 = tpu.memref_squeeze %dma_start3A_337 : memref<1x1x128x96xf32, #tpu.memory_space<hbm>> -> memref<128x96xf32, #tpu.memory_space<hbm>>
          %dma_start3A_339 = arith.constant 0 : i32
          %dma_start3A_340 = arith.constant 0 : i32
          %dma_start3A_341 = tpu.memref_slice %arg8[%dma_start3A_330, %dma_start3A_339, %dma_start3A_340] : memref<2x128x96xf32, #tpu.memory_space<vmem>> -> memref<1x128x96xf32, #tpu.memory_space<vmem>>
          %dma_start3A_342 = tpu.memref_squeeze %dma_start3A_341 : memref<1x128x96xf32, #tpu.memory_space<vmem>> -> memref<128x96xf32, #tpu.memory_space<vmem>>
          %dma_start3A_343 = arith.constant 0 : i32
          %dma_start3A_344 = arith.constant 0 : i32
          %dma_start3A_345 = tpu.memref_slice %arg2[%dma_start3A_329, %add3A_328, %dma_start3A_343, %dma_start3A_344] : memref<1x512x512x96xf32, #tpu.memory_space<hbm>> -> memref<1x1x128x96xf32, #tpu.memory_space<hbm>>
          %dma_start3A_346 = tpu.memref_squeeze %dma_start3A_345 : memref<1x1x128x96xf32, #tpu.memory_space<hbm>> -> memref<128x96xf32, #tpu.memory_space<hbm>>
          tpu.enqueue_dma source(%dma_start3A_346 : memref<128x96xf32, #tpu.memory_space<hbm>>) target(%dma_start3A_342 : memref<128x96xf32, #tpu.memory_space<vmem>>) target_semaphore(%arg18 : memref<!tpu.dma_semaphore, #tpu.memory_space<semaphore_mem>>)
        } else {
        }
        %dma_wait3A_301 = arith.constant 0 : i32
        %dma_wait3A_302 = arith.constant 1 : i32
        %dma_wait3A_303 = arith.constant 0 : i32
        %dma_wait3A_304 = arith.constant 0 : i32
        %dma_wait3A_305 = tpu.memref_slice %arg8[%dma_wait3A_302, %dma_wait3A_303, %dma_wait3A_304] : memref<2x128x96xf32, #tpu.memory_space<vmem>> -> memref<1x128x96xf32, #tpu.memory_space<vmem>>
        %dma_wait3A_306 = tpu.memref_squeeze %dma_wait3A_305 : memref<1x128x96xf32, #tpu.memory_space<vmem>> -> memref<128x96xf32, #tpu.memory_space<vmem>>
        %dma_wait3A_307 = arith.constant 384 : i32
        %dma_wait3A_308 = arith.constant 0 : i32
        %dma_wait3A_309 = tpu.memref_slice %arg2[%dma_wait3A_301, %while3A_166, %dma_wait3A_307, %dma_wait3A_308] : memref<1x512x512x96xf32, #tpu.memory_space<hbm>> -> memref<1x1x128x96xf32, #tpu.memory_space<hbm>>
        %dma_wait3A_310 = tpu.memref_squeeze %dma_wait3A_309 : memref<1x1x128x96xf32, #tpu.memory_space<hbm>> -> memref<128x96xf32, #tpu.memory_space<hbm>>
        %dma_wait3A_311 = arith.constant 0 : i32
        %dma_wait3A_312 = arith.constant 0 : i32
        %dma_wait3A_313 = tpu.memref_slice %arg8[%dma_wait3A_302, %dma_wait3A_311, %dma_wait3A_312] : memref<2x128x96xf32, #tpu.memory_space<vmem>> -> memref<1x128x96xf32, #tpu.memory_space<vmem>>
        %dma_wait3A_314 = tpu.memref_squeeze %dma_wait3A_313 : memref<1x128x96xf32, #tpu.memory_space<vmem>> -> memref<128x96xf32, #tpu.memory_space<vmem>>
        %dma_wait3A_315 = arith.constant 384 : i32
        %dma_wait3A_316 = arith.constant 0 : i32
        %dma_wait3A_317 = tpu.memref_slice %arg2[%dma_wait3A_301, %while3A_166, %dma_wait3A_315, %dma_wait3A_316] : memref<1x512x512x96xf32, #tpu.memory_space<hbm>> -> memref<1x1x128x96xf32, #tpu.memory_space<hbm>>
        %dma_wait3A_318 = tpu.memref_squeeze %dma_wait3A_317 : memref<1x1x128x96xf32, #tpu.memory_space<hbm>> -> memref<128x96xf32, #tpu.memory_space<hbm>>
        tpu.wait_dma2 semaphore(%arg17 : memref<!tpu.dma_semaphore, #tpu.memory_space<semaphore_mem>>) src(%dma_wait3A_318 : memref<128x96xf32, #tpu.memory_space<hbm>>) dst(%dma_wait3A_314 : memref<128x96xf32, #tpu.memory_space<vmem>>)
        %scan3A_319 = arith.constant 0 : i32
        %scan3A_320 = arith.constant 0 : i32
        %scan3A_321 = arith.constant 64 : i32
        %scan3A_322 = arith.addi %scan3A_320, %scan3A_321 : i32
        %scan3A_323 = arith.constant 1 : i32
        %scan3A_324 = scf.for %scan3A_327 = %scan3A_320 to %scan3A_322 step %scan3A_323 iter_args(%scan3A_328 = %scan3A_319) -> (i32)  : i32 {
          %mul3A_329 = arith.constant 2 : i32
          %mul3A_330 = arith.muli %scan3A_327, %mul3A_329 : i32
          %add3A_331 = arith.constant 384 : i32
          %add3A_332 = arith.addi %add3A_331, %mul3A_330 : i32
          %get3A_333 = arith.index_cast %add3A_332 : i32 to index
          %get3A_334 = memref.load %arg14[%get3A_333] : memref<512xi32, #tpu.memory_space<smem>>
          %add3A_335 = arith.constant 384 : i32
          %add3A_336 = arith.addi %add3A_335, %mul3A_330 : i32
          %add3A_337 = arith.constant 1 : i32
          %add3A_338 = arith.addi %add3A_336, %add3A_337 : i32
          %get3A_339 = arith.index_cast %add3A_338 : i32 to index
          %get3A_340 = memref.load %arg14[%get3A_339] : memref<512xi32, #tpu.memory_space<smem>>
          %add3A_341 = arith.constant 384 : i32
          %add3A_342 = arith.addi %add3A_341, %mul3A_330 : i32
          %get3A_343 = arith.index_cast %add3A_342 : i32 to index
          %get3A_344 = memref.load %arg15[%get3A_343] : memref<512xf32, #tpu.memory_space<smem>>
          %mul3A_345 = arith.mulf %squeeze3A_71, %get3A_344 : f32
          %broadcast_in_dim3A_346 = vector.broadcast %mul3A_345 : f32 to vector<16xf32>
          %add3A_347 = arith.constant 384 : i32
          %add3A_348 = arith.addi %add3A_347, %mul3A_330 : i32
          %add3A_349 = arith.constant 1 : i32
          %add3A_350 = arith.addi %add3A_348, %add3A_349 : i32
          %get3A_351 = arith.index_cast %add3A_350 : i32 to index
          %get3A_352 = memref.load %arg15[%get3A_351] : memref<512xf32, #tpu.memory_space<smem>>
          %mul3A_353 = arith.mulf %squeeze3A_71, %get3A_352 : f32
          %broadcast_in_dim3A_354 = vector.broadcast %mul3A_353 : f32 to vector<16xf32>
          %get3A_355 = arith.constant 1 : i32
          %get3A_356 = arith.index_cast %get3A_355 : i32 to index
          %get3A_357 = arith.index_cast %mul3A_330 : i32 to index
          %get3A_358 = arith.constant 0 : index
          %get3A_359 = tpu.vector_load %arg8[%get3A_356, %get3A_357, %get3A_358] {strides = array<i32>} : memref<2x128x96xf32, #tpu.memory_space<vmem>>, vector<16xf32>,
          %mul3A_360 = arith.mulf %get3A_359, %broadcast_in_dim3A_346 : vector<16xf32>
          %get3A_361 = arith.constant 1 : i32
          %get3A_362 = arith.index_cast %get3A_361 : i32 to index
          %get3A_363 = arith.index_cast %mul3A_330 : i32 to index
          %get3A_364 = arith.constant 16 : index
          %get3A_365 = tpu.vector_load %arg8[%get3A_362, %get3A_363, %get3A_364] {strides = array<i32>} : memref<2x128x96xf32, #tpu.memory_space<vmem>>, vector<16xf32>,
          %mul3A_366 = arith.mulf %get3A_365, %broadcast_in_dim3A_346 : vector<16xf32>
          %get3A_367 = arith.constant 1 : i32
          %get3A_368 = arith.index_cast %get3A_367 : i32 to index
          %get3A_369 = arith.index_cast %mul3A_330 : i32 to index
          %get3A_370 = arith.constant 32 : index
          %get3A_371 = tpu.vector_load %arg8[%get3A_368, %get3A_369, %get3A_370] {strides = array<i32>} : memref<2x128x96xf32, #tpu.memory_space<vmem>>, vector<16xf32>,
          %mul3A_372 = arith.mulf %get3A_371, %broadcast_in_dim3A_346 : vector<16xf32>
          %get3A_373 = arith.constant 1 : i32
          %get3A_374 = arith.index_cast %get3A_373 : i32 to index
          %get3A_375 = arith.index_cast %mul3A_330 : i32 to index
          %get3A_376 = arith.constant 48 : index
          %get3A_377 = tpu.vector_load %arg8[%get3A_374, %get3A_375, %get3A_376] {strides = array<i32>} : memref<2x128x96xf32, #tpu.memory_space<vmem>>, vector<16xf32>,
          %mul3A_378 = arith.mulf %get3A_377, %broadcast_in_dim3A_346 : vector<16xf32>
          %get3A_379 = arith.constant 1 : i32
          %get3A_380 = arith.index_cast %get3A_379 : i32 to index
          %get3A_381 = arith.index_cast %mul3A_330 : i32 to index
          %get3A_382 = arith.constant 64 : index
          %get3A_383 = tpu.vector_load %arg8[%get3A_380, %get3A_381, %get3A_382] {strides = array<i32>} : memref<2x128x96xf32, #tpu.memory_space<vmem>>, vector<16xf32>,
          %mul3A_384 = arith.mulf %get3A_383, %broadcast_in_dim3A_346 : vector<16xf32>
          %get3A_385 = arith.constant 1 : i32
          %get3A_386 = arith.index_cast %get3A_385 : i32 to index
          %get3A_387 = arith.index_cast %mul3A_330 : i32 to index
          %get3A_388 = arith.constant 80 : index
          %get3A_389 = tpu.vector_load %arg8[%get3A_386, %get3A_387, %get3A_388] {strides = array<i32>} : memref<2x128x96xf32, #tpu.memory_space<vmem>>, vector<16xf32>,
          %mul3A_390 = arith.mulf %get3A_389, %broadcast_in_dim3A_346 : vector<16xf32>
          %add3A_391 = arith.constant 1 : i32
          %add3A_392 = arith.addi %mul3A_330, %add3A_391 : i32
          %get3A_393 = arith.constant 1 : i32
          %get3A_394 = arith.index_cast %get3A_393 : i32 to index
          %get3A_395 = arith.index_cast %add3A_392 : i32 to index
          %get3A_396 = arith.constant 0 : index
          %get3A_397 = tpu.vector_load %arg8[%get3A_394, %get3A_395, %get3A_396] {strides = array<i32>} : memref<2x128x96xf32, #tpu.memory_space<vmem>>, vector<16xf32>,
          %mul3A_398 = arith.mulf %get3A_397, %broadcast_in_dim3A_354 : vector<16xf32>
          %add3A_399 = arith.constant 1 : i32
          %add3A_400 = arith.addi %mul3A_330, %add3A_399 : i32
          %get3A_401 = arith.constant 1 : i32
          %get3A_402 = arith.index_cast %get3A_401 : i32 to index
          %get3A_403 = arith.index_cast %add3A_400 : i32 to index
          %get3A_404 = arith.constant 16 : index
          %get3A_405 = tpu.vector_load %arg8[%get3A_402, %get3A_403, %get3A_404] {strides = array<i32>} : memref<2x128x96xf32, #tpu.memory_space<vmem>>, vector<16xf32>,
          %mul3A_406 = arith.mulf %get3A_405, %broadcast_in_dim3A_354 : vector<16xf32>
          %add3A_407 = arith.constant 1 : i32
          %add3A_408 = arith.addi %mul3A_330, %add3A_407 : i32
          %get3A_409 = arith.constant 1 : i32
          %get3A_410 = arith.index_cast %get3A_409 : i32 to index
          %get3A_411 = arith.index_cast %add3A_408 : i32 to index
          %get3A_412 = arith.constant 32 : index
          %get3A_413 = tpu.vector_load %arg8[%get3A_410, %get3A_411, %get3A_412] {strides = array<i32>} : memref<2x128x96xf32, #tpu.memory_space<vmem>>, vector<16xf32>,
          %mul3A_414 = arith.mulf %get3A_413, %broadcast_in_dim3A_354 : vector<16xf32>
          %add3A_415 = arith.constant 1 : i32
          %add3A_416 = arith.addi %mul3A_330, %add3A_415 : i32
          %get3A_417 = arith.constant 1 : i32
          %get3A_418 = arith.index_cast %get3A_417 : i32 to index
          %get3A_419 = arith.index_cast %add3A_416 : i32 to index
          %get3A_420 = arith.constant 48 : index
          %get3A_421 = tpu.vector_load %arg8[%get3A_418, %get3A_419, %get3A_420] {strides = array<i32>} : memref<2x128x96xf32, #tpu.memory_space<vmem>>, vector<16xf32>,
          %mul3A_422 = arith.mulf %get3A_421, %broadcast_in_dim3A_354 : vector<16xf32>
          %add3A_423 = arith.constant 1 : i32
          %add3A_424 = arith.addi %mul3A_330, %add3A_423 : i32
          %get3A_425 = arith.constant 1 : i32
          %get3A_426 = arith.index_cast %get3A_425 : i32 to index
          %get3A_427 = arith.index_cast %add3A_424 : i32 to index
          %get3A_428 = arith.constant 64 : index
          %get3A_429 = tpu.vector_load %arg8[%get3A_426, %get3A_427, %get3A_428] {strides = array<i32>} : memref<2x128x96xf32, #tpu.memory_space<vmem>>, vector<16xf32>,
          %mul3A_430 = arith.mulf %get3A_429, %broadcast_in_dim3A_354 : vector<16xf32>
          %add3A_431 = arith.constant 1 : i32
          %add3A_432 = arith.addi %mul3A_330, %add3A_431 : i32
          %get3A_433 = arith.constant 1 : i32
          %get3A_434 = arith.index_cast %get3A_433 : i32 to index
          %get3A_435 = arith.index_cast %add3A_432 : i32 to index
          %get3A_436 = arith.constant 80 : index
          %get3A_437 = tpu.vector_load %arg8[%get3A_434, %get3A_435, %get3A_436] {strides = array<i32>} : memref<2x128x96xf32, #tpu.memory_space<vmem>>, vector<16xf32>,
          %mul3A_438 = arith.mulf %get3A_437, %broadcast_in_dim3A_354 : vector<16xf32>
          %add3A_439 = arith.constant 0 : i32
          %add3A_440 = arith.addi %get3A_334, %add3A_439 : i32
          %swap3A = arith.index_cast %add3A_440 : i32 to index
          %swap3A_441 = tpu.vector_load %arg9[%swap3A] {strides = array<i32>} : memref<27936xf32, #tpu.memory_space<vmem>>, vector<16xf32>,
          tpu.vector_store %arg9[%swap3A], %mul3A_360 {add = true, strides = array<i32>} : memref<27936xf32, #tpu.memory_space<vmem>>, vector<16xf32>,
          %add3A_442 = arith.constant 16 : i32
          %add3A_443 = arith.addi %get3A_334, %add3A_442 : i32
          %swap3A_444 = arith.index_cast %add3A_443 : i32 to index
          %swap3A_445 = tpu.vector_load %arg9[%swap3A_444] {strides = array<i32>} : memref<27936xf32, #tpu.memory_space<vmem>>, vector<16xf32>,
          tpu.vector_store %arg9[%swap3A_444], %mul3A_366 {add = true, strides = array<i32>} : memref<27936xf32, #tpu.memory_space<vmem>>, vector<16xf32>,
          %add3A_446 = arith.constant 32 : i32
          %add3A_447 = arith.addi %get3A_334, %add3A_446 : i32
          %swap3A_448 = arith.index_cast %add3A_447 : i32 to index
          %swap3A_449 = tpu.vector_load %arg9[%swap3A_448] {strides = array<i32>} : memref<27936xf32, #tpu.memory_space<vmem>>, vector<16xf32>,
          tpu.vector_store %arg9[%swap3A_448], %mul3A_372 {add = true, strides = array<i32>} : memref<27936xf32, #tpu.memory_space<vmem>>, vector<16xf32>,
          %add3A_450 = arith.constant 48 : i32
          %add3A_451 = arith.addi %get3A_334, %add3A_450 : i32
          %swap3A_452 = arith.index_cast %add3A_451 : i32 to index
          %swap3A_453 = tpu.vector_load %arg9[%swap3A_452] {strides = array<i32>} : memref<27936xf32, #tpu.memory_space<vmem>>, vector<16xf32>,
          tpu.vector_store %arg9[%swap3A_452], %mul3A_378 {add = true, strides = array<i32>} : memref<27936xf32, #tpu.memory_space<vmem>>, vector<16xf32>,
          %add3A_454 = arith.constant 64 : i32
          %add3A_455 = arith.addi %get3A_334, %add3A_454 : i32
          %swap3A_456 = arith.index_cast %add3A_455 : i32 to index
          %swap3A_457 = tpu.vector_load %arg9[%swap3A_456] {strides = array<i32>} : memref<27936xf32, #tpu.memory_space<vmem>>, vector<16xf32>,
          tpu.vector_store %arg9[%swap3A_456], %mul3A_384 {add = true, strides = array<i32>} : memref<27936xf32, #tpu.memory_space<vmem>>, vector<16xf32>,
          %add3A_458 = arith.constant 80 : i32
          %add3A_459 = arith.addi %get3A_334, %add3A_458 : i32
          %swap3A_460 = arith.index_cast %add3A_459 : i32 to index
          %swap3A_461 = tpu.vector_load %arg9[%swap3A_460] {strides = array<i32>} : memref<27936xf32, #tpu.memory_space<vmem>>, vector<16xf32>,
          tpu.vector_store %arg9[%swap3A_460], %mul3A_390 {add = true, strides = array<i32>} : memref<27936xf32, #tpu.memory_space<vmem>>, vector<16xf32>,
          %add3A_462 = arith.constant 0 : i32
          %add3A_463 = arith.addi %get3A_340, %add3A_462 : i32
          %swap3A_464 = arith.index_cast %add3A_463 : i32 to index
          %swap3A_465 = tpu.vector_load %arg9[%swap3A_464] {strides = array<i32>} : memref<27936xf32, #tpu.memory_space<vmem>>, vector<16xf32>,
          tpu.vector_store %arg9[%swap3A_464], %mul3A_398 {add = true, strides = array<i32>} : memref<27936xf32, #tpu.memory_space<vmem>>, vector<16xf32>,
          %add3A_466 = arith.constant 16 : i32
          %add3A_467 = arith.addi %get3A_340, %add3A_466 : i32
          %swap3A_468 = arith.index_cast %add3A_467 : i32 to index
          %swap3A_469 = tpu.vector_load %arg9[%swap3A_468] {strides = array<i32>} : memref<27936xf32, #tpu.memory_space<vmem>>, vector<16xf32>,
          tpu.vector_store %arg9[%swap3A_468], %mul3A_406 {add = true, strides = array<i32>} : memref<27936xf32, #tpu.memory_space<vmem>>, vector<16xf32>,
          %add3A_470 = arith.constant 32 : i32
          %add3A_471 = arith.addi %get3A_340, %add3A_470 : i32
          %swap3A_472 = arith.index_cast %add3A_471 : i32 to index
          %swap3A_473 = tpu.vector_load %arg9[%swap3A_472] {strides = array<i32>} : memref<27936xf32, #tpu.memory_space<vmem>>, vector<16xf32>,
          tpu.vector_store %arg9[%swap3A_472], %mul3A_414 {add = true, strides = array<i32>} : memref<27936xf32, #tpu.memory_space<vmem>>, vector<16xf32>,
          %add3A_474 = arith.constant 48 : i32
          %add3A_475 = arith.addi %get3A_340, %add3A_474 : i32
          %swap3A_476 = arith.index_cast %add3A_475 : i32 to index
          %swap3A_477 = tpu.vector_load %arg9[%swap3A_476] {strides = array<i32>} : memref<27936xf32, #tpu.memory_space<vmem>>, vector<16xf32>,
          tpu.vector_store %arg9[%swap3A_476], %mul3A_422 {add = true, strides = array<i32>} : memref<27936xf32, #tpu.memory_space<vmem>>, vector<16xf32>,
          %add3A_478 = arith.constant 64 : i32
          %add3A_479 = arith.addi %get3A_340, %add3A_478 : i32
          %swap3A_480 = arith.index_cast %add3A_479 : i32 to index
          %swap3A_481 = tpu.vector_load %arg9[%swap3A_480] {strides = array<i32>} : memref<27936xf32, #tpu.memory_space<vmem>>, vector<16xf32>,
          tpu.vector_store %arg9[%swap3A_480], %mul3A_430 {add = true, strides = array<i32>} : memref<27936xf32, #tpu.memory_space<vmem>>, vector<16xf32>,
          %add3A_482 = arith.constant 80 : i32
          %add3A_483 = arith.addi %get3A_340, %add3A_482 : i32
          %swap3A_484 = arith.index_cast %add3A_483 : i32 to index
          %swap3A_485 = tpu.vector_load %arg9[%swap3A_484] {strides = array<i32>} : memref<27936xf32, #tpu.memory_space<vmem>>, vector<16xf32>,
          tpu.vector_store %arg9[%swap3A_484], %mul3A_438 {add = true, strides = array<i32>} : memref<27936xf32, #tpu.memory_space<vmem>>, vector<16xf32>,
          %scan3A_486 = arith.constant 0 : i32
          scf.yield %scan3A_486 : i32
        }
        %scan3A_325 = arith.constant 64 : i32
        %while3A_326 = arith.constant 0 : i32
        scf.yield %while3A_326 : i32
      }
      %while3A_132 = arith.constant 1 : i32
      %while3A_133 = scf.for %while3A_166 = %while3A_129 to %while3A_125 step %while3A_132 iter_args(%while3A_167 = %while3A_131) -> (i32)  : i32 {
        %dma_start3A_168 = arith.constant 0 : i32
        %dma_start3A_169 = arith.constant 1 : i32
        %dma_start3A_170 = arith.constant 0 : i32
        %dma_start3A_171 = arith.constant 0 : i32
        %dma_start3A_172 = tpu.memref_slice %arg8[%dma_start3A_169, %dma_start3A_170, %dma_start3A_171] : memref<2x128x96xf32, #tpu.memory_space<vmem>> -> memref<1x128x96xf32, #tpu.memory_space<vmem>>
        %dma_start3A_173 = tpu.memref_squeeze %dma_start3A_172 : memref<1x128x96xf32, #tpu.memory_space<vmem>> -> memref<128x96xf32, #tpu.memory_space<vmem>>
        %dma_start3A_174 = arith.constant 128 : i32
        %dma_start3A_175 = arith.constant 0 : i32
        %dma_start3A_176 = tpu.memref_slice %arg2[%dma_start3A_168, %while3A_166, %dma_start3A_174, %dma_start3A_175] : memref<1x512x512x96xf32, #tpu.memory_space<hbm>> -> memref<1x1x128x96xf32, #tpu.memory_space<hbm>>
        %dma_start3A_177 = tpu.memref_squeeze %dma_start3A_176 : memref<1x1x128x96xf32, #tpu.memory_space<hbm>> -> memref<128x96xf32, #tpu.memory_space<hbm>>
        %dma_start3A_178 = arith.constant 0 : i32
        %dma_start3A_179 = arith.constant 0 : i32
        %dma_start3A_180 = tpu.memref_slice %arg8[%dma_start3A_169, %dma_start3A_178, %dma_start3A_179] : memref<2x128x96xf32, #tpu.memory_space<vmem>> -> memref<1x128x96xf32, #tpu.memory_space<vmem>>
        %dma_start3A_181 = tpu.memref_squeeze %dma_start3A_180 : memref<1x128x96xf32, #tpu.memory_space<vmem>> -> memref<128x96xf32, #tpu.memory_space<vmem>>
        %dma_start3A_182 = arith.constant 128 : i32
        %dma_start3A_183 = arith.constant 0 : i32
        %dma_start3A_184 = tpu.memref_slice %arg2[%dma_start3A_168, %while3A_166, %dma_start3A_182, %dma_start3A_183] : memref<1x512x512x96xf32, #tpu.memory_space<hbm>> -> memref<1x1x128x96xf32, #tpu.memory_space<hbm>>
        %dma_start3A_185 = tpu.memref_squeeze %dma_start3A_184 : memref<1x1x128x96xf32, #tpu.memory_space<hbm>> -> memref<128x96xf32, #tpu.memory_space<hbm>>
        tpu.enqueue_dma source(%dma_start3A_185 : memref<128x96xf32, #tpu.memory_space<hbm>>) target(%dma_start3A_181 : memref<128x96xf32, #tpu.memory_space<vmem>>) target_semaphore(%arg17 : memref<!tpu.dma_semaphore, #tpu.memory_space<semaphore_mem>>)
        %dma_wait3A = arith.constant 0 : i32
        %dma_wait3A_186 = arith.constant 0 : i32
        %dma_wait3A_187 = arith.constant 0 : i32
        %dma_wait3A_188 = arith.constant 0 : i32
        %dma_wait3A_189 = tpu.memref_slice %arg8[%dma_wait3A_186, %dma_wait3A_187, %dma_wait3A_188] : memref<2x128x96xf32, #tpu.memory_space<vmem>> -> memref<1x128x96xf32, #tpu.memory_space<vmem>>
        %dma_wait3A_190 = tpu.memref_squeeze %dma_wait3A_189 : memref<1x128x96xf32, #tpu.memory_space<vmem>> -> memref<128x96xf32, #tpu.memory_space<vmem>>
        %dma_wait3A_191 = arith.constant 0 : i32
        %dma_wait3A_192 = arith.constant 0 : i32
        %dma_wait3A_193 = tpu.memref_slice %arg2[%dma_wait3A, %while3A_166, %dma_wait3A_191, %dma_wait3A_192] : memref<1x512x512x96xf32, #tpu.memory_space<hbm>> -> memref<1x1x128x96xf32, #tpu.memory_space<hbm>>
        %dma_wait3A_194 = tpu.memref_squeeze %dma_wait3A_193 : memref<1x1x128x96xf32, #tpu.memory_space<hbm>> -> memref<128x96xf32, #tpu.memory_space<hbm>>
        %dma_wait3A_195 = arith.constant 0 : i32
        %dma_wait3A_196 = arith.constant 0 : i32
        %dma_wait3A_197 = tpu.memref_slice %arg8[%dma_wait3A_186, %dma_wait3A_195, %dma_wait3A_196] : memref<2x128x96xf32, #tpu.memory_space<vmem>> -> memref<1x128x96xf32, #tpu.memory_space<vmem>>
        %dma_wait3A_198 = tpu.memref_squeeze %dma_wait3A_197 : memref<1x128x96xf32, #tpu.memory_space<vmem>> -> memref<128x96xf32, #tpu.memory_space<vmem>>
        %dma_wait3A_199 = arith.constant 0 : i32
        %dma_wait3A_200 = arith.constant 0 : i32
        %dma_wait3A_201 = tpu.memref_slice %arg2[%dma_wait3A, %while3A_166, %dma_wait3A_199, %dma_wait3A_200] : memref<1x512x512x96xf32, #tpu.memory_space<hbm>> -> memref<1x1x128x96xf32, #tpu.memory_space<hbm>>
        %dma_wait3A_202 = tpu.memref_squeeze %dma_wait3A_201 : memref<1x1x128x96xf32, #tpu.memory_space<hbm>> -> memref<128x96xf32, #tpu.memory_space<hbm>>
        tpu.wait_dma2 semaphore(%arg18 : memref<!tpu.dma_semaphore, #tpu.memory_space<semaphore_mem>>) src(%dma_wait3A_202 : memref<128x96xf32, #tpu.memory_space<hbm>>) dst(%dma_wait3A_198 : memref<128x96xf32, #tpu.memory_space<vmem>>)
        %scan3A_203 = arith.constant 0 : i32
        %scan3A_204 = arith.constant 0 : i32
        %scan3A_205 = arith.constant 64 : i32
        %scan3A_206 = arith.addi %scan3A_204, %scan3A_205 : i32
        %scan3A_207 = arith.constant 1 : i32
        %scan3A_208 = scf.for %scan3A_327 = %scan3A_204 to %scan3A_206 step %scan3A_207 iter_args(%scan3A_328 = %scan3A_203) -> (i32)  : i32 {
          %mul3A_329 = arith.constant 2 : i32
          %mul3A_330 = arith.muli %scan3A_327, %mul3A_329 : i32
          %add3A_331 = arith.constant 0 : i32
          %add3A_332 = arith.addi %add3A_331, %mul3A_330 : i32
          %get3A_333 = arith.index_cast %add3A_332 : i32 to index
          %get3A_334 = memref.load %arg14[%get3A_333] : memref<512xi32, #tpu.memory_space<smem>>
          %add3A_335 = arith.constant 0 : i32
          %add3A_336 = arith.addi %add3A_335, %mul3A_330 : i32
          %add3A_337 = arith.constant 1 : i32
          %add3A_338 = arith.addi %add3A_336, %add3A_337 : i32
          %get3A_339 = arith.index_cast %add3A_338 : i32 to index
          %get3A_340 = memref.load %arg14[%get3A_339] : memref<512xi32, #tpu.memory_space<smem>>
          %add3A_341 = arith.constant 0 : i32
          %add3A_342 = arith.addi %add3A_341, %mul3A_330 : i32
          %get3A_343 = arith.index_cast %add3A_342 : i32 to index
          %get3A_344 = memref.load %arg15[%get3A_343] : memref<512xf32, #tpu.memory_space<smem>>
          %mul3A_345 = arith.mulf %squeeze3A_71, %get3A_344 : f32
          %broadcast_in_dim3A_346 = vector.broadcast %mul3A_345 : f32 to vector<16xf32>
          %add3A_347 = arith.constant 0 : i32
          %add3A_348 = arith.addi %add3A_347, %mul3A_330 : i32
          %add3A_349 = arith.constant 1 : i32
          %add3A_350 = arith.addi %add3A_348, %add3A_349 : i32
          %get3A_351 = arith.index_cast %add3A_350 : i32 to index
          %get3A_352 = memref.load %arg15[%get3A_351] : memref<512xf32, #tpu.memory_space<smem>>
          %mul3A_353 = arith.mulf %squeeze3A_71, %get3A_352 : f32
          %broadcast_in_dim3A_354 = vector.broadcast %mul3A_353 : f32 to vector<16xf32>
          %get3A_355 = arith.constant 0 : i32
          %get3A_356 = arith.index_cast %get3A_355 : i32 to index
          %get3A_357 = arith.index_cast %mul3A_330 : i32 to index
          %get3A_358 = arith.constant 0 : index
          %get3A_359 = tpu.vector_load %arg8[%get3A_356, %get3A_357, %get3A_358] {strides = array<i32>} : memref<2x128x96xf32, #tpu.memory_space<vmem>>, vector<16xf32>,
          %mul3A_360 = arith.mulf %get3A_359, %broadcast_in_dim3A_346 : vector<16xf32>
          %get3A_361 = arith.constant 0 : i32
          %get3A_362 = arith.index_cast %get3A_361 : i32 to index
          %get3A_363 = arith.index_cast %mul3A_330 : i32 to index
          %get3A_364 = arith.constant 16 : index
          %get3A_365 = tpu.vector_load %arg8[%get3A_362, %get3A_363, %get3A_364] {strides = array<i32>} : memref<2x128x96xf32, #tpu.memory_space<vmem>>, vector<16xf32>,
          %mul3A_366 = arith.mulf %get3A_365, %broadcast_in_dim3A_346 : vector<16xf32>
          %get3A_367 = arith.constant 0 : i32
          %get3A_368 = arith.index_cast %get3A_367 : i32 to index
          %get3A_369 = arith.index_cast %mul3A_330 : i32 to index
          %get3A_370 = arith.constant 32 : index
          %get3A_371 = tpu.vector_load %arg8[%get3A_368, %get3A_369, %get3A_370] {strides = array<i32>} : memref<2x128x96xf32, #tpu.memory_space<vmem>>, vector<16xf32>,
          %mul3A_372 = arith.mulf %get3A_371, %broadcast_in_dim3A_346 : vector<16xf32>
          %get3A_373 = arith.constant 0 : i32
          %get3A_374 = arith.index_cast %get3A_373 : i32 to index
          %get3A_375 = arith.index_cast %mul3A_330 : i32 to index
          %get3A_376 = arith.constant 48 : index
          %get3A_377 = tpu.vector_load %arg8[%get3A_374, %get3A_375, %get3A_376] {strides = array<i32>} : memref<2x128x96xf32, #tpu.memory_space<vmem>>, vector<16xf32>,
          %mul3A_378 = arith.mulf %get3A_377, %broadcast_in_dim3A_346 : vector<16xf32>
          %get3A_379 = arith.constant 0 : i32
          %get3A_380 = arith.index_cast %get3A_379 : i32 to index
          %get3A_381 = arith.index_cast %mul3A_330 : i32 to index
          %get3A_382 = arith.constant 64 : index
          %get3A_383 = tpu.vector_load %arg8[%get3A_380, %get3A_381, %get3A_382] {strides = array<i32>} : memref<2x128x96xf32, #tpu.memory_space<vmem>>, vector<16xf32>,
          %mul3A_384 = arith.mulf %get3A_383, %broadcast_in_dim3A_346 : vector<16xf32>
          %get3A_385 = arith.constant 0 : i32
          %get3A_386 = arith.index_cast %get3A_385 : i32 to index
          %get3A_387 = arith.index_cast %mul3A_330 : i32 to index
          %get3A_388 = arith.constant 80 : index
          %get3A_389 = tpu.vector_load %arg8[%get3A_386, %get3A_387, %get3A_388] {strides = array<i32>} : memref<2x128x96xf32, #tpu.memory_space<vmem>>, vector<16xf32>,
          %mul3A_390 = arith.mulf %get3A_389, %broadcast_in_dim3A_346 : vector<16xf32>
          %add3A_391 = arith.constant 1 : i32
          %add3A_392 = arith.addi %mul3A_330, %add3A_391 : i32
          %get3A_393 = arith.constant 0 : i32
          %get3A_394 = arith.index_cast %get3A_393 : i32 to index
          %get3A_395 = arith.index_cast %add3A_392 : i32 to index
          %get3A_396 = arith.constant 0 : index
          %get3A_397 = tpu.vector_load %arg8[%get3A_394, %get3A_395, %get3A_396] {strides = array<i32>} : memref<2x128x96xf32, #tpu.memory_space<vmem>>, vector<16xf32>,
          %mul3A_398 = arith.mulf %get3A_397, %broadcast_in_dim3A_354 : vector<16xf32>
          %add3A_399 = arith.constant 1 : i32
          %add3A_400 = arith.addi %mul3A_330, %add3A_399 : i32
          %get3A_401 = arith.constant 0 : i32
          %get3A_402 = arith.index_cast %get3A_401 : i32 to index
          %get3A_403 = arith.index_cast %add3A_400 : i32 to index
          %get3A_404 = arith.constant 16 : index
          %get3A_405 = tpu.vector_load %arg8[%get3A_402, %get3A_403, %get3A_404] {strides = array<i32>} : memref<2x128x96xf32, #tpu.memory_space<vmem>>, vector<16xf32>,
          %mul3A_406 = arith.mulf %get3A_405, %broadcast_in_dim3A_354 : vector<16xf32>
          %add3A_407 = arith.constant 1 : i32
          %add3A_408 = arith.addi %mul3A_330, %add3A_407 : i32
          %get3A_409 = arith.constant 0 : i32
          %get3A_410 = arith.index_cast %get3A_409 : i32 to index
          %get3A_411 = arith.index_cast %add3A_408 : i32 to index
          %get3A_412 = arith.constant 32 : index
          %get3A_413 = tpu.vector_load %arg8[%get3A_410, %get3A_411, %get3A_412] {strides = array<i32>} : memref<2x128x96xf32, #tpu.memory_space<vmem>>, vector<16xf32>,
          %mul3A_414 = arith.mulf %get3A_413, %broadcast_in_dim3A_354 : vector<16xf32>
          %add3A_415 = arith.constant 1 : i32
          %add3A_416 = arith.addi %mul3A_330, %add3A_415 : i32
          %get3A_417 = arith.constant 0 : i32
          %get3A_418 = arith.index_cast %get3A_417 : i32 to index
          %get3A_419 = arith.index_cast %add3A_416 : i32 to index
          %get3A_420 = arith.constant 48 : index
          %get3A_421 = tpu.vector_load %arg8[%get3A_418, %get3A_419, %get3A_420] {strides = array<i32>} : memref<2x128x96xf32, #tpu.memory_space<vmem>>, vector<16xf32>,
          %mul3A_422 = arith.mulf %get3A_421, %broadcast_in_dim3A_354 : vector<16xf32>
          %add3A_423 = arith.constant 1 : i32
          %add3A_424 = arith.addi %mul3A_330, %add3A_423 : i32
          %get3A_425 = arith.constant 0 : i32
          %get3A_426 = arith.index_cast %get3A_425 : i32 to index
          %get3A_427 = arith.index_cast %add3A_424 : i32 to index
          %get3A_428 = arith.constant 64 : index
          %get3A_429 = tpu.vector_load %arg8[%get3A_426, %get3A_427, %get3A_428] {strides = array<i32>} : memref<2x128x96xf32, #tpu.memory_space<vmem>>, vector<16xf32>,
          %mul3A_430 = arith.mulf %get3A_429, %broadcast_in_dim3A_354 : vector<16xf32>
          %add3A_431 = arith.constant 1 : i32
          %add3A_432 = arith.addi %mul3A_330, %add3A_431 : i32
          %get3A_433 = arith.constant 0 : i32
          %get3A_434 = arith.index_cast %get3A_433 : i32 to index
          %get3A_435 = arith.index_cast %add3A_432 : i32 to index
          %get3A_436 = arith.constant 80 : index
          %get3A_437 = tpu.vector_load %arg8[%get3A_434, %get3A_435, %get3A_436] {strides = array<i32>} : memref<2x128x96xf32, #tpu.memory_space<vmem>>, vector<16xf32>,
          %mul3A_438 = arith.mulf %get3A_437, %broadcast_in_dim3A_354 : vector<16xf32>
          %add3A_439 = arith.constant 0 : i32
          %add3A_440 = arith.addi %get3A_334, %add3A_439 : i32
          %swap3A = arith.index_cast %add3A_440 : i32 to index
          %swap3A_441 = tpu.vector_load %arg9[%swap3A] {strides = array<i32>} : memref<27936xf32, #tpu.memory_space<vmem>>, vector<16xf32>,
          tpu.vector_store %arg9[%swap3A], %mul3A_360 {add = true, strides = array<i32>} : memref<27936xf32, #tpu.memory_space<vmem>>, vector<16xf32>,
          %add3A_442 = arith.constant 16 : i32
          %add3A_443 = arith.addi %get3A_334, %add3A_442 : i32
          %swap3A_444 = arith.index_cast %add3A_443 : i32 to index
          %swap3A_445 = tpu.vector_load %arg9[%swap3A_444] {strides = array<i32>} : memref<27936xf32, #tpu.memory_space<vmem>>, vector<16xf32>,
          tpu.vector_store %arg9[%swap3A_444], %mul3A_366 {add = true, strides = array<i32>} : memref<27936xf32, #tpu.memory_space<vmem>>, vector<16xf32>,
          %add3A_446 = arith.constant 32 : i32
          %add3A_447 = arith.addi %get3A_334, %add3A_446 : i32
          %swap3A_448 = arith.index_cast %add3A_447 : i32 to index
          %swap3A_449 = tpu.vector_load %arg9[%swap3A_448] {strides = array<i32>} : memref<27936xf32, #tpu.memory_space<vmem>>, vector<16xf32>,
          tpu.vector_store %arg9[%swap3A_448], %mul3A_372 {add = true, strides = array<i32>} : memref<27936xf32, #tpu.memory_space<vmem>>, vector<16xf32>,
          %add3A_450 = arith.constant 48 : i32
          %add3A_451 = arith.addi %get3A_334, %add3A_450 : i32
          %swap3A_452 = arith.index_cast %add3A_451 : i32 to index
          %swap3A_453 = tpu.vector_load %arg9[%swap3A_452] {strides = array<i32>} : memref<27936xf32, #tpu.memory_space<vmem>>, vector<16xf32>,
          tpu.vector_store %arg9[%swap3A_452], %mul3A_378 {add = true, strides = array<i32>} : memref<27936xf32, #tpu.memory_space<vmem>>, vector<16xf32>,
          %add3A_454 = arith.constant 64 : i32
          %add3A_455 = arith.addi %get3A_334, %add3A_454 : i32
          %swap3A_456 = arith.index_cast %add3A_455 : i32 to index
          %swap3A_457 = tpu.vector_load %arg9[%swap3A_456] {strides = array<i32>} : memref<27936xf32, #tpu.memory_space<vmem>>, vector<16xf32>,
          tpu.vector_store %arg9[%swap3A_456], %mul3A_384 {add = true, strides = array<i32>} : memref<27936xf32, #tpu.memory_space<vmem>>, vector<16xf32>,
          %add3A_458 = arith.constant 80 : i32
          %add3A_459 = arith.addi %get3A_334, %add3A_458 : i32
          %swap3A_460 = arith.index_cast %add3A_459 : i32 to index
          %swap3A_461 = tpu.vector_load %arg9[%swap3A_460] {strides = array<i32>} : memref<27936xf32, #tpu.memory_space<vmem>>, vector<16xf32>,
          tpu.vector_store %arg9[%swap3A_460], %mul3A_390 {add = true, strides = array<i32>} : memref<27936xf32, #tpu.memory_space<vmem>>, vector<16xf32>,
          %add3A_462 = arith.constant 0 : i32
          %add3A_463 = arith.addi %get3A_340, %add3A_462 : i32
          %swap3A_464 = arith.index_cast %add3A_463 : i32 to index
          %swap3A_465 = tpu.vector_load %arg9[%swap3A_464] {strides = array<i32>} : memref<27936xf32, #tpu.memory_space<vmem>>, vector<16xf32>,
          tpu.vector_store %arg9[%swap3A_464], %mul3A_398 {add = true, strides = array<i32>} : memref<27936xf32, #tpu.memory_space<vmem>>, vector<16xf32>,
          %add3A_466 = arith.constant 16 : i32
          %add3A_467 = arith.addi %get3A_340, %add3A_466 : i32
          %swap3A_468 = arith.index_cast %add3A_467 : i32 to index
          %swap3A_469 = tpu.vector_load %arg9[%swap3A_468] {strides = array<i32>} : memref<27936xf32, #tpu.memory_space<vmem>>, vector<16xf32>,
          tpu.vector_store %arg9[%swap3A_468], %mul3A_406 {add = true, strides = array<i32>} : memref<27936xf32, #tpu.memory_space<vmem>>, vector<16xf32>,
          %add3A_470 = arith.constant 32 : i32
          %add3A_471 = arith.addi %get3A_340, %add3A_470 : i32
          %swap3A_472 = arith.index_cast %add3A_471 : i32 to index
          %swap3A_473 = tpu.vector_load %arg9[%swap3A_472] {strides = array<i32>} : memref<27936xf32, #tpu.memory_space<vmem>>, vector<16xf32>,
          tpu.vector_store %arg9[%swap3A_472], %mul3A_414 {add = true, strides = array<i32>} : memref<27936xf32, #tpu.memory_space<vmem>>, vector<16xf32>,
          %add3A_474 = arith.constant 48 : i32
          %add3A_475 = arith.addi %get3A_340, %add3A_474 : i32
          %swap3A_476 = arith.index_cast %add3A_475 : i32 to index
          %swap3A_477 = tpu.vector_load %arg9[%swap3A_476] {strides = array<i32>} : memref<27936xf32, #tpu.memory_space<vmem>>, vector<16xf32>,
          tpu.vector_store %arg9[%swap3A_476], %mul3A_422 {add = true, strides = array<i32>} : memref<27936xf32, #tpu.memory_space<vmem>>, vector<16xf32>,
          %add3A_478 = arith.constant 64 : i32
          %add3A_479 = arith.addi %get3A_340, %add3A_478 : i32
          %swap3A_480 = arith.index_cast %add3A_479 : i32 to index
          %swap3A_481 = tpu.vector_load %arg9[%swap3A_480] {strides = array<i32>} : memref<27936xf32, #tpu.memory_space<vmem>>, vector<16xf32>,
          tpu.vector_store %arg9[%swap3A_480], %mul3A_430 {add = true, strides = array<i32>} : memref<27936xf32, #tpu.memory_space<vmem>>, vector<16xf32>,
          %add3A_482 = arith.constant 80 : i32
          %add3A_483 = arith.addi %get3A_340, %add3A_482 : i32
          %swap3A_484 = arith.index_cast %add3A_483 : i32 to index
          %swap3A_485 = tpu.vector_load %arg9[%swap3A_484] {strides = array<i32>} : memref<27936xf32, #tpu.memory_space<vmem>>, vector<16xf32>,
          tpu.vector_store %arg9[%swap3A_484], %mul3A_438 {add = true, strides = array<i32>} : memref<27936xf32, #tpu.memory_space<vmem>>, vector<16xf32>,
          %scan3A_486 = arith.constant 0 : i32
          scf.yield %scan3A_486 : i32
        }
        %scan3A_209 = arith.constant 64 : i32
        %dma_start3A_210 = arith.constant 0 : i32
        %dma_start3A_211 = arith.constant 0 : i32
        %dma_start3A_212 = arith.constant 0 : i32
        %dma_start3A_213 = arith.constant 0 : i32
        %dma_start3A_214 = tpu.memref_slice %arg8[%dma_start3A_211, %dma_start3A_212, %dma_start3A_213] : memref<2x128x96xf32, #tpu.memory_space<vmem>> -> memref<1x128x96xf32, #tpu.memory_space<vmem>>
        %dma_start3A_215 = tpu.memref_squeeze %dma_start3A_214 : memref<1x128x96xf32, #tpu.memory_space<vmem>> -> memref<128x96xf32, #tpu.memory_space<vmem>>
        %dma_start3A_216 = arith.constant 256 : i32
        %dma_start3A_217 = arith.constant 0 : i32
        %dma_start3A_218 = tpu.memref_slice %arg2[%dma_start3A_210, %while3A_166, %dma_start3A_216, %dma_start3A_217] : memref<1x512x512x96xf32, #tpu.memory_space<hbm>> -> memref<1x1x128x96xf32, #tpu.memory_space<hbm>>
        %dma_start3A_219 = tpu.memref_squeeze %dma_start3A_218 : memref<1x1x128x96xf32, #tpu.memory_space<hbm>> -> memref<128x96xf32, #tpu.memory_space<hbm>>
        %dma_start3A_220 = arith.constant 0 : i32
        %dma_start3A_221 = arith.constant 0 : i32
        %dma_start3A_222 = tpu.memref_slice %arg8[%dma_start3A_211, %dma_start3A_220, %dma_start3A_221] : memref<2x128x96xf32, #tpu.memory_space<vmem>> -> memref<1x128x96xf32, #tpu.memory_space<vmem>>
        %dma_start3A_223 = tpu.memref_squeeze %dma_start3A_222 : memref<1x128x96xf32, #tpu.memory_space<vmem>> -> memref<128x96xf32, #tpu.memory_space<vmem>>
        %dma_start3A_224 = arith.constant 256 : i32
        %dma_start3A_225 = arith.constant 0 : i32
        %dma_start3A_226 = tpu.memref_slice %arg2[%dma_start3A_210, %while3A_166, %dma_start3A_224, %dma_start3A_225] : memref<1x512x512x96xf32, #tpu.memory_space<hbm>> -> memref<1x1x128x96xf32, #tpu.memory_space<hbm>>
        %dma_start3A_227 = tpu.memref_squeeze %dma_start3A_226 : memref<1x1x128x96xf32, #tpu.memory_space<hbm>> -> memref<128x96xf32, #tpu.memory_space<hbm>>
        tpu.enqueue_dma source(%dma_start3A_227 : memref<128x96xf32, #tpu.memory_space<hbm>>) target(%dma_start3A_223 : memref<128x96xf32, #tpu.memory_space<vmem>>) target_semaphore(%arg17 : memref<!tpu.dma_semaphore, #tpu.memory_space<semaphore_mem>>)
        %dma_wait3A_228 = arith.constant 0 : i32
        %dma_wait3A_229 = arith.constant 1 : i32
        %dma_wait3A_230 = arith.constant 0 : i32
        %dma_wait3A_231 = arith.constant 0 : i32
        %dma_wait3A_232 = tpu.memref_slice %arg8[%dma_wait3A_229, %dma_wait3A_230, %dma_wait3A_231] : memref<2x128x96xf32, #tpu.memory_space<vmem>> -> memref<1x128x96xf32, #tpu.memory_space<vmem>>
        %dma_wait3A_233 = tpu.memref_squeeze %dma_wait3A_232 : memref<1x128x96xf32, #tpu.memory_space<vmem>> -> memref<128x96xf32, #tpu.memory_space<vmem>>
        %dma_wait3A_234 = arith.constant 128 : i32
        %dma_wait3A_235 = arith.constant 0 : i32
        %dma_wait3A_236 = tpu.memref_slice %arg2[%dma_wait3A_228, %while3A_166, %dma_wait3A_234, %dma_wait3A_235] : memref<1x512x512x96xf32, #tpu.memory_space<hbm>> -> memref<1x1x128x96xf32, #tpu.memory_space<hbm>>
        %dma_wait3A_237 = tpu.memref_squeeze %dma_wait3A_236 : memref<1x1x128x96xf32, #tpu.memory_space<hbm>> -> memref<128x96xf32, #tpu.memory_space<hbm>>
        %dma_wait3A_238 = arith.constant 0 : i32
        %dma_wait3A_239 = arith.constant 0 : i32
        %dma_wait3A_240 = tpu.memref_slice %arg8[%dma_wait3A_229, %dma_wait3A_238, %dma_wait3A_239] : memref<2x128x96xf32, #tpu.memory_space<vmem>> -> memref<1x128x96xf32, #tpu.memory_space<vmem>>
        %dma_wait3A_241 = tpu.memref_squeeze %dma_wait3A_240 : memref<1x128x96xf32, #tpu.memory_space<vmem>> -> memref<128x96xf32, #tpu.memory_space<vmem>>
        %dma_wait3A_242 = arith.constant 128 : i32
        %dma_wait3A_243 = arith.constant 0 : i32
        %dma_wait3A_244 = tpu.memref_slice %arg2[%dma_wait3A_228, %while3A_166, %dma_wait3A_242, %dma_wait3A_243] : memref<1x512x512x96xf32, #tpu.memory_space<hbm>> -> memref<1x1x128x96xf32, #tpu.memory_space<hbm>>
        %dma_wait3A_245 = tpu.memref_squeeze %dma_wait3A_244 : memref<1x1x128x96xf32, #tpu.memory_space<hbm>> -> memref<128x96xf32, #tpu.memory_space<hbm>>
        tpu.wait_dma2 semaphore(%arg17 : memref<!tpu.dma_semaphore, #tpu.memory_space<semaphore_mem>>) src(%dma_wait3A_245 : memref<128x96xf32, #tpu.memory_space<hbm>>) dst(%dma_wait3A_241 : memref<128x96xf32, #tpu.memory_space<vmem>>)
        %scan3A_246 = arith.constant 0 : i32
        %scan3A_247 = arith.constant 0 : i32
        %scan3A_248 = arith.constant 64 : i32
        %scan3A_249 = arith.addi %scan3A_247, %scan3A_248 : i32
        %scan3A_250 = arith.constant 1 : i32
        %scan3A_251 = scf.for %scan3A_327 = %scan3A_247 to %scan3A_249 step %scan3A_250 iter_args(%scan3A_328 = %scan3A_246) -> (i32)  : i32 {
          %mul3A_329 = arith.constant 2 : i32
          %mul3A_330 = arith.muli %scan3A_327, %mul3A_329 : i32
          %add3A_331 = arith.constant 128 : i32
          %add3A_332 = arith.addi %add3A_331, %mul3A_330 : i32
          %get3A_333 = arith.index_cast %add3A_332 : i32 to index
          %get3A_334 = memref.load %arg14[%get3A_333] : memref<512xi32, #tpu.memory_space<smem>>
          %add3A_335 = arith.constant 128 : i32
          %add3A_336 = arith.addi %add3A_335, %mul3A_330 : i32
          %add3A_337 = arith.constant 1 : i32
          %add3A_338 = arith.addi %add3A_336, %add3A_337 : i32
          %get3A_339 = arith.index_cast %add3A_338 : i32 to index
          %get3A_340 = memref.load %arg14[%get3A_339] : memref<512xi32, #tpu.memory_space<smem>>
          %add3A_341 = arith.constant 128 : i32
          %add3A_342 = arith.addi %add3A_341, %mul3A_330 : i32
          %get3A_343 = arith.index_cast %add3A_342 : i32 to index
          %get3A_344 = memref.load %arg15[%get3A_343] : memref<512xf32, #tpu.memory_space<smem>>
          %mul3A_345 = arith.mulf %squeeze3A_71, %get3A_344 : f32
          %broadcast_in_dim3A_346 = vector.broadcast %mul3A_345 : f32 to vector<16xf32>
          %add3A_347 = arith.constant 128 : i32
          %add3A_348 = arith.addi %add3A_347, %mul3A_330 : i32
          %add3A_349 = arith.constant 1 : i32
          %add3A_350 = arith.addi %add3A_348, %add3A_349 : i32
          %get3A_351 = arith.index_cast %add3A_350 : i32 to index
          %get3A_352 = memref.load %arg15[%get3A_351] : memref<512xf32, #tpu.memory_space<smem>>
          %mul3A_353 = arith.mulf %squeeze3A_71, %get3A_352 : f32
          %broadcast_in_dim3A_354 = vector.broadcast %mul3A_353 : f32 to vector<16xf32>
          %get3A_355 = arith.constant 1 : i32
          %get3A_356 = arith.index_cast %get3A_355 : i32 to index
          %get3A_357 = arith.index_cast %mul3A_330 : i32 to index
          %get3A_358 = arith.constant 0 : index
          %get3A_359 = tpu.vector_load %arg8[%get3A_356, %get3A_357, %get3A_358] {strides = array<i32>} : memref<2x128x96xf32, #tpu.memory_space<vmem>>, vector<16xf32>,
          %mul3A_360 = arith.mulf %get3A_359, %broadcast_in_dim3A_346 : vector<16xf32>
          %get3A_361 = arith.constant 1 : i32
          %get3A_362 = arith.index_cast %get3A_361 : i32 to index
          %get3A_363 = arith.index_cast %mul3A_330 : i32 to index
          %get3A_364 = arith.constant 16 : index
          %get3A_365 = tpu.vector_load %arg8[%get3A_362, %get3A_363, %get3A_364] {strides = array<i32>} : memref<2x128x96xf32, #tpu.memory_space<vmem>>, vector<16xf32>,
          %mul3A_366 = arith.mulf %get3A_365, %broadcast_in_dim3A_346 : vector<16xf32>
          %get3A_367 = arith.constant 1 : i32
          %get3A_368 = arith.index_cast %get3A_367 : i32 to index
          %get3A_369 = arith.index_cast %mul3A_330 : i32 to index
          %get3A_370 = arith.constant 32 : index
          %get3A_371 = tpu.vector_load %arg8[%get3A_368, %get3A_369, %get3A_370] {strides = array<i32>} : memref<2x128x96xf32, #tpu.memory_space<vmem>>, vector<16xf32>,
          %mul3A_372 = arith.mulf %get3A_371, %broadcast_in_dim3A_346 : vector<16xf32>
          %get3A_373 = arith.constant 1 : i32
          %get3A_374 = arith.index_cast %get3A_373 : i32 to index
          %get3A_375 = arith.index_cast %mul3A_330 : i32 to index
          %get3A_376 = arith.constant 48 : index
          %get3A_377 = tpu.vector_load %arg8[%get3A_374, %get3A_375, %get3A_376] {strides = array<i32>} : memref<2x128x96xf32, #tpu.memory_space<vmem>>, vector<16xf32>,
          %mul3A_378 = arith.mulf %get3A_377, %broadcast_in_dim3A_346 : vector<16xf32>
          %get3A_379 = arith.constant 1 : i32
          %get3A_380 = arith.index_cast %get3A_379 : i32 to index
          %get3A_381 = arith.index_cast %mul3A_330 : i32 to index
          %get3A_382 = arith.constant 64 : index
          %get3A_383 = tpu.vector_load %arg8[%get3A_380, %get3A_381, %get3A_382] {strides = array<i32>} : memref<2x128x96xf32, #tpu.memory_space<vmem>>, vector<16xf32>,
          %mul3A_384 = arith.mulf %get3A_383, %broadcast_in_dim3A_346 : vector<16xf32>
          %get3A_385 = arith.constant 1 : i32
          %get3A_386 = arith.index_cast %get3A_385 : i32 to index
          %get3A_387 = arith.index_cast %mul3A_330 : i32 to index
          %get3A_388 = arith.constant 80 : index
          %get3A_389 = tpu.vector_load %arg8[%get3A_386, %get3A_387, %get3A_388] {strides = array<i32>} : memref<2x128x96xf32, #tpu.memory_space<vmem>>, vector<16xf32>,
          %mul3A_390 = arith.mulf %get3A_389, %broadcast_in_dim3A_346 : vector<16xf32>
          %add3A_391 = arith.constant 1 : i32
          %add3A_392 = arith.addi %mul3A_330, %add3A_391 : i32
          %get3A_393 = arith.constant 1 : i32
          %get3A_394 = arith.index_cast %get3A_393 : i32 to index
          %get3A_395 = arith.index_cast %add3A_392 : i32 to index
          %get3A_396 = arith.constant 0 : index
          %get3A_397 = tpu.vector_load %arg8[%get3A_394, %get3A_395, %get3A_396] {strides = array<i32>} : memref<2x128x96xf32, #tpu.memory_space<vmem>>, vector<16xf32>,
          %mul3A_398 = arith.mulf %get3A_397, %broadcast_in_dim3A_354 : vector<16xf32>
          %add3A_399 = arith.constant 1 : i32
          %add3A_400 = arith.addi %mul3A_330, %add3A_399 : i32
          %get3A_401 = arith.constant 1 : i32
          %get3A_402 = arith.index_cast %get3A_401 : i32 to index
          %get3A_403 = arith.index_cast %add3A_400 : i32 to index
          %get3A_404 = arith.constant 16 : index
          %get3A_405 = tpu.vector_load %arg8[%get3A_402, %get3A_403, %get3A_404] {strides = array<i32>} : memref<2x128x96xf32, #tpu.memory_space<vmem>>, vector<16xf32>,
          %mul3A_406 = arith.mulf %get3A_405, %broadcast_in_dim3A_354 : vector<16xf32>
          %add3A_407 = arith.constant 1 : i32
          %add3A_408 = arith.addi %mul3A_330, %add3A_407 : i32
          %get3A_409 = arith.constant 1 : i32
          %get3A_410 = arith.index_cast %get3A_409 : i32 to index
          %get3A_411 = arith.index_cast %add3A_408 : i32 to index
          %get3A_412 = arith.constant 32 : index
          %get3A_413 = tpu.vector_load %arg8[%get3A_410, %get3A_411, %get3A_412] {strides = array<i32>} : memref<2x128x96xf32, #tpu.memory_space<vmem>>, vector<16xf32>,
          %mul3A_414 = arith.mulf %get3A_413, %broadcast_in_dim3A_354 : vector<16xf32>
          %add3A_415 = arith.constant 1 : i32
          %add3A_416 = arith.addi %mul3A_330, %add3A_415 : i32
          %get3A_417 = arith.constant 1 : i32
          %get3A_418 = arith.index_cast %get3A_417 : i32 to index
          %get3A_419 = arith.index_cast %add3A_416 : i32 to index
          %get3A_420 = arith.constant 48 : index
          %get3A_421 = tpu.vector_load %arg8[%get3A_418, %get3A_419, %get3A_420] {strides = array<i32>} : memref<2x128x96xf32, #tpu.memory_space<vmem>>, vector<16xf32>,
          %mul3A_422 = arith.mulf %get3A_421, %broadcast_in_dim3A_354 : vector<16xf32>
          %add3A_423 = arith.constant 1 : i32
          %add3A_424 = arith.addi %mul3A_330, %add3A_423 : i32
          %get3A_425 = arith.constant 1 : i32
          %get3A_426 = arith.index_cast %get3A_425 : i32 to index
          %get3A_427 = arith.index_cast %add3A_424 : i32 to index
          %get3A_428 = arith.constant 64 : index
          %get3A_429 = tpu.vector_load %arg8[%get3A_426, %get3A_427, %get3A_428] {strides = array<i32>} : memref<2x128x96xf32, #tpu.memory_space<vmem>>, vector<16xf32>,
          %mul3A_430 = arith.mulf %get3A_429, %broadcast_in_dim3A_354 : vector<16xf32>
          %add3A_431 = arith.constant 1 : i32
          %add3A_432 = arith.addi %mul3A_330, %add3A_431 : i32
          %get3A_433 = arith.constant 1 : i32
          %get3A_434 = arith.index_cast %get3A_433 : i32 to index
          %get3A_435 = arith.index_cast %add3A_432 : i32 to index
          %get3A_436 = arith.constant 80 : index
          %get3A_437 = tpu.vector_load %arg8[%get3A_434, %get3A_435, %get3A_436] {strides = array<i32>} : memref<2x128x96xf32, #tpu.memory_space<vmem>>, vector<16xf32>,
          %mul3A_438 = arith.mulf %get3A_437, %broadcast_in_dim3A_354 : vector<16xf32>
          %add3A_439 = arith.constant 0 : i32
          %add3A_440 = arith.addi %get3A_334, %add3A_439 : i32
          %swap3A = arith.index_cast %add3A_440 : i32 to index
          %swap3A_441 = tpu.vector_load %arg9[%swap3A] {strides = array<i32>} : memref<27936xf32, #tpu.memory_space<vmem>>, vector<16xf32>,
          tpu.vector_store %arg9[%swap3A], %mul3A_360 {add = true, strides = array<i32>} : memref<27936xf32, #tpu.memory_space<vmem>>, vector<16xf32>,
          %add3A_442 = arith.constant 16 : i32
          %add3A_443 = arith.addi %get3A_334, %add3A_442 : i32
          %swap3A_444 = arith.index_cast %add3A_443 : i32 to index
          %swap3A_445 = tpu.vector_load %arg9[%swap3A_444] {strides = array<i32>} : memref<27936xf32, #tpu.memory_space<vmem>>, vector<16xf32>,
          tpu.vector_store %arg9[%swap3A_444], %mul3A_366 {add = true, strides = array<i32>} : memref<27936xf32, #tpu.memory_space<vmem>>, vector<16xf32>,
          %add3A_446 = arith.constant 32 : i32
          %add3A_447 = arith.addi %get3A_334, %add3A_446 : i32
          %swap3A_448 = arith.index_cast %add3A_447 : i32 to index
          %swap3A_449 = tpu.vector_load %arg9[%swap3A_448] {strides = array<i32>} : memref<27936xf32, #tpu.memory_space<vmem>>, vector<16xf32>,
          tpu.vector_store %arg9[%swap3A_448], %mul3A_372 {add = true, strides = array<i32>} : memref<27936xf32, #tpu.memory_space<vmem>>, vector<16xf32>,
          %add3A_450 = arith.constant 48 : i32
          %add3A_451 = arith.addi %get3A_334, %add3A_450 : i32
          %swap3A_452 = arith.index_cast %add3A_451 : i32 to index
          %swap3A_453 = tpu.vector_load %arg9[%swap3A_452] {strides = array<i32>} : memref<27936xf32, #tpu.memory_space<vmem>>, vector<16xf32>,
          tpu.vector_store %arg9[%swap3A_452], %mul3A_378 {add = true, strides = array<i32>} : memref<27936xf32, #tpu.memory_space<vmem>>, vector<16xf32>,
          %add3A_454 = arith.constant 64 : i32
          %add3A_455 = arith.addi %get3A_334, %add3A_454 : i32
          %swap3A_456 = arith.index_cast %add3A_455 : i32 to index
          %swap3A_457 = tpu.vector_load %arg9[%swap3A_456] {strides = array<i32>} : memref<27936xf32, #tpu.memory_space<vmem>>, vector<16xf32>,
          tpu.vector_store %arg9[%swap3A_456], %mul3A_384 {add = true, strides = array<i32>} : memref<27936xf32, #tpu.memory_space<vmem>>, vector<16xf32>,
          %add3A_458 = arith.constant 80 : i32
          %add3A_459 = arith.addi %get3A_334, %add3A_458 : i32
          %swap3A_460 = arith.index_cast %add3A_459 : i32 to index
          %swap3A_461 = tpu.vector_load %arg9[%swap3A_460] {strides = array<i32>} : memref<27936xf32, #tpu.memory_space<vmem>>, vector<16xf32>,
          tpu.vector_store %arg9[%swap3A_460], %mul3A_390 {add = true, strides = array<i32>} : memref<27936xf32, #tpu.memory_space<vmem>>, vector<16xf32>,
          %add3A_462 = arith.constant 0 : i32
          %add3A_463 = arith.addi %get3A_340, %add3A_462 : i32
          %swap3A_464 = arith.index_cast %add3A_463 : i32 to index
          %swap3A_465 = tpu.vector_load %arg9[%swap3A_464] {strides = array<i32>} : memref<27936xf32, #tpu.memory_space<vmem>>, vector<16xf32>,
          tpu.vector_store %arg9[%swap3A_464], %mul3A_398 {add = true, strides = array<i32>} : memref<27936xf32, #tpu.memory_space<vmem>>, vector<16xf32>,
          %add3A_466 = arith.constant 16 : i32
          %add3A_467 = arith.addi %get3A_340, %add3A_466 : i32
          %swap3A_468 = arith.index_cast %add3A_467 : i32 to index
          %swap3A_469 = tpu.vector_load %arg9[%swap3A_468] {strides = array<i32>} : memref<27936xf32, #tpu.memory_space<vmem>>, vector<16xf32>,
          tpu.vector_store %arg9[%swap3A_468], %mul3A_406 {add = true, strides = array<i32>} : memref<27936xf32, #tpu.memory_space<vmem>>, vector<16xf32>,
          %add3A_470 = arith.constant 32 : i32
          %add3A_471 = arith.addi %get3A_340, %add3A_470 : i32
          %swap3A_472 = arith.index_cast %add3A_471 : i32 to index
          %swap3A_473 = tpu.vector_load %arg9[%swap3A_472] {strides = array<i32>} : memref<27936xf32, #tpu.memory_space<vmem>>, vector<16xf32>,
          tpu.vector_store %arg9[%swap3A_472], %mul3A_414 {add = true, strides = array<i32>} : memref<27936xf32, #tpu.memory_space<vmem>>, vector<16xf32>,
          %add3A_474 = arith.constant 48 : i32
          %add3A_475 = arith.addi %get3A_340, %add3A_474 : i32
          %swap3A_476 = arith.index_cast %add3A_475 : i32 to index
          %swap3A_477 = tpu.vector_load %arg9[%swap3A_476] {strides = array<i32>} : memref<27936xf32, #tpu.memory_space<vmem>>, vector<16xf32>,
          tpu.vector_store %arg9[%swap3A_476], %mul3A_422 {add = true, strides = array<i32>} : memref<27936xf32, #tpu.memory_space<vmem>>, vector<16xf32>,
          %add3A_478 = arith.constant 64 : i32
          %add3A_479 = arith.addi %get3A_340, %add3A_478 : i32
          %swap3A_480 = arith.index_cast %add3A_479 : i32 to index
          %swap3A_481 = tpu.vector_load %arg9[%swap3A_480] {strides = array<i32>} : memref<27936xf32, #tpu.memory_space<vmem>>, vector<16xf32>,
          tpu.vector_store %arg9[%swap3A_480], %mul3A_430 {add = true, strides = array<i32>} : memref<27936xf32, #tpu.memory_space<vmem>>, vector<16xf32>,
          %add3A_482 = arith.constant 80 : i32
          %add3A_483 = arith.addi %get3A_340, %add3A_482 : i32
          %swap3A_484 = arith.index_cast %add3A_483 : i32 to index
          %swap3A_485 = tpu.vector_load %arg9[%swap3A_484] {strides = array<i32>} : memref<27936xf32, #tpu.memory_space<vmem>>, vector<16xf32>,
          tpu.vector_store %arg9[%swap3A_484], %mul3A_438 {add = true, strides = array<i32>} : memref<27936xf32, #tpu.memory_space<vmem>>, vector<16xf32>,
          %scan3A_486 = arith.constant 0 : i32
          scf.yield %scan3A_486 : i32
        }
        %scan3A_252 = arith.constant 64 : i32
        %dma_start3A_253 = arith.constant 0 : i32
        %dma_start3A_254 = arith.constant 1 : i32
        %dma_start3A_255 = arith.constant 0 : i32
        %dma_start3A_256 = arith.constant 0 : i32
        %dma_start3A_257 = tpu.memref_slice %arg8[%dma_start3A_254, %dma_start3A_255, %dma_start3A_256] : memref<2x128x96xf32, #tpu.memory_space<vmem>> -> memref<1x128x96xf32, #tpu.memory_space<vmem>>
        %dma_start3A_258 = tpu.memref_squeeze %dma_start3A_257 : memref<1x128x96xf32, #tpu.memory_space<vmem>> -> memref<128x96xf32, #tpu.memory_space<vmem>>
        %dma_start3A_259 = arith.constant 384 : i32
        %dma_start3A_260 = arith.constant 0 : i32
        %dma_start3A_261 = tpu.memref_slice %arg2[%dma_start3A_253, %while3A_166, %dma_start3A_259, %dma_start3A_260] : memref<1x512x512x96xf32, #tpu.memory_space<hbm>> -> memref<1x1x128x96xf32, #tpu.memory_space<hbm>>
        %dma_start3A_262 = tpu.memref_squeeze %dma_start3A_261 : memref<1x1x128x96xf32, #tpu.memory_space<hbm>> -> memref<128x96xf32, #tpu.memory_space<hbm>>
        %dma_start3A_263 = arith.constant 0 : i32
        %dma_start3A_264 = arith.constant 0 : i32
        %dma_start3A_265 = tpu.memref_slice %arg8[%dma_start3A_254, %dma_start3A_263, %dma_start3A_264] : memref<2x128x96xf32, #tpu.memory_space<vmem>> -> memref<1x128x96xf32, #tpu.memory_space<vmem>>
        %dma_start3A_266 = tpu.memref_squeeze %dma_start3A_265 : memref<1x128x96xf32, #tpu.memory_space<vmem>> -> memref<128x96xf32, #tpu.memory_space<vmem>>
        %dma_start3A_267 = arith.constant 384 : i32
        %dma_start3A_268 = arith.constant 0 : i32
        %dma_start3A_269 = tpu.memref_slice %arg2[%dma_start3A_253, %while3A_166, %dma_start3A_267, %dma_start3A_268] : memref<1x512x512x96xf32, #tpu.memory_space<hbm>> -> memref<1x1x128x96xf32, #tpu.memory_space<hbm>>
        %dma_start3A_270 = tpu.memref_squeeze %dma_start3A_269 : memref<1x1x128x96xf32, #tpu.memory_space<hbm>> -> memref<128x96xf32, #tpu.memory_space<hbm>>
        tpu.enqueue_dma source(%dma_start3A_270 : memref<128x96xf32, #tpu.memory_space<hbm>>) target(%dma_start3A_266 : memref<128x96xf32, #tpu.memory_space<vmem>>) target_semaphore(%arg17 : memref<!tpu.dma_semaphore, #tpu.memory_space<semaphore_mem>>)
        %dma_wait3A_271 = arith.constant 0 : i32
        %dma_wait3A_272 = arith.constant 0 : i32
        %dma_wait3A_273 = arith.constant 0 : i32
        %dma_wait3A_274 = arith.constant 0 : i32
        %dma_wait3A_275 = tpu.memref_slice %arg8[%dma_wait3A_272, %dma_wait3A_273, %dma_wait3A_274] : memref<2x128x96xf32, #tpu.memory_space<vmem>> -> memref<1x128x96xf32, #tpu.memory_space<vmem>>
        %dma_wait3A_276 = tpu.memref_squeeze %dma_wait3A_275 : memref<1x128x96xf32, #tpu.memory_space<vmem>> -> memref<128x96xf32, #tpu.memory_space<vmem>>
        %dma_wait3A_277 = arith.constant 256 : i32
        %dma_wait3A_278 = arith.constant 0 : i32
        %dma_wait3A_279 = tpu.memref_slice %arg2[%dma_wait3A_271, %while3A_166, %dma_wait3A_277, %dma_wait3A_278] : memref<1x512x512x96xf32, #tpu.memory_space<hbm>> -> memref<1x1x128x96xf32, #tpu.memory_space<hbm>>
        %dma_wait3A_280 = tpu.memref_squeeze %dma_wait3A_279 : memref<1x1x128x96xf32, #tpu.memory_space<hbm>> -> memref<128x96xf32, #tpu.memory_space<hbm>>
        %dma_wait3A_281 = arith.constant 0 : i32
        %dma_wait3A_282 = arith.constant 0 : i32
        %dma_wait3A_283 = tpu.memref_slice %arg8[%dma_wait3A_272, %dma_wait3A_281, %dma_wait3A_282] : memref<2x128x96xf32, #tpu.memory_space<vmem>> -> memref<1x128x96xf32, #tpu.memory_space<vmem>>
        %dma_wait3A_284 = tpu.memref_squeeze %dma_wait3A_283 : memref<1x128x96xf32, #tpu.memory_space<vmem>> -> memref<128x96xf32, #tpu.memory_space<vmem>>
        %dma_wait3A_285 = arith.constant 256 : i32
        %dma_wait3A_286 = arith.constant 0 : i32
        %dma_wait3A_287 = tpu.memref_slice %arg2[%dma_wait3A_271, %while3A_166, %dma_wait3A_285, %dma_wait3A_286] : memref<1x512x512x96xf32, #tpu.memory_space<hbm>> -> memref<1x1x128x96xf32, #tpu.memory_space<hbm>>
        %dma_wait3A_288 = tpu.memref_squeeze %dma_wait3A_287 : memref<1x1x128x96xf32, #tpu.memory_space<hbm>> -> memref<128x96xf32, #tpu.memory_space<hbm>>
        tpu.wait_dma2 semaphore(%arg17 : memref<!tpu.dma_semaphore, #tpu.memory_space<semaphore_mem>>) src(%dma_wait3A_288 : memref<128x96xf32, #tpu.memory_space<hbm>>) dst(%dma_wait3A_284 : memref<128x96xf32, #tpu.memory_space<vmem>>)
        %scan3A_289 = arith.constant 0 : i32
        %scan3A_290 = arith.constant 0 : i32
        %scan3A_291 = arith.constant 64 : i32
        %scan3A_292 = arith.addi %scan3A_290, %scan3A_291 : i32
        %scan3A_293 = arith.constant 1 : i32
        %scan3A_294 = scf.for %scan3A_327 = %scan3A_290 to %scan3A_292 step %scan3A_293 iter_args(%scan3A_328 = %scan3A_289) -> (i32)  : i32 {
          %mul3A_329 = arith.constant 2 : i32
          %mul3A_330 = arith.muli %scan3A_327, %mul3A_329 : i32
          %add3A_331 = arith.constant 256 : i32
          %add3A_332 = arith.addi %add3A_331, %mul3A_330 : i32
          %get3A_333 = arith.index_cast %add3A_332 : i32 to index
          %get3A_334 = memref.load %arg14[%get3A_333] : memref<512xi32, #tpu.memory_space<smem>>
          %add3A_335 = arith.constant 256 : i32
          %add3A_336 = arith.addi %add3A_335, %mul3A_330 : i32
          %add3A_337 = arith.constant 1 : i32
          %add3A_338 = arith.addi %add3A_336, %add3A_337 : i32
          %get3A_339 = arith.index_cast %add3A_338 : i32 to index
          %get3A_340 = memref.load %arg14[%get3A_339] : memref<512xi32, #tpu.memory_space<smem>>
          %add3A_341 = arith.constant 256 : i32
          %add3A_342 = arith.addi %add3A_341, %mul3A_330 : i32
          %get3A_343 = arith.index_cast %add3A_342 : i32 to index
          %get3A_344 = memref.load %arg15[%get3A_343] : memref<512xf32, #tpu.memory_space<smem>>
          %mul3A_345 = arith.mulf %squeeze3A_71, %get3A_344 : f32
          %broadcast_in_dim3A_346 = vector.broadcast %mul3A_345 : f32 to vector<16xf32>
          %add3A_347 = arith.constant 256 : i32
          %add3A_348 = arith.addi %add3A_347, %mul3A_330 : i32
          %add3A_349 = arith.constant 1 : i32
          %add3A_350 = arith.addi %add3A_348, %add3A_349 : i32
          %get3A_351 = arith.index_cast %add3A_350 : i32 to index
          %get3A_352 = memref.load %arg15[%get3A_351] : memref<512xf32, #tpu.memory_space<smem>>
          %mul3A_353 = arith.mulf %squeeze3A_71, %get3A_352 : f32
          %broadcast_in_dim3A_354 = vector.broadcast %mul3A_353 : f32 to vector<16xf32>
          %get3A_355 = arith.constant 0 : i32
          %get3A_356 = arith.index_cast %get3A_355 : i32 to index
          %get3A_357 = arith.index_cast %mul3A_330 : i32 to index
          %get3A_358 = arith.constant 0 : index
          %get3A_359 = tpu.vector_load %arg8[%get3A_356, %get3A_357, %get3A_358] {strides = array<i32>} : memref<2x128x96xf32, #tpu.memory_space<vmem>>, vector<16xf32>,
          %mul3A_360 = arith.mulf %get3A_359, %broadcast_in_dim3A_346 : vector<16xf32>
          %get3A_361 = arith.constant 0 : i32
          %get3A_362 = arith.index_cast %get3A_361 : i32 to index
          %get3A_363 = arith.index_cast %mul3A_330 : i32 to index
          %get3A_364 = arith.constant 16 : index
          %get3A_365 = tpu.vector_load %arg8[%get3A_362, %get3A_363, %get3A_364] {strides = array<i32>} : memref<2x128x96xf32, #tpu.memory_space<vmem>>, vector<16xf32>,
          %mul3A_366 = arith.mulf %get3A_365, %broadcast_in_dim3A_346 : vector<16xf32>
          %get3A_367 = arith.constant 0 : i32
          %get3A_368 = arith.index_cast %get3A_367 : i32 to index
          %get3A_369 = arith.index_cast %mul3A_330 : i32 to index
          %get3A_370 = arith.constant 32 : index
          %get3A_371 = tpu.vector_load %arg8[%get3A_368, %get3A_369, %get3A_370] {strides = array<i32>} : memref<2x128x96xf32, #tpu.memory_space<vmem>>, vector<16xf32>,
          %mul3A_372 = arith.mulf %get3A_371, %broadcast_in_dim3A_346 : vector<16xf32>
          %get3A_373 = arith.constant 0 : i32
          %get3A_374 = arith.index_cast %get3A_373 : i32 to index
          %get3A_375 = arith.index_cast %mul3A_330 : i32 to index
          %get3A_376 = arith.constant 48 : index
          %get3A_377 = tpu.vector_load %arg8[%get3A_374, %get3A_375, %get3A_376] {strides = array<i32>} : memref<2x128x96xf32, #tpu.memory_space<vmem>>, vector<16xf32>,
          %mul3A_378 = arith.mulf %get3A_377, %broadcast_in_dim3A_346 : vector<16xf32>
          %get3A_379 = arith.constant 0 : i32
          %get3A_380 = arith.index_cast %get3A_379 : i32 to index
          %get3A_381 = arith.index_cast %mul3A_330 : i32 to index
          %get3A_382 = arith.constant 64 : index
          %get3A_383 = tpu.vector_load %arg8[%get3A_380, %get3A_381, %get3A_382] {strides = array<i32>} : memref<2x128x96xf32, #tpu.memory_space<vmem>>, vector<16xf32>,
          %mul3A_384 = arith.mulf %get3A_383, %broadcast_in_dim3A_346 : vector<16xf32>
          %get3A_385 = arith.constant 0 : i32
          %get3A_386 = arith.index_cast %get3A_385 : i32 to index
          %get3A_387 = arith.index_cast %mul3A_330 : i32 to index
          %get3A_388 = arith.constant 80 : index
          %get3A_389 = tpu.vector_load %arg8[%get3A_386, %get3A_387, %get3A_388] {strides = array<i32>} : memref<2x128x96xf32, #tpu.memory_space<vmem>>, vector<16xf32>,
          %mul3A_390 = arith.mulf %get3A_389, %broadcast_in_dim3A_346 : vector<16xf32>
          %add3A_391 = arith.constant 1 : i32
          %add3A_392 = arith.addi %mul3A_330, %add3A_391 : i32
          %get3A_393 = arith.constant 0 : i32
          %get3A_394 = arith.index_cast %get3A_393 : i32 to index
          %get3A_395 = arith.index_cast %add3A_392 : i32 to index
          %get3A_396 = arith.constant 0 : index
          %get3A_397 = tpu.vector_load %arg8[%get3A_394, %get3A_395, %get3A_396] {strides = array<i32>} : memref<2x128x96xf32, #tpu.memory_space<vmem>>, vector<16xf32>,
          %mul3A_398 = arith.mulf %get3A_397, %broadcast_in_dim3A_354 : vector<16xf32>
          %add3A_399 = arith.constant 1 : i32
          %add3A_400 = arith.addi %mul3A_330, %add3A_399 : i32
          %get3A_401 = arith.constant 0 : i32
          %get3A_402 = arith.index_cast %get3A_401 : i32 to index
          %get3A_403 = arith.index_cast %add3A_400 : i32 to index
          %get3A_404 = arith.constant 16 : index
          %get3A_405 = tpu.vector_load %arg8[%get3A_402, %get3A_403, %get3A_404] {strides = array<i32>} : memref<2x128x96xf32, #tpu.memory_space<vmem>>, vector<16xf32>,
          %mul3A_406 = arith.mulf %get3A_405, %broadcast_in_dim3A_354 : vector<16xf32>
          %add3A_407 = arith.constant 1 : i32
          %add3A_408 = arith.addi %mul3A_330, %add3A_407 : i32
          %get3A_409 = arith.constant 0 : i32
          %get3A_410 = arith.index_cast %get3A_409 : i32 to index
          %get3A_411 = arith.index_cast %add3A_408 : i32 to index
          %get3A_412 = arith.constant 32 : index
          %get3A_413 = tpu.vector_load %arg8[%get3A_410, %get3A_411, %get3A_412] {strides = array<i32>} : memref<2x128x96xf32, #tpu.memory_space<vmem>>, vector<16xf32>,
          %mul3A_414 = arith.mulf %get3A_413, %broadcast_in_dim3A_354 : vector<16xf32>
          %add3A_415 = arith.constant 1 : i32
          %add3A_416 = arith.addi %mul3A_330, %add3A_415 : i32
          %get3A_417 = arith.constant 0 : i32
          %get3A_418 = arith.index_cast %get3A_417 : i32 to index
          %get3A_419 = arith.index_cast %add3A_416 : i32 to index
          %get3A_420 = arith.constant 48 : index
          %get3A_421 = tpu.vector_load %arg8[%get3A_418, %get3A_419, %get3A_420] {strides = array<i32>} : memref<2x128x96xf32, #tpu.memory_space<vmem>>, vector<16xf32>,
          %mul3A_422 = arith.mulf %get3A_421, %broadcast_in_dim3A_354 : vector<16xf32>
          %add3A_423 = arith.constant 1 : i32
          %add3A_424 = arith.addi %mul3A_330, %add3A_423 : i32
          %get3A_425 = arith.constant 0 : i32
          %get3A_426 = arith.index_cast %get3A_425 : i32 to index
          %get3A_427 = arith.index_cast %add3A_424 : i32 to index
          %get3A_428 = arith.constant 64 : index
          %get3A_429 = tpu.vector_load %arg8[%get3A_426, %get3A_427, %get3A_428] {strides = array<i32>} : memref<2x128x96xf32, #tpu.memory_space<vmem>>, vector<16xf32>,
          %mul3A_430 = arith.mulf %get3A_429, %broadcast_in_dim3A_354 : vector<16xf32>
          %add3A_431 = arith.constant 1 : i32
          %add3A_432 = arith.addi %mul3A_330, %add3A_431 : i32
          %get3A_433 = arith.constant 0 : i32
          %get3A_434 = arith.index_cast %get3A_433 : i32 to index
          %get3A_435 = arith.index_cast %add3A_432 : i32 to index
          %get3A_436 = arith.constant 80 : index
          %get3A_437 = tpu.vector_load %arg8[%get3A_434, %get3A_435, %get3A_436] {strides = array<i32>} : memref<2x128x96xf32, #tpu.memory_space<vmem>>, vector<16xf32>,
          %mul3A_438 = arith.mulf %get3A_437, %broadcast_in_dim3A_354 : vector<16xf32>
          %add3A_439 = arith.constant 0 : i32
          %add3A_440 = arith.addi %get3A_334, %add3A_439 : i32
          %swap3A = arith.index_cast %add3A_440 : i32 to index
          %swap3A_441 = tpu.vector_load %arg9[%swap3A] {strides = array<i32>} : memref<27936xf32, #tpu.memory_space<vmem>>, vector<16xf32>,
          tpu.vector_store %arg9[%swap3A], %mul3A_360 {add = true, strides = array<i32>} : memref<27936xf32, #tpu.memory_space<vmem>>, vector<16xf32>,
          %add3A_442 = arith.constant 16 : i32
          %add3A_443 = arith.addi %get3A_334, %add3A_442 : i32
          %swap3A_444 = arith.index_cast %add3A_443 : i32 to index
          %swap3A_445 = tpu.vector_load %arg9[%swap3A_444] {strides = array<i32>} : memref<27936xf32, #tpu.memory_space<vmem>>, vector<16xf32>,
          tpu.vector_store %arg9[%swap3A_444], %mul3A_366 {add = true, strides = array<i32>} : memref<27936xf32, #tpu.memory_space<vmem>>, vector<16xf32>,
          %add3A_446 = arith.constant 32 : i32
          %add3A_447 = arith.addi %get3A_334, %add3A_446 : i32
          %swap3A_448 = arith.index_cast %add3A_447 : i32 to index
          %swap3A_449 = tpu.vector_load %arg9[%swap3A_448] {strides = array<i32>} : memref<27936xf32, #tpu.memory_space<vmem>>, vector<16xf32>,
          tpu.vector_store %arg9[%swap3A_448], %mul3A_372 {add = true, strides = array<i32>} : memref<27936xf32, #tpu.memory_space<vmem>>, vector<16xf32>,
          %add3A_450 = arith.constant 48 : i32
          %add3A_451 = arith.addi %get3A_334, %add3A_450 : i32
          %swap3A_452 = arith.index_cast %add3A_451 : i32 to index
          %swap3A_453 = tpu.vector_load %arg9[%swap3A_452] {strides = array<i32>} : memref<27936xf32, #tpu.memory_space<vmem>>, vector<16xf32>,
          tpu.vector_store %arg9[%swap3A_452], %mul3A_378 {add = true, strides = array<i32>} : memref<27936xf32, #tpu.memory_space<vmem>>, vector<16xf32>,
          %add3A_454 = arith.constant 64 : i32
          %add3A_455 = arith.addi %get3A_334, %add3A_454 : i32
          %swap3A_456 = arith.index_cast %add3A_455 : i32 to index
          %swap3A_457 = tpu.vector_load %arg9[%swap3A_456] {strides = array<i32>} : memref<27936xf32, #tpu.memory_space<vmem>>, vector<16xf32>,
          tpu.vector_store %arg9[%swap3A_456], %mul3A_384 {add = true, strides = array<i32>} : memref<27936xf32, #tpu.memory_space<vmem>>, vector<16xf32>,
          %add3A_458 = arith.constant 80 : i32
          %add3A_459 = arith.addi %get3A_334, %add3A_458 : i32
          %swap3A_460 = arith.index_cast %add3A_459 : i32 to index
          %swap3A_461 = tpu.vector_load %arg9[%swap3A_460] {strides = array<i32>} : memref<27936xf32, #tpu.memory_space<vmem>>, vector<16xf32>,
          tpu.vector_store %arg9[%swap3A_460], %mul3A_390 {add = true, strides = array<i32>} : memref<27936xf32, #tpu.memory_space<vmem>>, vector<16xf32>,
          %add3A_462 = arith.constant 0 : i32
          %add3A_463 = arith.addi %get3A_340, %add3A_462 : i32
          %swap3A_464 = arith.index_cast %add3A_463 : i32 to index
          %swap3A_465 = tpu.vector_load %arg9[%swap3A_464] {strides = array<i32>} : memref<27936xf32, #tpu.memory_space<vmem>>, vector<16xf32>,
          tpu.vector_store %arg9[%swap3A_464], %mul3A_398 {add = true, strides = array<i32>} : memref<27936xf32, #tpu.memory_space<vmem>>, vector<16xf32>,
          %add3A_466 = arith.constant 16 : i32
          %add3A_467 = arith.addi %get3A_340, %add3A_466 : i32
          %swap3A_468 = arith.index_cast %add3A_467 : i32 to index
          %swap3A_469 = tpu.vector_load %arg9[%swap3A_468] {strides = array<i32>} : memref<27936xf32, #tpu.memory_space<vmem>>, vector<16xf32>,
          tpu.vector_store %arg9[%swap3A_468], %mul3A_406 {add = true, strides = array<i32>} : memref<27936xf32, #tpu.memory_space<vmem>>, vector<16xf32>,
          %add3A_470 = arith.constant 32 : i32
          %add3A_471 = arith.addi %get3A_340, %add3A_470 : i32
          %swap3A_472 = arith.index_cast %add3A_471 : i32 to index
          %swap3A_473 = tpu.vector_load %arg9[%swap3A_472] {strides = array<i32>} : memref<27936xf32, #tpu.memory_space<vmem>>, vector<16xf32>,
          tpu.vector_store %arg9[%swap3A_472], %mul3A_414 {add = true, strides = array<i32>} : memref<27936xf32, #tpu.memory_space<vmem>>, vector<16xf32>,
          %add3A_474 = arith.constant 48 : i32
          %add3A_475 = arith.addi %get3A_340, %add3A_474 : i32
          %swap3A_476 = arith.index_cast %add3A_475 : i32 to index
          %swap3A_477 = tpu.vector_load %arg9[%swap3A_476] {strides = array<i32>} : memref<27936xf32, #tpu.memory_space<vmem>>, vector<16xf32>,
          tpu.vector_store %arg9[%swap3A_476], %mul3A_422 {add = true, strides = array<i32>} : memref<27936xf32, #tpu.memory_space<vmem>>, vector<16xf32>,
          %add3A_478 = arith.constant 64 : i32
          %add3A_479 = arith.addi %get3A_340, %add3A_478 : i32
          %swap3A_480 = arith.index_cast %add3A_479 : i32 to index
          %swap3A_481 = tpu.vector_load %arg9[%swap3A_480] {strides = array<i32>} : memref<27936xf32, #tpu.memory_space<vmem>>, vector<16xf32>,
          tpu.vector_store %arg9[%swap3A_480], %mul3A_430 {add = true, strides = array<i32>} : memref<27936xf32, #tpu.memory_space<vmem>>, vector<16xf32>,
          %add3A_482 = arith.constant 80 : i32
          %add3A_483 = arith.addi %get3A_340, %add3A_482 : i32
          %swap3A_484 = arith.index_cast %add3A_483 : i32 to index
          %swap3A_485 = tpu.vector_load %arg9[%swap3A_484] {strides = array<i32>} : memref<27936xf32, #tpu.memory_space<vmem>>, vector<16xf32>,
          tpu.vector_store %arg9[%swap3A_484], %mul3A_438 {add = true, strides = array<i32>} : memref<27936xf32, #tpu.memory_space<vmem>>, vector<16xf32>,
          %scan3A_486 = arith.constant 0 : i32
          scf.yield %scan3A_486 : i32
        }
        %scan3A_295 = arith.constant 64 : i32
        %add3A_296 = arith.constant 1 : i32
        %add3A_297 = arith.addi %while3A_166, %add3A_296 : i32
        %add3A_298 = arith.addi %and3A_65, %shift_right_logical3A_66 : i32
        %lt3A = arith.cmpi slt, %add3A_297, %add3A_298 : i32
        %convert_element_type3A_299 = arith.extui %lt3A : i1 to i32
        %cond3A = arith.constant 0 : i32
        %cond3A_300 = arith.cmpi ne, %convert_element_type3A_299, %cond3A : i32
        scf.if %cond3A_300 {
          %add3A_327 = arith.constant 1 : i32
          %add3A_328 = arith.addi %while3A_166, %add3A_327 : i32
          %dma_start3A_329 = arith.constant 0 : i32
          %dma_start3A_330 = arith.constant 0 : i32
          %dma_start3A_331 = arith.constant 0 : i32
          %dma_start3A_332 = arith.constant 0 : i32
          %dma_start3A_333 = tpu.memref_slice %arg8[%dma_start3A_330, %dma_start3A_331, %dma_start3A_332] : memref<2x128x96xf32, #tpu.memory_space<vmem>> -> memref<1x128x96xf32, #tpu.memory_space<vmem>>
          %dma_start3A_334 = tpu.memref_squeeze %dma_start3A_333 : memref<1x128x96xf32, #tpu.memory_space<vmem>> -> memref<128x96xf32, #tpu.memory_space<vmem>>
          %dma_start3A_335 = arith.constant 0 : i32
          %dma_start3A_336 = arith.constant 0 : i32
          %dma_start3A_337 = tpu.memref_slice %arg2[%dma_start3A_329, %add3A_328, %dma_start3A_335, %dma_start3A_336] : memref<1x512x512x96xf32, #tpu.memory_space<hbm>> -> memref<1x1x128x96xf32, #tpu.memory_space<hbm>>
          %dma_start3A_338 = tpu.memref_squeeze %dma_start3A_337 : memref<1x1x128x96xf32, #tpu.memory_space<hbm>> -> memref<128x96xf32, #tpu.memory_space<hbm>>
          %dma_start3A_339 = arith.constant 0 : i32
          %dma_start3A_340 = arith.constant 0 : i32
          %dma_start3A_341 = tpu.memref_slice %arg8[%dma_start3A_330, %dma_start3A_339, %dma_start3A_340] : memref<2x128x96xf32, #tpu.memory_space<vmem>> -> memref<1x128x96xf32, #tpu.memory_space<vmem>>
          %dma_start3A_342 = tpu.memref_squeeze %dma_start3A_341 : memref<1x128x96xf32, #tpu.memory_space<vmem>> -> memref<128x96xf32, #tpu.memory_space<vmem>>
          %dma_start3A_343 = arith.constant 0 : i32
          %dma_start3A_344 = arith.constant 0 : i32
          %dma_start3A_345 = tpu.memref_slice %arg2[%dma_start3A_329, %add3A_328, %dma_start3A_343, %dma_start3A_344] : memref<1x512x512x96xf32, #tpu.memory_space<hbm>> -> memref<1x1x128x96xf32, #tpu.memory_space<hbm>>
          %dma_start3A_346 = tpu.memref_squeeze %dma_start3A_345 : memref<1x1x128x96xf32, #tpu.memory_space<hbm>> -> memref<128x96xf32, #tpu.memory_space<hbm>>
          tpu.enqueue_dma source(%dma_start3A_346 : memref<128x96xf32, #tpu.memory_space<hbm>>) target(%dma_start3A_342 : memref<128x96xf32, #tpu.memory_space<vmem>>) target_semaphore(%arg18 : memref<!tpu.dma_semaphore, #tpu.memory_space<semaphore_mem>>)
        } else {
        }
        %dma_wait3A_301 = arith.constant 0 : i32
        %dma_wait3A_302 = arith.constant 1 : i32
        %dma_wait3A_303 = arith.constant 0 : i32
        %dma_wait3A_304 = arith.constant 0 : i32
        %dma_wait3A_305 = tpu.memref_slice %arg8[%dma_wait3A_302, %dma_wait3A_303, %dma_wait3A_304] : memref<2x128x96xf32, #tpu.memory_space<vmem>> -> memref<1x128x96xf32, #tpu.memory_space<vmem>>
        %dma_wait3A_306 = tpu.memref_squeeze %dma_wait3A_305 : memref<1x128x96xf32, #tpu.memory_space<vmem>> -> memref<128x96xf32, #tpu.memory_space<vmem>>
        %dma_wait3A_307 = arith.constant 384 : i32
        %dma_wait3A_308 = arith.constant 0 : i32
        %dma_wait3A_309 = tpu.memref_slice %arg2[%dma_wait3A_301, %while3A_166, %dma_wait3A_307, %dma_wait3A_308] : memref<1x512x512x96xf32, #tpu.memory_space<hbm>> -> memref<1x1x128x96xf32, #tpu.memory_space<hbm>>
        %dma_wait3A_310 = tpu.memref_squeeze %dma_wait3A_309 : memref<1x1x128x96xf32, #tpu.memory_space<hbm>> -> memref<128x96xf32, #tpu.memory_space<hbm>>
        %dma_wait3A_311 = arith.constant 0 : i32
        %dma_wait3A_312 = arith.constant 0 : i32
        %dma_wait3A_313 = tpu.memref_slice %arg8[%dma_wait3A_302, %dma_wait3A_311, %dma_wait3A_312] : memref<2x128x96xf32, #tpu.memory_space<vmem>> -> memref<1x128x96xf32, #tpu.memory_space<vmem>>
        %dma_wait3A_314 = tpu.memref_squeeze %dma_wait3A_313 : memref<1x128x96xf32, #tpu.memory_space<vmem>> -> memref<128x96xf32, #tpu.memory_space<vmem>>
        %dma_wait3A_315 = arith.constant 384 : i32
        %dma_wait3A_316 = arith.constant 0 : i32
        %dma_wait3A_317 = tpu.memref_slice %arg2[%dma_wait3A_301, %while3A_166, %dma_wait3A_315, %dma_wait3A_316] : memref<1x512x512x96xf32, #tpu.memory_space<hbm>> -> memref<1x1x128x96xf32, #tpu.memory_space<hbm>>
        %dma_wait3A_318 = tpu.memref_squeeze %dma_wait3A_317 : memref<1x1x128x96xf32, #tpu.memory_space<hbm>> -> memref<128x96xf32, #tpu.memory_space<hbm>>
        tpu.wait_dma2 semaphore(%arg17 : memref<!tpu.dma_semaphore, #tpu.memory_space<semaphore_mem>>) src(%dma_wait3A_318 : memref<128x96xf32, #tpu.memory_space<hbm>>) dst(%dma_wait3A_314 : memref<128x96xf32, #tpu.memory_space<vmem>>)
        %scan3A_319 = arith.constant 0 : i32
        %scan3A_320 = arith.constant 0 : i32
        %scan3A_321 = arith.constant 64 : i32
        %scan3A_322 = arith.addi %scan3A_320, %scan3A_321 : i32
        %scan3A_323 = arith.constant 1 : i32
        %scan3A_324 = scf.for %scan3A_327 = %scan3A_320 to %scan3A_322 step %scan3A_323 iter_args(%scan3A_328 = %scan3A_319) -> (i32)  : i32 {
          %mul3A_329 = arith.constant 2 : i32
          %mul3A_330 = arith.muli %scan3A_327, %mul3A_329 : i32
          %add3A_331 = arith.constant 384 : i32
          %add3A_332 = arith.addi %add3A_331, %mul3A_330 : i32
          %get3A_333 = arith.index_cast %add3A_332 : i32 to index
          %get3A_334 = memref.load %arg14[%get3A_333] : memref<512xi32, #tpu.memory_space<smem>>
          %add3A_335 = arith.constant 384 : i32
          %add3A_336 = arith.addi %add3A_335, %mul3A_330 : i32
          %add3A_337 = arith.constant 1 : i32
          %add3A_338 = arith.addi %add3A_336, %add3A_337 : i32
          %get3A_339 = arith.index_cast %add3A_338 : i32 to index
          %get3A_340 = memref.load %arg14[%get3A_339] : memref<512xi32, #tpu.memory_space<smem>>
          %add3A_341 = arith.constant 384 : i32
          %add3A_342 = arith.addi %add3A_341, %mul3A_330 : i32
          %get3A_343 = arith.index_cast %add3A_342 : i32 to index
          %get3A_344 = memref.load %arg15[%get3A_343] : memref<512xf32, #tpu.memory_space<smem>>
          %mul3A_345 = arith.mulf %squeeze3A_71, %get3A_344 : f32
          %broadcast_in_dim3A_346 = vector.broadcast %mul3A_345 : f32 to vector<16xf32>
          %add3A_347 = arith.constant 384 : i32
          %add3A_348 = arith.addi %add3A_347, %mul3A_330 : i32
          %add3A_349 = arith.constant 1 : i32
          %add3A_350 = arith.addi %add3A_348, %add3A_349 : i32
          %get3A_351 = arith.index_cast %add3A_350 : i32 to index
          %get3A_352 = memref.load %arg15[%get3A_351] : memref<512xf32, #tpu.memory_space<smem>>
          %mul3A_353 = arith.mulf %squeeze3A_71, %get3A_352 : f32
          %broadcast_in_dim3A_354 = vector.broadcast %mul3A_353 : f32 to vector<16xf32>
          %get3A_355 = arith.constant 1 : i32
          %get3A_356 = arith.index_cast %get3A_355 : i32 to index
          %get3A_357 = arith.index_cast %mul3A_330 : i32 to index
          %get3A_358 = arith.constant 0 : index
          %get3A_359 = tpu.vector_load %arg8[%get3A_356, %get3A_357, %get3A_358] {strides = array<i32>} : memref<2x128x96xf32, #tpu.memory_space<vmem>>, vector<16xf32>,
          %mul3A_360 = arith.mulf %get3A_359, %broadcast_in_dim3A_346 : vector<16xf32>
          %get3A_361 = arith.constant 1 : i32
          %get3A_362 = arith.index_cast %get3A_361 : i32 to index
          %get3A_363 = arith.index_cast %mul3A_330 : i32 to index
          %get3A_364 = arith.constant 16 : index
          %get3A_365 = tpu.vector_load %arg8[%get3A_362, %get3A_363, %get3A_364] {strides = array<i32>} : memref<2x128x96xf32, #tpu.memory_space<vmem>>, vector<16xf32>,
          %mul3A_366 = arith.mulf %get3A_365, %broadcast_in_dim3A_346 : vector<16xf32>
          %get3A_367 = arith.constant 1 : i32
          %get3A_368 = arith.index_cast %get3A_367 : i32 to index
          %get3A_369 = arith.index_cast %mul3A_330 : i32 to index
          %get3A_370 = arith.constant 32 : index
          %get3A_371 = tpu.vector_load %arg8[%get3A_368, %get3A_369, %get3A_370] {strides = array<i32>} : memref<2x128x96xf32, #tpu.memory_space<vmem>>, vector<16xf32>,
          %mul3A_372 = arith.mulf %get3A_371, %broadcast_in_dim3A_346 : vector<16xf32>
          %get3A_373 = arith.constant 1 : i32
          %get3A_374 = arith.index_cast %get3A_373 : i32 to index
          %get3A_375 = arith.index_cast %mul3A_330 : i32 to index
          %get3A_376 = arith.constant 48 : index
          %get3A_377 = tpu.vector_load %arg8[%get3A_374, %get3A_375, %get3A_376] {strides = array<i32>} : memref<2x128x96xf32, #tpu.memory_space<vmem>>, vector<16xf32>,
          %mul3A_378 = arith.mulf %get3A_377, %broadcast_in_dim3A_346 : vector<16xf32>
          %get3A_379 = arith.constant 1 : i32
          %get3A_380 = arith.index_cast %get3A_379 : i32 to index
          %get3A_381 = arith.index_cast %mul3A_330 : i32 to index
          %get3A_382 = arith.constant 64 : index
          %get3A_383 = tpu.vector_load %arg8[%get3A_380, %get3A_381, %get3A_382] {strides = array<i32>} : memref<2x128x96xf32, #tpu.memory_space<vmem>>, vector<16xf32>,
          %mul3A_384 = arith.mulf %get3A_383, %broadcast_in_dim3A_346 : vector<16xf32>
          %get3A_385 = arith.constant 1 : i32
          %get3A_386 = arith.index_cast %get3A_385 : i32 to index
          %get3A_387 = arith.index_cast %mul3A_330 : i32 to index
          %get3A_388 = arith.constant 80 : index
          %get3A_389 = tpu.vector_load %arg8[%get3A_386, %get3A_387, %get3A_388] {strides = array<i32>} : memref<2x128x96xf32, #tpu.memory_space<vmem>>, vector<16xf32>,
          %mul3A_390 = arith.mulf %get3A_389, %broadcast_in_dim3A_346 : vector<16xf32>
          %add3A_391 = arith.constant 1 : i32
          %add3A_392 = arith.addi %mul3A_330, %add3A_391 : i32
          %get3A_393 = arith.constant 1 : i32
          %get3A_394 = arith.index_cast %get3A_393 : i32 to index
          %get3A_395 = arith.index_cast %add3A_392 : i32 to index
          %get3A_396 = arith.constant 0 : index
          %get3A_397 = tpu.vector_load %arg8[%get3A_394, %get3A_395, %get3A_396] {strides = array<i32>} : memref<2x128x96xf32, #tpu.memory_space<vmem>>, vector<16xf32>,
          %mul3A_398 = arith.mulf %get3A_397, %broadcast_in_dim3A_354 : vector<16xf32>
          %add3A_399 = arith.constant 1 : i32
          %add3A_400 = arith.addi %mul3A_330, %add3A_399 : i32
          %get3A_401 = arith.constant 1 : i32
          %get3A_402 = arith.index_cast %get3A_401 : i32 to index
          %get3A_403 = arith.index_cast %add3A_400 : i32 to index
          %get3A_404 = arith.constant 16 : index
          %get3A_405 = tpu.vector_load %arg8[%get3A_402, %get3A_403, %get3A_404] {strides = array<i32>} : memref<2x128x96xf32, #tpu.memory_space<vmem>>, vector<16xf32>,
          %mul3A_406 = arith.mulf %get3A_405, %broadcast_in_dim3A_354 : vector<16xf32>
          %add3A_407 = arith.constant 1 : i32
          %add3A_408 = arith.addi %mul3A_330, %add3A_407 : i32
          %get3A_409 = arith.constant 1 : i32
          %get3A_410 = arith.index_cast %get3A_409 : i32 to index
          %get3A_411 = arith.index_cast %add3A_408 : i32 to index
          %get3A_412 = arith.constant 32 : index
          %get3A_413 = tpu.vector_load %arg8[%get3A_410, %get3A_411, %get3A_412] {strides = array<i32>} : memref<2x128x96xf32, #tpu.memory_space<vmem>>, vector<16xf32>,
          %mul3A_414 = arith.mulf %get3A_413, %broadcast_in_dim3A_354 : vector<16xf32>
          %add3A_415 = arith.constant 1 : i32
          %add3A_416 = arith.addi %mul3A_330, %add3A_415 : i32
          %get3A_417 = arith.constant 1 : i32
          %get3A_418 = arith.index_cast %get3A_417 : i32 to index
          %get3A_419 = arith.index_cast %add3A_416 : i32 to index
          %get3A_420 = arith.constant 48 : index
          %get3A_421 = tpu.vector_load %arg8[%get3A_418, %get3A_419, %get3A_420] {strides = array<i32>} : memref<2x128x96xf32, #tpu.memory_space<vmem>>, vector<16xf32>,
          %mul3A_422 = arith.mulf %get3A_421, %broadcast_in_dim3A_354 : vector<16xf32>
          %add3A_423 = arith.constant 1 : i32
          %add3A_424 = arith.addi %mul3A_330, %add3A_423 : i32
          %get3A_425 = arith.constant 1 : i32
          %get3A_426 = arith.index_cast %get3A_425 : i32 to index
          %get3A_427 = arith.index_cast %add3A_424 : i32 to index
          %get3A_428 = arith.constant 64 : index
          %get3A_429 = tpu.vector_load %arg8[%get3A_426, %get3A_427, %get3A_428] {strides = array<i32>} : memref<2x128x96xf32, #tpu.memory_space<vmem>>, vector<16xf32>,
          %mul3A_430 = arith.mulf %get3A_429, %broadcast_in_dim3A_354 : vector<16xf32>
          %add3A_431 = arith.constant 1 : i32
          %add3A_432 = arith.addi %mul3A_330, %add3A_431 : i32
          %get3A_433 = arith.constant 1 : i32
          %get3A_434 = arith.index_cast %get3A_433 : i32 to index
          %get3A_435 = arith.index_cast %add3A_432 : i32 to index
          %get3A_436 = arith.constant 80 : index
          %get3A_437 = tpu.vector_load %arg8[%get3A_434, %get3A_435, %get3A_436] {strides = array<i32>} : memref<2x128x96xf32, #tpu.memory_space<vmem>>, vector<16xf32>,
          %mul3A_438 = arith.mulf %get3A_437, %broadcast_in_dim3A_354 : vector<16xf32>
          %add3A_439 = arith.constant 0 : i32
          %add3A_440 = arith.addi %get3A_334, %add3A_439 : i32
          %swap3A = arith.index_cast %add3A_440 : i32 to index
          %swap3A_441 = tpu.vector_load %arg9[%swap3A] {strides = array<i32>} : memref<27936xf32, #tpu.memory_space<vmem>>, vector<16xf32>,
          tpu.vector_store %arg9[%swap3A], %mul3A_360 {add = true, strides = array<i32>} : memref<27936xf32, #tpu.memory_space<vmem>>, vector<16xf32>,
          %add3A_442 = arith.constant 16 : i32
          %add3A_443 = arith.addi %get3A_334, %add3A_442 : i32
          %swap3A_444 = arith.index_cast %add3A_443 : i32 to index
          %swap3A_445 = tpu.vector_load %arg9[%swap3A_444] {strides = array<i32>} : memref<27936xf32, #tpu.memory_space<vmem>>, vector<16xf32>,
          tpu.vector_store %arg9[%swap3A_444], %mul3A_366 {add = true, strides = array<i32>} : memref<27936xf32, #tpu.memory_space<vmem>>, vector<16xf32>,
          %add3A_446 = arith.constant 32 : i32
          %add3A_447 = arith.addi %get3A_334, %add3A_446 : i32
          %swap3A_448 = arith.index_cast %add3A_447 : i32 to index
          %swap3A_449 = tpu.vector_load %arg9[%swap3A_448] {strides = array<i32>} : memref<27936xf32, #tpu.memory_space<vmem>>, vector<16xf32>,
          tpu.vector_store %arg9[%swap3A_448], %mul3A_372 {add = true, strides = array<i32>} : memref<27936xf32, #tpu.memory_space<vmem>>, vector<16xf32>,
          %add3A_450 = arith.constant 48 : i32
          %add3A_451 = arith.addi %get3A_334, %add3A_450 : i32
          %swap3A_452 = arith.index_cast %add3A_451 : i32 to index
          %swap3A_453 = tpu.vector_load %arg9[%swap3A_452] {strides = array<i32>} : memref<27936xf32, #tpu.memory_space<vmem>>, vector<16xf32>,
          tpu.vector_store %arg9[%swap3A_452], %mul3A_378 {add = true, strides = array<i32>} : memref<27936xf32, #tpu.memory_space<vmem>>, vector<16xf32>,
          %add3A_454 = arith.constant 64 : i32
          %add3A_455 = arith.addi %get3A_334, %add3A_454 : i32
          %swap3A_456 = arith.index_cast %add3A_455 : i32 to index
          %swap3A_457 = tpu.vector_load %arg9[%swap3A_456] {strides = array<i32>} : memref<27936xf32, #tpu.memory_space<vmem>>, vector<16xf32>,
          tpu.vector_store %arg9[%swap3A_456], %mul3A_384 {add = true, strides = array<i32>} : memref<27936xf32, #tpu.memory_space<vmem>>, vector<16xf32>,
          %add3A_458 = arith.constant 80 : i32
          %add3A_459 = arith.addi %get3A_334, %add3A_458 : i32
          %swap3A_460 = arith.index_cast %add3A_459 : i32 to index
          %swap3A_461 = tpu.vector_load %arg9[%swap3A_460] {strides = array<i32>} : memref<27936xf32, #tpu.memory_space<vmem>>, vector<16xf32>,
          tpu.vector_store %arg9[%swap3A_460], %mul3A_390 {add = true, strides = array<i32>} : memref<27936xf32, #tpu.memory_space<vmem>>, vector<16xf32>,
          %add3A_462 = arith.constant 0 : i32
          %add3A_463 = arith.addi %get3A_340, %add3A_462 : i32
          %swap3A_464 = arith.index_cast %add3A_463 : i32 to index
          %swap3A_465 = tpu.vector_load %arg9[%swap3A_464] {strides = array<i32>} : memref<27936xf32, #tpu.memory_space<vmem>>, vector<16xf32>,
          tpu.vector_store %arg9[%swap3A_464], %mul3A_398 {add = true, strides = array<i32>} : memref<27936xf32, #tpu.memory_space<vmem>>, vector<16xf32>,
          %add3A_466 = arith.constant 16 : i32
          %add3A_467 = arith.addi %get3A_340, %add3A_466 : i32
          %swap3A_468 = arith.index_cast %add3A_467 : i32 to index
          %swap3A_469 = tpu.vector_load %arg9[%swap3A_468] {strides = array<i32>} : memref<27936xf32, #tpu.memory_space<vmem>>, vector<16xf32>,
          tpu.vector_store %arg9[%swap3A_468], %mul3A_406 {add = true, strides = array<i32>} : memref<27936xf32, #tpu.memory_space<vmem>>, vector<16xf32>,
          %add3A_470 = arith.constant 32 : i32
          %add3A_471 = arith.addi %get3A_340, %add3A_470 : i32
          %swap3A_472 = arith.index_cast %add3A_471 : i32 to index
          %swap3A_473 = tpu.vector_load %arg9[%swap3A_472] {strides = array<i32>} : memref<27936xf32, #tpu.memory_space<vmem>>, vector<16xf32>,
          tpu.vector_store %arg9[%swap3A_472], %mul3A_414 {add = true, strides = array<i32>} : memref<27936xf32, #tpu.memory_space<vmem>>, vector<16xf32>,
          %add3A_474 = arith.constant 48 : i32
          %add3A_475 = arith.addi %get3A_340, %add3A_474 : i32
          %swap3A_476 = arith.index_cast %add3A_475 : i32 to index
          %swap3A_477 = tpu.vector_load %arg9[%swap3A_476] {strides = array<i32>} : memref<27936xf32, #tpu.memory_space<vmem>>, vector<16xf32>,
          tpu.vector_store %arg9[%swap3A_476], %mul3A_422 {add = true, strides = array<i32>} : memref<27936xf32, #tpu.memory_space<vmem>>, vector<16xf32>,
          %add3A_478 = arith.constant 64 : i32
          %add3A_479 = arith.addi %get3A_340, %add3A_478 : i32
          %swap3A_480 = arith.index_cast %add3A_479 : i32 to index
          %swap3A_481 = tpu.vector_load %arg9[%swap3A_480] {strides = array<i32>} : memref<27936xf32, #tpu.memory_space<vmem>>, vector<16xf32>,
          tpu.vector_store %arg9[%swap3A_480], %mul3A_430 {add = true, strides = array<i32>} : memref<27936xf32, #tpu.memory_space<vmem>>, vector<16xf32>,
          %add3A_482 = arith.constant 80 : i32
          %add3A_483 = arith.addi %get3A_340, %add3A_482 : i32
          %swap3A_484 = arith.index_cast %add3A_483 : i32 to index
          %swap3A_485 = tpu.vector_load %arg9[%swap3A_484] {strides = array<i32>} : memref<27936xf32, #tpu.memory_space<vmem>>, vector<16xf32>,
          tpu.vector_store %arg9[%swap3A_484], %mul3A_438 {add = true, strides = array<i32>} : memref<27936xf32, #tpu.memory_space<vmem>>, vector<16xf32>,
          %scan3A_486 = arith.constant 0 : i32
          scf.yield %scan3A_486 : i32
        }
        %scan3A_325 = arith.constant 64 : i32
        %while3A_326 = arith.constant 0 : i32
        scf.yield %while3A_326 : i32
      }
      %while3A_134 = arith.constant 0 : i32
      %while3A_135 = arith.subi %while3A_62, %while3A_61 : i32
      %while3A_136 = arith.addi %while3A_61, %while3A_135 : i32
      %while3A_137 = arith.constant 1 : i32
      %while3A_138 = arith.divsi %while3A_135, %while3A_137 : i32
      %while3A_139 = arith.muli %while3A_138, %while3A_137 : i32
      %while3A_140 = arith.addi %while3A_61, %while3A_139 : i32
      %while3A_141 = arith.constant 1 : i32
      %while3A_142 = scf.for %while3A_166 = %while3A_61 to %while3A_140 step %while3A_141 iter_args(%while3A_167 = %while3A_134) -> (i32)  : i32 {
        %dma_wait3A = arith.constant 0 : i32
        %dma_wait3A_168 = arith.constant 0 : i32
        %dma_wait3A_169 = arith.constant 0 : i32
        %dma_wait3A_170 = tpu.memref_slice %arg7[%dma_wait3A, %while3A_166, %dma_wait3A_168, %dma_wait3A_169] : memref<1x512x96x512xf32, #tpu.memory_space<hbm>> -> memref<1x1x96x512xf32, #tpu.memory_space<hbm>>
        %dma_wait3A_171 = tpu.memref_squeeze %dma_wait3A_170 : memref<1x1x96x512xf32, #tpu.memory_space<hbm>> -> memref<96x512xf32, #tpu.memory_space<hbm>>
        %dma_wait3A_172 = arith.constant 0 : i32
        %dma_wait3A_173 = arith.constant 0 : i32
        %dma_wait3A_174 = tpu.memref_slice %arg7[%dma_wait3A, %while3A_166, %dma_wait3A_172, %dma_wait3A_173] : memref<1x512x96x512xf32, #tpu.memory_space<hbm>> -> memref<1x1x96x512xf32, #tpu.memory_space<hbm>>
        %dma_wait3A_175 = tpu.memref_squeeze %dma_wait3A_174 : memref<1x1x96x512xf32, #tpu.memory_space<hbm>> -> memref<96x512xf32, #tpu.memory_space<hbm>>
        tpu.wait_dma2 semaphore(%arg19 : memref<!tpu.dma_semaphore, #tpu.memory_space<semaphore_mem>>) src(%arg10 : memref<96x512xf32, #tpu.memory_space<vmem>>) dst(%dma_wait3A_175 : memref<96x512xf32, #tpu.memory_space<hbm>>)
        %while3A_176 = arith.constant 0 : i32
        scf.yield %while3A_176 : i32
      }
      %while3A_143 = arith.constant 1 : i32
      %while3A_144 = scf.for %while3A_166 = %while3A_140 to %while3A_136 step %while3A_143 iter_args(%while3A_167 = %while3A_142) -> (i32)  : i32 {
        %dma_wait3A = arith.constant 0 : i32
        %dma_wait3A_168 = arith.constant 0 : i32
        %dma_wait3A_169 = arith.constant 0 : i32
        %dma_wait3A_170 = tpu.memref_slice %arg7[%dma_wait3A, %while3A_166, %dma_wait3A_168, %dma_wait3A_169] : memref<1x512x96x512xf32, #tpu.memory_space<hbm>> -> memref<1x1x96x512xf32, #tpu.memory_space<hbm>>
        %dma_wait3A_171 = tpu.memref_squeeze %dma_wait3A_170 : memref<1x1x96x512xf32, #tpu.memory_space<hbm>> -> memref<96x512xf32, #tpu.memory_space<hbm>>
        %dma_wait3A_172 = arith.constant 0 : i32
        %dma_wait3A_173 = arith.constant 0 : i32
        %dma_wait3A_174 = tpu.memref_slice %arg7[%dma_wait3A, %while3A_166, %dma_wait3A_172, %dma_wait3A_173] : memref<1x512x96x512xf32, #tpu.memory_space<hbm>> -> memref<1x1x96x512xf32, #tpu.memory_space<hbm>>
        %dma_wait3A_175 = tpu.memref_squeeze %dma_wait3A_174 : memref<1x1x96x512xf32, #tpu.memory_space<hbm>> -> memref<96x512xf32, #tpu.memory_space<hbm>>
        tpu.wait_dma2 semaphore(%arg19 : memref<!tpu.dma_semaphore, #tpu.memory_space<semaphore_mem>>) src(%arg10 : memref<96x512xf32, #tpu.memory_space<vmem>>) dst(%dma_wait3A_175 : memref<96x512xf32, #tpu.memory_space<hbm>>)
        %while3A_176 = arith.constant 0 : i32
        scf.yield %while3A_176 : i32
      }
      %scan3A_145 = arith.constant 0 : i32
      %scan3A_146 = arith.constant 0 : i32
      %scan3A_147 = arith.constant 32 : i32
      %scan3A_148 = arith.addi %scan3A_146, %scan3A_147 : i32
      %scan3A_149 = arith.constant 1 : i32
      %scan3A_150 = scf.for %scan3A_166 = %scan3A_146 to %scan3A_148 step %scan3A_149 iter_args(%scan3A_167 = %scan3A_145) -> (i32)  : i32 {
        %mul3A_168 = arith.constant 16 : i32
        %mul3A_169 = arith.muli %scan3A_166, %mul3A_168 : i32
        %get3A_170 = arith.index_cast %mul3A_169 : i32 to index
        %get3A_171 = tpu.vector_load %arg11[%get3A_170] {strides = array<i32>} : memref<528xi32, #tpu.memory_space<vmem>>, vector<16xi32>,
        %scan3A_172 = arith.constant 0 : i32
        %scan3A_173 = arith.constant 0 : i32
        %scan3A_174 = arith.constant 48 : i32
        %scan3A_175 = arith.addi %scan3A_173, %scan3A_174 : i32
        %scan3A_176 = arith.constant 1 : i32
        %scan3A_177 = scf.for %scan3A_180 = %scan3A_173 to %scan3A_175 step %scan3A_176 iter_args(%scan3A_181 = %scan3A_172) -> (i32)  : i32 {
          %mul3A_182 = arith.constant 2 : i32
          %mul3A_183 = arith.muli %scan3A_180, %mul3A_182 : i32
          %add3A_184 = vector.broadcast %mul3A_183 : i32 to vector<16xi32>
          %add3A_185 = arith.addi %get3A_171, %add3A_184 : vector<16xi32>
          %gather3A_186 = tpu.vector_load_idx %arg9[%add3A_185] : memref<27936xf32, #tpu.memory_space<vmem>>[vector<16xi32>], vector<16xf32>,
          %add3A_187 = arith.constant 1 : i32
          %add3A_188 = arith.addi %mul3A_183, %add3A_187 : i32
          %add3A_189 = vector.broadcast %add3A_188 : i32 to vector<16xi32>
          %add3A_190 = arith.addi %get3A_171, %add3A_189 : vector<16xi32>
          %gather3A_191 = tpu.vector_load_idx %arg9[%add3A_190] : memref<27936xf32, #tpu.memory_space<vmem>>[vector<16xi32>], vector<16xf32>,
          %mul3A_192 = arith.constant 16 : i32
          %mul3A_193 = arith.muli %scan3A_166, %mul3A_192 : i32
          %swap3A = arith.index_cast %mul3A_183 : i32 to index
          %swap3A_194 = arith.index_cast %mul3A_193 : i32 to index
          %swap3A_195 = tpu.vector_load %arg10[%swap3A, %swap3A_194] {strides = array<i32>} : memref<96x512xf32, #tpu.memory_space<vmem>>, vector<16xf32>,
          tpu.vector_store %arg10[%swap3A, %swap3A_194], %gather3A_186 {strides = array<i32>} : memref<96x512xf32, #tpu.memory_space<vmem>>, vector<16xf32>,
          %add3A_196 = arith.constant 1 : i32
          %add3A_197 = arith.addi %mul3A_183, %add3A_196 : i32
          %mul3A_198 = arith.constant 16 : i32
          %mul3A_199 = arith.muli %scan3A_166, %mul3A_198 : i32
          %swap3A_200 = arith.index_cast %add3A_197 : i32 to index
          %swap3A_201 = arith.index_cast %mul3A_199 : i32 to index
          %swap3A_202 = tpu.vector_load %arg10[%swap3A_200, %swap3A_201] {strides = array<i32>} : memref<96x512xf32, #tpu.memory_space<vmem>>, vector<16xf32>,
          tpu.vector_store %arg10[%swap3A_200, %swap3A_201], %gather3A_191 {strides = array<i32>} : memref<96x512xf32, #tpu.memory_space<vmem>>, vector<16xf32>,
          %scan3A_203 = arith.constant 0 : i32
          scf.yield %scan3A_203 : i32
        }
        %scan3A_178 = arith.constant 48 : i32
        %scan3A_179 = arith.constant 0 : i32
        scf.yield %scan3A_179 : i32
      }
      %scan3A_151 = arith.constant 32 : i32
      %max3A = arith.maxsi %and3A_65, %mul3A_2 : i32
      %add3A_152 = arith.addi %and3A_65, %shift_right_logical3A_66 : i32
      %add3A_153 = arith.constant 16 : i32
      %add3A_154 = arith.addi %mul3A_2, %add3A_153 : i32
      %min3A = arith.minsi %add3A_152, %add3A_154 : i32
      %while3A_155 = arith.constant 0 : i32
      %while3A_156 = arith.subi %min3A, %max3A : i32
      %while3A_157 = arith.addi %max3A, %while3A_156 : i32
      %while3A_158 = arith.constant 1 : i32
      %while3A_159 = arith.divsi %while3A_156, %while3A_158 : i32
      %while3A_160 = arith.muli %while3A_159, %while3A_158 : i32
      %while3A_161 = arith.addi %max3A, %while3A_160 : i32
      %while3A_162 = arith.constant 1 : i32
      %while3A_163 = scf.for %while3A_166 = %max3A to %while3A_161 step %while3A_162 iter_args(%while3A_167 = %while3A_155) -> (i32)  : i32 {
        %dma_start3A_168 = arith.constant 0 : i32
        %dma_start3A_169 = arith.constant 0 : i32
        %dma_start3A_170 = arith.constant 0 : i32
        %dma_start3A_171 = tpu.memref_slice %arg7[%dma_start3A_168, %while3A_166, %dma_start3A_169, %dma_start3A_170] : memref<1x512x96x512xf32, #tpu.memory_space<hbm>> -> memref<1x1x96x512xf32, #tpu.memory_space<hbm>>
        %dma_start3A_172 = tpu.memref_squeeze %dma_start3A_171 : memref<1x1x96x512xf32, #tpu.memory_space<hbm>> -> memref<96x512xf32, #tpu.memory_space<hbm>>
        %dma_start3A_173 = arith.constant 0 : i32
        %dma_start3A_174 = arith.constant 0 : i32
        %dma_start3A_175 = tpu.memref_slice %arg7[%dma_start3A_168, %while3A_166, %dma_start3A_173, %dma_start3A_174] : memref<1x512x96x512xf32, #tpu.memory_space<hbm>> -> memref<1x1x96x512xf32, #tpu.memory_space<hbm>>
        %dma_start3A_176 = tpu.memref_squeeze %dma_start3A_175 : memref<1x1x96x512xf32, #tpu.memory_space<hbm>> -> memref<96x512xf32, #tpu.memory_space<hbm>>
        tpu.enqueue_dma source(%arg10 : memref<96x512xf32, #tpu.memory_space<vmem>>) target(%dma_start3A_176 : memref<96x512xf32, #tpu.memory_space<hbm>>) target_semaphore(%arg19 : memref<!tpu.dma_semaphore, #tpu.memory_space<semaphore_mem>>)
        %while3A_177 = arith.constant 0 : i32
        scf.yield %while3A_177 : i32
      }
      %while3A_164 = arith.constant 1 : i32
      %while3A_165 = scf.for %while3A_166 = %while3A_161 to %while3A_157 step %while3A_164 iter_args(%while3A_167 = %while3A_163) -> (i32)  : i32 {
        %dma_start3A_168 = arith.constant 0 : i32
        %dma_start3A_169 = arith.constant 0 : i32
        %dma_start3A_170 = arith.constant 0 : i32
        %dma_start3A_171 = tpu.memref_slice %arg7[%dma_start3A_168, %while3A_166, %dma_start3A_169, %dma_start3A_170] : memref<1x512x96x512xf32, #tpu.memory_space<hbm>> -> memref<1x1x96x512xf32, #tpu.memory_space<hbm>>
        %dma_start3A_172 = tpu.memref_squeeze %dma_start3A_171 : memref<1x1x96x512xf32, #tpu.memory_space<hbm>> -> memref<96x512xf32, #tpu.memory_space<hbm>>
        %dma_start3A_173 = arith.constant 0 : i32
        %dma_start3A_174 = arith.constant 0 : i32
        %dma_start3A_175 = tpu.memref_slice %arg7[%dma_start3A_168, %while3A_166, %dma_start3A_173, %dma_start3A_174] : memref<1x512x96x512xf32, #tpu.memory_space<hbm>> -> memref<1x1x96x512xf32, #tpu.memory_space<hbm>>
        %dma_start3A_176 = tpu.memref_squeeze %dma_start3A_175 : memref<1x1x96x512xf32, #tpu.memory_space<hbm>> -> memref<96x512xf32, #tpu.memory_space<hbm>>
        tpu.enqueue_dma source(%arg10 : memref<96x512xf32, #tpu.memory_space<vmem>>) target(%dma_start3A_176 : memref<96x512xf32, #tpu.memory_space<hbm>>) target_semaphore(%arg19 : memref<!tpu.dma_semaphore, #tpu.memory_space<semaphore_mem>>)
        %while3A_177 = arith.constant 0 : i32
        scf.yield %while3A_177 : i32
      }
      scf.yield %max3A, %min3A : i32, i32
    }
    %while3A_49 = arith.constant 0 : i32
    %while3A_50 = arith.subi %while3A_48#1, %while3A_48#0 : i32
    %while3A_51 = arith.addi %while3A_48#0, %while3A_50 : i32
    %while3A_52 = arith.constant 1 : i32
    %while3A_53 = arith.divsi %while3A_50, %while3A_52 : i32
    %while3A_54 = arith.muli %while3A_53, %while3A_52 : i32
    %while3A_55 = arith.addi %while3A_48#0, %while3A_54 : i32
    %while3A_56 = arith.constant 1 : i32
    %while3A_57 = scf.for %while3A_60 = %while3A_48#0 to %while3A_55 step %while3A_56 iter_args(%while3A_61 = %while3A_49) -> (i32)  : i32 {
      %dma_wait3A = arith.constant 0 : i32
      %dma_wait3A_62 = arith.constant 0 : i32
      %dma_wait3A_63 = arith.constant 0 : i32
      %dma_wait3A_64 = tpu.memref_slice %arg7[%dma_wait3A, %while3A_60, %dma_wait3A_62, %dma_wait3A_63] : memref<1x512x96x512xf32, #tpu.memory_space<hbm>> -> memref<1x1x96x512xf32, #tpu.memory_space<hbm>>
      %dma_wait3A_65 = tpu.memref_squeeze %dma_wait3A_64 : memref<1x1x96x512xf32, #tpu.memory_space<hbm>> -> memref<96x512xf32, #tpu.memory_space<hbm>>
      %dma_wait3A_66 = arith.constant 0 : i32
      %dma_wait3A_67 = arith.constant 0 : i32
      %dma_wait3A_68 = tpu.memref_slice %arg7[%dma_wait3A, %while3A_60, %dma_wait3A_66, %dma_wait3A_67] : memref<1x512x96x512xf32, #tpu.memory_space<hbm>> -> memref<1x1x96x512xf32, #tpu.memory_space<hbm>>
      %dma_wait3A_69 = tpu.memref_squeeze %dma_wait3A_68 : memref<1x1x96x512xf32, #tpu.memory_space<hbm>> -> memref<96x512xf32, #tpu.memory_space<hbm>>
      tpu.wait_dma2 semaphore(%arg19 : memref<!tpu.dma_semaphore, #tpu.memory_space<semaphore_mem>>) src(%arg10 : memref<96x512xf32, #tpu.memory_space<vmem>>) dst(%dma_wait3A_69 : memref<96x512xf32, #tpu.memory_space<hbm>>)
      %while3A_70 = arith.constant 0 : i32
      scf.yield %while3A_70 : i32
    }
    %while3A_58 = arith.constant 1 : i32
    %while3A_59 = scf.for %while3A_60 = %while3A_55 to %while3A_51 step %while3A_58 iter_args(%while3A_61 = %while3A_57) -> (i32)  : i32 {
      %dma_wait3A = arith.constant 0 : i32
      %dma_wait3A_62 = arith.constant 0 : i32
      %dma_wait3A_63 = arith.constant 0 : i32
      %dma_wait3A_64 = tpu.memref_slice %arg7[%dma_wait3A, %while3A_60, %dma_wait3A_62, %dma_wait3A_63] : memref<1x512x96x512xf32, #tpu.memory_space<hbm>> -> memref<1x1x96x512xf32, #tpu.memory_space<hbm>>
      %dma_wait3A_65 = tpu.memref_squeeze %dma_wait3A_64 : memref<1x1x96x512xf32, #tpu.memory_space<hbm>> -> memref<96x512xf32, #tpu.memory_space<hbm>>
      %dma_wait3A_66 = arith.constant 0 : i32
      %dma_wait3A_67 = arith.constant 0 : i32
      %dma_wait3A_68 = tpu.memref_slice %arg7[%dma_wait3A, %while3A_60, %dma_wait3A_66, %dma_wait3A_67] : memref<1x512x96x512xf32, #tpu.memory_space<hbm>> -> memref<1x1x96x512xf32, #tpu.memory_space<hbm>>
      %dma_wait3A_69 = tpu.memref_squeeze %dma_wait3A_68 : memref<1x1x96x512xf32, #tpu.memory_space<hbm>> -> memref<96x512xf32, #tpu.memory_space<hbm>>
      tpu.wait_dma2 semaphore(%arg19 : memref<!tpu.dma_semaphore, #tpu.memory_space<semaphore_mem>>) src(%arg10 : memref<96x512xf32, #tpu.memory_space<vmem>>) dst(%dma_wait3A_69 : memref<96x512xf32, #tpu.memory_space<hbm>>)
      %while3A_70 = arith.constant 0 : i32
      scf.yield %while3A_70 : i32
    }
    return
  }
}

module attributes {stable_mosaic.version = 14 : i64} {
  func.func @_stage0_body(%arg0: memref<1x512xi32, #tpu.memory_space<vmem>>, %arg1: memref<512x1xi32, #tpu.memory_space<vmem>>, %arg2: memref<1x512xi32, #tpu.memory_space<vmem>>, %arg3: memref<512x1xi32, #tpu.memory_space<vmem>>, %arg4: memref<512x1xi32, #tpu.memory_space<vmem>>, %arg5: memref<1x512xi32, #tpu.memory_space<vmem>>, %arg6: memref<1x512xf32, #tpu.memory_space<vmem>>, %arg7: memref<512x1xi32, #tpu.memory_space<vmem>>) attributes {dimension_semantics = [], scalar_prefetch = 0 : i64, scratch_operands = 0 : i64, tpu.core_type = #tpu.core_type<tc>} {
    %iota3A = tpu.iota {dimensions = array<i32: 1>} : vector<1x512xi32>
    %iota3A_0 = tpu.iota {dimensions = array<i32: 0>} : vector<512x1xi32>
    %iota3A_1 = tpu.iota {dimensions = array<i32: 0>} : vector<512x512xi32>
    %iota3A_2 = tpu.iota {dimensions = array<i32: 1>} : vector<512x512xi32>
    %le3A = arith.cmpi sle, %iota3A_1, %iota3A_2 : vector<512x512xi32>
    %convert_element_type3A = arith.extui %le3A : vector<512x512xi1> to vector<512x512xi32>
    %convert_element_type3A_3 = arith.sitofp %convert_element_type3A : vector<512x512xi32> to vector<512x512xf32>
    %ge3A = arith.cmpi sge, %iota3A_1, %iota3A_2 : vector<512x512xi32>
    %convert_element_type3A_4 = arith.extui %ge3A : vector<512x512xi1> to vector<512x512xi32>
    %convert_element_type3A_5 = arith.sitofp %convert_element_type3A_4 : vector<512x512xi32> to vector<512x512xf32>
    %get3A = arith.constant 0 : index
    %get3A_6 = arith.constant 0 : index
    %get3A_7 = vector.load %arg0[%get3A, %get3A_6] : memref<1x512xi32, #tpu.memory_space<vmem>>, vector<1x512xi32>
    %broadcast_in_dim3A = arith.constant 0 : i32
    %broadcast_in_dim3A_8 = vector.broadcast %broadcast_in_dim3A : i32 to vector<1x1xi32>
    %slice3A = vector.extract_strided_slice %get3A_7 {offsets = [0, 0], sizes = [1, 511], strides = [1, 1]} : vector<1x512xi32> to vector<1x511xi32>
    %concatenate3A = tpu.concatenate %broadcast_in_dim3A_8, %slice3A in 1 : vector<1x1xi32>, vector<1x511xi32> -> vector<1x512xi32>
    %sub3A = arith.subi %get3A_7, %concatenate3A : vector<1x512xi32>
    %gt3A = arith.constant 0 : i32
    %gt3A_9 = vector.broadcast %gt3A : i32 to vector<1x512xi32>
    %gt3A_10 = arith.cmpi sgt, %sub3A, %gt3A_9 : vector<1x512xi32>
    %gt3A_11 = arith.constant 0 : i32
    %gt3A_12 = vector.broadcast %gt3A_11 : i32 to vector<1x512xi32>
    %gt3A_13 = arith.cmpi sgt, %iota3A, %gt3A_12 : vector<1x512xi32>
    %and3A = arith.andi %gt3A_10, %gt3A_13 : vector<1x512xi1>
    %jit3A = arith.constant 1.000000e+00 : f32
    %jit3A_14 = arith.constant 0.000000e+00 : f32
    %broadcast_in_dim3A_15 = vector.broadcast %jit3A : f32 to vector<1x512xf32>
    %broadcast_in_dim3A_16 = vector.broadcast %jit3A_14 : f32 to vector<1x512xf32>
    %select_n3A = arith.select %and3A, %broadcast_in_dim3A_15, %broadcast_in_dim3A_16 : vector<1x512xi1>, vector<1x512xf32>
    %get3A_17 = arith.constant 0 : index
    %get3A_18 = arith.constant 0 : index
    %get3A_19 = vector.load %arg1[%get3A_17, %get3A_18] : memref<512x1xi32, #tpu.memory_space<vmem>>, vector<512x1xi32>
    %broadcast_in_dim3A_20 = arith.constant 0 : i32
    %broadcast_in_dim3A_21 = vector.broadcast %broadcast_in_dim3A_20 : i32 to vector<1x1xi32>
    %slice3A_22 = vector.extract_strided_slice %get3A_19 {offsets = [0, 0], sizes = [511, 1], strides = [1, 1]} : vector<512x1xi32> to vector<511x1xi32>
    %concatenate3A_23 = tpu.concatenate %broadcast_in_dim3A_21, %slice3A_22 in 0 : vector<1x1xi32>, vector<511x1xi32> -> vector<512x1xi32>
    %sub3A_24 = arith.subi %get3A_19, %concatenate3A_23 : vector<512x1xi32>
    %gt3A_25 = arith.constant 0 : i32
    %gt3A_26 = vector.broadcast %gt3A_25 : i32 to vector<512x1xi32>
    %gt3A_27 = arith.cmpi sgt, %sub3A_24, %gt3A_26 : vector<512x1xi32>
    %gt3A_28 = arith.constant 0 : i32
    %gt3A_29 = vector.broadcast %gt3A_28 : i32 to vector<512x1xi32>
    %gt3A_30 = arith.cmpi sgt, %iota3A_0, %gt3A_29 : vector<512x1xi32>
    %and3A_31 = arith.andi %gt3A_27, %gt3A_30 : vector<512x1xi1>
    %jit3A_32 = arith.constant 1.000000e+00 : f32
    %jit3A_33 = arith.constant 0.000000e+00 : f32
    %broadcast_in_dim3A_34 = vector.broadcast %jit3A_32 : f32 to vector<512x1xf32>
    %broadcast_in_dim3A_35 = vector.broadcast %jit3A_33 : f32 to vector<512x1xf32>
    %select_n3A_36 = arith.select %and3A_31, %broadcast_in_dim3A_34, %broadcast_in_dim3A_35 : vector<512x1xi1>, vector<512x1xf32>
    %get3A_37 = arith.constant 0 : index
    %get3A_38 = arith.constant 0 : index
    %get3A_39 = vector.load %arg2[%get3A_37, %get3A_38] : memref<1x512xi32, #tpu.memory_space<vmem>>, vector<1x512xi32>
    %broadcast_in_dim3A_40 = arith.constant 0 : i32
    %broadcast_in_dim3A_41 = vector.broadcast %broadcast_in_dim3A_40 : i32 to vector<1x1xi32>
    %slice3A_42 = vector.extract_strided_slice %get3A_39 {offsets = [0, 0], sizes = [1, 511], strides = [1, 1]} : vector<1x512xi32> to vector<1x511xi32>
    %concatenate3A_43 = tpu.concatenate %broadcast_in_dim3A_41, %slice3A_42 in 1 : vector<1x1xi32>, vector<1x511xi32> -> vector<1x512xi32>
    %sub3A_44 = arith.subi %get3A_39, %concatenate3A_43 : vector<1x512xi32>
    %gt3A_45 = arith.constant 0 : i32
    %gt3A_46 = vector.broadcast %gt3A_45 : i32 to vector<1x512xi32>
    %gt3A_47 = arith.cmpi sgt, %sub3A_44, %gt3A_46 : vector<1x512xi32>
    %gt3A_48 = arith.constant 0 : i32
    %gt3A_49 = vector.broadcast %gt3A_48 : i32 to vector<1x512xi32>
    %gt3A_50 = arith.cmpi sgt, %iota3A, %gt3A_49 : vector<1x512xi32>
    %and3A_51 = arith.andi %gt3A_47, %gt3A_50 : vector<1x512xi1>
    %jit3A_52 = arith.constant 1.000000e+00 : f32
    %jit3A_53 = arith.constant 0.000000e+00 : f32
    %broadcast_in_dim3A_54 = vector.broadcast %jit3A_52 : f32 to vector<1x512xf32>
    %broadcast_in_dim3A_55 = vector.broadcast %jit3A_53 : f32 to vector<1x512xf32>
    %select_n3A_56 = arith.select %and3A_51, %broadcast_in_dim3A_54, %broadcast_in_dim3A_55 : vector<1x512xi1>, vector<1x512xf32>
    %get3A_57 = arith.constant 0 : index
    %get3A_58 = arith.constant 0 : index
    %get3A_59 = vector.load %arg3[%get3A_57, %get3A_58] : memref<512x1xi32, #tpu.memory_space<vmem>>, vector<512x1xi32>
    %broadcast_in_dim3A_60 = arith.constant 0 : i32
    %broadcast_in_dim3A_61 = vector.broadcast %broadcast_in_dim3A_60 : i32 to vector<1x1xi32>
    %slice3A_62 = vector.extract_strided_slice %get3A_59 {offsets = [0, 0], sizes = [511, 1], strides = [1, 1]} : vector<512x1xi32> to vector<511x1xi32>
    %concatenate3A_63 = tpu.concatenate %broadcast_in_dim3A_61, %slice3A_62 in 0 : vector<1x1xi32>, vector<511x1xi32> -> vector<512x1xi32>
    %sub3A_64 = arith.subi %get3A_59, %concatenate3A_63 : vector<512x1xi32>
    %gt3A_65 = arith.constant 0 : i32
    %gt3A_66 = vector.broadcast %gt3A_65 : i32 to vector<512x1xi32>
    %gt3A_67 = arith.cmpi sgt, %sub3A_64, %gt3A_66 : vector<512x1xi32>
    %gt3A_68 = arith.constant 0 : i32
    %gt3A_69 = vector.broadcast %gt3A_68 : i32 to vector<512x1xi32>
    %gt3A_70 = arith.cmpi sgt, %iota3A_0, %gt3A_69 : vector<512x1xi32>
    %and3A_71 = arith.andi %gt3A_67, %gt3A_70 : vector<512x1xi1>
    %jit3A_72 = arith.constant 1.000000e+00 : f32
    %jit3A_73 = arith.constant 0.000000e+00 : f32
    %broadcast_in_dim3A_74 = vector.broadcast %jit3A_72 : f32 to vector<512x1xf32>
    %broadcast_in_dim3A_75 = vector.broadcast %jit3A_73 : f32 to vector<512x1xf32>
    %select_n3A_76 = arith.select %and3A_71, %broadcast_in_dim3A_74, %broadcast_in_dim3A_75 : vector<512x1xi1>, vector<512x1xf32>
    %dot_general3A = arith.constant dense<0.000000e+00> : vector<1x512xf32>
    %dot_general3A_77 = tpu.matmul %select_n3A, %convert_element_type3A_3, %dot_general3A {dimension_numbers = #tpu.dot_dimension_numbers<[1], [0], [0], [1], [0, 0, 1, 1], [], []>, transpose_lhs_hint = false} : vector<1x512xf32>, vector<512x512xf32>, vector<1x512xf32> -> vector<1x512xf32>
    %dot_general3A_78 = arith.constant dense<0.000000e+00> : vector<512x1xf32>
    %dot_general3A_79 = tpu.matmul %convert_element_type3A_5, %select_n3A_36, %dot_general3A_78 {dimension_numbers = #tpu.dot_dimension_numbers<[1], [0], [0], [1], [0, 0, 1, 1], [], []>, transpose_lhs_hint = false} : vector<512x512xf32>, vector<512x1xf32>, vector<512x1xf32> -> vector<512x1xf32>
    %dot_general3A_80 = arith.constant dense<0.000000e+00> : vector<1x512xf32>
    %dot_general3A_81 = tpu.matmul %select_n3A_56, %convert_element_type3A_3, %dot_general3A_80 {dimension_numbers = #tpu.dot_dimension_numbers<[1], [0], [0], [1], [0, 0, 1, 1], [], []>, transpose_lhs_hint = false} : vector<1x512xf32>, vector<512x512xf32>, vector<1x512xf32> -> vector<1x512xf32>
    %dot_general3A_82 = arith.constant dense<0.000000e+00> : vector<512x1xf32>
    %dot_general3A_83 = tpu.matmul %convert_element_type3A_5, %select_n3A_76, %dot_general3A_82 {dimension_numbers = #tpu.dot_dimension_numbers<[1], [0], [0], [1], [0, 0, 1, 1], [], []>, transpose_lhs_hint = false} : vector<512x512xf32>, vector<512x1xf32>, vector<512x1xf32> -> vector<512x1xf32>
    %eq3A = vector.broadcast %dot_general3A_83 : vector<512x1xf32> to vector<512x512xf32>
    %eq3A_84 = vector.broadcast %dot_general3A_81 : vector<1x512xf32> to vector<512x512xf32>
    %eq3A_85 = arith.cmpf oeq, %eq3A, %eq3A_84 : vector<512x512xf32>
    %convert_element_type3A_86 = arith.extui %eq3A_85 : vector<512x512xi1> to vector<512x512xi32>
    %convert_element_type3A_87 = arith.sitofp %convert_element_type3A_86 : vector<512x512xi32> to vector<512x512xf32>
    %reduce_sum3A = arith.constant dense<0.000000e+00> : vector<512xf32>
    %reduce_sum3A_88 = vector.multi_reduction <add>, %convert_element_type3A_87, %reduce_sum3A [0] : vector<512x512xf32> to vector<512xf32>
    %broadcast_in_dim3A_89 = vector.shape_cast %reduce_sum3A_88 : vector<512xf32> to vector<1x512xf32>
    %convert_element_type3A_90 = arith.fptosi %dot_general3A_77 : vector<1x512xf32> to vector<1x512xi32>
    %eq3A_91 = vector.broadcast %convert_element_type3A_90 : vector<1x512xi32> to vector<512x512xi32>
    %eq3A_92 = arith.cmpi eq, %iota3A_1, %eq3A_91 : vector<512x512xi32>
    %convert_element_type3A_93 = arith.extui %eq3A_92 : vector<512x512xi1> to vector<512x512xi32>
    %convert_element_type3A_94 = arith.sitofp %convert_element_type3A_93 : vector<512x512xi32> to vector<512x512xf32>
    %eq3A_95 = arith.constant 0 : i32
    %eq3A_96 = vector.broadcast %eq3A_95 : i32 to vector<1x512xi32>
    %eq3A_97 = arith.cmpi eq, %iota3A, %eq3A_96 : vector<1x512xi32>
    %jit3A_98 = arith.constant 1.000000e+00 : f32
    %broadcast_in_dim3A_99 = vector.broadcast %jit3A_98 : f32 to vector<1x512xf32>
    %select_n3A_100 = arith.select %eq3A_97, %broadcast_in_dim3A_99, %select_n3A : vector<1x512xi1>, vector<1x512xf32>
    %convert_element_type3A_101 = arith.sitofp %iota3A : vector<1x512xi32> to vector<1x512xf32>
    %reduce_sum3A_102 = arith.constant dense<0.000000e+00> : vector<512xf32>
    %reduce_sum3A_103 = vector.multi_reduction <add>, %convert_element_type3A_94, %reduce_sum3A_102 [1] : vector<512x512xf32> to vector<512xf32>
    %broadcast_in_dim3A_104 = vector.shape_cast %reduce_sum3A_103 : vector<512xf32> to vector<512x1xf32>
    %mul3A = vector.broadcast %select_n3A_100 : vector<1x512xf32> to vector<512x512xf32>
    %mul3A_105 = arith.mulf %convert_element_type3A_94, %mul3A : vector<512x512xf32>
    %mul3A_106 = vector.broadcast %convert_element_type3A_101 : vector<1x512xf32> to vector<512x512xf32>
    %mul3A_107 = arith.mulf %mul3A_105, %mul3A_106 : vector<512x512xf32>
    %reduce_sum3A_108 = arith.constant dense<0.000000e+00> : vector<512xf32>
    %reduce_sum3A_109 = vector.multi_reduction <add>, %mul3A_107, %reduce_sum3A_108 [1] : vector<512x512xf32> to vector<512xf32>
    %broadcast_in_dim3A_110 = vector.shape_cast %reduce_sum3A_109 : vector<512xf32> to vector<512x1xf32>
    %convert_element_type3A_111 = arith.fptosi %dot_general3A_79 : vector<512x1xf32> to vector<512x1xi32>
    %swap3A = arith.constant 0 : index
    %swap3A_112 = arith.constant 0 : index
    %swap3A_113 = vector.load %arg4[%swap3A, %swap3A_112] : memref<512x1xi32, #tpu.memory_space<vmem>>, vector<512x1xi32>
    tpu.vector_store %arg4[%swap3A, %swap3A_112], %convert_element_type3A_111 {strides = array<i32>} : memref<512x1xi32, #tpu.memory_space<vmem>>, vector<512x1xi32>,
    %mul3A_114 = arith.constant 9.700000e+01 : f32
    %mul3A_115 = vector.broadcast %mul3A_114 : f32 to vector<1x512xf32>
    %mul3A_116 = arith.mulf %dot_general3A_81, %mul3A_115 : vector<1x512xf32>
    %convert_element_type3A_117 = arith.fptosi %mul3A_116 : vector<1x512xf32> to vector<1x512xi32>
    %swap3A_118 = arith.constant 0 : index
    %swap3A_119 = arith.constant 0 : index
    %swap3A_120 = vector.load %arg5[%swap3A_118, %swap3A_119] : memref<1x512xi32, #tpu.memory_space<vmem>>, vector<1x512xi32>
    tpu.vector_store %arg5[%swap3A_118, %swap3A_119], %convert_element_type3A_117 {strides = array<i32>} : memref<1x512xi32, #tpu.memory_space<vmem>>, vector<1x512xi32>,
    %div3A = arith.constant 1.000000e+00 : f32
    %div3A_121 = vector.broadcast %div3A : f32 to vector<1x512xf32>
    %div3A_122 = arith.divf %div3A_121, %broadcast_in_dim3A_89 : vector<1x512xf32>
    %swap3A_123 = arith.constant 0 : index
    %swap3A_124 = arith.constant 0 : index
    %swap3A_125 = vector.load %arg6[%swap3A_123, %swap3A_124] : memref<1x512xf32, #tpu.memory_space<vmem>>, vector<1x512xf32>
    tpu.vector_store %arg6[%swap3A_123, %swap3A_124], %div3A_122 {strides = array<i32>} : memref<1x512xf32, #tpu.memory_space<vmem>>, vector<1x512xf32>,
    %mul3A_126 = arith.constant 1.024000e+03 : f32
    %mul3A_127 = vector.broadcast %mul3A_126 : f32 to vector<512x1xf32>
    %mul3A_128 = arith.mulf %broadcast_in_dim3A_104, %mul3A_127 : vector<512x1xf32>
    %add3A = arith.addf %broadcast_in_dim3A_110, %mul3A_128 : vector<512x1xf32>
    %convert_element_type3A_129 = arith.fptosi %add3A : vector<512x1xf32> to vector<512x1xi32>
    %swap3A_130 = arith.constant 0 : index
    %swap3A_131 = arith.constant 0 : index
    %swap3A_132 = vector.load %arg7[%swap3A_130, %swap3A_131] : memref<512x1xi32, #tpu.memory_space<vmem>>, vector<512x1xi32>
    tpu.vector_store %arg7[%swap3A_130, %swap3A_131], %convert_element_type3A_129 {strides = array<i32>} : memref<512x1xi32, #tpu.memory_space<vmem>>, vector<512x1xi32>,
    return
  }
}

</mosaic_0001>

<sc_bundles>
// kernel: kernel.4.cloned.1.call-start
scs
__scs_entry_jumppad:
0x0: {  	(pc) =	sbr.rel $0x88, $3  }
0x1: {  	(tag) =	ssettag $0x0;
	lr =	simm.s32 $0x1  }
0x2: {  	[smem:$0x3F9E] =	sst lr;
	_ =	strace $0xD0000000  }
0x3: {  	_ = 	snop  }
0x4: {  	_ = 	snop  }
0x5: {  	_ = 	snop  }
0x6: {  	_ = 	snop  }
0x7: {  	_ = 	snop  }
__scs_overlays_trampoline_lowered:
0x8: {  	[smem:$0x3FAD] =	sst s0  }
0x9: {  	[smem:$0x3FAE] =	sst s1  }
0xa: {  	[smem:$0x3FAF] =	sst s2  }
0xb: {  	[smem:$0x3FB0] =	sst s3  }
0xc: {  	[smem:$0x3FB1] =	sst s4  }
0xd: {  	[smem:$0x3FB2] =	sst s5  }
0xe: {  	[smem:$0x3FB3] =	sst s6  }
0xf: {  	[smem:$0x3FB4] =	sst s7  }
0x10: {  	[smem:$0x3FB5] =	sst s8  }
0x11: {  	[smem:$0x3FB6] =	sst s9;
	s0 =	simm.s32 @!p0 $0x0  }
0x12: {  	s1 =	sld [smem:$0x3F9C];
	s0 =	simm.s32 @p0 $0x1  }
0x13: {  	[smem:$0x3FB7] =	sst s0;
	s0 =	simm.s32 @!p1 $0x0  }
0x14: {  	s2 =	sld [smem:$0x3F9B];
	s0 =	simm.s32 @p1 $0x1  }
0x15: {  	[smem:$0x3FB8] =	sst s0;
	s0 =	simm.s32 @!p2 $0x0  }
0x16: {  	s3 =	sld [smem:$0x3FDB];
	s0 =	simm.s32 @p2 $0x1  }
0x17: {  	s4 =	simm.s32 $0x1BF5;
	[smem:$0x3FBA] =	sst s0  }
0x18: {  	s0 =	sld [smem:$0x3F9D];
	_ =	swait.ge [sflag:s4], $0x0  }
0x19: {  	s7 =	sld [smem:$0x3F9E]  }
0x1a: {  	s8 =	sadd.s32 $0xFFFFE003, lr  }
0x1b: {  	s9 =	sadd.s32 $0xFFFFFEF7, lr;
	s5 =	simm.s32 $0xFFFFFFFF;
	p2 =	slt.u32 s8, $0xFFFFF086  }
0x1c: {  	p1 =	slt.u32 s9, $0xF7A;
	s5 =	simm.s32 @!p2 $0x0  }
0x1d: {  	s5 =	simm.s32 @p1 $0x1;
	p0 =	seq.s32 s7, s2  }
0x1e: {  	s7 =	smul.u32 @!p0 $0xF7A, s2;
	p2 =	seq.s32 @!p0 s5, $0x0  }
0x1f: {  	s9 =	smul.u32 $0xF7A, s1;
	s8 =	simm.s32 @!p0 $0x1BF5;
	p2 =	por !p2, p0  }
0x20: {  	[sflag:s8] =	ssyncset.s32 @!p0 $0xFFFFF086;
	s6 =	sadd.s32 @!p0 s3, s7;
	s7 =	simm.s32 @!p0 $0x108  }
0x21: {  	s3 =	sadd.s32 s3, s9;
	s6 =	sadd.s32 @!p0 $0x88, s6;
	s7 =	simm.s32 @p2 $0x1082  }
0x22: {  	[simem:s7], [sflag:s8] =	dma.local @!p0 [hbm:s6], $0xF7A  }
0x23: {  	s9 =	sor.u32 $0xD0000000, s2;
	s6 =	simm.s32 $0x108;
	_ =	swait.ge @!p0 [sflag:s8], $0x0  }
0x24: {  	s3 =	sadd.s32 $0x88, s3;
	s6 =	simm.s32 @!p1 $0x1082;
	[sflag:s4] =	ssyncset.s32 $0xFFFFF086  }
0x25: {  	[simem:s6], [sflag:s4] =	dma.local [hbm:s3], $0xF7A  }
0x26: {  	[smem:$0x3F9E] =	sst s1;
	(tag) =	ssettag s2;
	_ =	strace s9  }
0x27: {  	s1 =	sld [smem:$0x3FAE]  }
0x28: {  	s2 =	sld [smem:$0x3FAF]  }
0x29: {  	s4 =	sld [smem:$0x3FB1]  }
0x2a: {  	p0 =	seq.s32 s5, $0x0;
	s5 =	sld [smem:$0x3FB2]  }
0x2b: {  	s6 =	sld [smem:$0x3FB3]  }
0x2c: {  	s7 =	sld [smem:$0x3FB4]  }
0x2d: {  	s3 =	simm.s32 $0x108;
	s8 =	sld [smem:$0x3FB5]  }
0x2e: {  	s3 =	simm.s32 @!p0 $0x1082;
	s9 =	sld [smem:$0x3FB6]  }
0x2f: {  	lr =	sadd.s32 s0, s3;
	s0 =	sld [smem:$0x3FAD]  }
0x30: {  	s3 =	sld [smem:$0x3FB0]  }
0x31: {  	[smem:$0x3FB9] =	sst s10  }
0x32: {  	s10 =	sld [smem:$0x3FB7];
	_ =	sdelay $0x3  }
0x33: {  	p0 =	seq.s32 s10, $0x1;
	s10 =	sld [smem:$0x3FB9];
	_ =	sdelay $0x3  }
0x34: {  	[smem:$0x3FB9] =	sst s10  }
0x35: {  	s10 =	sld [smem:$0x3FB8];
	_ =	sdelay $0x3  }
0x36: {  	p1 =	seq.s32 s10, $0x1;
	s10 =	sld [smem:$0x3FB9];
	_ =	sdelay $0x3  }
0x37: {  	[smem:$0x3FB9] =	sst s10  }
0x38: {  	s10 =	sld [smem:$0x3FBA]  }
0x39: {  	_ = 	snop;
	(pc) =	sbr.ind lr, $3  }
0x3a: {  	_ = 	snop  }
0x3b: {  	_ = 	snop  }
0x3c: {  	p2 =	seq.s32 s10, $0x1;
	s10 =	sld [smem:$0x3FB9]  }
0x3d: {  	_ =	shalt  }
0x3e: {  	_ =	shalt  }
0x3f: {  	_ =	shalt  }
0x40: {  	_ =	shalt  }
0x41: {  	_ =	shalt  }
0x42: {  	_ =	shalt  }
0x43: {  	_ =	shalt  }
0x44: {  	_ =	shalt  }
0x45: {  	_ =	shalt  }
0x46: {  	_ =	shalt  }
0x47: {  	_ =	shalt  }
0x48: {  	_ =	shalt  }
0x49: {  	_ =	shalt  }
0x4a: {  	_ =	shalt  }
0x4b: {  	_ =	shalt  }
0x4c: {  	_ =	shalt  }
0x4d: {  	_ =	shalt  }
0x4e: {  	_ =	shalt  }
0x4f: {  	_ =	shalt  }
0x50: {  	_ =	shalt  }
0x51: {  	_ =	shalt  }
0x52: {  	_ =	shalt  }
0x53: {  	_ =	shalt  }
0x54: {  	_ =	shalt  }
0x55: {  	_ =	shalt  }
0x56: {  	_ =	shalt  }
0x57: {  	_ =	shalt  }
0x58: {  	_ =	shalt  }
0x59: {  	_ =	shalt  }
0x5a: {  	_ =	shalt  }
0x5b: {  	_ =	shalt  }
0x5c: {  	_ =	shalt  }
0x5d: {  	_ =	shalt  }
0x5e: {  	_ =	shalt  }
0x5f: {  	_ =	shalt  }
0x60: {  	_ =	shalt  }
0x61: {  	_ =	shalt  }
0x62: {  	_ =	shalt  }
0x63: {  	_ =	shalt  }
0x64: {  	_ =	shalt  }
0x65: {  	_ =	shalt  }
0x66: {  	_ =	shalt  }
0x67: {  	_ =	shalt  }
0x68: {  	_ =	shalt  }
0x69: {  	_ =	shalt  }
0x6a: {  	_ =	shalt  }
0x6b: {  	_ =	shalt  }
0x6c: {  	_ =	shalt  }
0x6d: {  	_ =	shalt  }
0x6e: {  	_ =	shalt  }
0x6f: {  	_ =	shalt  }
0x70: {  	_ =	shalt  }
0x71: {  	_ =	shalt  }
0x72: {  	_ =	shalt  }
0x73: {  	_ =	shalt  }
0x74: {  	_ =	shalt  }
0x75: {  	_ =	shalt  }
0x76: {  	_ =	shalt  }
0x77: {  	_ =	shalt  }
0x78: {  	_ =	shalt  }
0x79: {  	_ =	shalt  }
0x7a: {  	_ =	shalt  }
0x7b: {  	_ =	shalt  }
0x7c: {  	_ =	shalt  }
0x7d: {  	_ =	shalt  }
0x7e: {  	_ =	shalt  }
0x7f: {  	_ =	shalt  }
0x80: {  	_ =	shalt  }
0x81: {  	_ =	shalt  }
0x82: {  	_ =	shalt  }
0x83: {  	_ =	shalt  }
0x84: {  	_ =	shalt  }
0x85: {  	_ =	shalt  }
0x86: {  	_ =	shalt  }
0x87: {  	_ =	shalt  }
.Lfunc_end0:
.L_simem_size_0:
called_computation_lowered:
.L_overlay_start_0:
0x88: {  	s2 =	sld [smem:$0x3FD9]  }
0x89: {  	s3 =	sld [smem:$0x3FFE];
	_ =	sdelay $0x1  }
0x8a: {  	s1 =	srdreg.scid  }
0x8b: {  	s0 =	sand.u32 $0x1, s1  }
0x8c: {  	s17 =	sshll.u32 s0, $0xA;
	s2 =	sadd.s32 s3, s2  }
0x8d: {  	s2 =	sadd.s32 s2, s17  }
0x8e: {  	[smem:$0x3FC5] =	sst s2  }
0x8f: {  	_ = 	snop  }
0x90: {  	s2 =	sld [smem:$0x3FD0];
	(tm) =	ssettm $0x1  }
0x91: {  	s18 =	sld [smem:$0x3FFB];
	_ =	sdelay $0x3  }
0x92: {  	_ =	strace s18  }
0x93: {  	s3 =	sld [smem:$0x3FFC];
	_ =	sdelay $0x3  }
0x94: {  	_ =	strace s3  }
0x95: {  	s3 =	sld [smem:$0x3FFD];
	_ =	sdelay $0x3  }
0x96: {  	_ =	strace s3  }
0x97: {  	_ =	strace $0x8FFFFFFF  }
0x98: {  	s19 =	sld [smem:$0x3FDB];
	_ =	sdelay $0x1  }
0x99: {  	s4 =	simm.s32 $_scs_section_size  }
0x9a: {  	s5 =	simm.s32 $_size__tile_overlayer_lowered;
	s6 =	simm.s32 $_tile_overlayer_lowered  }
0x9b: {  	s22 =	simm.s32 $0x1BFF;
	s21 =	sshll.u32 s6, $0x1;
	s3 =	sadd.s32 s4, s19  }
0x9c: {  	s7 =	simm.s32 $0x0;
	s20 =	sshll.u32 s5, $0x1;
	s5 =	sadd.s32 s21, s3  }
0x9d: {  	[timem:s7], [sflag:s22] =	dma.local [hbm:s5], s20  }
0x9e: {  	_ =	swait.ge [sflag:s22], s20  }
0x9f: {  	s4 =	ssub.s32 $0x0, s20;
	[sflag:s22] =	ssyncset.done $0x0  }
0xa0: {  	[sflag:s22] =	ssyncadd.s32 s4;
	_ =	sdelay $0x1  }
0xa1: {  	s23 =	simm.s32 $0x1B8B  }
0xa2: {  	_ =	swait.ge [sflag:s23], $0x1  }
0xa3: {  	[sflag:s23] =	ssyncset.done $0x0  }
0xa4: {  	s25 =	simm.s32 $0x1B8E;
	s24 =	sld [smem:$0x3FFE];
	[sflag:s23] =	ssyncadd.s32 $0xFFFFFFFF  }
0xa5: {  	s26 =	simm.s32 $execute0_lowered;
	[smem:$0x3FD2] =	sst s25  }
0xa6: {  	s5 =	sshll.u32 s26, $0x1;
	_ =	strace $0x80000046;
	[dreg:$0x1] =	wrdreg $0xFFFFFFFF  }
0xa7: {  	s28 =	simm.s32 $_size_execute0_lowered;
	s3 =	sadd.s32 s3, s5;
	[dreg:$0x0] =	wrdreg $0x0  }
0xa8: {  	s5 =	sshll.u32 s28, $0x1;
	[dreg:$0x2] =	wrdreg s3  }
0xa9: {  	[dreg:$0x3] =	wrdreg s5  }
0xaa: {  	[dreg:$0x4] =	wrdreg $0xC0  }
0xab: {  	_ =	task [dreg:s7], $0x5FFFF  }
0xac: {  	[dreg:$0x1] =	wrdreg $0xFFFFFFFF  }
0xad: {  	[dreg:$0x0] =	wrdreg $0x60  }
0xae: {  	[dreg:$0x2] =	wrdreg s24  }
0xaf: {  	[dreg:$0x3] =	wrdreg s2  }
0xb0: {  	[dreg:$0x4] =	wrdreg $0x9  }
0xb1: {  	_ =	task.clear_ibuf [dreg:s7], $0x5FFFF;
	_ =	strace $0x90000046  }
0xb2: {  	s29 =	simm.s32 $0x9;
	_ =	strace $0x80000048  }
0xb3: {  	_ =	swait.ge [sflag:s29], $0x1  }
0xb4: {  	[sflag:s29] =	ssyncadd.s32 $0xFFFFFFFF  }
0xb5: {  	_ =	strace $0x90000048  }
0xb6: {  	_ =	sfence  }
0xb7: {  	s30 =	sld [smem:$0x0];
	_ =	sdelay $0x2  }
0xb8: {  	s31 =	sshll.u32 s1, $0xD;
	s1 =	sshrl.u32 s1, $0x2  }
0xb9: {  	s3 =	sand.u32 $0x4000, s31;
	s1 =	sadd.s32 s1, s30  }
0xba: {  	s0 =	sor.u32 s3, s0;
	s1 =	sshll.u32 s1, $0x11  }
0xbb: {  	s0 =	sor.u32 s1, s0  }
0xbc: {  	s0 =	sadd.s32 $0x8F2B, s0  }
0xbd: {  	[sflag:s0] =	ssyncadd.remote.s32 $0x1  }
0xbe: {  	_ =	sfence.sel $0xFFFF  }
0xbf: {  	[dreg:$0x0] =	wrdreg $0xFFFFFFFF;
	(pc) =	sbr.abs _section_cstart, $3  }
0xc0: {  	[dreg:$0x1] =	wrdreg $0xFFFFFFFF  }
0xc1: {  	_ =	task.clear_ibuf [dreg:s7], $0x2FFFF;
	_ =	strace $0x9FFFFFFF  }
0xc2: {  	(tm) =	ssettm $0x7FFFFFFF  }
0xc3: {  	_ =	shalt  }
tec
execute0_lowered:
.L_overlay_start_1:
0x0: {  	(tag) =	ssettag $0x1  }
0x1: {  	s15 =	rddreg [dreg:$0x0];
	s3 =	simm.s32 $0x0  }
0x2: {  	s0 =	srdreg.scid;
	s2 =	stileid.u32;
	s29 =	simm.s32 $0x1AD80  }
0x3: {  	s26 =	simm.s32 $0x4;
	s19 =	simm.s32 $0x1;
	s20 =	simm.s32 $0x3  }
0x4: {  	s21 =	simm.s32 $0x8000;
	s22 =	simm.s32 $0xED80;
	s23 =	simm.s32 $0x4000  }
0x5: {  	s24 =	simm.s32 $0x2;
	[smem:$0x7FF] =	sst s3;
	s5 =	sadd.s32 $0x600, s15  }
0x6: {  	s16 =	sadd.s32 $0x400600, s15;
	s17 =	sadd.s32 $0x200, s15;
	s0 =	sand.u32 $0x1, s0  }
0x7: {  	s2 =	sshll.u32 s2, $0x5;
	s18 =	sadd.s32 $0x400, s15;
	s10 =	sadd.s32 $0xE00, s15  }
0x8: {  	s11 =	sadd.s32 $0x1600, s15;
	_ =	strace $0x80000047;
	s1 =	ssub.s32 $0x2, s0  }
.Ltmp0:
0x9: {  	s0 =	sshll.u32 s0, $0x4;
	[dreg:$0x3] =	wrdreg s16;
	(pc) =	sbr.rel .LBB2_1-.Ltmp0, $4  }
0xa: {  	[dreg:$0x4] =	wrdreg s17;
	s4 =	sshrl.u32 s1, $0x1;
	s9 =	sor.u32 s0, s2  }
0xb: {  	[dreg:$0x5] =	wrdreg s18;
	s30 =	ssub.s32 s1, s4;
	s2 =	sadd.s32 $0x10, s9  }
0xc: {  	s31 =	sor.u32 $0xF, s9;
	v0 =	vmov s9;
	[dreg:$0x6] =	wrdreg s2;
	s25 =	smax.u32 s30, $0x1  }
0xd: {  	v2 =	vimm.f32 $0.0e+00;
	s12 =	sadd.s32 $0x1E00, s15;
	s1 =	simm.s32 $0x0;
	v0 =	vbroadcast v0, $0x0;
	v1 =	vmov s31;
	[dreg:$0x7] =	wrdreg s25  }
.LBB2_38:
0xe: {  	[sflag:s20] =	ssyncadd.s32 $0xFFFF4000;
	s1 =	rddreg [dreg:$0x8]  }
.LBB2_39:
0xf: {  	s1 =	sadd.s32 $0x1, s1  }
0x10: {  	p0 =	sne.s32 s1, s25  }
.Ltmp1:
0x11: {  	_ = 	snop;
	(pc) =	sbr.rel @!p0 .LBB2_40-.Ltmp1, $2  }
0x12: {  	_ =	sdelay $0x2  }
0x13: {  	s26 =	simm.s32 $0x4  }
.LBB2_1:
0x14: {  	[dreg:$0x8] =	wrdreg s1  }
0x15: {  	[tilespmem:s29], [sflag:$0x4] =	stream.linear.gather [hbm4b:s15+s3], $0x280, $0x38;
	[tilespmem:$0x1B500] =	vst v63  }
0x16: {  	_ =	swait.ge [sflag:s26], $0x280  }
0x17: {  	[sflag:s26] =	ssyncset.done $0x0  }
0x18: {  	s1 =	simm.s32 $0x0;
	[sflag:s26] =	ssyncadd.s32 $0xFFFFFD80  }
0x19: {  	v4 =	vld [tilespmem:s1+$0x1AD80];
	_ =	sdelay $0x4  }
0x1a: {  	(v2sf) =	vpush v4, $0x0  }
0x1b: {  	(v2sf) =	vpush v4, $0x1;
	_ =	sdelay $0x1  }
0x1c: {  	(v2sf) =	vpush v4, $0x2  }
0x1d: {  	(v2sf) =	vpush v4, $0x3  }
0x1e: {  	(v2sf) =	vpush v4, $0x4  }
0x1f: {  	(v2sf) =	vpush v4, $0x5  }
0x20: {  	(v2sf) =	vpush v4, $0x6  }
0x21: {  	(v2sf) =	vpush v4, $0x7  }
0x22: {  	(v2sf) =	vpush v4, $0x8  }
0x23: {  	(v2sf) =	vpush v4, $0x9  }
0x24: {  	s0 =	simm.s32 $0x10;
	(v2sf) =	vpush v4, $0xA  }
0x25: {  	v3 =	vld [tilespmem:s0+$0x1AD80];
	(v2sf) =	vpush v4, $0xB  }
0x26: {  	(v2sf) =	vpush v4, $0xC  }
0x27: {  	(v2sf) =	vpush v4, $0xD  }
0x28: {  	(v2sf) =	vpush v4, $0xE;
	s2 =	spop (v2sf)  }
0x29: {  	(v2sf) =	vpush v4, $0xF;
	[smem:s1] =	sst s2;
	s31 =	spop (v2sf)  }
0x2a: {  	(v2sf) =	vpush v3, $0x0;
	[smem:$0x1] =	sst s31  }
0x2b: {  	s2 =	spop (v2sf)  }
0x2c: {  	(v2sf) =	vpush v3, $0x1;
	[smem:$0x2] =	sst s2  }
0x2d: {  	s2 =	spop (v2sf)  }
0x2e: {  	(v2sf) =	vpush v3, $0x2;
	[smem:$0x3] =	sst s2  }
0x2f: {  	s2 =	spop (v2sf)  }
0x30: {  	(v2sf) =	vpush v3, $0x3;
	[smem:$0x4] =	sst s2  }
0x31: {  	s2 =	spop (v2sf)  }
0x32: {  	(v2sf) =	vpush v3, $0x4;
	[smem:$0x5] =	sst s2  }
0x33: {  	s2 =	spop (v2sf)  }
0x34: {  	(v2sf) =	vpush v3, $0x5;
	[smem:$0x6] =	sst s2  }
0x35: {  	s2 =	spop (v2sf)  }
0x36: {  	(v2sf) =	vpush v3, $0x6;
	[smem:$0x7] =	sst s2  }
0x37: {  	s2 =	spop (v2sf)  }
0x38: {  	(v2sf) =	vpush v3, $0x7;
	[smem:$0x8] =	sst s2  }
0x39: {  	s2 =	spop (v2sf)  }
0x3a: {  	(v2sf) =	vpush v3, $0x8;
	[smem:$0x9] =	sst s2  }
0x3b: {  	s2 =	spop (v2sf)  }
0x3c: {  	(v2sf) =	vpush v3, $0x9;
	[smem:$0xA] =	sst s2  }
0x3d: {  	s2 =	spop (v2sf)  }
0x3e: {  	(v2sf) =	vpush v3, $0xA;
	[smem:$0xB] =	sst s2  }
0x3f: {  	s2 =	spop (v2sf)  }
0x40: {  	(v2sf) =	vpush v3, $0xB;
	[smem:$0xC] =	sst s2  }
0x41: {  	s4 =	simm.s32 $0x20;
	s2 =	spop (v2sf)  }
0x42: {  	v4 =	vld [tilespmem:s4+$0x1AD80];
	(v2sf) =	vpush v3, $0xC;
	[smem:$0xD] =	sst s2  }
0x43: {  	s2 =	spop (v2sf)  }
0x44: {  	(v2sf) =	vpush v3, $0xD;
	[smem:$0xE] =	sst s2  }
0x45: {  	s6 =	simm.s32 $0xC0;
	s2 =	spop (v2sf)  }
.LBB2_2:
0x46: {  	p0 =	sne.s32 s6, $0x7C0;
	[smem:s1+$0xF] =	sst s2;
	s2 =	smov.u32 s6  }
0x47: {  	(v2sf) =	vpush v3, $0xE;
	s6 =	sadd.s32 $0x40, s6;
	s1 =	smov.u32 s0;
	s0 =	smov.u32 s4  }
0x48: {  	s4 =	spop (v2sf);
	(v2sf) =	vpush v3, $0xF  }
0x49: {  	[smem:s1] =	sst s4;
	s4 =	spop (v2sf)  }
0x4a: {  	(v2sf) =	vpush v4, $0x0;
	[smem:s1+$0x1] =	sst s4;
	s4 =	spop (v2sf);
	v3 =	vmov v4  }
0x4b: {  	(v2sf) =	vpush v3, $0x1;
	[smem:s1+$0x2] =	sst s4;
	s4 =	spop (v2sf)  }
0x4c: {  	(v2sf) =	vpush v3, $0x2;
	[smem:s1+$0x3] =	sst s4;
	s4 =	spop (v2sf)  }
0x4d: {  	(v2sf) =	vpush v3, $0x3;
	[smem:s1+$0x4] =	sst s4;
	s4 =	spop (v2sf)  }
0x4e: {  	(v2sf) =	vpush v3, $0x4;
	[smem:s1+$0x5] =	sst s4;
	s4 =	spop (v2sf)  }
0x4f: {  	(v2sf) =	vpush v3, $0x5;
	[smem:s1+$0x6] =	sst s4;
	s4 =	spop (v2sf)  }
0x50: {  	(v2sf) =	vpush v3, $0x6;
	[smem:s1+$0x7] =	sst s4;
	s4 =	spop (v2sf)  }
0x51: {  	(v2sf) =	vpush v3, $0x7;
	[smem:s1+$0x8] =	sst s4;
	s4 =	spop (v2sf)  }
0x52: {  	(v2sf) =	vpush v3, $0x8;
	[smem:s1+$0x9] =	sst s4;
	s4 =	spop (v2sf)  }
0x53: {  	[smem:s1+$0xA] =	sst s4  }
.Ltmp2:
0x54: {  	(v2sf) =	vpush v3, $0x9;
	s4 =	spop (v2sf);
	(pc) =	sbr.rel @p0 .LBB2_2-.Ltmp2, $4  }
0x55: {  	(v2sf) =	vpush v3, $0xA;
	[smem:s1+$0xB] =	sst s4;
	s7 =	spop (v2sf)  }
0x56: {  	s4 =	sshra.s32 s2, $0x2;
	(v2sf) =	vpush v3, $0xB;
	[smem:s1+$0xC] =	sst s7;
	s2 =	spop (v2sf)  }
0x57: {  	v4 =	vld [tilespmem:s4+$0x1AD80];
	(v2sf) =	vpush v3, $0xC;
	[smem:s1+$0xD] =	sst s2;
	s2 =	spop (v2sf)  }
0x58: {  	(v2sf) =	vpush v3, $0xD;
	[smem:s1+$0xE] =	sst s2;
	s2 =	spop (v2sf)  }
0x59: {  	_ = 	snop  }
0x5a: {  	(v2sf) =	vpush v3, $0xE  }
0x5b: {  	[smem:s1+$0xF] =	sst s2;
	s2 =	spop (v2sf);
	(v2sf) =	vpush v3, $0xF  }
0x5c: {  	[smem:s0] =	sst s2;
	s6 =	spop (v2sf);
	(v2sf) =	vpush v4, $0x0  }
0x5d: {  	[smem:s0+$0x1] =	sst s6;
	s7 =	spop (v2sf);
	(v2sf) =	vpush v4, $0x1  }
0x5e: {  	[smem:s0+$0x2] =	sst s7;
	s8 =	spop (v2sf);
	(v2sf) =	vpush v4, $0x2  }
0x5f: {  	[smem:s0+$0x3] =	sst s8;
	s13 =	spop (v2sf);
	(v2sf) =	vpush v4, $0x3  }
0x60: {  	[smem:s0+$0x4] =	sst s13;
	s14 =	spop (v2sf);
	(v2sf) =	vpush v4, $0x4  }
0x61: {  	[smem:s0+$0x5] =	sst s14;
	s28 =	spop (v2sf);
	(v2sf) =	vpush v4, $0x5  }
0x62: {  	[smem:s0+$0x6] =	sst s28;
	s30 =	spop (v2sf);
	(v2sf) =	vpush v4, $0x6  }
0x63: {  	[smem:s0+$0x7] =	sst s30;
	s31 =	spop (v2sf);
	(v2sf) =	vpush v4, $0x7  }
0x64: {  	[smem:s0+$0x8] =	sst s31;
	s2 =	spop (v2sf);
	(v2sf) =	vpush v4, $0x8  }
0x65: {  	[smem:s0+$0x9] =	sst s2;
	s6 =	spop (v2sf);
	(v2sf) =	vpush v4, $0x9  }
0x66: {  	[smem:s0+$0xA] =	sst s6;
	s7 =	spop (v2sf)  }
0x67: {  	(v2sf) =	vpush v4, $0xA;
	[smem:s0+$0xB] =	sst s7;
	s8 =	spop (v2sf)  }
0x68: {  	(v2sf) =	vpush v4, $0xB;
	[smem:s0+$0xC] =	sst s8;
	s13 =	spop (v2sf)  }
0x69: {  	(v2sf) =	vpush v4, $0xC;
	[smem:s0+$0xD] =	sst s13;
	s14 =	spop (v2sf)  }
0x6a: {  	(v2sf) =	vpush v4, $0xD;
	[smem:s0+$0xE] =	sst s14;
	s28 =	spop (v2sf)  }
0x6b: {  	(v2sf) =	vpush v4, $0xE;
	[smem:s0+$0xF] =	sst s28;
	s30 =	spop (v2sf)  }
0x6c: {  	(v2sf) =	vpush v4, $0xF;
	[smem:s4] =	sst s30;
	s31 =	spop (v2sf)  }
0x6d: {  	[smem:s4+$0x1] =	sst s31;
	s1 =	spop (v2sf)  }
0x6e: {  	[smem:s4+$0x2] =	sst s1;
	s2 =	spop (v2sf)  }
0x6f: {  	[smem:s4+$0x3] =	sst s2;
	s6 =	spop (v2sf)  }
0x70: {  	[smem:s4+$0x4] =	sst s6;
	s7 =	spop (v2sf)  }
0x71: {  	[smem:s4+$0x5] =	sst s7;
	s8 =	spop (v2sf)  }
0x72: {  	[smem:s4+$0x6] =	sst s8;
	s13 =	spop (v2sf)  }
0x73: {  	s8 =	simm.s32 $0x0;
	[smem:s4+$0x7] =	sst s13;
	s14 =	spop (v2sf)  }
0x74: {  	s13 =	simm.s32 $0x1B280;
	[smem:s4+$0x8] =	sst s14;
	s28 =	spop (v2sf)  }
0x75: {  	[tilespmem:s13], [sflag:$0x4] =	stream.linear.gather [hbm4b:s16+s8], $0x280, $0x38;
	[tilespmem:$0x1B500] =	vst v63  }
0x76: {  	[smem:s4+$0x9] =	sst s28;
	s30 =	spop (v2sf)  }
0x77: {  	[smem:s4+$0xA] =	sst s30;
	s31 =	spop (v2sf)  }
0x78: {  	[smem:s4+$0xB] =	sst s31;
	s1 =	spop (v2sf)  }
0x79: {  	[smem:s4+$0xC] =	sst s1;
	s2 =	spop (v2sf)  }
0x7a: {  	[smem:s4+$0xD] =	sst s2;
	s6 =	spop (v2sf)  }
0x7b: {  	[smem:s4+$0xE] =	sst s6;
	s7 =	spop (v2sf)  }
0x7c: {  	[smem:s4+$0xF] =	sst s7  }
0x7d: {  	s0 =	sld [smem:$0x1FF];
	_ =	swait.ge [sflag:s26], $0x280  }
0x7e: {  	[sflag:s26] =	ssyncset.done $0x0  }
0x7f: {  	s14 =	simm.s32 $0x0;
	[sflag:s26] =	ssyncadd.s32 $0xFFFFFD80  }
0x80: {  	v4 =	vld [tilespmem:s14+$0x1B280];
	_ =	sdelay $0x4  }
0x81: {  	(v2sf) =	vpush v4, $0x0  }
0x82: {  	(v2sf) =	vpush v4, $0x1  }
0x83: {  	(v2sf) =	vpush v4, $0x2  }
0x84: {  	(v2sf) =	vpush v4, $0x3  }
0x85: {  	(v2sf) =	vpush v4, $0x4  }
0x86: {  	(v2sf) =	vpush v4, $0x5  }
0x87: {  	(v2sf) =	vpush v4, $0x6  }
0x88: {  	(v2sf) =	vpush v4, $0x7  }
0x89: {  	(v2sf) =	vpush v4, $0x8  }
0x8a: {  	(v2sf) =	vpush v4, $0x9  }
0x8b: {  	(v2sf) =	vpush v4, $0xA  }
0x8c: {  	s1 =	simm.s32 $0x10;
	(v2sf) =	vpush v4, $0xB  }
0x8d: {  	v3 =	vld [tilespmem:s1+$0x1B280];
	(v2sf) =	vpush v4, $0xC  }
0x8e: {  	(v2sf) =	vpush v4, $0xD  }
0x8f: {  	s8 =	simm.s32 $0x202;
	(v2sf) =	vpush v4, $0xE  }
0x90: {  	s28 =	simm.s32 $0x200;
	s30 =	simm.s32 $0x201;
	s6 =	spop (v2sf);
	(v2sf) =	vpush v4, $0xF  }
0x91: {  	s2 =	simm.s32 $0x20F;
	[smem:s28] =	sst s6;
	s31 =	spop (v2sf)  }
0x92: {  	s7 =	simm.s32 $0x20D;
	(v2sf) =	vpush v3, $0x0;
	[smem:s30] =	sst s31;
	s13 =	spop (v2sf)  }
0x93: {  	s14 =	simm.s32 $0x203;
	(v2sf) =	vpush v3, $0x1;
	[smem:s8] =	sst s13;
	s28 =	spop (v2sf)  }
0x94: {  	s30 =	simm.s32 $0x204;
	(v2sf) =	vpush v3, $0x2;
	[smem:s14] =	sst s28;
	s31 =	spop (v2sf)  }
0x95: {  	s8 =	simm.s32 $0x205;
	(v2sf) =	vpush v3, $0x3;
	[smem:s30] =	sst s31;
	s13 =	spop (v2sf)  }
0x96: {  	s14 =	simm.s32 $0x206;
	(v2sf) =	vpush v3, $0x4;
	[smem:s8] =	sst s13;
	s28 =	spop (v2sf)  }
0x97: {  	s30 =	simm.s32 $0x207;
	(v2sf) =	vpush v3, $0x5;
	[smem:s14] =	sst s28;
	s31 =	spop (v2sf)  }
0x98: {  	s8 =	simm.s32 $0x208;
	(v2sf) =	vpush v3, $0x6;
	[smem:s30] =	sst s31;
	s13 =	spop (v2sf)  }
0x99: {  	s14 =	simm.s32 $0x209;
	(v2sf) =	vpush v3, $0x7;
	[smem:s8] =	sst s13;
	s28 =	spop (v2sf)  }
0x9a: {  	s30 =	simm.s32 $0x20A;
	(v2sf) =	vpush v3, $0x8;
	[smem:s14] =	sst s28;
	s31 =	spop (v2sf)  }
0x9b: {  	s6 =	simm.s32 $0x20B;
	(v2sf) =	vpush v3, $0x9;
	[smem:s30] =	sst s31;
	s8 =	spop (v2sf)  }
0x9c: {  	s13 =	simm.s32 $0x20C;
	(v2sf) =	vpush v3, $0xA;
	[smem:s6] =	sst s8;
	s14 =	spop (v2sf)  }
0x9d: {  	s30 =	simm.s32 $0x20E;
	(v2sf) =	vpush v3, $0xB;
	[smem:s13] =	sst s14;
	s28 =	spop (v2sf)  }
0x9e: {  	s6 =	simm.s32 $0x20;
	(v2sf) =	vpush v3, $0xC;
	[smem:s7] =	sst s28;
	s31 =	spop (v2sf)  }
0x9f: {  	s4 =	simm.s32 $0xC0;
	v4 =	vld [tilespmem:s6+$0x1B280];
	(v2sf) =	vpush v3, $0xD;
	[smem:s30] =	sst s31;
	s7 =	spop (v2sf)  }
.LBB2_4:
0xa0: {  	p0 =	sne.s32 s4, $0x7C0;
	[smem:s2] =	sst s7;
	s14 =	smov.u32 s4  }
0xa1: {  	(v2sf) =	vpush v3, $0xE;
	s4 =	sadd.s32 $0x40, s4;
	s7 =	smov.u32 s1;
	s1 =	smov.u32 s6  }
0xa2: {  	s2 =	sadd.s32 $0x200, s7;
	s8 =	sadd.s32 $0x20D, s7;
	s6 =	spop (v2sf);
	(v2sf) =	vpush v3, $0xF  }
0xa3: {  	[smem:s2] =	sst s6;
	s2 =	sadd.s32 $0x201, s7;
	s6 =	spop (v2sf)  }
0xa4: {  	(v2sf) =	vpush v4, $0x0;
	[smem:s2] =	sst s6;
	s2 =	sadd.s32 $0x202, s7;
	s6 =	spop (v2sf);
	v3 =	vmov v4  }
0xa5: {  	(v2sf) =	vpush v3, $0x1;
	[smem:s2] =	sst s6;
	s2 =	sadd.s32 $0x203, s7;
	s6 =	spop (v2sf)  }
0xa6: {  	(v2sf) =	vpush v3, $0x2;
	[smem:s2] =	sst s6;
	s2 =	sadd.s32 $0x204, s7;
	s6 =	spop (v2sf)  }
0xa7: {  	(v2sf) =	vpush v3, $0x3;
	[smem:s2] =	sst s6;
	s2 =	sadd.s32 $0x205, s7;
	s6 =	spop (v2sf)  }
0xa8: {  	(v2sf) =	vpush v3, $0x4;
	[smem:s2] =	sst s6;
	s2 =	sadd.s32 $0x206, s7;
	s6 =	spop (v2sf)  }
0xa9: {  	(v2sf) =	vpush v3, $0x5;
	[smem:s2] =	sst s6;
	s2 =	sadd.s32 $0x207, s7;
	s6 =	spop (v2sf)  }
0xaa: {  	s13 =	sadd.s32 $0x208, s7;
	(v2sf) =	vpush v3, $0x6;
	[smem:s2] =	sst s6;
	s2 =	spop (v2sf)  }
0xab: {  	(v2sf) =	vpush v3, $0x7;
	[smem:s13] =	sst s2;
	s2 =	sadd.s32 $0x209, s7;
	s6 =	spop (v2sf)  }
0xac: {  	(v2sf) =	vpush v3, $0x8;
	[smem:s2] =	sst s6;
	s2 =	sadd.s32 $0x20A, s7;
	s6 =	spop (v2sf)  }
0xad: {  	[smem:s2] =	sst s6  }
.Ltmp3:
0xae: {  	(v2sf) =	vpush v3, $0x9;
	s2 =	sadd.s32 $0x20B, s7;
	s6 =	spop (v2sf);
	(pc) =	sbr.rel @p0 .LBB2_4-.Ltmp3, $4  }
0xaf: {  	(v2sf) =	vpush v3, $0xA;
	[smem:s2] =	sst s6;
	s2 =	sadd.s32 $0x20C, s7;
	s13 =	spop (v2sf)  }
0xb0: {  	s6 =	sshra.s32 s14, $0x2;
	(v2sf) =	vpush v3, $0xB;
	[smem:s2] =	sst s13;
	s2 =	spop (v2sf)  }
0xb1: {  	v4 =	vld [tilespmem:s6+$0x1B280];
	(v2sf) =	vpush v3, $0xC;
	[smem:s8] =	sst s2;
	s2 =	sadd.s32 $0x20E, s7;
	s8 =	spop (v2sf)  }
0xb2: {  	(v2sf) =	vpush v3, $0xD;
	[smem:s2] =	sst s8;
	s2 =	sadd.s32 $0x20F, s7;
	s7 =	spop (v2sf)  }
0xb3: {  	_ = 	snop  }
0xb4: {  	(v2sf) =	vpush v3, $0xE;
	[smem:s2] =	sst s7;
	s28 =	sadd.s32 $0x200, s1  }
0xb5: {  	s4 =	spop (v2sf);
	s30 =	sadd.s32 $0x201, s1;
	s8 =	sadd.s32 $0x203, s1;
	(v2sf) =	vpush v3, $0xF  }
0xb6: {  	s14 =	sadd.s32 $0x204, s1;
	[smem:s28] =	sst s4;
	s31 =	spop (v2sf);
	(v2sf) =	vpush v4, $0x0  }
0xb7: {  	s4 =	sadd.s32 $0x202, s1;
	[smem:s30] =	sst s31;
	s7 =	spop (v2sf);
	(v2sf) =	vpush v4, $0x1  }
0xb8: {  	s2 =	sadd.s32 $0x209, s6;
	[smem:s4] =	sst s7;
	s13 =	spop (v2sf);
	(v2sf) =	vpush v4, $0x2  }
0xb9: {  	s30 =	sadd.s32 $0x205, s1;
	[smem:s8] =	sst s13;
	s28 =	spop (v2sf);
	(v2sf) =	vpush v4, $0x3  }
0xba: {  	s4 =	sadd.s32 $0x206, s1;
	[smem:s14] =	sst s28;
	s31 =	spop (v2sf);
	(v2sf) =	vpush v4, $0x4  }
0xbb: {  	s8 =	sadd.s32 $0x207, s1;
	[smem:s30] =	sst s31;
	s7 =	spop (v2sf);
	(v2sf) =	vpush v4, $0x5  }
0xbc: {  	s14 =	sadd.s32 $0x208, s1;
	[smem:s4] =	sst s7;
	s13 =	spop (v2sf);
	(v2sf) =	vpush v4, $0x6  }
0xbd: {  	s30 =	sadd.s32 $0x209, s1;
	[smem:s8] =	sst s13;
	s28 =	spop (v2sf);
	(v2sf) =	vpush v4, $0x7  }
0xbe: {  	s7 =	sadd.s32 $0x20A, s1;
	[smem:s14] =	sst s28;
	s31 =	spop (v2sf);
	(v2sf) =	vpush v4, $0x8  }
0xbf: {  	s13 =	sadd.s32 $0x20B, s1;
	[smem:s30] =	sst s31;
	s8 =	spop (v2sf);
	(v2sf) =	vpush v4, $0x9  }
0xc0: {  	s28 =	sadd.s32 $0x20C, s1;
	[smem:s7] =	sst s8;
	s14 =	spop (v2sf);
	(v2sf) =	vpush v4, $0xA  }
0xc1: {  	s31 =	sadd.s32 $0x20D, s1;
	[smem:s13] =	sst s14;
	s30 =	spop (v2sf);
	(v2sf) =	vpush v4, $0xB  }
0xc2: {  	s8 =	sadd.s32 $0x20E, s1;
	[smem:s28] =	sst s30;
	s4 =	spop (v2sf);
	(v2sf) =	vpush v4, $0xC  }
0xc3: {  	s14 =	sadd.s32 $0x20F, s1;
	[smem:s31] =	sst s4;
	s13 =	spop (v2sf);
	(v2sf) =	vpush v4, $0xD  }
0xc4: {  	s30 =	sadd.s32 $0x200, s6;
	[smem:s8] =	sst s13;
	s28 =	spop (v2sf);
	(v2sf) =	vpush v4, $0xE  }
0xc5: {  	s4 =	sadd.s32 $0x201, s6;
	[smem:s14] =	sst s28;
	s31 =	spop (v2sf)  }
0xc6: {  	s8 =	sadd.s32 $0x202, s6;
	(v2sf) =	vpush v4, $0xF;
	[smem:s30] =	sst s31;
	s7 =	spop (v2sf)  }
0xc7: {  	s14 =	sadd.s32 $0x203, s6;
	[smem:s4] =	sst s7;
	s13 =	spop (v2sf)  }
0xc8: {  	s30 =	sadd.s32 $0x204, s6;
	[smem:s8] =	sst s13;
	s28 =	spop (v2sf)  }
0xc9: {  	s4 =	sadd.s32 $0x205, s6;
	[smem:s14] =	sst s28;
	s31 =	spop (v2sf)  }
0xca: {  	s8 =	sadd.s32 $0x206, s6;
	[smem:s30] =	sst s31;
	s7 =	spop (v2sf)  }
0xcb: {  	s14 =	sadd.s32 $0x207, s6;
	[smem:s4] =	sst s7;
	s13 =	spop (v2sf)  }
0xcc: {  	s30 =	sadd.s32 $0x208, s6;
	[smem:s8] =	sst s13;
	s28 =	spop (v2sf)  }
0xcd: {  	s7 =	sadd.s32 $0x20A, s6;
	[smem:s14] =	sst s28;
	s31 =	spop (v2sf)  }
0xce: {  	s13 =	sadd.s32 $0x20B, s6;
	[smem:s30] =	sst s31;
	s4 =	spop (v2sf)  }
0xcf: {  	s28 =	sadd.s32 $0x20C, s6;
	[smem:s2] =	sst s4;
	s8 =	spop (v2sf)  }
0xd0: {  	s31 =	sadd.s32 $0x20D, s6;
	[smem:s7] =	sst s8;
	s14 =	spop (v2sf)  }
0xd1: {  	s7 =	sadd.s32 $0x20E, s6;
	[smem:s13] =	sst s14;
	s30 =	spop (v2sf)  }
0xd2: {  	[smem:s28] =	sst s30;
	s2 =	spop (v2sf);
	s28 =	simm.s32 $0x0  }
0xd3: {  	s30 =	simm.s32 $0x1B000;
	[smem:s31] =	sst s2;
	s8 =	spop (v2sf)  }
0xd4: {  	[tilespmem:s30], [sflag:$0x4] =	stream.linear.gather [hbm4b:s17+s28], $0x280, $0x38;
	[tilespmem:$0x1B500] =	vst v63  }
0xd5: {  	s13 =	sadd.s32 $0x20F, s6;
	[smem:s7] =	sst s8;
	s14 =	spop (v2sf)  }
0xd6: {  	[smem:s13] =	sst s14  }
0xd7: {  	_ =	swait.ge [sflag:s26], $0x280  }
0xd8: {  	[sflag:s26] =	ssyncset.done $0x0  }
0xd9: {  	[sflag:s26] =	ssyncadd.s32 $0xFFFFFD80  }
0xda: {  	v4 =	vld.idx.msk [tilespmem:v0+s30+$0x0], $0xffff  }
0xdb: {  	v3 =	vld.idx.msk [tilespmem:v1+s30+$0x0], $0xffff;
	[tilespmem:s30], [sflag:$0x4] =	stream.linear.gather [hbm4b:s18+s28], $0x280, $0x38  }
0xdc: {  	_ =	swait.ge [sflag:s26], $0x280  }
0xdd: {  	[sflag:s26] =	ssyncset.done $0x0  }
0xde: {  	s4 =	simm.s32 $0x0;
	[sflag:s26] =	ssyncadd.s32 $0xFFFFFD80  }
0xdf: {  	v6 =	vld [tilespmem:s4+$0x1B000];
	_ =	sdelay $0x4  }
0xe0: {  	(v2sf) =	vpush v6, $0x0;
	_ =	sdelay $0x1  }
0xe1: {  	(v2sf) =	vpush v6, $0x1  }
0xe2: {  	(v2sf) =	vpush v6, $0x2  }
0xe3: {  	(v2sf) =	vpush v6, $0x3  }
0xe4: {  	(v2sf) =	vpush v6, $0x4  }
0xe5: {  	(v2sf) =	vpush v6, $0x5  }
0xe6: {  	(v2sf) =	vpush v6, $0x6  }
0xe7: {  	(v2sf) =	vpush v6, $0x7  }
0xe8: {  	(v2sf) =	vpush v6, $0x8  }
0xe9: {  	(v2sf) =	vpush v6, $0x9  }
0xea: {  	(v2sf) =	vpush v6, $0xA  }
0xeb: {  	s1 =	simm.s32 $0x10;
	(v2sf) =	vpush v6, $0xB  }
0xec: {  	v5 =	vld [tilespmem:s1+$0x1B000];
	(v2sf) =	vpush v6, $0xC  }
0xed: {  	(v2sf) =	vpush v6, $0xD  }
0xee: {  	(v2sf) =	vpush v6, $0xE;
	s31 =	spop (v2sf)  }
0xef: {  	(v2sf) =	vpush v6, $0xF;
	[smem:$0x400] =	sst s31  }
0xf0: {  	s2 =	spop (v2sf)  }
0xf1: {  	(v2sf) =	vpush v5, $0x0;
	[smem:$0x401] =	sst s2  }
0xf2: {  	s2 =	spop (v2sf)  }
0xf3: {  	(v2sf) =	vpush v5, $0x1;
	[smem:$0x402] =	sst s2  }
0xf4: {  	s2 =	spop (v2sf)  }
0xf5: {  	(v2sf) =	vpush v5, $0x2;
	[smem:$0x403] =	sst s2  }
0xf6: {  	s2 =	spop (v2sf)  }
0xf7: {  	(v2sf) =	vpush v5, $0x3;
	[smem:$0x404] =	sst s2  }
0xf8: {  	s2 =	spop (v2sf)  }
0xf9: {  	(v2sf) =	vpush v5, $0x4;
	[smem:$0x405] =	sst s2  }
0xfa: {  	s2 =	spop (v2sf)  }
0xfb: {  	(v2sf) =	vpush v5, $0x5;
	[smem:$0x406] =	sst s2  }
0xfc: {  	s2 =	spop (v2sf)  }
0xfd: {  	(v2sf) =	vpush v5, $0x6;
	[smem:$0x407] =	sst s2  }
0xfe: {  	s2 =	spop (v2sf)  }
0xff: {  	(v2sf) =	vpush v5, $0x7;
	[smem:$0x408] =	sst s2  }
0x100: {  	s2 =	spop (v2sf)  }
0x101: {  	(v2sf) =	vpush v5, $0x8;
	[smem:$0x409] =	sst s2  }
0x102: {  	s2 =	spop (v2sf)  }
0x103: {  	(v2sf) =	vpush v5, $0x9;
	[smem:$0x40A] =	sst s2  }
0x104: {  	s2 =	spop (v2sf)  }
0x105: {  	(v2sf) =	vpush v5, $0xA;
	[smem:$0x40B] =	sst s2  }
0x106: {  	s2 =	spop (v2sf)  }
0x107: {  	(v2sf) =	vpush v5, $0xB;
	[smem:$0x40C] =	sst s2  }
0x108: {  	s6 =	simm.s32 $0x20;
	s2 =	spop (v2sf)  }
0x109: {  	v6 =	vld [tilespmem:s6+$0x1B000];
	(v2sf) =	vpush v5, $0xC;
	[smem:$0x40D] =	sst s2  }
0x10a: {  	s2 =	spop (v2sf)  }
0x10b: {  	(v2sf) =	vpush v5, $0xD;
	[smem:$0x40E] =	sst s2  }
0x10c: {  	s7 =	simm.s32 $0xC0;
	s2 =	spop (v2sf)  }
.LBB2_6:
0x10d: {  	p0 =	sne.s32 s7, $0x7C0;
	[smem:s4+$0x40F] =	sst s2;
	s2 =	smov.u32 s7  }
0x10e: {  	(v2sf) =	vpush v5, $0xE;
	s7 =	sadd.s32 $0x40, s7;
	s4 =	smov.u32 s1;
	s1 =	smov.u32 s6  }
0x10f: {  	s6 =	spop (v2sf);
	(v2sf) =	vpush v5, $0xF  }
0x110: {  	[smem:s4+$0x400] =	sst s6;
	s6 =	spop (v2sf)  }
0x111: {  	(v2sf) =	vpush v6, $0x0;
	[smem:s4+$0x401] =	sst s6;
	s6 =	spop (v2sf);
	v5 =	vmov v6  }
0x112: {  	(v2sf) =	vpush v5, $0x1;
	[smem:s4+$0x402] =	sst s6;
	s6 =	spop (v2sf)  }
0x113: {  	(v2sf) =	vpush v5, $0x2;
	[smem:s4+$0x403] =	sst s6;
	s6 =	spop (v2sf)  }
0x114: {  	(v2sf) =	vpush v5, $0x3;
	[smem:s4+$0x404] =	sst s6;
	s6 =	spop (v2sf)  }
0x115: {  	(v2sf) =	vpush v5, $0x4;
	[smem:s4+$0x405] =	sst s6;
	s6 =	spop (v2sf)  }
0x116: {  	(v2sf) =	vpush v5, $0x5;
	[smem:s4+$0x406] =	sst s6;
	s6 =	spop (v2sf)  }
0x117: {  	(v2sf) =	vpush v5, $0x6;
	[smem:s4+$0x407] =	sst s6;
	s6 =	spop (v2sf)  }
0x118: {  	(v2sf) =	vpush v5, $0x7;
	[smem:s4+$0x408] =	sst s6;
	s6 =	spop (v2sf)  }
0x119: {  	(v2sf) =	vpush v5, $0x8;
	[smem:s4+$0x409] =	sst s6;
	s6 =	spop (v2sf)  }
0x11a: {  	[smem:s4+$0x40A] =	sst s6  }
.Ltmp4:
0x11b: {  	(v2sf) =	vpush v5, $0x9;
	s6 =	spop (v2sf);
	(pc) =	sbr.rel @p0 .LBB2_6-.Ltmp4, $4  }
0x11c: {  	(v2sf) =	vpush v5, $0xA;
	[smem:s4+$0x40B] =	sst s6;
	s8 =	spop (v2sf)  }
0x11d: {  	s6 =	sshra.s32 s2, $0x2;
	(v2sf) =	vpush v5, $0xB;
	[smem:s4+$0x40C] =	sst s8;
	s2 =	spop (v2sf)  }
0x11e: {  	v6 =	vld [tilespmem:s6+$0x1B000];
	(v2sf) =	vpush v5, $0xC;
	[smem:s4+$0x40D] =	sst s2;
	s2 =	spop (v2sf)  }
0x11f: {  	(v2sf) =	vpush v5, $0xD;
	[smem:s4+$0x40E] =	sst s2;
	s2 =	spop (v2sf)  }
0x120: {  	_ = 	snop  }
0x121: {  	(v2sf) =	vpush v5, $0xE  }
0x122: {  	s7 =	spop (v2sf);
	(v2sf) =	vpush v5, $0xF  }
0x123: {  	s8 =	spop (v2sf);
	(v2sf) =	vpush v6, $0x0  }
0x124: {  	s13 =	spop (v2sf);
	(v2sf) =	vpush v6, $0x1  }
0x125: {  	s14 =	spop (v2sf);
	(v2sf) =	vpush v6, $0x2  }
0x126: {  	[smem:s4+$0x40F] =	sst s2;
	s4 =	spop (v2sf);
	(v2sf) =	vpush v6, $0x3  }
0x127: {  	[smem:s1+$0x400] =	sst s7;
	s7 =	spop (v2sf);
	(v2sf) =	vpush v6, $0x4  }
0x128: {  	[smem:s1+$0x401] =	sst s8;
	s8 =	spop (v2sf);
	(v2sf) =	vpush v6, $0x5  }
0x129: {  	[smem:s1+$0x402] =	sst s13;
	s13 =	spop (v2sf);
	(v2sf) =	vpush v6, $0x6  }
0x12a: {  	[smem:s1+$0x403] =	sst s14;
	s14 =	spop (v2sf);
	(v2sf) =	vpush v6, $0x7  }
0x12b: {  	[smem:s1+$0x404] =	sst s4;
	s30 =	spop (v2sf);
	(v2sf) =	vpush v6, $0x8  }
0x12c: {  	[smem:s1+$0x405] =	sst s7;
	s4 =	spop (v2sf);
	(v2sf) =	vpush v6, $0x9  }
0x12d: {  	[smem:s1+$0x406] =	sst s8;
	s26 =	spop (v2sf);
	(v2sf) =	vpush v6, $0xA  }
0x12e: {  	[smem:s1+$0x407] =	sst s13;
	s31 =	spop (v2sf);
	(v2sf) =	vpush v6, $0xB  }
0x12f: {  	[smem:s1+$0x408] =	sst s14;
	s14 =	spop (v2sf);
	(v2sf) =	vpush v6, $0xC  }
0x130: {  	[smem:s1+$0x409] =	sst s30;
	s30 =	spop (v2sf);
	(v2sf) =	vpush v6, $0xD  }
0x131: {  	[smem:s1+$0x40A] =	sst s4;
	s4 =	spop (v2sf);
	(v2sf) =	vpush v6, $0xE  }
0x132: {  	[smem:s1+$0x40B] =	sst s26;
	s26 =	spop (v2sf);
	(v2sf) =	vpush v6, $0xF  }
0x133: {  	[smem:s1+$0x40C] =	sst s31;
	s31 =	spop (v2sf);
	(v2sf) =	vpush v4, $0x0  }
0x134: {  	[smem:s1+$0x40D] =	sst s14;
	s14 =	spop (v2sf);
	(v2sf) =	vpush v3, $0x0  }
0x135: {  	[smem:s1+$0x40E] =	sst s30;
	s30 =	spop (v2sf)  }
0x136: {  	[smem:s1+$0x40F] =	sst s4;
	s4 =	spop (v2sf)  }
0x137: {  	[smem:s6+$0x400] =	sst s26;
	s7 =	spop (v2sf)  }
0x138: {  	[smem:s6+$0x401] =	sst s31;
	s26 =	spop (v2sf)  }
0x139: {  	[smem:s6+$0x402] =	sst s14;
	s31 =	spop (v2sf)  }
0x13a: {  	[smem:s6+$0x403] =	sst s30;
	s13 =	spop (v2sf)  }
0x13b: {  	[smem:s6+$0x404] =	sst s4;
	s14 =	spop (v2sf)  }
0x13c: {  	[smem:s6+$0x405] =	sst s7;
	s30 =	spop (v2sf)  }
0x13d: {  	[smem:s6+$0x406] =	sst s26;
	s26 =	spop (v2sf)  }
0x13e: {  	[smem:s6+$0x407] =	sst s31;
	s31 =	spop (v2sf)  }
0x13f: {  	[smem:s6+$0x408] =	sst s13;
	s13 =	spop (v2sf)  }
0x140: {  	[smem:s6+$0x409] =	sst s14;
	s14 =	spop (v2sf)  }
0x141: {  	[smem:s6+$0x40A] =	sst s30;
	s30 =	spop (v2sf)  }
0x142: {  	[smem:s6+$0x40B] =	sst s26;
	s26 =	spop (v2sf)  }
0x143: {  	s28 =	spop (v2sf)  }
0x144: {  	[smem:s6+$0x40C] =	sst s31;
	s31 =	sadd.s32 $0x1, s28  }
0x145: {  	p0 =	sge.s32 s26, s31  }
.Ltmp5:
0x146: {  	_ = 	snop;
	(pc) =	sbr.rel @p0 .LBB2_39-.Ltmp5, $4  }
0x147: {  	s1 =	rddreg [dreg:$0x8]  }
0x148: {  	[smem:s6+$0x40D] =	sst s13  }
0x149: {  	[smem:s6+$0x40E] =	sst s14  }
0x14a: {  	[smem:s6+$0x40F] =	sst s30  }
0x14b: {  	s0 =	sadd.s32 $0xA0, s0  }
0x14c: {  	s1 =	sand.u32 $0x3F, s0  }
0x14d: {  	s2 =	sshra.s32 s0, $0x1F;
	p0 =	slt.s32 s0, $0x1;
	p1 =	sne.s32 s1, $0x0  }
.Ltmp6:
0x14e: {  	s31 =	sshrl.u32 s2, $0x1A;
	p0 =	por !p0, !p1;
	(pc) =	sbr.rel .LBB2_9-.Ltmp6, $4  }
0x14f: {  	s1 =	simm.s32 $0x1;
	s0 =	sadd.s32 s31, s0;
	p0 =	por !p0, !p0  }
0x150: {  	s0 =	sshra.s32 s0, $0x6;
	s1 =	simm.s32 @!p0 $0x0  }
0x151: {  	s29 =	ssub.s32 s0, s1  }
0x152: {  	s15 =	simm.s32 $0x0;
	s17 =	simm.s32 $0x0;
	p0 =	slt.s32 s29, $0x1  }
.LBB2_34:
0x153: {  	p2 =	seq.s32 s26, s28  }
.Ltmp7:
0x154: {  	_ = 	snop;
	(pc) =	sbr.rel @p2 .LBB2_35-.Ltmp7, $3  }
0x155: {  	_ =	sdelay $0x1  }
0x156: {  	s0 =	sadd.s32 $0x1, s26  }
0x157: {  	s26 =	smov.u32 s0  }
.LBB2_9:
0x158: {  	s30 =	sld [smem:s26+$0x400];
	_ =	sdelay $0x2  }
0x159: {  	s31 =	sshrl.u32 s30, $0xA  }
0x15a: {  	s0 =	scvt.s32.f32 s31;
	_ =	sdelay $0x1  }
0x15b: {  	v3 =	vmov s0  }
0x15c: {  	(erf) = vrcp.f32 v3;
	_ =	sdelay $0x8  }
0x15d: {  	v3 =	vpop (erf)  }
0x15e: {  	(v2sf) =	vpush v3, $0x0;
	_ =	sdelay $0xa  }
.Ltmp8:
0x15f: {  	s6 =	sand.u32 $0x3FF, s30;
	(pc) =	sbr.rel @p0 .LBB2_13-.Ltmp8, $4  }
0x160: {  	s25 =	sshll.u32 s6, $0xD  }
0x161: {  	s0 =	sadd.s32 s5, s25  }
0x162: {  	[tilespmem:s3], [sflag:$0x2] =	stream.linear.gather [hbm4b:s0+s3], $0x4000, $0x38;
	[tilespmem:$0x1B500] =	vst v63  }
0x163: {  	s0 =	simm.s32 $0x8020;
	s1 =	spop (v2sf)  }
0x164: {  	p1 =	sne.s32 s29, $0x1  }
.Ltmp9:
0x165: {  	_ = 	snop;
	(pc) =	sbr.rel @!p1 .LBB2_12-.Ltmp9, $4  }
0x166: {  	_ = 	snop  }
0x167: {  	[tilespmem:s0+$0xFFFFFFE0] =	vst v2  }
0x168: {  	[tilespmem:s0+$0x10] =	vst v2  }
0x169: {  	s2 =	sadd.s32 $0xFFFFFFFF, s29;
	[tilespmem:s0+$0x0] =	vst v2  }
.LBB2_11:
0x16a: {  	p1 =	sne.s32 s2, $0x1;
	s2 =	sadd.s32 $0xFFFFFFFF, s2;
	[tilespmem:s0+$0xFFFFFFF0] =	vst v2;
	s0 =	sadd.s32 $0x40, s0  }
.Ltmp10:
0x16b: {  	[tilespmem:s0+$0xFFFFFFE0] =	vst v2;
	(pc) =	sbr.rel @p1 .LBB2_11-.Ltmp10, $3  }
0x16c: {  	_ =	sdelay $0x1  }
0x16d: {  	[tilespmem:s0+$0x10] =	vst v2  }
0x16e: {  	[tilespmem:s0+$0x0] =	vst v2  }
.LBB2_12:
0x16f: {  	[tilespmem:s0+$0xFFFFFFF0] =	vst v2  }
.LBB2_13:
0x170: {  	p1 =	seq.s32 s31, $0x0  }
.Ltmp11:
0x171: {  	_ = 	snop;
	(pc) =	sbr.rel @p1 .LBB2_23-.Ltmp11, $2  }
0x172: {  	_ =	sdelay $0x2  }
0x173: {  	s4 =	sadd.s32 s31, s6;
	s0 =	smov.u32 s6  }
.LBB2_14:
0x174: {  	s2 =	sshll.u32 s0, $0xD  }
0x175: {  	s7 =	sand.u32 $0x1FFFE000, s2  }
0x176: {  	s8 =	simm.s32 $0x0;
	s2 =	sadd.s32 s7, s10  }
0x177: {  	[tilespmem:s23], [sflag:$0x1] =	stream.linear.gather [hbm4b:s2+s8], $0x4000, $0x38;
	[tilespmem:$0x1B500] =	vst v63  }
0x178: {  	_ =	swait.ge [sflag:s24], $0x4000  }
0x179: {  	[sflag:s24] =	ssyncset.done $0x0  }
0x17a: {  	s8 =	simm.s32 $0x80;
	[sflag:s24] =	ssyncadd.s32 $0xFFFFC000  }
0x17b: {  	v3 =	vld [tilespmem:s8+$0xFFFFFFA0]  }
0x17c: {  	s25 =	sld [smem:$0x200];
	v4 =	vld [tilespmem:s8+$0xFFFFFFB0]  }
0x17d: {  	v6 =	vld [tilespmem:s8+$0xFFFFFFC0]  }
0x17e: {  	v7 =	vld [tilespmem:s8+$0xFFFFFFD0]  }
0x17f: {  	s14 =	sld [smem:$0x201];
	v11 =	vld [tilespmem:s8+$0x10]  }
0x180: {  	v13 =	vld [tilespmem:s8+$0xFFFFFF80]  }
0x181: {  	v12 =	vld [tilespmem:s8+$0xFFFFFF90];
	s13 =	smul.f32 s25, s1  }
0x182: {  	v8 =	vld [tilespmem:s8+$0x20]  }
0x183: {  	v9 =	vld [tilespmem:s8+$0x0];
	s2 =	smul.f32 s14, s1;
	v5 =	vmul.f32 s13, v4  }
0x184: {  	s18 =	sld [smem:$0x0];
	v10 =	vld [tilespmem:s8+$0x30];
	v6 =	vmul.f32 s13, v6;
	v7 =	vmul.f32 s13, v7  }
0x185: {  	s16 =	simm.s32 $0x0;
	s14 =	simm.s32 $0x8;
	v4 =	vmul.f32 s2, v11;
	v13 =	vmul.f32 s13, v13;
	v11 =	vld [tilespmem:s8+$0x40]  }
.LBB2_15:
0x186: {  	p1 =	sne.s32 s14, $0x1F8;
	v12 =	vmul.f32 s13, v12;
	v14 =	vld [tilespmem:s8+$0x50]  }
0x187: {  	v3 =	vmul.f32 s13, v3;
	v8 =	vmul.f32 s2, v8;
	[tilespmem:s18+$0x8000] =	vst.add.f32.msk $0xffff, v13  }
0x188: {  	v9 =	vmul.f32 s2, v9;
	[tilespmem:s18+$0x8010] =	vst.add.f32.msk $0xffff, v12  }
0x189: {  	v10 =	vmul.f32 s2, v10;
	[tilespmem:s18+$0x8020] =	vst.add.f32.msk $0xffff, v3  }
0x18a: {  	s13 =	sld [smem:s16+$0x1];
	v3 =	vmul.f32 s2, v11;
	[tilespmem:s18+$0x8030] =	vst.add.f32.msk $0xffff, v5  }
0x18b: {  	v5 =	vmul.f32 s2, v14;
	[tilespmem:s18+$0x8040] =	vst.add.f32.msk $0xffff, v6  }
0x18c: {  	[tilespmem:s18+$0x8050] =	vst.add.f32.msk $0xffff, v7  }
0x18d: {  	[tilespmem:s13+$0x8050] =	vst.add.f32.msk $0xffff, v5  }
0x18e: {  	[tilespmem:s13+$0x8000] =	vst.add.f32.msk $0xffff, v9  }
0x18f: {  	[tilespmem:s13+$0x8010] =	vst.add.f32.msk $0xffff, v4  }
0x190: {  	[tilespmem:s13+$0x8020] =	vst.add.f32.msk $0xffff, v8  }
0x191: {  	[tilespmem:s13+$0x8030] =	vst.add.f32.msk $0xffff, v10  }
0x192: {  	s8 =	sadd.s32 $0x100, s8;
	[tilespmem:s13+$0x8040] =	vst.add.f32.msk $0xffff, v3  }
0x193: {  	s16 =	sshra.s32 s14, $0x2;
	v3 =	vld [tilespmem:s8+$0xFFFFFFA0]  }
0x194: {  	s2 =	sld [smem:s16+$0x200];
	v4 =	vld [tilespmem:s8+$0xFFFFFFB0]  }
0x195: {  	v6 =	vld [tilespmem:s8+$0xFFFFFFC0]  }
0x196: {  	v7 =	vld [tilespmem:s8+$0xFFFFFFD0]  }
0x197: {  	s13 =	smul.f32 s2, s1;
	s2 =	sld [smem:s16+$0x201];
	v10 =	vld [tilespmem:s8+$0x10]  }
0x198: {  	v11 =	vld [tilespmem:s8+$0xFFFFFF80]  }
.Ltmp12:
0x199: {  	v12 =	vld [tilespmem:s8+$0xFFFFFF90];
	v5 =	vmul.f32 s13, v4;
	(pc) =	sbr.rel @p1 .LBB2_15-.Ltmp12, $4  }
0x19a: {  	s2 =	smul.f32 s2, s1;
	v6 =	vmul.f32 s13, v6;
	v8 =	vld [tilespmem:s8+$0x20]  }
0x19b: {  	v7 =	vmul.f32 s13, v7;
	v9 =	vld [tilespmem:s8+$0x0]  }
0x19c: {  	s18 =	sld [smem:s16+$0x0];
	v4 =	vmul.f32 s2, v10;
	v10 =	vld [tilespmem:s8+$0x30]  }
0x19d: {  	s14 =	sadd.s32 $0x8, s14;
	v13 =	vmul.f32 s13, v11;
	v11 =	vld [tilespmem:s8+$0x40]  }
0x19e: {  	v14 =	vld [tilespmem:s8+$0x50]  }
0x19f: {  	[tilespmem:s18+$0x8000] =	vst.add.f32.msk $0xffff, v13  }
0x1a0: {  	[tilespmem:s18+$0x8030] =	vst.add.f32.msk $0xffff, v5  }
0x1a1: {  	v12 =	vmul.f32 s13, v12;
	[tilespmem:s18+$0x8040] =	vst.add.f32.msk $0xffff, v6  }
0x1a2: {  	v3 =	vmul.f32 s13, v3;
	s14 =	sld [smem:s16+$0x1];
	[tilespmem:s18+$0x8050] =	vst.add.f32.msk $0xffff, v7  }
0x1a3: {  	[tilespmem:s18+$0x8010] =	vst.add.f32.msk $0xffff, v12;
	v5 =	vmul.f32 s2, v9  }
0x1a4: {  	[tilespmem:s18+$0x8020] =	vst.add.f32.msk $0xffff, v3  }
0x1a5: {  	[tilespmem:s14+$0x8000] =	vst.add.f32.msk $0xffff, v5;
	v5 =	vmul.f32 s2, v10  }
0x1a6: {  	[tilespmem:s14+$0x8010] =	vst.add.f32.msk $0xffff, v4;
	v3 =	vmul.f32 s2, v14  }
0x1a7: {  	v4 =	vmul.f32 s2, v11;
	[tilespmem:s14+$0x8030] =	vst.add.f32.msk $0xffff, v5  }
0x1a8: {  	[tilespmem:s14+$0x8050] =	vst.add.f32.msk $0xffff, v3;
	v3 =	vmul.f32 s2, v8  }
0x1a9: {  	[tilespmem:s14+$0x8040] =	vst.add.f32.msk $0xffff, v4  }
0x1aa: {  	s16 =	sadd.s32 s7, s11;
	s18 =	simm.s32 $0x0;
	[tilespmem:s14+$0x8020] =	vst.add.f32.msk $0xffff, v3  }
0x1ab: {  	[tilespmem:s18], [sflag:$0x1] =	stream.linear.gather [hbm4b:s16+s18], $0x4000, $0x38;
	[tilespmem:$0x1B500] =	vst v63  }
0x1ac: {  	_ =	swait.ge [sflag:s19], $0x4000  }
0x1ad: {  	[sflag:s19] =	ssyncset.done $0x0  }
0x1ae: {  	s2 =	simm.s32 $0x0;
	[sflag:s19] =	ssyncadd.s32 $0xFFFFC000  }
0x1af: {  	v3 =	vld [tilespmem:s2+$0x4020]  }
0x1b0: {  	s25 =	sld [smem:$0x280];
	v4 =	vld [tilespmem:s2+$0x4030]  }
0x1b1: {  	v6 =	vld [tilespmem:s2+$0x4040]  }
0x1b2: {  	v7 =	vld [tilespmem:s2+$0x4050]  }
0x1b3: {  	s14 =	sld [smem:$0x281];
	v11 =	vld [tilespmem:s2+$0x4090]  }
0x1b4: {  	v13 =	vld [tilespmem:s2+$0x4000]  }
0x1b5: {  	v12 =	vld [tilespmem:s2+$0x4010];
	s13 =	smul.f32 s25, s1  }
0x1b6: {  	v8 =	vld [tilespmem:s2+$0x40A0]  }
0x1b7: {  	v9 =	vld [tilespmem:s2+$0x4080];
	s16 =	smul.f32 s14, s1;
	v5 =	vmul.f32 s13, v4  }
0x1b8: {  	s25 =	sld [smem:$0x80];
	v10 =	vld [tilespmem:s2+$0x40B0];
	v6 =	vmul.f32 s13, v6;
	v7 =	vmul.f32 s13, v7  }
0x1b9: {  	s8 =	simm.s32 $0x81;
	s18 =	simm.s32 $0x400;
	s14 =	simm.s32 $0x281;
	v4 =	vmul.f32 s16, v11;
	v13 =	vmul.f32 s13, v13;
	v11 =	vld [tilespmem:s2+$0x40C0]  }
.LBB2_17:
0x1ba: {  	p1 =	sne.s32 s18, $0xFC00;
	v12 =	vmul.f32 s13, v12;
	v14 =	vld [tilespmem:s2+$0x40D0]  }
0x1bb: {  	v3 =	vmul.f32 s13, v3;
	v8 =	vmul.f32 s16, v8;
	[tilespmem:s25+$0x8000] =	vst.add.f32.msk $0xffff, v13  }
0x1bc: {  	v9 =	vmul.f32 s16, v9;
	[tilespmem:s25+$0x8010] =	vst.add.f32.msk $0xffff, v12  }
0x1bd: {  	v10 =	vmul.f32 s16, v10;
	[tilespmem:s25+$0x8020] =	vst.add.f32.msk $0xffff, v3  }
0x1be: {  	s13 =	sld [smem:s8+$0x0];
	v3 =	vmul.f32 s16, v11;
	[tilespmem:s25+$0x8030] =	vst.add.f32.msk $0xffff, v5  }
0x1bf: {  	v5 =	vmul.f32 s16, v14;
	[tilespmem:s25+$0x8040] =	vst.add.f32.msk $0xffff, v6  }
0x1c0: {  	[tilespmem:s25+$0x8050] =	vst.add.f32.msk $0xffff, v7  }
0x1c1: {  	[tilespmem:s13+$0x8050] =	vst.add.f32.msk $0xffff, v5  }
0x1c2: {  	[tilespmem:s13+$0x8000] =	vst.add.f32.msk $0xffff, v9  }
0x1c3: {  	[tilespmem:s13+$0x8010] =	vst.add.f32.msk $0xffff, v4  }
0x1c4: {  	[tilespmem:s13+$0x8020] =	vst.add.f32.msk $0xffff, v8  }
0x1c5: {  	[tilespmem:s13+$0x8030] =	vst.add.f32.msk $0xffff, v10  }
0x1c6: {  	s2 =	sshra.s32 s18, $0x2;
	[tilespmem:s13+$0x8040] =	vst.add.f32.msk $0xffff, v3  }
0x1c7: {  	s14 =	sadd.s32 $0x2, s14;
	v3 =	vld [tilespmem:s2+$0x4020]  }
0x1c8: {  	s13 =	sld [smem:s14+$0xFFFFFFFF];
	v4 =	vld [tilespmem:s2+$0x4030]  }
0x1c9: {  	v6 =	vld [tilespmem:s2+$0x4040]  }
0x1ca: {  	v7 =	vld [tilespmem:s2+$0x4050]  }
0x1cb: {  	s13 =	smul.f32 s13, s1;
	s16 =	sld [smem:s14+$0x0];
	v10 =	vld [tilespmem:s2+$0x4090]  }
0x1cc: {  	v11 =	vld [tilespmem:s2+$0x4000]  }
.Ltmp13:
0x1cd: {  	v12 =	vld [tilespmem:s2+$0x4010];
	v5 =	vmul.f32 s13, v4;
	(pc) =	sbr.rel @p1 .LBB2_17-.Ltmp13, $4  }
0x1ce: {  	s16 =	smul.f32 s16, s1;
	v6 =	vmul.f32 s13, v6;
	v8 =	vld [tilespmem:s2+$0x40A0]  }
0x1cf: {  	s8 =	sadd.s32 $0x2, s8;
	v7 =	vmul.f32 s13, v7;
	v9 =	vld [tilespmem:s2+$0x4080]  }
0x1d0: {  	s25 =	sld [smem:s8+$0xFFFFFFFF];
	v4 =	vmul.f32 s16, v10;
	v10 =	vld [tilespmem:s2+$0x40B0]  }
0x1d1: {  	s18 =	sadd.s32 $0x400, s18;
	v13 =	vmul.f32 s13, v11;
	v11 =	vld [tilespmem:s2+$0x40C0]  }
0x1d2: {  	v14 =	vld [tilespmem:s2+$0x40D0]  }
0x1d3: {  	[tilespmem:s25+$0x8000] =	vst.add.f32.msk $0xffff, v13  }
0x1d4: {  	[tilespmem:s25+$0x8030] =	vst.add.f32.msk $0xffff, v5  }
0x1d5: {  	v12 =	vmul.f32 s13, v12;
	[tilespmem:s25+$0x8040] =	vst.add.f32.msk $0xffff, v6  }
0x1d6: {  	v3 =	vmul.f32 s13, v3;
	s13 =	sld [smem:s8+$0x0];
	[tilespmem:s25+$0x8050] =	vst.add.f32.msk $0xffff, v7  }
0x1d7: {  	[tilespmem:s25+$0x8010] =	vst.add.f32.msk $0xffff, v12;
	v5 =	vmul.f32 s16, v9  }
0x1d8: {  	[tilespmem:s25+$0x8020] =	vst.add.f32.msk $0xffff, v3  }
0x1d9: {  	[tilespmem:s13+$0x8000] =	vst.add.f32.msk $0xffff, v5;
	v5 =	vmul.f32 s16, v10  }
0x1da: {  	[tilespmem:s13+$0x8010] =	vst.add.f32.msk $0xffff, v4;
	v3 =	vmul.f32 s16, v14  }
0x1db: {  	v4 =	vmul.f32 s16, v11;
	[tilespmem:s13+$0x8030] =	vst.add.f32.msk $0xffff, v5  }
0x1dc: {  	[tilespmem:s13+$0x8050] =	vst.add.f32.msk $0xffff, v3;
	v3 =	vmul.f32 s16, v8  }
0x1dd: {  	[tilespmem:s13+$0x8040] =	vst.add.f32.msk $0xffff, v4  }
0x1de: {  	s14 =	sadd.s32 s7, s12;
	s16 =	simm.s32 $0x0;
	[tilespmem:s13+$0x8020] =	vst.add.f32.msk $0xffff, v3  }
0x1df: {  	[tilespmem:s23], [sflag:$0x1] =	stream.linear.gather [hbm4b:s14+s16], $0x4000, $0x38;
	[tilespmem:$0x1B500] =	vst v63  }
0x1e0: {  	_ =	swait.ge [sflag:s19], $0x4000  }
0x1e1: {  	[sflag:s19] =	ssyncset.done $0x0  }
0x1e2: {  	s7 =	simm.s32 $0x80;
	[sflag:s19] =	ssyncadd.s32 $0xFFFFC000  }
0x1e3: {  	v3 =	vld [tilespmem:s7+$0xFFFFFFA0]  }
0x1e4: {  	s18 =	sld [smem:$0x300];
	v4 =	vld [tilespmem:s7+$0xFFFFFFB0]  }
0x1e5: {  	v6 =	vld [tilespmem:s7+$0xFFFFFFC0]  }
0x1e6: {  	v7 =	vld [tilespmem:s7+$0xFFFFFFD0]  }
0x1e7: {  	s25 =	sld [smem:$0x301];
	v11 =	vld [tilespmem:s7+$0x10]  }
0x1e8: {  	v13 =	vld [tilespmem:s7+$0xFFFFFF80]  }
0x1e9: {  	v12 =	vld [tilespmem:s7+$0xFFFFFF90];
	s13 =	smul.f32 s18, s1  }
0x1ea: {  	v8 =	vld [tilespmem:s7+$0x20]  }
0x1eb: {  	v9 =	vld [tilespmem:s7+$0x0];
	s2 =	smul.f32 s25, s1;
	v5 =	vmul.f32 s13, v4  }
0x1ec: {  	s16 =	sld [smem:$0x100];
	v10 =	vld [tilespmem:s7+$0x30];
	v6 =	vmul.f32 s13, v6;
	v7 =	vmul.f32 s13, v7  }
0x1ed: {  	s8 =	simm.s32 $0x8;
	s14 =	simm.s32 $0x0;
	v4 =	vmul.f32 s2, v11;
	v13 =	vmul.f32 s13, v13;
	v11 =	vld [tilespmem:s7+$0x40]  }
.LBB2_19:
0x1ee: {  	p1 =	sne.s32 s8, $0x1F8;
	v12 =	vmul.f32 s13, v12;
	v14 =	vld [tilespmem:s7+$0x50]  }
0x1ef: {  	v3 =	vmul.f32 s13, v3;
	v8 =	vmul.f32 s2, v8;
	[tilespmem:s16+$0x8000] =	vst.add.f32.msk $0xffff, v13  }
0x1f0: {  	v9 =	vmul.f32 s2, v9;
	[tilespmem:s16+$0x8010] =	vst.add.f32.msk $0xffff, v12  }
0x1f1: {  	v10 =	vmul.f32 s2, v10;
	[tilespmem:s16+$0x8020] =	vst.add.f32.msk $0xffff, v3  }
0x1f2: {  	s13 =	sld [smem:s14+$0x101];
	v3 =	vmul.f32 s2, v11;
	[tilespmem:s16+$0x8030] =	vst.add.f32.msk $0xffff, v5  }
0x1f3: {  	v5 =	vmul.f32 s2, v14;
	[tilespmem:s16+$0x8040] =	vst.add.f32.msk $0xffff, v6  }
0x1f4: {  	[tilespmem:s16+$0x8050] =	vst.add.f32.msk $0xffff, v7  }
0x1f5: {  	[tilespmem:s13+$0x8050] =	vst.add.f32.msk $0xffff, v5  }
0x1f6: {  	[tilespmem:s13+$0x8000] =	vst.add.f32.msk $0xffff, v9  }
0x1f7: {  	[tilespmem:s13+$0x8010] =	vst.add.f32.msk $0xffff, v4  }
0x1f8: {  	[tilespmem:s13+$0x8020] =	vst.add.f32.msk $0xffff, v8  }
0x1f9: {  	[tilespmem:s13+$0x8030] =	vst.add.f32.msk $0xffff, v10  }
0x1fa: {  	s7 =	sadd.s32 $0x100, s7;
	[tilespmem:s13+$0x8040] =	vst.add.f32.msk $0xffff, v3  }
0x1fb: {  	s14 =	sshra.s32 s8, $0x2;
	v3 =	vld [tilespmem:s7+$0xFFFFFFA0]  }
0x1fc: {  	s2 =	sld [smem:s14+$0x300];
	v4 =	vld [tilespmem:s7+$0xFFFFFFB0]  }
0x1fd: {  	v6 =	vld [tilespmem:s7+$0xFFFFFFC0]  }
0x1fe: {  	v7 =	vld [tilespmem:s7+$0xFFFFFFD0]  }
0x1ff: {  	s13 =	smul.f32 s2, s1;
	s2 =	sld [smem:s14+$0x301];
	v10 =	vld [tilespmem:s7+$0x10]  }
0x200: {  	v11 =	vld [tilespmem:s7+$0xFFFFFF80]  }
.Ltmp14:
0x201: {  	v12 =	vld [tilespmem:s7+$0xFFFFFF90];
	v5 =	vmul.f32 s13, v4;
	(pc) =	sbr.rel @p1 .LBB2_19-.Ltmp14, $4  }
0x202: {  	s2 =	smul.f32 s2, s1;
	v6 =	vmul.f32 s13, v6;
	v8 =	vld [tilespmem:s7+$0x20]  }
0x203: {  	v7 =	vmul.f32 s13, v7;
	v9 =	vld [tilespmem:s7+$0x0]  }
0x204: {  	s16 =	sld [smem:s14+$0x100];
	v4 =	vmul.f32 s2, v10;
	v10 =	vld [tilespmem:s7+$0x30]  }
0x205: {  	s8 =	sadd.s32 $0x8, s8;
	v13 =	vmul.f32 s13, v11;
	v11 =	vld [tilespmem:s7+$0x40]  }
0x206: {  	v14 =	vld [tilespmem:s7+$0x50]  }
0x207: {  	[tilespmem:s16+$0x8000] =	vst.add.f32.msk $0xffff, v13  }
0x208: {  	[tilespmem:s16+$0x8030] =	vst.add.f32.msk $0xffff, v5  }
0x209: {  	v12 =	vmul.f32 s13, v12;
	[tilespmem:s16+$0x8040] =	vst.add.f32.msk $0xffff, v6  }
0x20a: {  	v3 =	vmul.f32 s13, v3;
	s18 =	sld [smem:s14+$0x101];
	[tilespmem:s16+$0x8050] =	vst.add.f32.msk $0xffff, v7  }
0x20b: {  	[tilespmem:s16+$0x8010] =	vst.add.f32.msk $0xffff, v12;
	v5 =	vmul.f32 s2, v9  }
0x20c: {  	[tilespmem:s16+$0x8020] =	vst.add.f32.msk $0xffff, v3  }
0x20d: {  	[tilespmem:s18+$0x8000] =	vst.add.f32.msk $0xffff, v5;
	v5 =	vmul.f32 s2, v10  }
0x20e: {  	s0 =	sadd.s32 $0x1, s0;
	[tilespmem:s18+$0x8010] =	vst.add.f32.msk $0xffff, v4;
	v3 =	vmul.f32 s2, v14  }
0x20f: {  	p1 =	sge.u32 s0, s4;
	v4 =	vmul.f32 s2, v11;
	[tilespmem:s18+$0x8030] =	vst.add.f32.msk $0xffff, v5  }
0x210: {  	[tilespmem:s18+$0x8050] =	vst.add.f32.msk $0xffff, v3;
	v3 =	vmul.f32 s2, v8;
	s2 =	sshll.u32 @!p1 s0, $0xD  }
0x211: {  	[tilespmem:s18+$0x8040] =	vst.add.f32.msk $0xffff, v4;
	s2 =	sand.u32 @!p1 $0x1FFFE000, s2  }
0x212: {  	s7 =	simm.s32 @!p1 $0x0;
	[tilespmem:s18+$0x8020] =	vst.add.f32.msk $0xffff, v3;
	s2 =	sadd.s32 @!p1 s5, s2  }
0x213: {  	[tilespmem:s7], [sflag:$0x2] =	stream.linear.gather @!p1 [hbm4b:s2+s7], $0x4000, $0x38;
	[tilespmem:$0x1B500] =	vst v63  }
0x214: {  	_ =	swait.ge [sflag:s19], $0x4000  }
0x215: {  	[sflag:s19] =	ssyncset.done $0x0  }
0x216: {  	s2 =	simm.s32 $0x0;
	[sflag:s19] =	ssyncadd.s32 $0xFFFFC000  }
0x217: {  	v3 =	vld [tilespmem:s2+$0x4020]  }
0x218: {  	s25 =	sld [smem:$0x380];
	v4 =	vld [tilespmem:s2+$0x4030]  }
0x219: {  	v6 =	vld [tilespmem:s2+$0x4040]  }
0x21a: {  	v7 =	vld [tilespmem:s2+$0x4050]  }
0x21b: {  	s8 =	sld [smem:$0x381];
	v11 =	vld [tilespmem:s2+$0x4090]  }
0x21c: {  	v13 =	vld [tilespmem:s2+$0x4000]  }
0x21d: {  	v12 =	vld [tilespmem:s2+$0x4010];
	s13 =	smul.f32 s25, s1  }
0x21e: {  	v8 =	vld [tilespmem:s2+$0x40A0]  }
0x21f: {  	v9 =	vld [tilespmem:s2+$0x4080];
	s16 =	smul.f32 s8, s1;
	v5 =	vmul.f32 s13, v4  }
0x220: {  	s18 =	sld [smem:$0x180];
	v10 =	vld [tilespmem:s2+$0x40B0];
	v6 =	vmul.f32 s13, v6;
	v7 =	vmul.f32 s13, v7  }
0x221: {  	s14 =	simm.s32 $0x400;
	s7 =	simm.s32 $0x181;
	s8 =	simm.s32 $0x381;
	v4 =	vmul.f32 s16, v11;
	v13 =	vmul.f32 s13, v13;
	v11 =	vld [tilespmem:s2+$0x40C0]  }
.LBB2_21:
0x222: {  	p1 =	seq.s32 s14, $0xFC00;
	v12 =	vmul.f32 s13, v12;
	v14 =	vld [tilespmem:s2+$0x40D0]  }
0x223: {  	v3 =	vmul.f32 s13, v3;
	v8 =	vmul.f32 s16, v8;
	[tilespmem:s18+$0x8000] =	vst.add.f32.msk $0xffff, v13  }
0x224: {  	v9 =	vmul.f32 s16, v9;
	[tilespmem:s18+$0x8010] =	vst.add.f32.msk $0xffff, v12  }
0x225: {  	v10 =	vmul.f32 s16, v10;
	[tilespmem:s18+$0x8020] =	vst.add.f32.msk $0xffff, v3  }
0x226: {  	s13 =	sld [smem:s7+$0x0];
	v3 =	vmul.f32 s16, v11;
	[tilespmem:s18+$0x8030] =	vst.add.f32.msk $0xffff, v5  }
0x227: {  	v5 =	vmul.f32 s16, v14;
	[tilespmem:s18+$0x8040] =	vst.add.f32.msk $0xffff, v6  }
0x228: {  	[tilespmem:s18+$0x8050] =	vst.add.f32.msk $0xffff, v7  }
0x229: {  	[tilespmem:s13+$0x8050] =	vst.add.f32.msk $0xffff, v5  }
0x22a: {  	[tilespmem:s13+$0x8000] =	vst.add.f32.msk $0xffff, v9  }
0x22b: {  	[tilespmem:s13+$0x8010] =	vst.add.f32.msk $0xffff, v4  }
0x22c: {  	[tilespmem:s13+$0x8020] =	vst.add.f32.msk $0xffff, v8  }
0x22d: {  	[tilespmem:s13+$0x8030] =	vst.add.f32.msk $0xffff, v10  }
0x22e: {  	s2 =	sshra.s32 s14, $0x2;
	[tilespmem:s13+$0x8040] =	vst.add.f32.msk $0xffff, v3  }
0x22f: {  	s8 =	sadd.s32 $0x2, s8;
	v3 =	vld [tilespmem:s2+$0x4020]  }
0x230: {  	s13 =	sld [smem:s8+$0xFFFFFFFF];
	v4 =	vld [tilespmem:s2+$0x4030]  }
0x231: {  	v6 =	vld [tilespmem:s2+$0x4040]  }
0x232: {  	v7 =	vld [tilespmem:s2+$0x4050]  }
0x233: {  	s13 =	smul.f32 s13, s1;
	s16 =	sld [smem:s8+$0x0];
	v10 =	vld [tilespmem:s2+$0x4090]  }
0x234: {  	v11 =	vld [tilespmem:s2+$0x4000]  }
.Ltmp15:
0x235: {  	v12 =	vld [tilespmem:s2+$0x4010];
	v5 =	vmul.f32 s13, v4;
	(pc) =	sbr.rel @!p1 .LBB2_21-.Ltmp15, $4  }
0x236: {  	s16 =	smul.f32 s16, s1;
	v6 =	vmul.f32 s13, v6;
	v8 =	vld [tilespmem:s2+$0x40A0]  }
0x237: {  	s7 =	sadd.s32 $0x2, s7;
	v7 =	vmul.f32 s13, v7;
	v9 =	vld [tilespmem:s2+$0x4080]  }
0x238: {  	s18 =	sld [smem:s7+$0xFFFFFFFF];
	v4 =	vmul.f32 s16, v10;
	v10 =	vld [tilespmem:s2+$0x40B0]  }
0x239: {  	s14 =	sadd.s32 $0x400, s14;
	v13 =	vmul.f32 s13, v11;
	v11 =	vld [tilespmem:s2+$0x40C0]  }
0x23a: {  	v14 =	vld [tilespmem:s2+$0x40D0]  }
0x23b: {  	[tilespmem:s18+$0x8000] =	vst.add.f32.msk $0xffff, v13  }
0x23c: {  	[tilespmem:s18+$0x8030] =	vst.add.f32.msk $0xffff, v5  }
0x23d: {  	v12 =	vmul.f32 s13, v12;
	[tilespmem:s18+$0x8040] =	vst.add.f32.msk $0xffff, v6  }
0x23e: {  	v3 =	vmul.f32 s13, v3;
	s25 =	sld [smem:s7+$0x0];
	[tilespmem:s18+$0x8050] =	vst.add.f32.msk $0xffff, v7  }
0x23f: {  	[tilespmem:s18+$0x8010] =	vst.add.f32.msk $0xffff, v12  }
0x240: {  	[tilespmem:s18+$0x8020] =	vst.add.f32.msk $0xffff, v3;
	v61 =	vmul.f32 s16, v9  }
0x241: {  	p1 =	slt.u32 s0, s4;
	v62 =	vmul.f32 s16, v10;
	[tilespmem:s25+$0x8010] =	vst.add.f32.msk $0xffff, v4  }
.Ltmp16:
0x242: {  	[tilespmem:s25+$0x8000] =	vst.add.f32.msk $0xffff, v61;
	v3 =	vmul.f32 s16, v14;
	(pc) =	sbr.rel @p1 .LBB2_14-.Ltmp16, $4  }
0x243: {  	v63 =	vmul.f32 s16, v11;
	[tilespmem:s25+$0x8030] =	vst.add.f32.msk $0xffff, v62  }
0x244: {  	[tilespmem:s25+$0x8050] =	vst.add.f32.msk $0xffff, v3;
	v3 =	vmul.f32 s16, v8  }
0x245: {  	[tilespmem:s25+$0x8040] =	vst.add.f32.msk $0xffff, v63  }
0x246: {  	[tilespmem:s25+$0x8020] =	vst.add.f32.msk $0xffff, v3  }
.LBB2_23:
0x247: {  	p1 =	sle.s32 s15, s17  }
.Ltmp17:
0x248: {  	_ = 	snop;
	(pc) =	sbr.rel @p1 .LBB2_27-.Ltmp17, $1  }
0x249: {  	_ =	sdelay $0x3  }
0x24a: {  	s0 =	ssub.s32 s15, s17  }
0x24b: {  	p1 =	sne.s32 s0, $0x1  }
.Ltmp18:
0x24c: {  	_ = 	snop;
	(pc) =	sbr.rel @!p1 .LBB2_26-.Ltmp18, $3  }
0x24d: {  	_ =	sdelay $0x1  }
0x24e: {  	_ =	swait.ge [sflag:s20], $0xC000  }
0x24f: {  	s0 =	sadd.s32 $0xFFFFFFFF, s0;
	[sflag:s20] =	ssyncset.done $0x0  }
.LBB2_25:
0x250: {  	p1 =	sne.s32 s0, $0x1;
	s0 =	sadd.s32 $0xFFFFFFFF, s0;
	[sflag:s20] =	ssyncadd.s32 $0xFFFF4000  }
.Ltmp19:
0x251: {  	(pc) =	sbr.rel @p1 .LBB2_25-.Ltmp19, $3  }
0x252: {  	_ =	sdelay $0x1  }
0x253: {  	_ =	swait.ge [sflag:s20], $0xC000  }
0x254: {  	[sflag:s20] =	ssyncset.done $0x0  }
.LBB2_26:
0x255: {  	[sflag:s20] =	ssyncadd.s32 $0xFFFF4000  }
.LBB2_27:
0x256: {  	s0 =	simm.s32 $0x0;
	s1 =	simm.s32 $0x0  }
.LBB2_28:
0x257: {  	s2 =	sshll.u32 s1, $0x4  }
0x258: {  	v4 =	vld [tilespmem:s2+$0x1AD80];
	_ =	sdelay $0x3  }
0x259: {  	s7 =	simm.s32 $0x0  }
0x25a: {  	s8 =	simm.s32 $0x1;
	v3 =	vadd.s32 s7, v4  }
0x25b: {  	v6 =	vadd.s32 s8, v4;
	_ =	sdelay $0x2  }
0x25c: {  	s17 =	sshll.u32 s1, $0x7;
	s18 =	sand.u32 $0x70, s2  }
0x25d: {  	s14 =	simm.s32 $0x3;
	s25 =	simm.s32 $0x2;
	s13 =	simm.s32 $0x5;
	v5 =	vld.idx.msk [tilespmem:v3+s21+$0x0], $0xffff;
	v3 =	vmov s18  }
0x25e: {  	s15 =	sand.u32 $0xF000, s0;
	s16 =	sand.u32 $0x300, s0;
	s7 =	sand.u32 $0xC00, s17;
	v6 =	vld.idx.msk [tilespmem:v6+s21+$0x0], $0xffff  }
0x25f: {  	v7 =	vadd.s32 s25, v4;
	s8 =	simm.s32 $0x0;
	s2 =	sadd.s32 $0xED80, s7;
	s7 =	simm.s32 $0x0  }
.LBB2_29:
0x260: {  	p1 =	sne.s32 s13, $0x5F;
	v8 =	vadd.s32 s14, v4;
	s15 =	sadd.s32 s15, s2;
	s14 =	sadd.s32 $0x80, s7  }
0x261: {  	s16 =	sadd.s32 s16, s15;
	s17 =	sand.u32 $0x380, s14;
	s14 =	smov.u32 s13  }
0x262: {  	[tilespmem:v3+s16+$0x0 ss:$0x1] =	vst.idx.msk $0xffff, v5;
	s15 =	sadd.s32 s17, s15  }
.Ltmp20:
0x263: {  	[tilespmem:v3+s15+$0x0 ss:$0x1] =	vst.idx.msk $0xffff, v6;
	(pc) =	sbr.rel @p1 .LBB2_29-.Ltmp20, $4  }
0x264: {  	v5 =	vld.idx.msk [tilespmem:v7+s21+$0x0], $0xffff  }
0x265: {  	v6 =	vld.idx.msk [tilespmem:v8+s21+$0x0], $0xffff  }
0x266: {  	s7 =	sadd.s32 $0x100, s7;
	s8 =	sadd.s32 $0x400, s8;
	s15 =	sadd.s32 $0xFFFFFFFF, s13  }
0x267: {  	s16 =	sand.u32 $0x300, s7;
	s13 =	sadd.s32 $0x2, s13;
	v7 =	vadd.s32 s15, v4;
	s15 =	sand.u32 $0xF000, s8  }
0x268: {  	_ =	sdelay $0x1  }
0x269: {  	v4 =	vadd.s32 s14, v4;
	s13 =	sadd.s32 s15, s2;
	s25 =	sadd.s32 $0x80, s7  }
0x26a: {  	s15 =	sadd.s32 s16, s13;
	s14 =	sand.u32 $0x380, s25  }
0x26b: {  	[tilespmem:v3+s15+$0x0 ss:$0x1] =	vst.idx.msk $0xffff, v5;
	s13 =	sadd.s32 s14, s13  }
0x26c: {  	[tilespmem:v3+s13+$0x0 ss:$0x1] =	vst.idx.msk $0xffff, v6  }
0x26d: {  	s1 =	sadd.s32 $0x1, s1;
	v5 =	vld.idx.msk [tilespmem:v7+s21+$0x0], $0xffff  }
0x26e: {  	s8 =	sadd.s32 $0x400, s8;
	p1 =	sne.s32 s1, $0x20;
	v4 =	vld.idx.msk [tilespmem:v4+s21+$0x0], $0xffff  }
.Ltmp21:
0x26f: {  	s17 =	sadd.s32 $0x100, s7;
	s8 =	sand.u32 $0xF000, s8;
	(pc) =	sbr.rel @p1 .LBB2_28-.Ltmp21, $4  }
0x270: {  	s18 =	sand.u32 $0x300, s17;
	s7 =	sadd.s32 $0x80, s17;
	s25 =	sadd.s32 s8, s2  }
0x271: {  	s7 =	sand.u32 $0x380, s7;
	s8 =	sadd.s32 s18, s25  }
0x272: {  	s2 =	sadd.s32 s7, s25;
	[tilespmem:v3+s8+$0x0 ss:$0x1] =	vst.idx.msk $0xffff, v5  }
0x273: {  	[tilespmem:v3+s2+$0x0 ss:$0x1] =	vst.idx.msk $0xffff, v4  }
0x274: {  	s0 =	rddreg [dreg:$0x6]  }
0x275: {  	s17 =	smax.u32 s6, s9;
	s15 =	smin.u32 s4, s0  }
0x276: {  	p1 =	sle.u32 s15, s17  }
.Ltmp22:
0x277: {  	_ = 	snop;
	(pc) =	sbr.rel @p1 .LBB2_34-.Ltmp22, $1  }
0x278: {  	_ =	sdelay $0x3  }
0x279: {  	s1 =	ssub.s32 s15, s17  }
0x27a: {  	p2 =	sne.s32 s1, $0x1  }
.Ltmp23:
0x27b: {  	_ = 	snop;
	(pc) =	sbr.rel @!p2 .LBB2_34-.Ltmp23, $4  }
0x27c: {  	s0 =	smul.u32 $0x1800, s17  }
0x27d: {  	s2 =	rddreg [dreg:$0x1]  }
0x27e: {  	s1 =	sadd.s32 $0xFFFFFFFF, s1;
	s0 =	sadd.s32 s0, s2  }
0x27f: {  	[hbm4b:s0+s3] =	stream.linear.scatter [tilespmem:s22], [sflag:$0x3], $0xC000, $0x38;
	[tilespmem:$0x1B500] =	vst v63  }
.LBB2_33:
0x280: {  	p2 =	sne.s32 s1, $0x1  }
.Ltmp24:
0x281: {  	_ = 	snop;
	(pc) =	sbr.rel @p2 .LBB2_33-.Ltmp24, $3  }
0x282: {  	_ = 	snop  }
0x283: {  	s1 =	sadd.s32 $0xFFFFFFFF, s1;
	s0 =	sadd.s32 $0x1800, s0;
	_ =	sdelay $0x1  }
0x284: {  	[hbm4b:s0+s3] =	stream.linear.scatter [tilespmem:s22], [sflag:$0x3], $0xC000, $0x38;
	[tilespmem:$0x1B500] =	vst v63  }
.Ltmp25:
0x285: {  	_ = 	snop;
	(pc) =	sbr.rel .LBB2_34-.Ltmp25, $1  }
0x286: {  	_ =	sdelay $0x3  }
.LBB2_35:
0x287: {  	s15 =	rddreg [dreg:$0x0]  }
.Ltmp26:
0x288: {  	s16 =	rddreg [dreg:$0x3];
	(pc) =	sbr.rel @p1 .LBB2_39-.Ltmp26, $4  }
0x289: {  	s17 =	rddreg [dreg:$0x4]  }
0x28a: {  	s18 =	rddreg [dreg:$0x5]  }
0x28b: {  	s25 =	rddreg [dreg:$0x7]  }
0x28c: {  	s29 =	simm.s32 $0x1AD80;
	s1 =	rddreg [dreg:$0x8]  }
0x28d: {  	s0 =	sand.u32 $0x3FF, s30  }
0x28e: {  	s2 =	rddreg [dreg:$0x6];
	s1 =	sadd.s32 s0, s31  }
0x28f: {  	s0 =	smax.u32 s9, s0;
	s1 =	smin.u32 s2, s1  }
0x290: {  	s0 =	ssub.s32 s1, s0  }
0x291: {  	p0 =	sne.s32 s0, $0x1  }
.Ltmp27:
0x292: {  	_ = 	snop;
	(pc) =	sbr.rel @!p0 .LBB2_38-.Ltmp27, $3  }
0x293: {  	_ =	sdelay $0x1  }
0x294: {  	_ =	swait.ge [sflag:s20], $0xC000  }
0x295: {  	[sflag:s20] =	ssyncset.done $0x0;
	s0 =	sadd.s32 $0xFFFFFFFF, s0  }
.LBB2_37:
0x296: {  	p0 =	sne.s32 s0, $0x1;
	s0 =	sadd.s32 $0xFFFFFFFF, s0;
	[sflag:s20] =	ssyncadd.s32 $0xFFFF4000  }
.Ltmp28:
0x297: {  	(pc) =	sbr.rel @p0 .LBB2_37-.Ltmp28, $3  }
0x298: {  	_ =	sdelay $0x1  }
0x299: {  	_ =	swait.ge [sflag:s20], $0xC000  }
0x29a: {  	[sflag:s20] =	ssyncset.done $0x0  }
.Ltmp29:
0x29b: {  	_ = 	snop;
	(pc) =	sbr.rel .LBB2_38-.Ltmp29, $1  }
0x29c: {  	_ =	sdelay $0x3  }
.LBB2_40:
0x29d: {  	_ =	sfence.sel $0x180000  }
0x29e: {  	[bflag:$0x0] =	sbarrier.arrive $0xFFFF  }
0x29f: {  	_ =	strace $0x90000047  }
0x2a0: {  	s0 =	stileid.u32;
	[bflag:$0x2] =	sbarrier.arrive $0xFFFF  }
0x2a1: {  	p0 =	sne.s32 s0, $0x0;
	s0 =	rddreg [dreg:$0x2]  }
0x2a2: {  	s0 =	sadd.s32 @!p0 $0x100000, s0  }
0x2a3: {  	[sflag:s0] =	ssyncadd.tile.s32 @!p0 $0x1;
	_ =	shalt  }
.Lfunc_end2:
_tile_overlayer_lowered:
.L_overlay_start_2:
0x2a4: {  	(tag) =	ssettag $0x2  }
0x2a5: {  	s0 =	rddreg [dreg:$0x0];
	s2 =	stileid.u32  }
0x2a6: {  	s1 =	rddreg [dreg:$0x1];
	p0 =	sne.s32 s2, $0x0  }
0x2a7: {  	s3 =	rddreg [dreg:$0x2];
	[bflag:$0x3] =	sbarrier.arrive $0xFFFF;
	s2 =	simm.s32 @!p0 $0x1C04  }
0x2a8: {  	[timem:s3], [sflag:s2] =	dma.local @!p0 [hbm:s0], s1  }
0x2a9: {  	s0 =	simm.s32 @!p0 $0x4  }
0x2aa: {  	_ =	swait.ge @!p0 [sflag:s0], s1  }
0x2ab: {  	s1 =	ssub.s32 @!p0 $0x0, s1;
	[sflag:s0] =	ssyncset.done @!p0 $0x0  }
0x2ac: {  	[sflag:s0] =	ssyncadd.s32 @!p0 s1  }
0x2ad: {  	[bflag:$0x3] =	sbarrier.arrive $0xFFFF  }
0x2ae: {  	_ =	shalt  }

</sc_bundles>
